<compile_context>
chip_gen: v7x
topology: tpu7x:2x2x1
jax: 0.10.2.dev20260603
libtpu: 0.0.44.dev20260713+nightly
codegen_flags: <defaults>
</compile_context>

<pallas_src>
import functools

import jax
import jax.numpy as jnp
from jax import lax
from jax.experimental import pallas as pl
from jax.experimental.pallas import tpu as pltpu
from jax.experimental.pallas import tpu_sc as plsc

N = 10000
E = 320000
D = 128

NP = 10240
NW = 32
EP = 327680
EW = EP // NW
C = 128
CHUNKS = EW // C
RPT = NP // 16

_MESH = plsc.VectorSubcoreMesh(core_axis_name="c", subcore_axis_name="s")


def _sc_body(with_gather, k0, k1, nh, thr, table, srcs2, dsts2, zrows, agg_out,
             src_t, dst_t, buf0, buf1, acc, g0, g1, s0, s1):
    c = lax.axis_index("c")
    s = lax.axis_index("s")
    rbase = s * RPT
    obase = c * NP + rbase

    pltpu.sync_copy(zrows, buf0)
    pltpu.sync_copy(zrows, buf1)
    for jj in range(RPT // C):
        pltpu.sync_copy(buf0, acc.at[pl.ds(rbase + jj * C, C)])
    if not with_gather:
        pltpu.sync_copy(table.at[pl.ds(0, C)], buf0)
    plsc.subcore_barrier()

    def _wait_scatter(buf, sem):
        pltpu.make_async_copy(buf, acc.at[dst_t.at[0]], sem).wait()

    def _wait_gather(buf, sem):
        pltpu.make_async_copy(table.at[src_t.at[0]], buf, sem).wait()

    def _gather(j, buf, sem):
        pltpu.async_copy(table.at[src_t.at[j]], buf, sem)

    def _scatter(j, buf, sem):
        pltpu.async_copy(buf, acc.at[dst_t.at[j]], sem, add=True)

    if k0 == k1:
        khd = k0 // nh
        cbase = (s * 2 + c) * k0
    else:
        khd = jnp.where(c == 0, k0 // nh, k1 // nh)
        cbase = jnp.where(c == 0, s * k0, 16 * k0 + s * k1)

    for h in range(nh):
        hstart = cbase + h * khd
        pltpu.sync_copy(dsts2.at[pl.ds(hstart, thr)], dst_t)
        if with_gather:
            pltpu.sync_copy(srcs2.at[pl.ds(hstart, thr)], src_t)
            _gather(0, buf0, g0)
            _gather(1, buf1, g1)

            def step(m, carry):
                j0 = 2 * m
                _wait_gather(buf0, g0)
                _scatter(j0, buf0, s0)
                _wait_scatter(buf0, s0)
                _gather(j0 + 2, buf0, g0)
                _wait_gather(buf1, g1)
                _scatter(j0 + 1, buf1, s1)
                _wait_scatter(buf1, s1)
                _gather(j0 + 3, buf1, g1)
                return carry

            lax.fori_loop(0, khd // 2 - 1, step, 0)
            _wait_gather(buf0, g0)
            _scatter(khd - 2, buf0, s0)
            _wait_scatter(buf0, s0)
            _wait_gather(buf1, g1)
            _scatter(khd - 1, buf1, s1)
            _wait_scatter(buf1, s1)
        else:
            def dstep(m, carry):
                for b in range(8):
                    _scatter(m * 8 + b, buf0, s0)
                for b in range(8):
                    _wait_scatter(buf0, s0)
                return carry

            lax.fori_loop(0, khd // 8, dstep, 0)

    plsc.subcore_barrier()

    for jj in range(RPT // C):
        pltpu.sync_copy(acc.at[pl.ds(rbase + jj * C, C)], buf0)
        pltpu.sync_copy(buf0, agg_out.at[pl.ds(obase + jj * C, C)])


def _make_sc(with_gather, k0, k1, nh):
    thr = max(k0, k1) // nh
    assert k0 % (nh * 8) == 0 and k1 % (nh * 8) == 0
    return pl.kernel(
        functools.partial(_sc_body, with_gather, k0, k1, nh, thr),
        out_type=[jax.ShapeDtypeStruct((2 * NP, D), jnp.float32)],
        mesh=_MESH,
        scratch_types=[
            pltpu.VMEM((thr, C), jnp.int32),
            pltpu.VMEM((thr, C), jnp.int32),
            pltpu.VMEM((C, D), jnp.float32),
            pltpu.VMEM((C, D), jnp.float32),
            pltpu.VMEM_SHARED((NP, D), jnp.float32),
            pltpu.SemaphoreType.DMA,
            pltpu.SemaphoreType.DMA,
            pltpu.SemaphoreType.DMA,
            pltpu.SemaphoreType.DMA,
        ],
    )


K0 = 80
K1 = 2 * CHUNKS - K0
_sc_agg = _make_sc(True, K0, K1, 2 if K0 == K1 else 4)
_sc_deg = _make_sc(False, CHUNKS, CHUNKS, 2)

BN = 512
GRID = NP // BN


def _tc_body(final, agg_ref, degs_ref, x_ref, wl_ref, b_ref, wr_ref, o_ref):
    deg = degs_ref[0, :, 0:1] + degs_ref[1, :, 0:1]
    deginv = 1.0 / jnp.maximum(deg, 1.0)
    a = (agg_ref[0] + agg_ref[1]) * deginv
    t = (jnp.dot(a, wl_ref[...], preferred_element_type=jnp.float32)
         + b_ref[...]
         + jnp.dot(x_ref[...], wr_ref[...], preferred_element_type=jnp.float32))
    if final:
        ss = jnp.sum(t * t, axis=1, keepdims=True)
        t = t / jnp.maximum(jnp.sqrt(ss), 1e-12)
    else:
        t = jnp.maximum(t, 0.0)
    o_ref[...] = t


def _make_tc(final):
    return pl.pallas_call(
        functools.partial(_tc_body, final),
        grid=(GRID,),
        in_specs=[
            pl.BlockSpec((2, BN, D), lambda i: (0, i, 0)),
            pl.BlockSpec((2, BN, D), lambda i: (0, i, 0)),
            pl.BlockSpec((BN, D), lambda i: (i, 0)),
            pl.BlockSpec((D, D), lambda i: (0, 0)),
            pl.BlockSpec((1, D), lambda i: (0, 0)),
            pl.BlockSpec((D, D), lambda i: (0, 0)),
        ],
        out_specs=pl.BlockSpec((BN, D), lambda i: (i, 0)),
        out_shape=jax.ShapeDtypeStruct((NP, D), jnp.float32),
    )


_tc_layer1 = _make_tc(False)
_tc_layer2 = _make_tc(True)


def kernel(x, edge_index, W1l, b1l, W1r, W2l, b2l, W2r):
    src = edge_index[0].astype(jnp.int32)
    dst = edge_index[1].astype(jnp.int32)
    pad = EP - E + 64 * C
    srcp = jnp.concatenate([src, jnp.zeros((pad,), jnp.int32)])
    dstp = jnp.concatenate([dst, jnp.full((pad,), N, jnp.int32)])
    xp = jnp.pad(x, ((0, NP - N), (0, 0)))
    zrows = jnp.zeros((C, D), jnp.float32)
    orows = jnp.ones((C, D), jnp.float32)

    srcp = srcp.reshape(-1, C)
    dstp = dstp.reshape(-1, C)
    degs = _sc_deg(orows, srcp, dstp, zrows)[0].reshape(2, NP, D)
    agg1 = _sc_agg(xp, srcp, dstp, zrows)[0].reshape(2, NP, D)
    h = _tc_layer1(agg1, degs, xp, W1l.T, b1l.reshape(1, D), W1r.T)

    agg2 = _sc_agg(h, srcp, dstp, zrows)[0].reshape(2, NP, D)
    out = _tc_layer2(agg2, degs, h, W2l.T, b2l.reshape(1, D), W2r.T)
    return out[:N]

# --- scband reference (transcript-rebuilt; emitter-appended) ---
"""Pipeline reference for scband-inductive-graph-sage-47571057770995 (READ-ONLY COPY).

The authoritative reference and input builder live on the scoring server;
editing this copy changes nothing except your own understanding.
"""

import jax, jax.numpy as jnp
import numpy as np

N = 10000
E = 320000
D_IN = 128
D_HID = 128
D_OUT = 128


def setup_inputs(seed: int = 0) -> dict:
    key = jax.random.key(seed)
    k = jax.random.split(key, 9)
    x = jax.random.normal(k[0], (N, D_IN), dtype=jnp.float32)
    edge_index = jax.random.randint(k[1], (2, E), 0, N, dtype=jnp.int64)
    s1 = 1.0 / np.sqrt(D_IN)
    s2 = 1.0 / np.sqrt(D_HID)
    W1l = jax.random.uniform(k[2], (D_HID, D_IN), dtype=jnp.float32, minval=-s1, maxval=s1)
    b1l = jax.random.uniform(k[3], (D_HID,), dtype=jnp.float32, minval=-s1, maxval=s1)
    W1r = jax.random.uniform(k[4], (D_HID, D_IN), dtype=jnp.float32, minval=-s1, maxval=s1)
    W2l = jax.random.uniform(k[5], (D_OUT, D_HID), dtype=jnp.float32, minval=-s2, maxval=s2)
    b2l = jax.random.uniform(k[6], (D_OUT,), dtype=jnp.float32, minval=-s2, maxval=s2)
    W2r = jax.random.uniform(k[7], (D_OUT, D_HID), dtype=jnp.float32, minval=-s2, maxval=s2)
    return {"x": x, "edge_index": edge_index, "W1l": W1l, "b1l": b1l, "W1r": W1r, "W2l": W2l, "b2l": b2l, "W2r": W2r}


def _sage_conv(x, edge_index, Wl, bl, Wr):
    # PyG SAGEConv (mean aggr): out = lin_l(mean_{j in N(i)} x_j) + lin_r(x_i)
    src = edge_index[0]
    dst = edge_index[1]
    msgs = jnp.take(x, src, axis=0)                      # gather [E, d]
    agg = jax.ops.segment_sum(msgs, dst, num_segments=x.shape[0])  # scatter-add
    deg = jax.ops.segment_sum(jnp.ones((msgs.shape[0],), dtype=x.dtype), dst, num_segments=x.shape[0])
    agg = agg / jnp.clip(deg, 1.0, None)[:, None]        # mean aggregation
    return agg @ Wl.T + bl + x @ Wr.T


def reference(x, edge_index, W1l, b1l, W1r, W2l, b2l, W2r):
    h = _sage_conv(x, edge_index, W1l, b1l, W1r)
    h = jax.nn.relu(h)
    # dropout is identity in eval mode
    h = _sage_conv(h, edge_index, W2l, b2l, W2r)
    # F.normalize(h, p=2, dim=1), eps=1e-12
    norm = jnp.linalg.norm(h, ord=2, axis=1, keepdims=True)
    out = h / jnp.maximum(norm, 1e-12)
    return out

if __name__ == "__main__":
    import jax
    _d = setup_inputs()
    print(jax.jit(kernel)(*tuple(_d.values())))

</pallas_src>

<mosaic_0001>
#map = affine_map<(d0, d1) -> (0, 0)>
module attributes {stable_mosaic.version = 14 : i64} {
  func.func @_sc_body(%arg0: i32, %arg1: i32, %arg2: memref<128x128xf32, #tpu.memory_space<hbm>>, %arg3: memref<2624x128xi32, #tpu.memory_space<hbm>>, %arg4: memref<2624x128xi32, #tpu.memory_space<hbm>>, %arg5: memref<128x128xf32, #tpu.memory_space<hbm>>, %arg6: memref<20480x128xf32, #tpu.memory_space<hbm>>, %arg7: memref<40x128xi32, #tpu.memory_space<vmem>>, %arg8: memref<40x128xi32, #tpu.memory_space<vmem>>, %arg9: memref<128x128xf32, #tpu.memory_space<vmem>>, %arg10: memref<128x128xf32, #tpu.memory_space<vmem>>, %arg11: memref<10240x128xf32, #tpu.memory_space<vmem_shared>>, %arg12: memref<!tpu.dma_semaphore, #tpu.memory_space<semaphore_mem>>, %arg13: memref<!tpu.dma_semaphore, #tpu.memory_space<semaphore_mem>>, %arg14: memref<!tpu.dma_semaphore, #tpu.memory_space<semaphore_mem>>, %arg15: memref<!tpu.dma_semaphore, #tpu.memory_space<semaphore_mem>>) attributes {dimension_semantics = [#tpu.dimension_semantics<core_parallel>, #tpu.dimension_semantics<subcore_parallel>], iteration_bounds = array<i64: 2, 16>, scalar_prefetch = 0 : i64, scratch_operands = 9 : i64, tpu.core_type = #tpu.core_type<sc_vector_subcore>, window_params = [{transform_indices = #map}, {transform_indices = #map}, {transform_indices = #map}, {transform_indices = #map}, {transform_indices = #map}]} {
    %mul3A = arith.constant 640 : i32
    %mul3A_0 = arith.muli %arg1, %mul3A : i32
    %mul3A_1 = arith.constant 10240 : i32
    %mul3A_2 = arith.muli %arg0, %mul3A_1 : i32
    %add3A = arith.addi %mul3A_2, %mul3A_0 : i32
    "tpu.region"() ({
      %run_scoped3A = tpu.sem_alloc : memref<!tpu.dma_semaphore, #tpu.memory_space<semaphore_mem>>
      tpu.enqueue_dma source(%arg5 : memref<128x128xf32, #tpu.memory_space<hbm>>) target(%arg9 : memref<128x128xf32, #tpu.memory_space<vmem>>) target_semaphore(%run_scoped3A : memref<!tpu.dma_semaphore, #tpu.memory_space<semaphore_mem>>)
      tpu.wait_dma2 semaphore(%run_scoped3A : memref<!tpu.dma_semaphore, #tpu.memory_space<semaphore_mem>>) src(%arg5 : memref<128x128xf32, #tpu.memory_space<hbm>>) dst(%arg9 : memref<128x128xf32, #tpu.memory_space<vmem>>)
      tpu.yield
    }) : () -> ()
    "tpu.region"() ({
      %run_scoped3A = tpu.sem_alloc : memref<!tpu.dma_semaphore, #tpu.memory_space<semaphore_mem>>
      tpu.enqueue_dma source(%arg5 : memref<128x128xf32, #tpu.memory_space<hbm>>) target(%arg10 : memref<128x128xf32, #tpu.memory_space<vmem>>) target_semaphore(%run_scoped3A : memref<!tpu.dma_semaphore, #tpu.memory_space<semaphore_mem>>)
      tpu.wait_dma2 semaphore(%run_scoped3A : memref<!tpu.dma_semaphore, #tpu.memory_space<semaphore_mem>>) src(%arg5 : memref<128x128xf32, #tpu.memory_space<hbm>>) dst(%arg10 : memref<128x128xf32, #tpu.memory_space<vmem>>)
      tpu.yield
    }) : () -> ()
    %add3A_3 = arith.constant 0 : i32
    %add3A_4 = arith.addi %mul3A_0, %add3A_3 : i32
    "tpu.region"() ({
      %run_scoped3A = tpu.sem_alloc : memref<!tpu.dma_semaphore, #tpu.memory_space<semaphore_mem>>
      %dma_start3A = arith.constant 0 : i32
      %dma_start3A_54 = tpu.memref_slice %arg11[%add3A_4, %dma_start3A] : memref<10240x128xf32, #tpu.memory_space<vmem_shared>> -> memref<128x128xf32, #tpu.memory_space<vmem_shared>>
      %dma_start3A_55 = arith.constant 0 : i32
      %dma_start3A_56 = tpu.memref_slice %arg11[%add3A_4, %dma_start3A_55] : memref<10240x128xf32, #tpu.memory_space<vmem_shared>> -> memref<128x128xf32, #tpu.memory_space<vmem_shared>>
      tpu.enqueue_dma source(%arg9 : memref<128x128xf32, #tpu.memory_space<vmem>>) target(%dma_start3A_56 : memref<128x128xf32, #tpu.memory_space<vmem_shared>>) target_semaphore(%run_scoped3A : memref<!tpu.dma_semaphore, #tpu.memory_space<semaphore_mem>>)
      %dma_wait3A = arith.constant 0 : i32
      %dma_wait3A_57 = tpu.memref_slice %arg11[%add3A_4, %dma_wait3A] : memref<10240x128xf32, #tpu.memory_space<vmem_shared>> -> memref<128x128xf32, #tpu.memory_space<vmem_shared>>
      %dma_wait3A_58 = arith.constant 0 : i32
      %dma_wait3A_59 = tpu.memref_slice %arg11[%add3A_4, %dma_wait3A_58] : memref<10240x128xf32, #tpu.memory_space<vmem_shared>> -> memref<128x128xf32, #tpu.memory_space<vmem_shared>>
      tpu.wait_dma2 semaphore(%run_scoped3A : memref<!tpu.dma_semaphore, #tpu.memory_space<semaphore_mem>>) src(%arg9 : memref<128x128xf32, #tpu.memory_space<vmem>>) dst(%dma_wait3A_59 : memref<128x128xf32, #tpu.memory_space<vmem_shared>>)
      tpu.yield
    }) : () -> ()
    %add3A_5 = arith.constant 128 : i32
    %add3A_6 = arith.addi %mul3A_0, %add3A_5 : i32
    "tpu.region"() ({
      %run_scoped3A = tpu.sem_alloc : memref<!tpu.dma_semaphore, #tpu.memory_space<semaphore_mem>>
      %dma_start3A = arith.constant 0 : i32
      %dma_start3A_54 = tpu.memref_slice %arg11[%add3A_6, %dma_start3A] : memref<10240x128xf32, #tpu.memory_space<vmem_shared>> -> memref<128x128xf32, #tpu.memory_space<vmem_shared>>
      %dma_start3A_55 = arith.constant 0 : i32
      %dma_start3A_56 = tpu.memref_slice %arg11[%add3A_6, %dma_start3A_55] : memref<10240x128xf32, #tpu.memory_space<vmem_shared>> -> memref<128x128xf32, #tpu.memory_space<vmem_shared>>
      tpu.enqueue_dma source(%arg9 : memref<128x128xf32, #tpu.memory_space<vmem>>) target(%dma_start3A_56 : memref<128x128xf32, #tpu.memory_space<vmem_shared>>) target_semaphore(%run_scoped3A : memref<!tpu.dma_semaphore, #tpu.memory_space<semaphore_mem>>)
      %dma_wait3A = arith.constant 0 : i32
      %dma_wait3A_57 = tpu.memref_slice %arg11[%add3A_6, %dma_wait3A] : memref<10240x128xf32, #tpu.memory_space<vmem_shared>> -> memref<128x128xf32, #tpu.memory_space<vmem_shared>>
      %dma_wait3A_58 = arith.constant 0 : i32
      %dma_wait3A_59 = tpu.memref_slice %arg11[%add3A_6, %dma_wait3A_58] : memref<10240x128xf32, #tpu.memory_space<vmem_shared>> -> memref<128x128xf32, #tpu.memory_space<vmem_shared>>
      tpu.wait_dma2 semaphore(%run_scoped3A : memref<!tpu.dma_semaphore, #tpu.memory_space<semaphore_mem>>) src(%arg9 : memref<128x128xf32, #tpu.memory_space<vmem>>) dst(%dma_wait3A_59 : memref<128x128xf32, #tpu.memory_space<vmem_shared>>)
      tpu.yield
    }) : () -> ()
    %add3A_7 = arith.constant 256 : i32
    %add3A_8 = arith.addi %mul3A_0, %add3A_7 : i32
    "tpu.region"() ({
      %run_scoped3A = tpu.sem_alloc : memref<!tpu.dma_semaphore, #tpu.memory_space<semaphore_mem>>
      %dma_start3A = arith.constant 0 : i32
      %dma_start3A_54 = tpu.memref_slice %arg11[%add3A_8, %dma_start3A] : memref<10240x128xf32, #tpu.memory_space<vmem_shared>> -> memref<128x128xf32, #tpu.memory_space<vmem_shared>>
      %dma_start3A_55 = arith.constant 0 : i32
      %dma_start3A_56 = tpu.memref_slice %arg11[%add3A_8, %dma_start3A_55] : memref<10240x128xf32, #tpu.memory_space<vmem_shared>> -> memref<128x128xf32, #tpu.memory_space<vmem_shared>>
      tpu.enqueue_dma source(%arg9 : memref<128x128xf32, #tpu.memory_space<vmem>>) target(%dma_start3A_56 : memref<128x128xf32, #tpu.memory_space<vmem_shared>>) target_semaphore(%run_scoped3A : memref<!tpu.dma_semaphore, #tpu.memory_space<semaphore_mem>>)
      %dma_wait3A = arith.constant 0 : i32
      %dma_wait3A_57 = tpu.memref_slice %arg11[%add3A_8, %dma_wait3A] : memref<10240x128xf32, #tpu.memory_space<vmem_shared>> -> memref<128x128xf32, #tpu.memory_space<vmem_shared>>
      %dma_wait3A_58 = arith.constant 0 : i32
      %dma_wait3A_59 = tpu.memref_slice %arg11[%add3A_8, %dma_wait3A_58] : memref<10240x128xf32, #tpu.memory_space<vmem_shared>> -> memref<128x128xf32, #tpu.memory_space<vmem_shared>>
      tpu.wait_dma2 semaphore(%run_scoped3A : memref<!tpu.dma_semaphore, #tpu.memory_space<semaphore_mem>>) src(%arg9 : memref<128x128xf32, #tpu.memory_space<vmem>>) dst(%dma_wait3A_59 : memref<128x128xf32, #tpu.memory_space<vmem_shared>>)
      tpu.yield
    }) : () -> ()
    %add3A_9 = arith.constant 384 : i32
    %add3A_10 = arith.addi %mul3A_0, %add3A_9 : i32
    "tpu.region"() ({
      %run_scoped3A = tpu.sem_alloc : memref<!tpu.dma_semaphore, #tpu.memory_space<semaphore_mem>>
      %dma_start3A = arith.constant 0 : i32
      %dma_start3A_54 = tpu.memref_slice %arg11[%add3A_10, %dma_start3A] : memref<10240x128xf32, #tpu.memory_space<vmem_shared>> -> memref<128x128xf32, #tpu.memory_space<vmem_shared>>
      %dma_start3A_55 = arith.constant 0 : i32
      %dma_start3A_56 = tpu.memref_slice %arg11[%add3A_10, %dma_start3A_55] : memref<10240x128xf32, #tpu.memory_space<vmem_shared>> -> memref<128x128xf32, #tpu.memory_space<vmem_shared>>
      tpu.enqueue_dma source(%arg9 : memref<128x128xf32, #tpu.memory_space<vmem>>) target(%dma_start3A_56 : memref<128x128xf32, #tpu.memory_space<vmem_shared>>) target_semaphore(%run_scoped3A : memref<!tpu.dma_semaphore, #tpu.memory_space<semaphore_mem>>)
      %dma_wait3A = arith.constant 0 : i32
      %dma_wait3A_57 = tpu.memref_slice %arg11[%add3A_10, %dma_wait3A] : memref<10240x128xf32, #tpu.memory_space<vmem_shared>> -> memref<128x128xf32, #tpu.memory_space<vmem_shared>>
      %dma_wait3A_58 = arith.constant 0 : i32
      %dma_wait3A_59 = tpu.memref_slice %arg11[%add3A_10, %dma_wait3A_58] : memref<10240x128xf32, #tpu.memory_space<vmem_shared>> -> memref<128x128xf32, #tpu.memory_space<vmem_shared>>
      tpu.wait_dma2 semaphore(%run_scoped3A : memref<!tpu.dma_semaphore, #tpu.memory_space<semaphore_mem>>) src(%arg9 : memref<128x128xf32, #tpu.memory_space<vmem>>) dst(%dma_wait3A_59 : memref<128x128xf32, #tpu.memory_space<vmem_shared>>)
      tpu.yield
    }) : () -> ()
    %add3A_11 = arith.constant 512 : i32
    %add3A_12 = arith.addi %mul3A_0, %add3A_11 : i32
    "tpu.region"() ({
      %run_scoped3A = tpu.sem_alloc : memref<!tpu.dma_semaphore, #tpu.memory_space<semaphore_mem>>
      %dma_start3A = arith.constant 0 : i32
      %dma_start3A_54 = tpu.memref_slice %arg11[%add3A_12, %dma_start3A] : memref<10240x128xf32, #tpu.memory_space<vmem_shared>> -> memref<128x128xf32, #tpu.memory_space<vmem_shared>>
      %dma_start3A_55 = arith.constant 0 : i32
      %dma_start3A_56 = tpu.memref_slice %arg11[%add3A_12, %dma_start3A_55] : memref<10240x128xf32, #tpu.memory_space<vmem_shared>> -> memref<128x128xf32, #tpu.memory_space<vmem_shared>>
      tpu.enqueue_dma source(%arg9 : memref<128x128xf32, #tpu.memory_space<vmem>>) target(%dma_start3A_56 : memref<128x128xf32, #tpu.memory_space<vmem_shared>>) target_semaphore(%run_scoped3A : memref<!tpu.dma_semaphore, #tpu.memory_space<semaphore_mem>>)
      %dma_wait3A = arith.constant 0 : i32
      %dma_wait3A_57 = tpu.memref_slice %arg11[%add3A_12, %dma_wait3A] : memref<10240x128xf32, #tpu.memory_space<vmem_shared>> -> memref<128x128xf32, #tpu.memory_space<vmem_shared>>
      %dma_wait3A_58 = arith.constant 0 : i32
      %dma_wait3A_59 = tpu.memref_slice %arg11[%add3A_12, %dma_wait3A_58] : memref<10240x128xf32, #tpu.memory_space<vmem_shared>> -> memref<128x128xf32, #tpu.memory_space<vmem_shared>>
      tpu.wait_dma2 semaphore(%run_scoped3A : memref<!tpu.dma_semaphore, #tpu.memory_space<semaphore_mem>>) src(%arg9 : memref<128x128xf32, #tpu.memory_space<vmem>>) dst(%dma_wait3A_59 : memref<128x128xf32, #tpu.memory_space<vmem_shared>>)
      tpu.yield
    }) : () -> ()
    "tpu.region"() ({
      %run_scoped3A = tpu.sem_alloc : memref<!tpu.dma_semaphore, #tpu.memory_space<semaphore_mem>>
      %dma_start3A = arith.constant 0 : i32
      %dma_start3A_54 = arith.constant 0 : i32
      %dma_start3A_55 = tpu.memref_slice %arg2[%dma_start3A, %dma_start3A_54] : memref<128x128xf32, #tpu.memory_space<hbm>> -> memref<128x128xf32, #tpu.memory_space<hbm>>
      %dma_start3A_56 = arith.constant 0 : i32
      %dma_start3A_57 = arith.constant 0 : i32
      %dma_start3A_58 = tpu.memref_slice %arg2[%dma_start3A_56, %dma_start3A_57] : memref<128x128xf32, #tpu.memory_space<hbm>> -> memref<128x128xf32, #tpu.memory_space<hbm>>
      tpu.enqueue_dma source(%dma_start3A_58 : memref<128x128xf32, #tpu.memory_space<hbm>>) target(%arg9 : memref<128x128xf32, #tpu.memory_space<vmem>>) target_semaphore(%run_scoped3A : memref<!tpu.dma_semaphore, #tpu.memory_space<semaphore_mem>>)
      %dma_wait3A = arith.constant 0 : i32
      %dma_wait3A_59 = arith.constant 0 : i32
      %dma_wait3A_60 = tpu.memref_slice %arg2[%dma_wait3A, %dma_wait3A_59] : memref<128x128xf32, #tpu.memory_space<hbm>> -> memref<128x128xf32, #tpu.memory_space<hbm>>
      %dma_wait3A_61 = arith.constant 0 : i32
      %dma_wait3A_62 = arith.constant 0 : i32
      %dma_wait3A_63 = tpu.memref_slice %arg2[%dma_wait3A_61, %dma_wait3A_62] : memref<128x128xf32, #tpu.memory_space<hbm>> -> memref<128x128xf32, #tpu.memory_space<hbm>>
      tpu.wait_dma2 semaphore(%run_scoped3A : memref<!tpu.dma_semaphore, #tpu.memory_space<semaphore_mem>>) src(%dma_wait3A_63 : memref<128x128xf32, #tpu.memory_space<hbm>>) dst(%arg9 : memref<128x128xf32, #tpu.memory_space<vmem>>)
      tpu.yield
    }) : () -> ()
    %barrier3A = arith.constant 0 : index
    tpu.barrier barrier_id(%barrier3A)
    %mul3A_13 = arith.constant 2 : i32
    %mul3A_14 = arith.muli %arg1, %mul3A_13 : i32
    %add3A_15 = arith.addi %mul3A_14, %arg0 : i32
    %mul3A_16 = arith.constant 80 : i32
    %mul3A_17 = arith.muli %add3A_15, %mul3A_16 : i32
    %add3A_18 = arith.constant 0 : i32
    %add3A_19 = arith.addi %mul3A_17, %add3A_18 : i32
    "tpu.region"() ({
      %run_scoped3A = tpu.sem_alloc : memref<!tpu.dma_semaphore, #tpu.memory_space<semaphore_mem>>
      %dma_start3A = arith.constant 0 : i32
      %dma_start3A_54 = tpu.memref_slice %arg4[%add3A_19, %dma_start3A] : memref<2624x128xi32, #tpu.memory_space<hbm>> -> memref<40x128xi32, #tpu.memory_space<hbm>>
      %dma_start3A_55 = arith.constant 0 : i32
      %dma_start3A_56 = tpu.memref_slice %arg4[%add3A_19, %dma_start3A_55] : memref<2624x128xi32, #tpu.memory_space<hbm>> -> memref<40x128xi32, #tpu.memory_space<hbm>>
      tpu.enqueue_dma source(%dma_start3A_56 : memref<40x128xi32, #tpu.memory_space<hbm>>) target(%arg8 : memref<40x128xi32, #tpu.memory_space<vmem>>) target_semaphore(%run_scoped3A : memref<!tpu.dma_semaphore, #tpu.memory_space<semaphore_mem>>)
      %dma_wait3A = arith.constant 0 : i32
      %dma_wait3A_57 = tpu.memref_slice %arg4[%add3A_19, %dma_wait3A] : memref<2624x128xi32, #tpu.memory_space<hbm>> -> memref<40x128xi32, #tpu.memory_space<hbm>>
      %dma_wait3A_58 = arith.constant 0 : i32
      %dma_wait3A_59 = tpu.memref_slice %arg4[%add3A_19, %dma_wait3A_58] : memref<2624x128xi32, #tpu.memory_space<hbm>> -> memref<40x128xi32, #tpu.memory_space<hbm>>
      tpu.wait_dma2 semaphore(%run_scoped3A : memref<!tpu.dma_semaphore, #tpu.memory_space<semaphore_mem>>) src(%dma_wait3A_59 : memref<40x128xi32, #tpu.memory_space<hbm>>) dst(%arg8 : memref<40x128xi32, #tpu.memory_space<vmem>>)
      tpu.yield
    }) : () -> ()
    %scan3A = arith.constant 0 : i32
    %scan3A_20 = arith.constant 0 : i32
    %scan3A_21 = arith.constant 5 : i32
    %scan3A_22 = arith.addi %scan3A_20, %scan3A_21 : i32
    %scan3A_23 = arith.constant 1 : i32
    scf.for %scan3A_54 = %scan3A_20 to %scan3A_22 step %scan3A_23  : i32 {
      %mul3A_55 = arith.constant 8 : i32
      %mul3A_56 = arith.muli %scan3A_54, %mul3A_55 : i32
      %add3A_57 = arith.constant 0 : i32
      %add3A_58 = arith.addi %mul3A_56, %add3A_57 : i32
      %dma_start3A = arith.constant 0 : i32
      %dma_start3A_59 = tpu.memref_slice %arg8[%add3A_58, %dma_start3A] : memref<40x128xi32, #tpu.memory_space<vmem>> -> memref<1x128xi32, #tpu.memory_space<vmem>>
      %dma_start3A_60 = tpu.memref_squeeze %dma_start3A_59 : memref<1x128xi32, #tpu.memory_space<vmem>> -> memref<128xi32, #tpu.memory_space<vmem>>
      %dma_start3A_61 = arith.constant 0 : i32
      %dma_start3A_62 = arith.constant 0 : i32
      %dma_start3A_63 = tpu.memref_slice %arg11[%dma_start3A_61, %dma_start3A_62] : memref<10240x128xf32, #tpu.memory_space<vmem_shared>> -> memref<10240x128xf32, #tpu.memory_space<vmem_shared>>
      tpu.enqueue_indirect_dma source(%arg9 : memref<128x128xf32, #tpu.memory_space<vmem>>) target(%dma_start3A_63 : memref<10240x128xf32, #tpu.memory_space<vmem_shared>>) offsets(%dma_start3A_60 : memref<128xi32, #tpu.memory_space<vmem>>) semaphore(%arg14 : memref<!tpu.dma_semaphore, #tpu.memory_space<semaphore_mem>>) {add = true}
      %mul3A_64 = arith.constant 8 : i32
      %mul3A_65 = arith.muli %scan3A_54, %mul3A_64 : i32
      %add3A_66 = arith.constant 1 : i32
      %add3A_67 = arith.addi %mul3A_65, %add3A_66 : i32
      %dma_start3A_68 = arith.constant 0 : i32
      %dma_start3A_69 = tpu.memref_slice %arg8[%add3A_67, %dma_start3A_68] : memref<40x128xi32, #tpu.memory_space<vmem>> -> memref<1x128xi32, #tpu.memory_space<vmem>>
      %dma_start3A_70 = tpu.memref_squeeze %dma_start3A_69 : memref<1x128xi32, #tpu.memory_space<vmem>> -> memref<128xi32, #tpu.memory_space<vmem>>
      %dma_start3A_71 = arith.constant 0 : i32
      %dma_start3A_72 = arith.constant 0 : i32
      %dma_start3A_73 = tpu.memref_slice %arg11[%dma_start3A_71, %dma_start3A_72] : memref<10240x128xf32, #tpu.memory_space<vmem_shared>> -> memref<10240x128xf32, #tpu.memory_space<vmem_shared>>
      tpu.enqueue_indirect_dma source(%arg9 : memref<128x128xf32, #tpu.memory_space<vmem>>) target(%dma_start3A_73 : memref<10240x128xf32, #tpu.memory_space<vmem_shared>>) offsets(%dma_start3A_70 : memref<128xi32, #tpu.memory_space<vmem>>) semaphore(%arg14 : memref<!tpu.dma_semaphore, #tpu.memory_space<semaphore_mem>>) {add = true}
      %mul3A_74 = arith.constant 8 : i32
      %mul3A_75 = arith.muli %scan3A_54, %mul3A_74 : i32
      %add3A_76 = arith.constant 2 : i32
      %add3A_77 = arith.addi %mul3A_75, %add3A_76 : i32
      %dma_start3A_78 = arith.constant 0 : i32
      %dma_start3A_79 = tpu.memref_slice %arg8[%add3A_77, %dma_start3A_78] : memref<40x128xi32, #tpu.memory_space<vmem>> -> memref<1x128xi32, #tpu.memory_space<vmem>>
      %dma_start3A_80 = tpu.memref_squeeze %dma_start3A_79 : memref<1x128xi32, #tpu.memory_space<vmem>> -> memref<128xi32, #tpu.memory_space<vmem>>
      %dma_start3A_81 = arith.constant 0 : i32
      %dma_start3A_82 = arith.constant 0 : i32
      %dma_start3A_83 = tpu.memref_slice %arg11[%dma_start3A_81, %dma_start3A_82] : memref<10240x128xf32, #tpu.memory_space<vmem_shared>> -> memref<10240x128xf32, #tpu.memory_space<vmem_shared>>
      tpu.enqueue_indirect_dma source(%arg9 : memref<128x128xf32, #tpu.memory_space<vmem>>) target(%dma_start3A_83 : memref<10240x128xf32, #tpu.memory_space<vmem_shared>>) offsets(%dma_start3A_80 : memref<128xi32, #tpu.memory_space<vmem>>) semaphore(%arg14 : memref<!tpu.dma_semaphore, #tpu.memory_space<semaphore_mem>>) {add = true}
      %mul3A_84 = arith.constant 8 : i32
      %mul3A_85 = arith.muli %scan3A_54, %mul3A_84 : i32
      %add3A_86 = arith.constant 3 : i32
      %add3A_87 = arith.addi %mul3A_85, %add3A_86 : i32
      %dma_start3A_88 = arith.constant 0 : i32
      %dma_start3A_89 = tpu.memref_slice %arg8[%add3A_87, %dma_start3A_88] : memref<40x128xi32, #tpu.memory_space<vmem>> -> memref<1x128xi32, #tpu.memory_space<vmem>>
      %dma_start3A_90 = tpu.memref_squeeze %dma_start3A_89 : memref<1x128xi32, #tpu.memory_space<vmem>> -> memref<128xi32, #tpu.memory_space<vmem>>
      %dma_start3A_91 = arith.constant 0 : i32
      %dma_start3A_92 = arith.constant 0 : i32
      %dma_start3A_93 = tpu.memref_slice %arg11[%dma_start3A_91, %dma_start3A_92] : memref<10240x128xf32, #tpu.memory_space<vmem_shared>> -> memref<10240x128xf32, #tpu.memory_space<vmem_shared>>
      tpu.enqueue_indirect_dma source(%arg9 : memref<128x128xf32, #tpu.memory_space<vmem>>) target(%dma_start3A_93 : memref<10240x128xf32, #tpu.memory_space<vmem_shared>>) offsets(%dma_start3A_90 : memref<128xi32, #tpu.memory_space<vmem>>) semaphore(%arg14 : memref<!tpu.dma_semaphore, #tpu.memory_space<semaphore_mem>>) {add = true}
      %mul3A_94 = arith.constant 8 : i32
      %mul3A_95 = arith.muli %scan3A_54, %mul3A_94 : i32
      %add3A_96 = arith.constant 4 : i32
      %add3A_97 = arith.addi %mul3A_95, %add3A_96 : i32
      %dma_start3A_98 = arith.constant 0 : i32
      %dma_start3A_99 = tpu.memref_slice %arg8[%add3A_97, %dma_start3A_98] : memref<40x128xi32, #tpu.memory_space<vmem>> -> memref<1x128xi32, #tpu.memory_space<vmem>>
      %dma_start3A_100 = tpu.memref_squeeze %dma_start3A_99 : memref<1x128xi32, #tpu.memory_space<vmem>> -> memref<128xi32, #tpu.memory_space<vmem>>
      %dma_start3A_101 = arith.constant 0 : i32
      %dma_start3A_102 = arith.constant 0 : i32
      %dma_start3A_103 = tpu.memref_slice %arg11[%dma_start3A_101, %dma_start3A_102] : memref<10240x128xf32, #tpu.memory_space<vmem_shared>> -> memref<10240x128xf32, #tpu.memory_space<vmem_shared>>
      tpu.enqueue_indirect_dma source(%arg9 : memref<128x128xf32, #tpu.memory_space<vmem>>) target(%dma_start3A_103 : memref<10240x128xf32, #tpu.memory_space<vmem_shared>>) offsets(%dma_start3A_100 : memref<128xi32, #tpu.memory_space<vmem>>) semaphore(%arg14 : memref<!tpu.dma_semaphore, #tpu.memory_space<semaphore_mem>>) {add = true}
      %mul3A_104 = arith.constant 8 : i32
      %mul3A_105 = arith.muli %scan3A_54, %mul3A_104 : i32
      %add3A_106 = arith.constant 5 : i32
      %add3A_107 = arith.addi %mul3A_105, %add3A_106 : i32
      %dma_start3A_108 = arith.constant 0 : i32
      %dma_start3A_109 = tpu.memref_slice %arg8[%add3A_107, %dma_start3A_108] : memref<40x128xi32, #tpu.memory_space<vmem>> -> memref<1x128xi32, #tpu.memory_space<vmem>>
      %dma_start3A_110 = tpu.memref_squeeze %dma_start3A_109 : memref<1x128xi32, #tpu.memory_space<vmem>> -> memref<128xi32, #tpu.memory_space<vmem>>
      %dma_start3A_111 = arith.constant 0 : i32
      %dma_start3A_112 = arith.constant 0 : i32
      %dma_start3A_113 = tpu.memref_slice %arg11[%dma_start3A_111, %dma_start3A_112] : memref<10240x128xf32, #tpu.memory_space<vmem_shared>> -> memref<10240x128xf32, #tpu.memory_space<vmem_shared>>
      tpu.enqueue_indirect_dma source(%arg9 : memref<128x128xf32, #tpu.memory_space<vmem>>) target(%dma_start3A_113 : memref<10240x128xf32, #tpu.memory_space<vmem_shared>>) offsets(%dma_start3A_110 : memref<128xi32, #tpu.memory_space<vmem>>) semaphore(%arg14 : memref<!tpu.dma_semaphore, #tpu.memory_space<semaphore_mem>>) {add = true}
      %mul3A_114 = arith.constant 8 : i32
      %mul3A_115 = arith.muli %scan3A_54, %mul3A_114 : i32
      %add3A_116 = arith.constant 6 : i32
      %add3A_117 = arith.addi %mul3A_115, %add3A_116 : i32
      %dma_start3A_118 = arith.constant 0 : i32
      %dma_start3A_119 = tpu.memref_slice %arg8[%add3A_117, %dma_start3A_118] : memref<40x128xi32, #tpu.memory_space<vmem>> -> memref<1x128xi32, #tpu.memory_space<vmem>>
      %dma_start3A_120 = tpu.memref_squeeze %dma_start3A_119 : memref<1x128xi32, #tpu.memory_space<vmem>> -> memref<128xi32, #tpu.memory_space<vmem>>
      %dma_start3A_121 = arith.constant 0 : i32
      %dma_start3A_122 = arith.constant 0 : i32
      %dma_start3A_123 = tpu.memref_slice %arg11[%dma_start3A_121, %dma_start3A_122] : memref<10240x128xf32, #tpu.memory_space<vmem_shared>> -> memref<10240x128xf32, #tpu.memory_space<vmem_shared>>
      tpu.enqueue_indirect_dma source(%arg9 : memref<128x128xf32, #tpu.memory_space<vmem>>) target(%dma_start3A_123 : memref<10240x128xf32, #tpu.memory_space<vmem_shared>>) offsets(%dma_start3A_120 : memref<128xi32, #tpu.memory_space<vmem>>) semaphore(%arg14 : memref<!tpu.dma_semaphore, #tpu.memory_space<semaphore_mem>>) {add = true}
      %mul3A_124 = arith.constant 8 : i32
      %mul3A_125 = arith.muli %scan3A_54, %mul3A_124 : i32
      %add3A_126 = arith.constant 7 : i32
      %add3A_127 = arith.addi %mul3A_125, %add3A_126 : i32
      %dma_start3A_128 = arith.constant 0 : i32
      %dma_start3A_129 = tpu.memref_slice %arg8[%add3A_127, %dma_start3A_128] : memref<40x128xi32, #tpu.memory_space<vmem>> -> memref<1x128xi32, #tpu.memory_space<vmem>>
      %dma_start3A_130 = tpu.memref_squeeze %dma_start3A_129 : memref<1x128xi32, #tpu.memory_space<vmem>> -> memref<128xi32, #tpu.memory_space<vmem>>
      %dma_start3A_131 = arith.constant 0 : i32
      %dma_start3A_132 = arith.constant 0 : i32
      %dma_start3A_133 = tpu.memref_slice %arg11[%dma_start3A_131, %dma_start3A_132] : memref<10240x128xf32, #tpu.memory_space<vmem_shared>> -> memref<10240x128xf32, #tpu.memory_space<vmem_shared>>
      tpu.enqueue_indirect_dma source(%arg9 : memref<128x128xf32, #tpu.memory_space<vmem>>) target(%dma_start3A_133 : memref<10240x128xf32, #tpu.memory_space<vmem_shared>>) offsets(%dma_start3A_130 : memref<128xi32, #tpu.memory_space<vmem>>) semaphore(%arg14 : memref<!tpu.dma_semaphore, #tpu.memory_space<semaphore_mem>>) {add = true}
      %dma_wait3A = arith.constant 0 : i32
      %dma_wait3A_134 = arith.constant 0 : i32
      %dma_wait3A_135 = tpu.memref_slice %arg8[%dma_wait3A, %dma_wait3A_134] : memref<40x128xi32, #tpu.memory_space<vmem>> -> memref<1x128xi32, #tpu.memory_space<vmem>>
      %dma_wait3A_136 = tpu.memref_squeeze %dma_wait3A_135 : memref<1x128xi32, #tpu.memory_space<vmem>> -> memref<128xi32, #tpu.memory_space<vmem>>
      %dma_wait3A_137 = arith.constant 0 : i32
      %dma_wait3A_138 = arith.constant 0 : i32
      %dma_wait3A_139 = tpu.memref_slice %arg11[%dma_wait3A_137, %dma_wait3A_138] : memref<10240x128xf32, #tpu.memory_space<vmem_shared>> -> memref<10240x128xf32, #tpu.memory_space<vmem_shared>>
      tpu.wait_indirect_dma semaphore(%arg14 : memref<!tpu.dma_semaphore, #tpu.memory_space<semaphore_mem>>) src(%arg9 : memref<128x128xf32, #tpu.memory_space<vmem>>) dst(%dma_wait3A_139 : memref<10240x128xf32, #tpu.memory_space<vmem_shared>>)
      %dma_wait3A_140 = arith.constant 0 : i32
      %dma_wait3A_141 = arith.constant 0 : i32
      %dma_wait3A_142 = tpu.memref_slice %arg8[%dma_wait3A_140, %dma_wait3A_141] : memref<40x128xi32, #tpu.memory_space<vmem>> -> memref<1x128xi32, #tpu.memory_space<vmem>>
      %dma_wait3A_143 = tpu.memref_squeeze %dma_wait3A_142 : memref<1x128xi32, #tpu.memory_space<vmem>> -> memref<128xi32, #tpu.memory_space<vmem>>
      %dma_wait3A_144 = arith.constant 0 : i32
      %dma_wait3A_145 = arith.constant 0 : i32
      %dma_wait3A_146 = tpu.memref_slice %arg11[%dma_wait3A_144, %dma_wait3A_145] : memref<10240x128xf32, #tpu.memory_space<vmem_shared>> -> memref<10240x128xf32, #tpu.memory_space<vmem_shared>>
      tpu.wait_indirect_dma semaphore(%arg14 : memref<!tpu.dma_semaphore, #tpu.memory_space<semaphore_mem>>) src(%arg9 : memref<128x128xf32, #tpu.memory_space<vmem>>) dst(%dma_wait3A_146 : memref<10240x128xf32, #tpu.memory_space<vmem_shared>>)
      %dma_wait3A_147 = arith.constant 0 : i32
      %dma_wait3A_148 = arith.constant 0 : i32
      %dma_wait3A_149 = tpu.memref_slice %arg8[%dma_wait3A_147, %dma_wait3A_148] : memref<40x128xi32, #tpu.memory_space<vmem>> -> memref<1x128xi32, #tpu.memory_space<vmem>>
      %dma_wait3A_150 = tpu.memref_squeeze %dma_wait3A_149 : memref<1x128xi32, #tpu.memory_space<vmem>> -> memref<128xi32, #tpu.memory_space<vmem>>
      %dma_wait3A_151 = arith.constant 0 : i32
      %dma_wait3A_152 = arith.constant 0 : i32
      %dma_wait3A_153 = tpu.memref_slice %arg11[%dma_wait3A_151, %dma_wait3A_152] : memref<10240x128xf32, #tpu.memory_space<vmem_shared>> -> memref<10240x128xf32, #tpu.memory_space<vmem_shared>>
      tpu.wait_indirect_dma semaphore(%arg14 : memref<!tpu.dma_semaphore, #tpu.memory_space<semaphore_mem>>) src(%arg9 : memref<128x128xf32, #tpu.memory_space<vmem>>) dst(%dma_wait3A_153 : memref<10240x128xf32, #tpu.memory_space<vmem_shared>>)
      %dma_wait3A_154 = arith.constant 0 : i32
      %dma_wait3A_155 = arith.constant 0 : i32
      %dma_wait3A_156 = tpu.memref_slice %arg8[%dma_wait3A_154, %dma_wait3A_155] : memref<40x128xi32, #tpu.memory_space<vmem>> -> memref<1x128xi32, #tpu.memory_space<vmem>>
      %dma_wait3A_157 = tpu.memref_squeeze %dma_wait3A_156 : memref<1x128xi32, #tpu.memory_space<vmem>> -> memref<128xi32, #tpu.memory_space<vmem>>
      %dma_wait3A_158 = arith.constant 0 : i32
      %dma_wait3A_159 = arith.constant 0 : i32
      %dma_wait3A_160 = tpu.memref_slice %arg11[%dma_wait3A_158, %dma_wait3A_159] : memref<10240x128xf32, #tpu.memory_space<vmem_shared>> -> memref<10240x128xf32, #tpu.memory_space<vmem_shared>>
      tpu.wait_indirect_dma semaphore(%arg14 : memref<!tpu.dma_semaphore, #tpu.memory_space<semaphore_mem>>) src(%arg9 : memref<128x128xf32, #tpu.memory_space<vmem>>) dst(%dma_wait3A_160 : memref<10240x128xf32, #tpu.memory_space<vmem_shared>>)
      %dma_wait3A_161 = arith.constant 0 : i32
      %dma_wait3A_162 = arith.constant 0 : i32
      %dma_wait3A_163 = tpu.memref_slice %arg8[%dma_wait3A_161, %dma_wait3A_162] : memref<40x128xi32, #tpu.memory_space<vmem>> -> memref<1x128xi32, #tpu.memory_space<vmem>>
      %dma_wait3A_164 = tpu.memref_squeeze %dma_wait3A_163 : memref<1x128xi32, #tpu.memory_space<vmem>> -> memref<128xi32, #tpu.memory_space<vmem>>
      %dma_wait3A_165 = arith.constant 0 : i32
      %dma_wait3A_166 = arith.constant 0 : i32
      %dma_wait3A_167 = tpu.memref_slice %arg11[%dma_wait3A_165, %dma_wait3A_166] : memref<10240x128xf32, #tpu.memory_space<vmem_shared>> -> memref<10240x128xf32, #tpu.memory_space<vmem_shared>>
      tpu.wait_indirect_dma semaphore(%arg14 : memref<!tpu.dma_semaphore, #tpu.memory_space<semaphore_mem>>) src(%arg9 : memref<128x128xf32, #tpu.memory_space<vmem>>) dst(%dma_wait3A_167 : memref<10240x128xf32, #tpu.memory_space<vmem_shared>>)
      %dma_wait3A_168 = arith.constant 0 : i32
      %dma_wait3A_169 = arith.constant 0 : i32
      %dma_wait3A_170 = tpu.memref_slice %arg8[%dma_wait3A_168, %dma_wait3A_169] : memref<40x128xi32, #tpu.memory_space<vmem>> -> memref<1x128xi32, #tpu.memory_space<vmem>>
      %dma_wait3A_171 = tpu.memref_squeeze %dma_wait3A_170 : memref<1x128xi32, #tpu.memory_space<vmem>> -> memref<128xi32, #tpu.memory_space<vmem>>
      %dma_wait3A_172 = arith.constant 0 : i32
      %dma_wait3A_173 = arith.constant 0 : i32
      %dma_wait3A_174 = tpu.memref_slice %arg11[%dma_wait3A_172, %dma_wait3A_173] : memref<10240x128xf32, #tpu.memory_space<vmem_shared>> -> memref<10240x128xf32, #tpu.memory_space<vmem_shared>>
      tpu.wait_indirect_dma semaphore(%arg14 : memref<!tpu.dma_semaphore, #tpu.memory_space<semaphore_mem>>) src(%arg9 : memref<128x128xf32, #tpu.memory_space<vmem>>) dst(%dma_wait3A_174 : memref<10240x128xf32, #tpu.memory_space<vmem_shared>>)
      %dma_wait3A_175 = arith.constant 0 : i32
      %dma_wait3A_176 = arith.constant 0 : i32
      %dma_wait3A_177 = tpu.memref_slice %arg8[%dma_wait3A_175, %dma_wait3A_176] : memref<40x128xi32, #tpu.memory_space<vmem>> -> memref<1x128xi32, #tpu.memory_space<vmem>>
      %dma_wait3A_178 = tpu.memref_squeeze %dma_wait3A_177 : memref<1x128xi32, #tpu.memory_space<vmem>> -> memref<128xi32, #tpu.memory_space<vmem>>
      %dma_wait3A_179 = arith.constant 0 : i32
      %dma_wait3A_180 = arith.constant 0 : i32
      %dma_wait3A_181 = tpu.memref_slice %arg11[%dma_wait3A_179, %dma_wait3A_180] : memref<10240x128xf32, #tpu.memory_space<vmem_shared>> -> memref<10240x128xf32, #tpu.memory_space<vmem_shared>>
      tpu.wait_indirect_dma semaphore(%arg14 : memref<!tpu.dma_semaphore, #tpu.memory_space<semaphore_mem>>) src(%arg9 : memref<128x128xf32, #tpu.memory_space<vmem>>) dst(%dma_wait3A_181 : memref<10240x128xf32, #tpu.memory_space<vmem_shared>>)
      %dma_wait3A_182 = arith.constant 0 : i32
      %dma_wait3A_183 = arith.constant 0 : i32
      %dma_wait3A_184 = tpu.memref_slice %arg8[%dma_wait3A_182, %dma_wait3A_183] : memref<40x128xi32, #tpu.memory_space<vmem>> -> memref<1x128xi32, #tpu.memory_space<vmem>>
      %dma_wait3A_185 = tpu.memref_squeeze %dma_wait3A_184 : memref<1x128xi32, #tpu.memory_space<vmem>> -> memref<128xi32, #tpu.memory_space<vmem>>
      %dma_wait3A_186 = arith.constant 0 : i32
      %dma_wait3A_187 = arith.constant 0 : i32
      %dma_wait3A_188 = tpu.memref_slice %arg11[%dma_wait3A_186, %dma_wait3A_187] : memref<10240x128xf32, #tpu.memory_space<vmem_shared>> -> memref<10240x128xf32, #tpu.memory_space<vmem_shared>>
      tpu.wait_indirect_dma semaphore(%arg14 : memref<!tpu.dma_semaphore, #tpu.memory_space<semaphore_mem>>) src(%arg9 : memref<128x128xf32, #tpu.memory_space<vmem>>) dst(%dma_wait3A_188 : memref<10240x128xf32, #tpu.memory_space<vmem_shared>>)
    }
    %scan3A_24 = arith.constant 5 : i32
    %add3A_25 = arith.constant 40 : i32
    %add3A_26 = arith.addi %mul3A_17, %add3A_25 : i32
    "tpu.region"() ({
      %run_scoped3A = tpu.sem_alloc : memref<!tpu.dma_semaphore, #tpu.memory_space<semaphore_mem>>
      %dma_start3A = arith.constant 0 : i32
      %dma_start3A_54 = tpu.memref_slice %arg4[%add3A_26, %dma_start3A] : memref<2624x128xi32, #tpu.memory_space<hbm>> -> memref<40x128xi32, #tpu.memory_space<hbm>>
      %dma_start3A_55 = arith.constant 0 : i32
      %dma_start3A_56 = tpu.memref_slice %arg4[%add3A_26, %dma_start3A_55] : memref<2624x128xi32, #tpu.memory_space<hbm>> -> memref<40x128xi32, #tpu.memory_space<hbm>>
      tpu.enqueue_dma source(%dma_start3A_56 : memref<40x128xi32, #tpu.memory_space<hbm>>) target(%arg8 : memref<40x128xi32, #tpu.memory_space<vmem>>) target_semaphore(%run_scoped3A : memref<!tpu.dma_semaphore, #tpu.memory_space<semaphore_mem>>)
      %dma_wait3A = arith.constant 0 : i32
      %dma_wait3A_57 = tpu.memref_slice %arg4[%add3A_26, %dma_wait3A] : memref<2624x128xi32, #tpu.memory_space<hbm>> -> memref<40x128xi32, #tpu.memory_space<hbm>>
      %dma_wait3A_58 = arith.constant 0 : i32
      %dma_wait3A_59 = tpu.memref_slice %arg4[%add3A_26, %dma_wait3A_58] : memref<2624x128xi32, #tpu.memory_space<hbm>> -> memref<40x128xi32, #tpu.memory_space<hbm>>
      tpu.wait_dma2 semaphore(%run_scoped3A : memref<!tpu.dma_semaphore, #tpu.memory_space<semaphore_mem>>) src(%dma_wait3A_59 : memref<40x128xi32, #tpu.memory_space<hbm>>) dst(%arg8 : memref<40x128xi32, #tpu.memory_space<vmem>>)
      tpu.yield
    }) : () -> ()
    %scan3A_27 = arith.constant 0 : i32
    %scan3A_28 = arith.constant 0 : i32
    %scan3A_29 = arith.constant 5 : i32
    %scan3A_30 = arith.addi %scan3A_28, %scan3A_29 : i32
    %scan3A_31 = arith.constant 1 : i32
    scf.for %scan3A_54 = %scan3A_28 to %scan3A_30 step %scan3A_31  : i32 {
      %mul3A_55 = arith.constant 8 : i32
      %mul3A_56 = arith.muli %scan3A_54, %mul3A_55 : i32
      %add3A_57 = arith.constant 0 : i32
      %add3A_58 = arith.addi %mul3A_56, %add3A_57 : i32
      %dma_start3A = arith.constant 0 : i32
      %dma_start3A_59 = tpu.memref_slice %arg8[%add3A_58, %dma_start3A] : memref<40x128xi32, #tpu.memory_space<vmem>> -> memref<1x128xi32, #tpu.memory_space<vmem>>
      %dma_start3A_60 = tpu.memref_squeeze %dma_start3A_59 : memref<1x128xi32, #tpu.memory_space<vmem>> -> memref<128xi32, #tpu.memory_space<vmem>>
      %dma_start3A_61 = arith.constant 0 : i32
      %dma_start3A_62 = arith.constant 0 : i32
      %dma_start3A_63 = tpu.memref_slice %arg11[%dma_start3A_61, %dma_start3A_62] : memref<10240x128xf32, #tpu.memory_space<vmem_shared>> -> memref<10240x128xf32, #tpu.memory_space<vmem_shared>>
      tpu.enqueue_indirect_dma source(%arg9 : memref<128x128xf32, #tpu.memory_space<vmem>>) target(%dma_start3A_63 : memref<10240x128xf32, #tpu.memory_space<vmem_shared>>) offsets(%dma_start3A_60 : memref<128xi32, #tpu.memory_space<vmem>>) semaphore(%arg14 : memref<!tpu.dma_semaphore, #tpu.memory_space<semaphore_mem>>) {add = true}
      %mul3A_64 = arith.constant 8 : i32
      %mul3A_65 = arith.muli %scan3A_54, %mul3A_64 : i32
      %add3A_66 = arith.constant 1 : i32
      %add3A_67 = arith.addi %mul3A_65, %add3A_66 : i32
      %dma_start3A_68 = arith.constant 0 : i32
      %dma_start3A_69 = tpu.memref_slice %arg8[%add3A_67, %dma_start3A_68] : memref<40x128xi32, #tpu.memory_space<vmem>> -> memref<1x128xi32, #tpu.memory_space<vmem>>
      %dma_start3A_70 = tpu.memref_squeeze %dma_start3A_69 : memref<1x128xi32, #tpu.memory_space<vmem>> -> memref<128xi32, #tpu.memory_space<vmem>>
      %dma_start3A_71 = arith.constant 0 : i32
      %dma_start3A_72 = arith.constant 0 : i32
      %dma_start3A_73 = tpu.memref_slice %arg11[%dma_start3A_71, %dma_start3A_72] : memref<10240x128xf32, #tpu.memory_space<vmem_shared>> -> memref<10240x128xf32, #tpu.memory_space<vmem_shared>>
      tpu.enqueue_indirect_dma source(%arg9 : memref<128x128xf32, #tpu.memory_space<vmem>>) target(%dma_start3A_73 : memref<10240x128xf32, #tpu.memory_space<vmem_shared>>) offsets(%dma_start3A_70 : memref<128xi32, #tpu.memory_space<vmem>>) semaphore(%arg14 : memref<!tpu.dma_semaphore, #tpu.memory_space<semaphore_mem>>) {add = true}
      %mul3A_74 = arith.constant 8 : i32
      %mul3A_75 = arith.muli %scan3A_54, %mul3A_74 : i32
      %add3A_76 = arith.constant 2 : i32
      %add3A_77 = arith.addi %mul3A_75, %add3A_76 : i32
      %dma_start3A_78 = arith.constant 0 : i32
      %dma_start3A_79 = tpu.memref_slice %arg8[%add3A_77, %dma_start3A_78] : memref<40x128xi32, #tpu.memory_space<vmem>> -> memref<1x128xi32, #tpu.memory_space<vmem>>
      %dma_start3A_80 = tpu.memref_squeeze %dma_start3A_79 : memref<1x128xi32, #tpu.memory_space<vmem>> -> memref<128xi32, #tpu.memory_space<vmem>>
      %dma_start3A_81 = arith.constant 0 : i32
      %dma_start3A_82 = arith.constant 0 : i32
      %dma_start3A_83 = tpu.memref_slice %arg11[%dma_start3A_81, %dma_start3A_82] : memref<10240x128xf32, #tpu.memory_space<vmem_shared>> -> memref<10240x128xf32, #tpu.memory_space<vmem_shared>>
      tpu.enqueue_indirect_dma source(%arg9 : memref<128x128xf32, #tpu.memory_space<vmem>>) target(%dma_start3A_83 : memref<10240x128xf32, #tpu.memory_space<vmem_shared>>) offsets(%dma_start3A_80 : memref<128xi32, #tpu.memory_space<vmem>>) semaphore(%arg14 : memref<!tpu.dma_semaphore, #tpu.memory_space<semaphore_mem>>) {add = true}
      %mul3A_84 = arith.constant 8 : i32
      %mul3A_85 = arith.muli %scan3A_54, %mul3A_84 : i32
      %add3A_86 = arith.constant 3 : i32
      %add3A_87 = arith.addi %mul3A_85, %add3A_86 : i32
      %dma_start3A_88 = arith.constant 0 : i32
      %dma_start3A_89 = tpu.memref_slice %arg8[%add3A_87, %dma_start3A_88] : memref<40x128xi32, #tpu.memory_space<vmem>> -> memref<1x128xi32, #tpu.memory_space<vmem>>
      %dma_start3A_90 = tpu.memref_squeeze %dma_start3A_89 : memref<1x128xi32, #tpu.memory_space<vmem>> -> memref<128xi32, #tpu.memory_space<vmem>>
      %dma_start3A_91 = arith.constant 0 : i32
      %dma_start3A_92 = arith.constant 0 : i32
      %dma_start3A_93 = tpu.memref_slice %arg11[%dma_start3A_91, %dma_start3A_92] : memref<10240x128xf32, #tpu.memory_space<vmem_shared>> -> memref<10240x128xf32, #tpu.memory_space<vmem_shared>>
      tpu.enqueue_indirect_dma source(%arg9 : memref<128x128xf32, #tpu.memory_space<vmem>>) target(%dma_start3A_93 : memref<10240x128xf32, #tpu.memory_space<vmem_shared>>) offsets(%dma_start3A_90 : memref<128xi32, #tpu.memory_space<vmem>>) semaphore(%arg14 : memref<!tpu.dma_semaphore, #tpu.memory_space<semaphore_mem>>) {add = true}
      %mul3A_94 = arith.constant 8 : i32
      %mul3A_95 = arith.muli %scan3A_54, %mul3A_94 : i32
      %add3A_96 = arith.constant 4 : i32
      %add3A_97 = arith.addi %mul3A_95, %add3A_96 : i32
      %dma_start3A_98 = arith.constant 0 : i32
      %dma_start3A_99 = tpu.memref_slice %arg8[%add3A_97, %dma_start3A_98] : memref<40x128xi32, #tpu.memory_space<vmem>> -> memref<1x128xi32, #tpu.memory_space<vmem>>
      %dma_start3A_100 = tpu.memref_squeeze %dma_start3A_99 : memref<1x128xi32, #tpu.memory_space<vmem>> -> memref<128xi32, #tpu.memory_space<vmem>>
      %dma_start3A_101 = arith.constant 0 : i32
      %dma_start3A_102 = arith.constant 0 : i32
      %dma_start3A_103 = tpu.memref_slice %arg11[%dma_start3A_101, %dma_start3A_102] : memref<10240x128xf32, #tpu.memory_space<vmem_shared>> -> memref<10240x128xf32, #tpu.memory_space<vmem_shared>>
      tpu.enqueue_indirect_dma source(%arg9 : memref<128x128xf32, #tpu.memory_space<vmem>>) target(%dma_start3A_103 : memref<10240x128xf32, #tpu.memory_space<vmem_shared>>) offsets(%dma_start3A_100 : memref<128xi32, #tpu.memory_space<vmem>>) semaphore(%arg14 : memref<!tpu.dma_semaphore, #tpu.memory_space<semaphore_mem>>) {add = true}
      %mul3A_104 = arith.constant 8 : i32
      %mul3A_105 = arith.muli %scan3A_54, %mul3A_104 : i32
      %add3A_106 = arith.constant 5 : i32
      %add3A_107 = arith.addi %mul3A_105, %add3A_106 : i32
      %dma_start3A_108 = arith.constant 0 : i32
      %dma_start3A_109 = tpu.memref_slice %arg8[%add3A_107, %dma_start3A_108] : memref<40x128xi32, #tpu.memory_space<vmem>> -> memref<1x128xi32, #tpu.memory_space<vmem>>
      %dma_start3A_110 = tpu.memref_squeeze %dma_start3A_109 : memref<1x128xi32, #tpu.memory_space<vmem>> -> memref<128xi32, #tpu.memory_space<vmem>>
      %dma_start3A_111 = arith.constant 0 : i32
      %dma_start3A_112 = arith.constant 0 : i32
      %dma_start3A_113 = tpu.memref_slice %arg11[%dma_start3A_111, %dma_start3A_112] : memref<10240x128xf32, #tpu.memory_space<vmem_shared>> -> memref<10240x128xf32, #tpu.memory_space<vmem_shared>>
      tpu.enqueue_indirect_dma source(%arg9 : memref<128x128xf32, #tpu.memory_space<vmem>>) target(%dma_start3A_113 : memref<10240x128xf32, #tpu.memory_space<vmem_shared>>) offsets(%dma_start3A_110 : memref<128xi32, #tpu.memory_space<vmem>>) semaphore(%arg14 : memref<!tpu.dma_semaphore, #tpu.memory_space<semaphore_mem>>) {add = true}
      %mul3A_114 = arith.constant 8 : i32
      %mul3A_115 = arith.muli %scan3A_54, %mul3A_114 : i32
      %add3A_116 = arith.constant 6 : i32
      %add3A_117 = arith.addi %mul3A_115, %add3A_116 : i32
      %dma_start3A_118 = arith.constant 0 : i32
      %dma_start3A_119 = tpu.memref_slice %arg8[%add3A_117, %dma_start3A_118] : memref<40x128xi32, #tpu.memory_space<vmem>> -> memref<1x128xi32, #tpu.memory_space<vmem>>
      %dma_start3A_120 = tpu.memref_squeeze %dma_start3A_119 : memref<1x128xi32, #tpu.memory_space<vmem>> -> memref<128xi32, #tpu.memory_space<vmem>>
      %dma_start3A_121 = arith.constant 0 : i32
      %dma_start3A_122 = arith.constant 0 : i32
      %dma_start3A_123 = tpu.memref_slice %arg11[%dma_start3A_121, %dma_start3A_122] : memref<10240x128xf32, #tpu.memory_space<vmem_shared>> -> memref<10240x128xf32, #tpu.memory_space<vmem_shared>>
      tpu.enqueue_indirect_dma source(%arg9 : memref<128x128xf32, #tpu.memory_space<vmem>>) target(%dma_start3A_123 : memref<10240x128xf32, #tpu.memory_space<vmem_shared>>) offsets(%dma_start3A_120 : memref<128xi32, #tpu.memory_space<vmem>>) semaphore(%arg14 : memref<!tpu.dma_semaphore, #tpu.memory_space<semaphore_mem>>) {add = true}
      %mul3A_124 = arith.constant 8 : i32
      %mul3A_125 = arith.muli %scan3A_54, %mul3A_124 : i32
      %add3A_126 = arith.constant 7 : i32
      %add3A_127 = arith.addi %mul3A_125, %add3A_126 : i32
      %dma_start3A_128 = arith.constant 0 : i32
      %dma_start3A_129 = tpu.memref_slice %arg8[%add3A_127, %dma_start3A_128] : memref<40x128xi32, #tpu.memory_space<vmem>> -> memref<1x128xi32, #tpu.memory_space<vmem>>
      %dma_start3A_130 = tpu.memref_squeeze %dma_start3A_129 : memref<1x128xi32, #tpu.memory_space<vmem>> -> memref<128xi32, #tpu.memory_space<vmem>>
      %dma_start3A_131 = arith.constant 0 : i32
      %dma_start3A_132 = arith.constant 0 : i32
      %dma_start3A_133 = tpu.memref_slice %arg11[%dma_start3A_131, %dma_start3A_132] : memref<10240x128xf32, #tpu.memory_space<vmem_shared>> -> memref<10240x128xf32, #tpu.memory_space<vmem_shared>>
      tpu.enqueue_indirect_dma source(%arg9 : memref<128x128xf32, #tpu.memory_space<vmem>>) target(%dma_start3A_133 : memref<10240x128xf32, #tpu.memory_space<vmem_shared>>) offsets(%dma_start3A_130 : memref<128xi32, #tpu.memory_space<vmem>>) semaphore(%arg14 : memref<!tpu.dma_semaphore, #tpu.memory_space<semaphore_mem>>) {add = true}
      %dma_wait3A = arith.constant 0 : i32
      %dma_wait3A_134 = arith.constant 0 : i32
      %dma_wait3A_135 = tpu.memref_slice %arg8[%dma_wait3A, %dma_wait3A_134] : memref<40x128xi32, #tpu.memory_space<vmem>> -> memref<1x128xi32, #tpu.memory_space<vmem>>
      %dma_wait3A_136 = tpu.memref_squeeze %dma_wait3A_135 : memref<1x128xi32, #tpu.memory_space<vmem>> -> memref<128xi32, #tpu.memory_space<vmem>>
      %dma_wait3A_137 = arith.constant 0 : i32
      %dma_wait3A_138 = arith.constant 0 : i32
      %dma_wait3A_139 = tpu.memref_slice %arg11[%dma_wait3A_137, %dma_wait3A_138] : memref<10240x128xf32, #tpu.memory_space<vmem_shared>> -> memref<10240x128xf32, #tpu.memory_space<vmem_shared>>
      tpu.wait_indirect_dma semaphore(%arg14 : memref<!tpu.dma_semaphore, #tpu.memory_space<semaphore_mem>>) src(%arg9 : memref<128x128xf32, #tpu.memory_space<vmem>>) dst(%dma_wait3A_139 : memref<10240x128xf32, #tpu.memory_space<vmem_shared>>)
      %dma_wait3A_140 = arith.constant 0 : i32
      %dma_wait3A_141 = arith.constant 0 : i32
      %dma_wait3A_142 = tpu.memref_slice %arg8[%dma_wait3A_140, %dma_wait3A_141] : memref<40x128xi32, #tpu.memory_space<vmem>> -> memref<1x128xi32, #tpu.memory_space<vmem>>
      %dma_wait3A_143 = tpu.memref_squeeze %dma_wait3A_142 : memref<1x128xi32, #tpu.memory_space<vmem>> -> memref<128xi32, #tpu.memory_space<vmem>>
      %dma_wait3A_144 = arith.constant 0 : i32
      %dma_wait3A_145 = arith.constant 0 : i32
      %dma_wait3A_146 = tpu.memref_slice %arg11[%dma_wait3A_144, %dma_wait3A_145] : memref<10240x128xf32, #tpu.memory_space<vmem_shared>> -> memref<10240x128xf32, #tpu.memory_space<vmem_shared>>
      tpu.wait_indirect_dma semaphore(%arg14 : memref<!tpu.dma_semaphore, #tpu.memory_space<semaphore_mem>>) src(%arg9 : memref<128x128xf32, #tpu.memory_space<vmem>>) dst(%dma_wait3A_146 : memref<10240x128xf32, #tpu.memory_space<vmem_shared>>)
      %dma_wait3A_147 = arith.constant 0 : i32
      %dma_wait3A_148 = arith.constant 0 : i32
      %dma_wait3A_149 = tpu.memref_slice %arg8[%dma_wait3A_147, %dma_wait3A_148] : memref<40x128xi32, #tpu.memory_space<vmem>> -> memref<1x128xi32, #tpu.memory_space<vmem>>
      %dma_wait3A_150 = tpu.memref_squeeze %dma_wait3A_149 : memref<1x128xi32, #tpu.memory_space<vmem>> -> memref<128xi32, #tpu.memory_space<vmem>>
      %dma_wait3A_151 = arith.constant 0 : i32
      %dma_wait3A_152 = arith.constant 0 : i32
      %dma_wait3A_153 = tpu.memref_slice %arg11[%dma_wait3A_151, %dma_wait3A_152] : memref<10240x128xf32, #tpu.memory_space<vmem_shared>> -> memref<10240x128xf32, #tpu.memory_space<vmem_shared>>
      tpu.wait_indirect_dma semaphore(%arg14 : memref<!tpu.dma_semaphore, #tpu.memory_space<semaphore_mem>>) src(%arg9 : memref<128x128xf32, #tpu.memory_space<vmem>>) dst(%dma_wait3A_153 : memref<10240x128xf32, #tpu.memory_space<vmem_shared>>)
      %dma_wait3A_154 = arith.constant 0 : i32
      %dma_wait3A_155 = arith.constant 0 : i32
      %dma_wait3A_156 = tpu.memref_slice %arg8[%dma_wait3A_154, %dma_wait3A_155] : memref<40x128xi32, #tpu.memory_space<vmem>> -> memref<1x128xi32, #tpu.memory_space<vmem>>
      %dma_wait3A_157 = tpu.memref_squeeze %dma_wait3A_156 : memref<1x128xi32, #tpu.memory_space<vmem>> -> memref<128xi32, #tpu.memory_space<vmem>>
      %dma_wait3A_158 = arith.constant 0 : i32
      %dma_wait3A_159 = arith.constant 0 : i32
      %dma_wait3A_160 = tpu.memref_slice %arg11[%dma_wait3A_158, %dma_wait3A_159] : memref<10240x128xf32, #tpu.memory_space<vmem_shared>> -> memref<10240x128xf32, #tpu.memory_space<vmem_shared>>
      tpu.wait_indirect_dma semaphore(%arg14 : memref<!tpu.dma_semaphore, #tpu.memory_space<semaphore_mem>>) src(%arg9 : memref<128x128xf32, #tpu.memory_space<vmem>>) dst(%dma_wait3A_160 : memref<10240x128xf32, #tpu.memory_space<vmem_shared>>)
      %dma_wait3A_161 = arith.constant 0 : i32
      %dma_wait3A_162 = arith.constant 0 : i32
      %dma_wait3A_163 = tpu.memref_slice %arg8[%dma_wait3A_161, %dma_wait3A_162] : memref<40x128xi32, #tpu.memory_space<vmem>> -> memref<1x128xi32, #tpu.memory_space<vmem>>
      %dma_wait3A_164 = tpu.memref_squeeze %dma_wait3A_163 : memref<1x128xi32, #tpu.memory_space<vmem>> -> memref<128xi32, #tpu.memory_space<vmem>>
      %dma_wait3A_165 = arith.constant 0 : i32
      %dma_wait3A_166 = arith.constant 0 : i32
      %dma_wait3A_167 = tpu.memref_slice %arg11[%dma_wait3A_165, %dma_wait3A_166] : memref<10240x128xf32, #tpu.memory_space<vmem_shared>> -> memref<10240x128xf32, #tpu.memory_space<vmem_shared>>
      tpu.wait_indirect_dma semaphore(%arg14 : memref<!tpu.dma_semaphore, #tpu.memory_space<semaphore_mem>>) src(%arg9 : memref<128x128xf32, #tpu.memory_space<vmem>>) dst(%dma_wait3A_167 : memref<10240x128xf32, #tpu.memory_space<vmem_shared>>)
      %dma_wait3A_168 = arith.constant 0 : i32
      %dma_wait3A_169 = arith.constant 0 : i32
      %dma_wait3A_170 = tpu.memref_slice %arg8[%dma_wait3A_168, %dma_wait3A_169] : memref<40x128xi32, #tpu.memory_space<vmem>> -> memref<1x128xi32, #tpu.memory_space<vmem>>
      %dma_wait3A_171 = tpu.memref_squeeze %dma_wait3A_170 : memref<1x128xi32, #tpu.memory_space<vmem>> -> memref<128xi32, #tpu.memory_space<vmem>>
      %dma_wait3A_172 = arith.constant 0 : i32
      %dma_wait3A_173 = arith.constant 0 : i32
      %dma_wait3A_174 = tpu.memref_slice %arg11[%dma_wait3A_172, %dma_wait3A_173] : memref<10240x128xf32, #tpu.memory_space<vmem_shared>> -> memref<10240x128xf32, #tpu.memory_space<vmem_shared>>
      tpu.wait_indirect_dma semaphore(%arg14 : memref<!tpu.dma_semaphore, #tpu.memory_space<semaphore_mem>>) src(%arg9 : memref<128x128xf32, #tpu.memory_space<vmem>>) dst(%dma_wait3A_174 : memref<10240x128xf32, #tpu.memory_space<vmem_shared>>)
      %dma_wait3A_175 = arith.constant 0 : i32
      %dma_wait3A_176 = arith.constant 0 : i32
      %dma_wait3A_177 = tpu.memref_slice %arg8[%dma_wait3A_175, %dma_wait3A_176] : memref<40x128xi32, #tpu.memory_space<vmem>> -> memref<1x128xi32, #tpu.memory_space<vmem>>
      %dma_wait3A_178 = tpu.memref_squeeze %dma_wait3A_177 : memref<1x128xi32, #tpu.memory_space<vmem>> -> memref<128xi32, #tpu.memory_space<vmem>>
      %dma_wait3A_179 = arith.constant 0 : i32
      %dma_wait3A_180 = arith.constant 0 : i32
      %dma_wait3A_181 = tpu.memref_slice %arg11[%dma_wait3A_179, %dma_wait3A_180] : memref<10240x128xf32, #tpu.memory_space<vmem_shared>> -> memref<10240x128xf32, #tpu.memory_space<vmem_shared>>
      tpu.wait_indirect_dma semaphore(%arg14 : memref<!tpu.dma_semaphore, #tpu.memory_space<semaphore_mem>>) src(%arg9 : memref<128x128xf32, #tpu.memory_space<vmem>>) dst(%dma_wait3A_181 : memref<10240x128xf32, #tpu.memory_space<vmem_shared>>)
      %dma_wait3A_182 = arith.constant 0 : i32
      %dma_wait3A_183 = arith.constant 0 : i32
      %dma_wait3A_184 = tpu.memref_slice %arg8[%dma_wait3A_182, %dma_wait3A_183] : memref<40x128xi32, #tpu.memory_space<vmem>> -> memref<1x128xi32, #tpu.memory_space<vmem>>
      %dma_wait3A_185 = tpu.memref_squeeze %dma_wait3A_184 : memref<1x128xi32, #tpu.memory_space<vmem>> -> memref<128xi32, #tpu.memory_space<vmem>>
      %dma_wait3A_186 = arith.constant 0 : i32
      %dma_wait3A_187 = arith.constant 0 : i32
      %dma_wait3A_188 = tpu.memref_slice %arg11[%dma_wait3A_186, %dma_wait3A_187] : memref<10240x128xf32, #tpu.memory_space<vmem_shared>> -> memref<10240x128xf32, #tpu.memory_space<vmem_shared>>
      tpu.wait_indirect_dma semaphore(%arg14 : memref<!tpu.dma_semaphore, #tpu.memory_space<semaphore_mem>>) src(%arg9 : memref<128x128xf32, #tpu.memory_space<vmem>>) dst(%dma_wait3A_188 : memref<10240x128xf32, #tpu.memory_space<vmem_shared>>)
    }
    %scan3A_32 = arith.constant 5 : i32
    %barrier3A_33 = arith.constant 0 : index
    tpu.barrier barrier_id(%barrier3A_33)
    %add3A_34 = arith.constant 0 : i32
    %add3A_35 = arith.addi %mul3A_0, %add3A_34 : i32
    "tpu.region"() ({
      %run_scoped3A = tpu.sem_alloc : memref<!tpu.dma_semaphore, #tpu.memory_space<semaphore_mem>>
      %dma_start3A = arith.constant 0 : i32
      %dma_start3A_54 = tpu.memref_slice %arg11[%add3A_35, %dma_start3A] : memref<10240x128xf32, #tpu.memory_space<vmem_shared>> -> memref<128x128xf32, #tpu.memory_space<vmem_shared>>
      %dma_start3A_55 = arith.constant 0 : i32
      %dma_start3A_56 = tpu.memref_slice %arg11[%add3A_35, %dma_start3A_55] : memref<10240x128xf32, #tpu.memory_space<vmem_shared>> -> memref<128x128xf32, #tpu.memory_space<vmem_shared>>
      tpu.enqueue_dma source(%dma_start3A_56 : memref<128x128xf32, #tpu.memory_space<vmem_shared>>) target(%arg9 : memref<128x128xf32, #tpu.memory_space<vmem>>) target_semaphore(%run_scoped3A : memref<!tpu.dma_semaphore, #tpu.memory_space<semaphore_mem>>)
      %dma_wait3A = arith.constant 0 : i32
      %dma_wait3A_57 = tpu.memref_slice %arg11[%add3A_35, %dma_wait3A] : memref<10240x128xf32, #tpu.memory_space<vmem_shared>> -> memref<128x128xf32, #tpu.memory_space<vmem_shared>>
      %dma_wait3A_58 = arith.constant 0 : i32
      %dma_wait3A_59 = tpu.memref_slice %arg11[%add3A_35, %dma_wait3A_58] : memref<10240x128xf32, #tpu.memory_space<vmem_shared>> -> memref<128x128xf32, #tpu.memory_space<vmem_shared>>
      tpu.wait_dma2 semaphore(%run_scoped3A : memref<!tpu.dma_semaphore, #tpu.memory_space<semaphore_mem>>) src(%dma_wait3A_59 : memref<128x128xf32, #tpu.memory_space<vmem_shared>>) dst(%arg9 : memref<128x128xf32, #tpu.memory_space<vmem>>)
      tpu.yield
    }) : () -> ()
    %add3A_36 = arith.constant 0 : i32
    %add3A_37 = arith.addi %add3A, %add3A_36 : i32
    "tpu.region"() ({
      %run_scoped3A = tpu.sem_alloc : memref<!tpu.dma_semaphore, #tpu.memory_space<semaphore_mem>>
      %dma_start3A = arith.constant 0 : i32
      %dma_start3A_54 = tpu.memref_slice %arg6[%add3A_37, %dma_start3A] : memref<20480x128xf32, #tpu.memory_space<hbm>> -> memref<128x128xf32, #tpu.memory_space<hbm>>
      %dma_start3A_55 = arith.constant 0 : i32
      %dma_start3A_56 = tpu.memref_slice %arg6[%add3A_37, %dma_start3A_55] : memref<20480x128xf32, #tpu.memory_space<hbm>> -> memref<128x128xf32, #tpu.memory_space<hbm>>
      tpu.enqueue_dma source(%arg9 : memref<128x128xf32, #tpu.memory_space<vmem>>) target(%dma_start3A_56 : memref<128x128xf32, #tpu.memory_space<hbm>>) target_semaphore(%run_scoped3A : memref<!tpu.dma_semaphore, #tpu.memory_space<semaphore_mem>>)
      %dma_wait3A = arith.constant 0 : i32
      %dma_wait3A_57 = tpu.memref_slice %arg6[%add3A_37, %dma_wait3A] : memref<20480x128xf32, #tpu.memory_space<hbm>> -> memref<128x128xf32, #tpu.memory_space<hbm>>
      %dma_wait3A_58 = arith.constant 0 : i32
      %dma_wait3A_59 = tpu.memref_slice %arg6[%add3A_37, %dma_wait3A_58] : memref<20480x128xf32, #tpu.memory_space<hbm>> -> memref<128x128xf32, #tpu.memory_space<hbm>>
      tpu.wait_dma2 semaphore(%run_scoped3A : memref<!tpu.dma_semaphore, #tpu.memory_space<semaphore_mem>>) src(%arg9 : memref<128x128xf32, #tpu.memory_space<vmem>>) dst(%dma_wait3A_59 : memref<128x128xf32, #tpu.memory_space<hbm>>)
      tpu.yield
    }) : () -> ()
    %add3A_38 = arith.constant 128 : i32
    %add3A_39 = arith.addi %mul3A_0, %add3A_38 : i32
    "tpu.region"() ({
      %run_scoped3A = tpu.sem_alloc : memref<!tpu.dma_semaphore, #tpu.memory_space<semaphore_mem>>
      %dma_start3A = arith.constant 0 : i32
      %dma_start3A_54 = tpu.memref_slice %arg11[%add3A_39, %dma_start3A] : memref<10240x128xf32, #tpu.memory_space<vmem_shared>> -> memref<128x128xf32, #tpu.memory_space<vmem_shared>>
      %dma_start3A_55 = arith.constant 0 : i32
      %dma_start3A_56 = tpu.memref_slice %arg11[%add3A_39, %dma_start3A_55] : memref<10240x128xf32, #tpu.memory_space<vmem_shared>> -> memref<128x128xf32, #tpu.memory_space<vmem_shared>>
      tpu.enqueue_dma source(%dma_start3A_56 : memref<128x128xf32, #tpu.memory_space<vmem_shared>>) target(%arg9 : memref<128x128xf32, #tpu.memory_space<vmem>>) target_semaphore(%run_scoped3A : memref<!tpu.dma_semaphore, #tpu.memory_space<semaphore_mem>>)
      %dma_wait3A = arith.constant 0 : i32
      %dma_wait3A_57 = tpu.memref_slice %arg11[%add3A_39, %dma_wait3A] : memref<10240x128xf32, #tpu.memory_space<vmem_shared>> -> memref<128x128xf32, #tpu.memory_space<vmem_shared>>
      %dma_wait3A_58 = arith.constant 0 : i32
      %dma_wait3A_59 = tpu.memref_slice %arg11[%add3A_39, %dma_wait3A_58] : memref<10240x128xf32, #tpu.memory_space<vmem_shared>> -> memref<128x128xf32, #tpu.memory_space<vmem_shared>>
      tpu.wait_dma2 semaphore(%run_scoped3A : memref<!tpu.dma_semaphore, #tpu.memory_space<semaphore_mem>>) src(%dma_wait3A_59 : memref<128x128xf32, #tpu.memory_space<vmem_shared>>) dst(%arg9 : memref<128x128xf32, #tpu.memory_space<vmem>>)
      tpu.yield
    }) : () -> ()
    %add3A_40 = arith.constant 128 : i32
    %add3A_41 = arith.addi %add3A, %add3A_40 : i32
    "tpu.region"() ({
      %run_scoped3A = tpu.sem_alloc : memref<!tpu.dma_semaphore, #tpu.memory_space<semaphore_mem>>
      %dma_start3A = arith.constant 0 : i32
      %dma_start3A_54 = tpu.memref_slice %arg6[%add3A_41, %dma_start3A] : memref<20480x128xf32, #tpu.memory_space<hbm>> -> memref<128x128xf32, #tpu.memory_space<hbm>>
      %dma_start3A_55 = arith.constant 0 : i32
      %dma_start3A_56 = tpu.memref_slice %arg6[%add3A_41, %dma_start3A_55] : memref<20480x128xf32, #tpu.memory_space<hbm>> -> memref<128x128xf32, #tpu.memory_space<hbm>>
      tpu.enqueue_dma source(%arg9 : memref<128x128xf32, #tpu.memory_space<vmem>>) target(%dma_start3A_56 : memref<128x128xf32, #tpu.memory_space<hbm>>) target_semaphore(%run_scoped3A : memref<!tpu.dma_semaphore, #tpu.memory_space<semaphore_mem>>)
      %dma_wait3A = arith.constant 0 : i32
      %dma_wait3A_57 = tpu.memref_slice %arg6[%add3A_41, %dma_wait3A] : memref<20480x128xf32, #tpu.memory_space<hbm>> -> memref<128x128xf32, #tpu.memory_space<hbm>>
      %dma_wait3A_58 = arith.constant 0 : i32
      %dma_wait3A_59 = tpu.memref_slice %arg6[%add3A_41, %dma_wait3A_58] : memref<20480x128xf32, #tpu.memory_space<hbm>> -> memref<128x128xf32, #tpu.memory_space<hbm>>
      tpu.wait_dma2 semaphore(%run_scoped3A : memref<!tpu.dma_semaphore, #tpu.memory_space<semaphore_mem>>) src(%arg9 : memref<128x128xf32, #tpu.memory_space<vmem>>) dst(%dma_wait3A_59 : memref<128x128xf32, #tpu.memory_space<hbm>>)
      tpu.yield
    }) : () -> ()
    %add3A_42 = arith.constant 256 : i32
    %add3A_43 = arith.addi %mul3A_0, %add3A_42 : i32
    "tpu.region"() ({
      %run_scoped3A = tpu.sem_alloc : memref<!tpu.dma_semaphore, #tpu.memory_space<semaphore_mem>>
      %dma_start3A = arith.constant 0 : i32
      %dma_start3A_54 = tpu.memref_slice %arg11[%add3A_43, %dma_start3A] : memref<10240x128xf32, #tpu.memory_space<vmem_shared>> -> memref<128x128xf32, #tpu.memory_space<vmem_shared>>
      %dma_start3A_55 = arith.constant 0 : i32
      %dma_start3A_56 = tpu.memref_slice %arg11[%add3A_43, %dma_start3A_55] : memref<10240x128xf32, #tpu.memory_space<vmem_shared>> -> memref<128x128xf32, #tpu.memory_space<vmem_shared>>
      tpu.enqueue_dma source(%dma_start3A_56 : memref<128x128xf32, #tpu.memory_space<vmem_shared>>) target(%arg9 : memref<128x128xf32, #tpu.memory_space<vmem>>) target_semaphore(%run_scoped3A : memref<!tpu.dma_semaphore, #tpu.memory_space<semaphore_mem>>)
      %dma_wait3A = arith.constant 0 : i32
      %dma_wait3A_57 = tpu.memref_slice %arg11[%add3A_43, %dma_wait3A] : memref<10240x128xf32, #tpu.memory_space<vmem_shared>> -> memref<128x128xf32, #tpu.memory_space<vmem_shared>>
      %dma_wait3A_58 = arith.constant 0 : i32
      %dma_wait3A_59 = tpu.memref_slice %arg11[%add3A_43, %dma_wait3A_58] : memref<10240x128xf32, #tpu.memory_space<vmem_shared>> -> memref<128x128xf32, #tpu.memory_space<vmem_shared>>
      tpu.wait_dma2 semaphore(%run_scoped3A : memref<!tpu.dma_semaphore, #tpu.memory_space<semaphore_mem>>) src(%dma_wait3A_59 : memref<128x128xf32, #tpu.memory_space<vmem_shared>>) dst(%arg9 : memref<128x128xf32, #tpu.memory_space<vmem>>)
      tpu.yield
    }) : () -> ()
    %add3A_44 = arith.constant 256 : i32
    %add3A_45 = arith.addi %add3A, %add3A_44 : i32
    "tpu.region"() ({
      %run_scoped3A = tpu.sem_alloc : memref<!tpu.dma_semaphore, #tpu.memory_space<semaphore_mem>>
      %dma_start3A = arith.constant 0 : i32
      %dma_start3A_54 = tpu.memref_slice %arg6[%add3A_45, %dma_start3A] : memref<20480x128xf32, #tpu.memory_space<hbm>> -> memref<128x128xf32, #tpu.memory_space<hbm>>
      %dma_start3A_55 = arith.constant 0 : i32
      %dma_start3A_56 = tpu.memref_slice %arg6[%add3A_45, %dma_start3A_55] : memref<20480x128xf32, #tpu.memory_space<hbm>> -> memref<128x128xf32, #tpu.memory_space<hbm>>
      tpu.enqueue_dma source(%arg9 : memref<128x128xf32, #tpu.memory_space<vmem>>) target(%dma_start3A_56 : memref<128x128xf32, #tpu.memory_space<hbm>>) target_semaphore(%run_scoped3A : memref<!tpu.dma_semaphore, #tpu.memory_space<semaphore_mem>>)
      %dma_wait3A = arith.constant 0 : i32
      %dma_wait3A_57 = tpu.memref_slice %arg6[%add3A_45, %dma_wait3A] : memref<20480x128xf32, #tpu.memory_space<hbm>> -> memref<128x128xf32, #tpu.memory_space<hbm>>
      %dma_wait3A_58 = arith.constant 0 : i32
      %dma_wait3A_59 = tpu.memref_slice %arg6[%add3A_45, %dma_wait3A_58] : memref<20480x128xf32, #tpu.memory_space<hbm>> -> memref<128x128xf32, #tpu.memory_space<hbm>>
      tpu.wait_dma2 semaphore(%run_scoped3A : memref<!tpu.dma_semaphore, #tpu.memory_space<semaphore_mem>>) src(%arg9 : memref<128x128xf32, #tpu.memory_space<vmem>>) dst(%dma_wait3A_59 : memref<128x128xf32, #tpu.memory_space<hbm>>)
      tpu.yield
    }) : () -> ()
    %add3A_46 = arith.constant 384 : i32
    %add3A_47 = arith.addi %mul3A_0, %add3A_46 : i32
    "tpu.region"() ({
      %run_scoped3A = tpu.sem_alloc : memref<!tpu.dma_semaphore, #tpu.memory_space<semaphore_mem>>
      %dma_start3A = arith.constant 0 : i32
      %dma_start3A_54 = tpu.memref_slice %arg11[%add3A_47, %dma_start3A] : memref<10240x128xf32, #tpu.memory_space<vmem_shared>> -> memref<128x128xf32, #tpu.memory_space<vmem_shared>>
      %dma_start3A_55 = arith.constant 0 : i32
      %dma_start3A_56 = tpu.memref_slice %arg11[%add3A_47, %dma_start3A_55] : memref<10240x128xf32, #tpu.memory_space<vmem_shared>> -> memref<128x128xf32, #tpu.memory_space<vmem_shared>>
      tpu.enqueue_dma source(%dma_start3A_56 : memref<128x128xf32, #tpu.memory_space<vmem_shared>>) target(%arg9 : memref<128x128xf32, #tpu.memory_space<vmem>>) target_semaphore(%run_scoped3A : memref<!tpu.dma_semaphore, #tpu.memory_space<semaphore_mem>>)
      %dma_wait3A = arith.constant 0 : i32
      %dma_wait3A_57 = tpu.memref_slice %arg11[%add3A_47, %dma_wait3A] : memref<10240x128xf32, #tpu.memory_space<vmem_shared>> -> memref<128x128xf32, #tpu.memory_space<vmem_shared>>
      %dma_wait3A_58 = arith.constant 0 : i32
      %dma_wait3A_59 = tpu.memref_slice %arg11[%add3A_47, %dma_wait3A_58] : memref<10240x128xf32, #tpu.memory_space<vmem_shared>> -> memref<128x128xf32, #tpu.memory_space<vmem_shared>>
      tpu.wait_dma2 semaphore(%run_scoped3A : memref<!tpu.dma_semaphore, #tpu.memory_space<semaphore_mem>>) src(%dma_wait3A_59 : memref<128x128xf32, #tpu.memory_space<vmem_shared>>) dst(%arg9 : memref<128x128xf32, #tpu.memory_space<vmem>>)
      tpu.yield
    }) : () -> ()
    %add3A_48 = arith.constant 384 : i32
    %add3A_49 = arith.addi %add3A, %add3A_48 : i32
    "tpu.region"() ({
      %run_scoped3A = tpu.sem_alloc : memref<!tpu.dma_semaphore, #tpu.memory_space<semaphore_mem>>
      %dma_start3A = arith.constant 0 : i32
      %dma_start3A_54 = tpu.memref_slice %arg6[%add3A_49, %dma_start3A] : memref<20480x128xf32, #tpu.memory_space<hbm>> -> memref<128x128xf32, #tpu.memory_space<hbm>>
      %dma_start3A_55 = arith.constant 0 : i32
      %dma_start3A_56 = tpu.memref_slice %arg6[%add3A_49, %dma_start3A_55] : memref<20480x128xf32, #tpu.memory_space<hbm>> -> memref<128x128xf32, #tpu.memory_space<hbm>>
      tpu.enqueue_dma source(%arg9 : memref<128x128xf32, #tpu.memory_space<vmem>>) target(%dma_start3A_56 : memref<128x128xf32, #tpu.memory_space<hbm>>) target_semaphore(%run_scoped3A : memref<!tpu.dma_semaphore, #tpu.memory_space<semaphore_mem>>)
      %dma_wait3A = arith.constant 0 : i32
      %dma_wait3A_57 = tpu.memref_slice %arg6[%add3A_49, %dma_wait3A] : memref<20480x128xf32, #tpu.memory_space<hbm>> -> memref<128x128xf32, #tpu.memory_space<hbm>>
      %dma_wait3A_58 = arith.constant 0 : i32
      %dma_wait3A_59 = tpu.memref_slice %arg6[%add3A_49, %dma_wait3A_58] : memref<20480x128xf32, #tpu.memory_space<hbm>> -> memref<128x128xf32, #tpu.memory_space<hbm>>
      tpu.wait_dma2 semaphore(%run_scoped3A : memref<!tpu.dma_semaphore, #tpu.memory_space<semaphore_mem>>) src(%arg9 : memref<128x128xf32, #tpu.memory_space<vmem>>) dst(%dma_wait3A_59 : memref<128x128xf32, #tpu.memory_space<hbm>>)
      tpu.yield
    }) : () -> ()
    %add3A_50 = arith.constant 512 : i32
    %add3A_51 = arith.addi %mul3A_0, %add3A_50 : i32
    "tpu.region"() ({
      %run_scoped3A = tpu.sem_alloc : memref<!tpu.dma_semaphore, #tpu.memory_space<semaphore_mem>>
      %dma_start3A = arith.constant 0 : i32
      %dma_start3A_54 = tpu.memref_slice %arg11[%add3A_51, %dma_start3A] : memref<10240x128xf32, #tpu.memory_space<vmem_shared>> -> memref<128x128xf32, #tpu.memory_space<vmem_shared>>
      %dma_start3A_55 = arith.constant 0 : i32
      %dma_start3A_56 = tpu.memref_slice %arg11[%add3A_51, %dma_start3A_55] : memref<10240x128xf32, #tpu.memory_space<vmem_shared>> -> memref<128x128xf32, #tpu.memory_space<vmem_shared>>
      tpu.enqueue_dma source(%dma_start3A_56 : memref<128x128xf32, #tpu.memory_space<vmem_shared>>) target(%arg9 : memref<128x128xf32, #tpu.memory_space<vmem>>) target_semaphore(%run_scoped3A : memref<!tpu.dma_semaphore, #tpu.memory_space<semaphore_mem>>)
      %dma_wait3A = arith.constant 0 : i32
      %dma_wait3A_57 = tpu.memref_slice %arg11[%add3A_51, %dma_wait3A] : memref<10240x128xf32, #tpu.memory_space<vmem_shared>> -> memref<128x128xf32, #tpu.memory_space<vmem_shared>>
      %dma_wait3A_58 = arith.constant 0 : i32
      %dma_wait3A_59 = tpu.memref_slice %arg11[%add3A_51, %dma_wait3A_58] : memref<10240x128xf32, #tpu.memory_space<vmem_shared>> -> memref<128x128xf32, #tpu.memory_space<vmem_shared>>
      tpu.wait_dma2 semaphore(%run_scoped3A : memref<!tpu.dma_semaphore, #tpu.memory_space<semaphore_mem>>) src(%dma_wait3A_59 : memref<128x128xf32, #tpu.memory_space<vmem_shared>>) dst(%arg9 : memref<128x128xf32, #tpu.memory_space<vmem>>)
      tpu.yield
    }) : () -> ()
    %add3A_52 = arith.constant 512 : i32
    %add3A_53 = arith.addi %add3A, %add3A_52 : i32
    "tpu.region"() ({
      %run_scoped3A = tpu.sem_alloc : memref<!tpu.dma_semaphore, #tpu.memory_space<semaphore_mem>>
      %dma_start3A = arith.constant 0 : i32
      %dma_start3A_54 = tpu.memref_slice %arg6[%add3A_53, %dma_start3A] : memref<20480x128xf32, #tpu.memory_space<hbm>> -> memref<128x128xf32, #tpu.memory_space<hbm>>
      %dma_start3A_55 = arith.constant 0 : i32
      %dma_start3A_56 = tpu.memref_slice %arg6[%add3A_53, %dma_start3A_55] : memref<20480x128xf32, #tpu.memory_space<hbm>> -> memref<128x128xf32, #tpu.memory_space<hbm>>
      tpu.enqueue_dma source(%arg9 : memref<128x128xf32, #tpu.memory_space<vmem>>) target(%dma_start3A_56 : memref<128x128xf32, #tpu.memory_space<hbm>>) target_semaphore(%run_scoped3A : memref<!tpu.dma_semaphore, #tpu.memory_space<semaphore_mem>>)
      %dma_wait3A = arith.constant 0 : i32
      %dma_wait3A_57 = tpu.memref_slice %arg6[%add3A_53, %dma_wait3A] : memref<20480x128xf32, #tpu.memory_space<hbm>> -> memref<128x128xf32, #tpu.memory_space<hbm>>
      %dma_wait3A_58 = arith.constant 0 : i32
      %dma_wait3A_59 = tpu.memref_slice %arg6[%add3A_53, %dma_wait3A_58] : memref<20480x128xf32, #tpu.memory_space<hbm>> -> memref<128x128xf32, #tpu.memory_space<hbm>>
      tpu.wait_dma2 semaphore(%run_scoped3A : memref<!tpu.dma_semaphore, #tpu.memory_space<semaphore_mem>>) src(%arg9 : memref<128x128xf32, #tpu.memory_space<vmem>>) dst(%dma_wait3A_59 : memref<128x128xf32, #tpu.memory_space<hbm>>)
      tpu.yield
    }) : () -> ()
    return
  }
}

#map = affine_map<(d0, d1) -> (0, 0)>
module attributes {stable_mosaic.version = 14 : i64} {
  func.func @_sc_body(%arg0: i32, %arg1: i32, %arg2: memref<10240x128xf32, #tpu.memory_space<hbm>>, %arg3: memref<2624x128xi32, #tpu.memory_space<hbm>>, %arg4: memref<2624x128xi32, #tpu.memory_space<hbm>>, %arg5: memref<128x128xf32, #tpu.memory_space<hbm>>, %arg6: memref<20480x128xf32, #tpu.memory_space<hbm>>, %arg7: memref<40x128xi32, #tpu.memory_space<vmem>>, %arg8: memref<40x128xi32, #tpu.memory_space<vmem>>, %arg9: memref<128x128xf32, #tpu.memory_space<vmem>>, %arg10: memref<128x128xf32, #tpu.memory_space<vmem>>, %arg11: memref<10240x128xf32, #tpu.memory_space<vmem_shared>>, %arg12: memref<!tpu.dma_semaphore, #tpu.memory_space<semaphore_mem>>, %arg13: memref<!tpu.dma_semaphore, #tpu.memory_space<semaphore_mem>>, %arg14: memref<!tpu.dma_semaphore, #tpu.memory_space<semaphore_mem>>, %arg15: memref<!tpu.dma_semaphore, #tpu.memory_space<semaphore_mem>>) attributes {dimension_semantics = [#tpu.dimension_semantics<core_parallel>, #tpu.dimension_semantics<subcore_parallel>], iteration_bounds = array<i64: 2, 16>, scalar_prefetch = 0 : i64, scratch_operands = 9 : i64, tpu.core_type = #tpu.core_type<sc_vector_subcore>, window_params = [{transform_indices = #map}, {transform_indices = #map}, {transform_indices = #map}, {transform_indices = #map}, {transform_indices = #map}]} {
    %mul3A = arith.constant 640 : i32
    %mul3A_0 = arith.muli %arg1, %mul3A : i32
    %mul3A_1 = arith.constant 10240 : i32
    %mul3A_2 = arith.muli %arg0, %mul3A_1 : i32
    %add3A = arith.addi %mul3A_2, %mul3A_0 : i32
    "tpu.region"() ({
      %run_scoped3A = tpu.sem_alloc : memref<!tpu.dma_semaphore, #tpu.memory_space<semaphore_mem>>
      tpu.enqueue_dma source(%arg5 : memref<128x128xf32, #tpu.memory_space<hbm>>) target(%arg9 : memref<128x128xf32, #tpu.memory_space<vmem>>) target_semaphore(%run_scoped3A : memref<!tpu.dma_semaphore, #tpu.memory_space<semaphore_mem>>)
      tpu.wait_dma2 semaphore(%run_scoped3A : memref<!tpu.dma_semaphore, #tpu.memory_space<semaphore_mem>>) src(%arg5 : memref<128x128xf32, #tpu.memory_space<hbm>>) dst(%arg9 : memref<128x128xf32, #tpu.memory_space<vmem>>)
      tpu.yield
    }) : () -> ()
    "tpu.region"() ({
      %run_scoped3A = tpu.sem_alloc : memref<!tpu.dma_semaphore, #tpu.memory_space<semaphore_mem>>
      tpu.enqueue_dma source(%arg5 : memref<128x128xf32, #tpu.memory_space<hbm>>) target(%arg10 : memref<128x128xf32, #tpu.memory_space<vmem>>) target_semaphore(%run_scoped3A : memref<!tpu.dma_semaphore, #tpu.memory_space<semaphore_mem>>)
      tpu.wait_dma2 semaphore(%run_scoped3A : memref<!tpu.dma_semaphore, #tpu.memory_space<semaphore_mem>>) src(%arg5 : memref<128x128xf32, #tpu.memory_space<hbm>>) dst(%arg10 : memref<128x128xf32, #tpu.memory_space<vmem>>)
      tpu.yield
    }) : () -> ()
    %add3A_3 = arith.constant 0 : i32
    %add3A_4 = arith.addi %mul3A_0, %add3A_3 : i32
    "tpu.region"() ({
      %run_scoped3A = tpu.sem_alloc : memref<!tpu.dma_semaphore, #tpu.memory_space<semaphore_mem>>
      %dma_start3A_164 = arith.constant 0 : i32
      %dma_start3A_165 = tpu.memref_slice %arg11[%add3A_4, %dma_start3A_164] : memref<10240x128xf32, #tpu.memory_space<vmem_shared>> -> memref<128x128xf32, #tpu.memory_space<vmem_shared>>
      %dma_start3A_166 = arith.constant 0 : i32
      %dma_start3A_167 = tpu.memref_slice %arg11[%add3A_4, %dma_start3A_166] : memref<10240x128xf32, #tpu.memory_space<vmem_shared>> -> memref<128x128xf32, #tpu.memory_space<vmem_shared>>
      tpu.enqueue_dma source(%arg9 : memref<128x128xf32, #tpu.memory_space<vmem>>) target(%dma_start3A_167 : memref<128x128xf32, #tpu.memory_space<vmem_shared>>) target_semaphore(%run_scoped3A : memref<!tpu.dma_semaphore, #tpu.memory_space<semaphore_mem>>)
      %dma_wait3A_168 = arith.constant 0 : i32
      %dma_wait3A_169 = tpu.memref_slice %arg11[%add3A_4, %dma_wait3A_168] : memref<10240x128xf32, #tpu.memory_space<vmem_shared>> -> memref<128x128xf32, #tpu.memory_space<vmem_shared>>
      %dma_wait3A_170 = arith.constant 0 : i32
      %dma_wait3A_171 = tpu.memref_slice %arg11[%add3A_4, %dma_wait3A_170] : memref<10240x128xf32, #tpu.memory_space<vmem_shared>> -> memref<128x128xf32, #tpu.memory_space<vmem_shared>>
      tpu.wait_dma2 semaphore(%run_scoped3A : memref<!tpu.dma_semaphore, #tpu.memory_space<semaphore_mem>>) src(%arg9 : memref<128x128xf32, #tpu.memory_space<vmem>>) dst(%dma_wait3A_171 : memref<128x128xf32, #tpu.memory_space<vmem_shared>>)
      tpu.yield
    }) : () -> ()
    %add3A_5 = arith.constant 128 : i32
    %add3A_6 = arith.addi %mul3A_0, %add3A_5 : i32
    "tpu.region"() ({
      %run_scoped3A = tpu.sem_alloc : memref<!tpu.dma_semaphore, #tpu.memory_space<semaphore_mem>>
      %dma_start3A_164 = arith.constant 0 : i32
      %dma_start3A_165 = tpu.memref_slice %arg11[%add3A_6, %dma_start3A_164] : memref<10240x128xf32, #tpu.memory_space<vmem_shared>> -> memref<128x128xf32, #tpu.memory_space<vmem_shared>>
      %dma_start3A_166 = arith.constant 0 : i32
      %dma_start3A_167 = tpu.memref_slice %arg11[%add3A_6, %dma_start3A_166] : memref<10240x128xf32, #tpu.memory_space<vmem_shared>> -> memref<128x128xf32, #tpu.memory_space<vmem_shared>>
      tpu.enqueue_dma source(%arg9 : memref<128x128xf32, #tpu.memory_space<vmem>>) target(%dma_start3A_167 : memref<128x128xf32, #tpu.memory_space<vmem_shared>>) target_semaphore(%run_scoped3A : memref<!tpu.dma_semaphore, #tpu.memory_space<semaphore_mem>>)
      %dma_wait3A_168 = arith.constant 0 : i32
      %dma_wait3A_169 = tpu.memref_slice %arg11[%add3A_6, %dma_wait3A_168] : memref<10240x128xf32, #tpu.memory_space<vmem_shared>> -> memref<128x128xf32, #tpu.memory_space<vmem_shared>>
      %dma_wait3A_170 = arith.constant 0 : i32
      %dma_wait3A_171 = tpu.memref_slice %arg11[%add3A_6, %dma_wait3A_170] : memref<10240x128xf32, #tpu.memory_space<vmem_shared>> -> memref<128x128xf32, #tpu.memory_space<vmem_shared>>
      tpu.wait_dma2 semaphore(%run_scoped3A : memref<!tpu.dma_semaphore, #tpu.memory_space<semaphore_mem>>) src(%arg9 : memref<128x128xf32, #tpu.memory_space<vmem>>) dst(%dma_wait3A_171 : memref<128x128xf32, #tpu.memory_space<vmem_shared>>)
      tpu.yield
    }) : () -> ()
    %add3A_7 = arith.constant 256 : i32
    %add3A_8 = arith.addi %mul3A_0, %add3A_7 : i32
    "tpu.region"() ({
      %run_scoped3A = tpu.sem_alloc : memref<!tpu.dma_semaphore, #tpu.memory_space<semaphore_mem>>
      %dma_start3A_164 = arith.constant 0 : i32
      %dma_start3A_165 = tpu.memref_slice %arg11[%add3A_8, %dma_start3A_164] : memref<10240x128xf32, #tpu.memory_space<vmem_shared>> -> memref<128x128xf32, #tpu.memory_space<vmem_shared>>
      %dma_start3A_166 = arith.constant 0 : i32
      %dma_start3A_167 = tpu.memref_slice %arg11[%add3A_8, %dma_start3A_166] : memref<10240x128xf32, #tpu.memory_space<vmem_shared>> -> memref<128x128xf32, #tpu.memory_space<vmem_shared>>
      tpu.enqueue_dma source(%arg9 : memref<128x128xf32, #tpu.memory_space<vmem>>) target(%dma_start3A_167 : memref<128x128xf32, #tpu.memory_space<vmem_shared>>) target_semaphore(%run_scoped3A : memref<!tpu.dma_semaphore, #tpu.memory_space<semaphore_mem>>)
      %dma_wait3A_168 = arith.constant 0 : i32
      %dma_wait3A_169 = tpu.memref_slice %arg11[%add3A_8, %dma_wait3A_168] : memref<10240x128xf32, #tpu.memory_space<vmem_shared>> -> memref<128x128xf32, #tpu.memory_space<vmem_shared>>
      %dma_wait3A_170 = arith.constant 0 : i32
      %dma_wait3A_171 = tpu.memref_slice %arg11[%add3A_8, %dma_wait3A_170] : memref<10240x128xf32, #tpu.memory_space<vmem_shared>> -> memref<128x128xf32, #tpu.memory_space<vmem_shared>>
      tpu.wait_dma2 semaphore(%run_scoped3A : memref<!tpu.dma_semaphore, #tpu.memory_space<semaphore_mem>>) src(%arg9 : memref<128x128xf32, #tpu.memory_space<vmem>>) dst(%dma_wait3A_171 : memref<128x128xf32, #tpu.memory_space<vmem_shared>>)
      tpu.yield
    }) : () -> ()
    %add3A_9 = arith.constant 384 : i32
    %add3A_10 = arith.addi %mul3A_0, %add3A_9 : i32
    "tpu.region"() ({
      %run_scoped3A = tpu.sem_alloc : memref<!tpu.dma_semaphore, #tpu.memory_space<semaphore_mem>>
      %dma_start3A_164 = arith.constant 0 : i32
      %dma_start3A_165 = tpu.memref_slice %arg11[%add3A_10, %dma_start3A_164] : memref<10240x128xf32, #tpu.memory_space<vmem_shared>> -> memref<128x128xf32, #tpu.memory_space<vmem_shared>>
      %dma_start3A_166 = arith.constant 0 : i32
      %dma_start3A_167 = tpu.memref_slice %arg11[%add3A_10, %dma_start3A_166] : memref<10240x128xf32, #tpu.memory_space<vmem_shared>> -> memref<128x128xf32, #tpu.memory_space<vmem_shared>>
      tpu.enqueue_dma source(%arg9 : memref<128x128xf32, #tpu.memory_space<vmem>>) target(%dma_start3A_167 : memref<128x128xf32, #tpu.memory_space<vmem_shared>>) target_semaphore(%run_scoped3A : memref<!tpu.dma_semaphore, #tpu.memory_space<semaphore_mem>>)
      %dma_wait3A_168 = arith.constant 0 : i32
      %dma_wait3A_169 = tpu.memref_slice %arg11[%add3A_10, %dma_wait3A_168] : memref<10240x128xf32, #tpu.memory_space<vmem_shared>> -> memref<128x128xf32, #tpu.memory_space<vmem_shared>>
      %dma_wait3A_170 = arith.constant 0 : i32
      %dma_wait3A_171 = tpu.memref_slice %arg11[%add3A_10, %dma_wait3A_170] : memref<10240x128xf32, #tpu.memory_space<vmem_shared>> -> memref<128x128xf32, #tpu.memory_space<vmem_shared>>
      tpu.wait_dma2 semaphore(%run_scoped3A : memref<!tpu.dma_semaphore, #tpu.memory_space<semaphore_mem>>) src(%arg9 : memref<128x128xf32, #tpu.memory_space<vmem>>) dst(%dma_wait3A_171 : memref<128x128xf32, #tpu.memory_space<vmem_shared>>)
      tpu.yield
    }) : () -> ()
    %add3A_11 = arith.constant 512 : i32
    %add3A_12 = arith.addi %mul3A_0, %add3A_11 : i32
    "tpu.region"() ({
      %run_scoped3A = tpu.sem_alloc : memref<!tpu.dma_semaphore, #tpu.memory_space<semaphore_mem>>
      %dma_start3A_164 = arith.constant 0 : i32
      %dma_start3A_165 = tpu.memref_slice %arg11[%add3A_12, %dma_start3A_164] : memref<10240x128xf32, #tpu.memory_space<vmem_shared>> -> memref<128x128xf32, #tpu.memory_space<vmem_shared>>
      %dma_start3A_166 = arith.constant 0 : i32
      %dma_start3A_167 = tpu.memref_slice %arg11[%add3A_12, %dma_start3A_166] : memref<10240x128xf32, #tpu.memory_space<vmem_shared>> -> memref<128x128xf32, #tpu.memory_space<vmem_shared>>
      tpu.enqueue_dma source(%arg9 : memref<128x128xf32, #tpu.memory_space<vmem>>) target(%dma_start3A_167 : memref<128x128xf32, #tpu.memory_space<vmem_shared>>) target_semaphore(%run_scoped3A : memref<!tpu.dma_semaphore, #tpu.memory_space<semaphore_mem>>)
      %dma_wait3A_168 = arith.constant 0 : i32
      %dma_wait3A_169 = tpu.memref_slice %arg11[%add3A_12, %dma_wait3A_168] : memref<10240x128xf32, #tpu.memory_space<vmem_shared>> -> memref<128x128xf32, #tpu.memory_space<vmem_shared>>
      %dma_wait3A_170 = arith.constant 0 : i32
      %dma_wait3A_171 = tpu.memref_slice %arg11[%add3A_12, %dma_wait3A_170] : memref<10240x128xf32, #tpu.memory_space<vmem_shared>> -> memref<128x128xf32, #tpu.memory_space<vmem_shared>>
      tpu.wait_dma2 semaphore(%run_scoped3A : memref<!tpu.dma_semaphore, #tpu.memory_space<semaphore_mem>>) src(%arg9 : memref<128x128xf32, #tpu.memory_space<vmem>>) dst(%dma_wait3A_171 : memref<128x128xf32, #tpu.memory_space<vmem_shared>>)
      tpu.yield
    }) : () -> ()
    %barrier3A = arith.constant 0 : index
    tpu.barrier barrier_id(%barrier3A)
    %mul3A_13 = arith.constant 2 : i32
    %mul3A_14 = arith.muli %arg1, %mul3A_13 : i32
    %add3A_15 = arith.addi %mul3A_14, %arg0 : i32
    %mul3A_16 = arith.constant 80 : i32
    %mul3A_17 = arith.muli %add3A_15, %mul3A_16 : i32
    %add3A_18 = arith.constant 0 : i32
    %add3A_19 = arith.addi %mul3A_17, %add3A_18 : i32
    "tpu.region"() ({
      %run_scoped3A = tpu.sem_alloc : memref<!tpu.dma_semaphore, #tpu.memory_space<semaphore_mem>>
      %dma_start3A_164 = arith.constant 0 : i32
      %dma_start3A_165 = tpu.memref_slice %arg4[%add3A_19, %dma_start3A_164] : memref<2624x128xi32, #tpu.memory_space<hbm>> -> memref<40x128xi32, #tpu.memory_space<hbm>>
      %dma_start3A_166 = arith.constant 0 : i32
      %dma_start3A_167 = tpu.memref_slice %arg4[%add3A_19, %dma_start3A_166] : memref<2624x128xi32, #tpu.memory_space<hbm>> -> memref<40x128xi32, #tpu.memory_space<hbm>>
      tpu.enqueue_dma source(%dma_start3A_167 : memref<40x128xi32, #tpu.memory_space<hbm>>) target(%arg8 : memref<40x128xi32, #tpu.memory_space<vmem>>) target_semaphore(%run_scoped3A : memref<!tpu.dma_semaphore, #tpu.memory_space<semaphore_mem>>)
      %dma_wait3A_168 = arith.constant 0 : i32
      %dma_wait3A_169 = tpu.memref_slice %arg4[%add3A_19, %dma_wait3A_168] : memref<2624x128xi32, #tpu.memory_space<hbm>> -> memref<40x128xi32, #tpu.memory_space<hbm>>
      %dma_wait3A_170 = arith.constant 0 : i32
      %dma_wait3A_171 = tpu.memref_slice %arg4[%add3A_19, %dma_wait3A_170] : memref<2624x128xi32, #tpu.memory_space<hbm>> -> memref<40x128xi32, #tpu.memory_space<hbm>>
      tpu.wait_dma2 semaphore(%run_scoped3A : memref<!tpu.dma_semaphore, #tpu.memory_space<semaphore_mem>>) src(%dma_wait3A_171 : memref<40x128xi32, #tpu.memory_space<hbm>>) dst(%arg8 : memref<40x128xi32, #tpu.memory_space<vmem>>)
      tpu.yield
    }) : () -> ()
    "tpu.region"() ({
      %run_scoped3A = tpu.sem_alloc : memref<!tpu.dma_semaphore, #tpu.memory_space<semaphore_mem>>
      %dma_start3A_164 = arith.constant 0 : i32
      %dma_start3A_165 = tpu.memref_slice %arg3[%add3A_19, %dma_start3A_164] : memref<2624x128xi32, #tpu.memory_space<hbm>> -> memref<40x128xi32, #tpu.memory_space<hbm>>
      %dma_start3A_166 = arith.constant 0 : i32
      %dma_start3A_167 = tpu.memref_slice %arg3[%add3A_19, %dma_start3A_166] : memref<2624x128xi32, #tpu.memory_space<hbm>> -> memref<40x128xi32, #tpu.memory_space<hbm>>
      tpu.enqueue_dma source(%dma_start3A_167 : memref<40x128xi32, #tpu.memory_space<hbm>>) target(%arg7 : memref<40x128xi32, #tpu.memory_space<vmem>>) target_semaphore(%run_scoped3A : memref<!tpu.dma_semaphore, #tpu.memory_space<semaphore_mem>>)
      %dma_wait3A_168 = arith.constant 0 : i32
      %dma_wait3A_169 = tpu.memref_slice %arg3[%add3A_19, %dma_wait3A_168] : memref<2624x128xi32, #tpu.memory_space<hbm>> -> memref<40x128xi32, #tpu.memory_space<hbm>>
      %dma_wait3A_170 = arith.constant 0 : i32
      %dma_wait3A_171 = tpu.memref_slice %arg3[%add3A_19, %dma_wait3A_170] : memref<2624x128xi32, #tpu.memory_space<hbm>> -> memref<40x128xi32, #tpu.memory_space<hbm>>
      tpu.wait_dma2 semaphore(%run_scoped3A : memref<!tpu.dma_semaphore, #tpu.memory_space<semaphore_mem>>) src(%dma_wait3A_171 : memref<40x128xi32, #tpu.memory_space<hbm>>) dst(%arg7 : memref<40x128xi32, #tpu.memory_space<vmem>>)
      tpu.yield
    }) : () -> ()
    %dma_start3A = arith.constant 0 : i32
    %dma_start3A_20 = arith.constant 0 : i32
    %dma_start3A_21 = tpu.memref_slice %arg7[%dma_start3A, %dma_start3A_20] : memref<40x128xi32, #tpu.memory_space<vmem>> -> memref<1x128xi32, #tpu.memory_space<vmem>>
    %dma_start3A_22 = tpu.memref_squeeze %dma_start3A_21 : memref<1x128xi32, #tpu.memory_space<vmem>> -> memref<128xi32, #tpu.memory_space<vmem>>
    %dma_start3A_23 = arith.constant 0 : i32
    %dma_start3A_24 = arith.constant 0 : i32
    %dma_start3A_25 = tpu.memref_slice %arg2[%dma_start3A_23, %dma_start3A_24] : memref<10240x128xf32, #tpu.memory_space<hbm>> -> memref<10240x128xf32, #tpu.memory_space<hbm>>
    tpu.enqueue_indirect_dma source(%dma_start3A_25 : memref<10240x128xf32, #tpu.memory_space<hbm>>) target(%arg9 : memref<128x128xf32, #tpu.memory_space<vmem>>) offsets(%dma_start3A_22 : memref<128xi32, #tpu.memory_space<vmem>>) semaphore(%arg12 : memref<!tpu.dma_semaphore, #tpu.memory_space<semaphore_mem>>)
    %dma_start3A_26 = arith.constant 1 : i32
    %dma_start3A_27 = arith.constant 0 : i32
    %dma_start3A_28 = tpu.memref_slice %arg7[%dma_start3A_26, %dma_start3A_27] : memref<40x128xi32, #tpu.memory_space<vmem>> -> memref<1x128xi32, #tpu.memory_space<vmem>>
    %dma_start3A_29 = tpu.memref_squeeze %dma_start3A_28 : memref<1x128xi32, #tpu.memory_space<vmem>> -> memref<128xi32, #tpu.memory_space<vmem>>
    %dma_start3A_30 = arith.constant 0 : i32
    %dma_start3A_31 = arith.constant 0 : i32
    %dma_start3A_32 = tpu.memref_slice %arg2[%dma_start3A_30, %dma_start3A_31] : memref<10240x128xf32, #tpu.memory_space<hbm>> -> memref<10240x128xf32, #tpu.memory_space<hbm>>
    tpu.enqueue_indirect_dma source(%dma_start3A_32 : memref<10240x128xf32, #tpu.memory_space<hbm>>) target(%arg10 : memref<128x128xf32, #tpu.memory_space<vmem>>) offsets(%dma_start3A_29 : memref<128xi32, #tpu.memory_space<vmem>>) semaphore(%arg13 : memref<!tpu.dma_semaphore, #tpu.memory_space<semaphore_mem>>)
    %scan3A = arith.constant 0 : i32
    %scan3A_33 = arith.constant 0 : i32
    %scan3A_34 = arith.constant 19 : i32
    %scan3A_35 = arith.addi %scan3A_33, %scan3A_34 : i32
    %scan3A_36 = arith.constant 1 : i32
    scf.for %scan3A_164 = %scan3A_33 to %scan3A_35 step %scan3A_36  : i32 {
      %mul3A_165 = arith.constant 2 : i32
      %mul3A_166 = arith.muli %mul3A_165, %scan3A_164 : i32
      %dma_wait3A_167 = arith.constant 0 : i32
      %dma_wait3A_168 = arith.constant 0 : i32
      %dma_wait3A_169 = tpu.memref_slice %arg7[%dma_wait3A_167, %dma_wait3A_168] : memref<40x128xi32, #tpu.memory_space<vmem>> -> memref<1x128xi32, #tpu.memory_space<vmem>>
      %dma_wait3A_170 = tpu.memref_squeeze %dma_wait3A_169 : memref<1x128xi32, #tpu.memory_space<vmem>> -> memref<128xi32, #tpu.memory_space<vmem>>
      %dma_wait3A_171 = arith.constant 0 : i32
      %dma_wait3A_172 = arith.constant 0 : i32
      %dma_wait3A_173 = tpu.memref_slice %arg2[%dma_wait3A_171, %dma_wait3A_172] : memref<10240x128xf32, #tpu.memory_space<hbm>> -> memref<10240x128xf32, #tpu.memory_space<hbm>>
      tpu.wait_indirect_dma semaphore(%arg12 : memref<!tpu.dma_semaphore, #tpu.memory_space<semaphore_mem>>) src(%dma_wait3A_173 : memref<10240x128xf32, #tpu.memory_space<hbm>>) dst(%arg9 : memref<128x128xf32, #tpu.memory_space<vmem>>)
      %dma_start3A_174 = arith.constant 0 : i32
      %dma_start3A_175 = tpu.memref_slice %arg8[%mul3A_166, %dma_start3A_174] : memref<40x128xi32, #tpu.memory_space<vmem>> -> memref<1x128xi32, #tpu.memory_space<vmem>>
      %dma_start3A_176 = tpu.memref_squeeze %dma_start3A_175 : memref<1x128xi32, #tpu.memory_space<vmem>> -> memref<128xi32, #tpu.memory_space<vmem>>
      %dma_start3A_177 = arith.constant 0 : i32
      %dma_start3A_178 = arith.constant 0 : i32
      %dma_start3A_179 = tpu.memref_slice %arg11[%dma_start3A_177, %dma_start3A_178] : memref<10240x128xf32, #tpu.memory_space<vmem_shared>> -> memref<10240x128xf32, #tpu.memory_space<vmem_shared>>
      tpu.enqueue_indirect_dma source(%arg9 : memref<128x128xf32, #tpu.memory_space<vmem>>) target(%dma_start3A_179 : memref<10240x128xf32, #tpu.memory_space<vmem_shared>>) offsets(%dma_start3A_176 : memref<128xi32, #tpu.memory_space<vmem>>) semaphore(%arg14 : memref<!tpu.dma_semaphore, #tpu.memory_space<semaphore_mem>>) {add = true}
      %dma_wait3A_180 = arith.constant 0 : i32
      %dma_wait3A_181 = arith.constant 0 : i32
      %dma_wait3A_182 = tpu.memref_slice %arg8[%dma_wait3A_180, %dma_wait3A_181] : memref<40x128xi32, #tpu.memory_space<vmem>> -> memref<1x128xi32, #tpu.memory_space<vmem>>
      %dma_wait3A_183 = tpu.memref_squeeze %dma_wait3A_182 : memref<1x128xi32, #tpu.memory_space<vmem>> -> memref<128xi32, #tpu.memory_space<vmem>>
      %dma_wait3A_184 = arith.constant 0 : i32
      %dma_wait3A_185 = arith.constant 0 : i32
      %dma_wait3A_186 = tpu.memref_slice %arg11[%dma_wait3A_184, %dma_wait3A_185] : memref<10240x128xf32, #tpu.memory_space<vmem_shared>> -> memref<10240x128xf32, #tpu.memory_space<vmem_shared>>
      tpu.wait_indirect_dma semaphore(%arg14 : memref<!tpu.dma_semaphore, #tpu.memory_space<semaphore_mem>>) src(%arg9 : memref<128x128xf32, #tpu.memory_space<vmem>>) dst(%dma_wait3A_186 : memref<10240x128xf32, #tpu.memory_space<vmem_shared>>)
      %add3A_187 = arith.constant 2 : i32
      %add3A_188 = arith.addi %mul3A_166, %add3A_187 : i32
      %dma_start3A_189 = arith.constant 0 : i32
      %dma_start3A_190 = tpu.memref_slice %arg7[%add3A_188, %dma_start3A_189] : memref<40x128xi32, #tpu.memory_space<vmem>> -> memref<1x128xi32, #tpu.memory_space<vmem>>
      %dma_start3A_191 = tpu.memref_squeeze %dma_start3A_190 : memref<1x128xi32, #tpu.memory_space<vmem>> -> memref<128xi32, #tpu.memory_space<vmem>>
      %dma_start3A_192 = arith.constant 0 : i32
      %dma_start3A_193 = arith.constant 0 : i32
      %dma_start3A_194 = tpu.memref_slice %arg2[%dma_start3A_192, %dma_start3A_193] : memref<10240x128xf32, #tpu.memory_space<hbm>> -> memref<10240x128xf32, #tpu.memory_space<hbm>>
      tpu.enqueue_indirect_dma source(%dma_start3A_194 : memref<10240x128xf32, #tpu.memory_space<hbm>>) target(%arg9 : memref<128x128xf32, #tpu.memory_space<vmem>>) offsets(%dma_start3A_191 : memref<128xi32, #tpu.memory_space<vmem>>) semaphore(%arg12 : memref<!tpu.dma_semaphore, #tpu.memory_space<semaphore_mem>>)
      %dma_wait3A_195 = arith.constant 0 : i32
      %dma_wait3A_196 = arith.constant 0 : i32
      %dma_wait3A_197 = tpu.memref_slice %arg7[%dma_wait3A_195, %dma_wait3A_196] : memref<40x128xi32, #tpu.memory_space<vmem>> -> memref<1x128xi32, #tpu.memory_space<vmem>>
      %dma_wait3A_198 = tpu.memref_squeeze %dma_wait3A_197 : memref<1x128xi32, #tpu.memory_space<vmem>> -> memref<128xi32, #tpu.memory_space<vmem>>
      %dma_wait3A_199 = arith.constant 0 : i32
      %dma_wait3A_200 = arith.constant 0 : i32
      %dma_wait3A_201 = tpu.memref_slice %arg2[%dma_wait3A_199, %dma_wait3A_200] : memref<10240x128xf32, #tpu.memory_space<hbm>> -> memref<10240x128xf32, #tpu.memory_space<hbm>>
      tpu.wait_indirect_dma semaphore(%arg13 : memref<!tpu.dma_semaphore, #tpu.memory_space<semaphore_mem>>) src(%dma_wait3A_201 : memref<10240x128xf32, #tpu.memory_space<hbm>>) dst(%arg10 : memref<128x128xf32, #tpu.memory_space<vmem>>)
      %add3A_202 = arith.constant 1 : i32
      %add3A_203 = arith.addi %mul3A_166, %add3A_202 : i32
      %dma_start3A_204 = arith.constant 0 : i32
      %dma_start3A_205 = tpu.memref_slice %arg8[%add3A_203, %dma_start3A_204] : memref<40x128xi32, #tpu.memory_space<vmem>> -> memref<1x128xi32, #tpu.memory_space<vmem>>
      %dma_start3A_206 = tpu.memref_squeeze %dma_start3A_205 : memref<1x128xi32, #tpu.memory_space<vmem>> -> memref<128xi32, #tpu.memory_space<vmem>>
      %dma_start3A_207 = arith.constant 0 : i32
      %dma_start3A_208 = arith.constant 0 : i32
      %dma_start3A_209 = tpu.memref_slice %arg11[%dma_start3A_207, %dma_start3A_208] : memref<10240x128xf32, #tpu.memory_space<vmem_shared>> -> memref<10240x128xf32, #tpu.memory_space<vmem_shared>>
      tpu.enqueue_indirect_dma source(%arg10 : memref<128x128xf32, #tpu.memory_space<vmem>>) target(%dma_start3A_209 : memref<10240x128xf32, #tpu.memory_space<vmem_shared>>) offsets(%dma_start3A_206 : memref<128xi32, #tpu.memory_space<vmem>>) semaphore(%arg15 : memref<!tpu.dma_semaphore, #tpu.memory_space<semaphore_mem>>) {add = true}
      %dma_wait3A_210 = arith.constant 0 : i32
      %dma_wait3A_211 = arith.constant 0 : i32
      %dma_wait3A_212 = tpu.memref_slice %arg8[%dma_wait3A_210, %dma_wait3A_211] : memref<40x128xi32, #tpu.memory_space<vmem>> -> memref<1x128xi32, #tpu.memory_space<vmem>>
      %dma_wait3A_213 = tpu.memref_squeeze %dma_wait3A_212 : memref<1x128xi32, #tpu.memory_space<vmem>> -> memref<128xi32, #tpu.memory_space<vmem>>
      %dma_wait3A_214 = arith.constant 0 : i32
      %dma_wait3A_215 = arith.constant 0 : i32
      %dma_wait3A_216 = tpu.memref_slice %arg11[%dma_wait3A_214, %dma_wait3A_215] : memref<10240x128xf32, #tpu.memory_space<vmem_shared>> -> memref<10240x128xf32, #tpu.memory_space<vmem_shared>>
      tpu.wait_indirect_dma semaphore(%arg15 : memref<!tpu.dma_semaphore, #tpu.memory_space<semaphore_mem>>) src(%arg10 : memref<128x128xf32, #tpu.memory_space<vmem>>) dst(%dma_wait3A_216 : memref<10240x128xf32, #tpu.memory_space<vmem_shared>>)
      %add3A_217 = arith.constant 3 : i32
      %add3A_218 = arith.addi %mul3A_166, %add3A_217 : i32
      %dma_start3A_219 = arith.constant 0 : i32
      %dma_start3A_220 = tpu.memref_slice %arg7[%add3A_218, %dma_start3A_219] : memref<40x128xi32, #tpu.memory_space<vmem>> -> memref<1x128xi32, #tpu.memory_space<vmem>>
      %dma_start3A_221 = tpu.memref_squeeze %dma_start3A_220 : memref<1x128xi32, #tpu.memory_space<vmem>> -> memref<128xi32, #tpu.memory_space<vmem>>
      %dma_start3A_222 = arith.constant 0 : i32
      %dma_start3A_223 = arith.constant 0 : i32
      %dma_start3A_224 = tpu.memref_slice %arg2[%dma_start3A_222, %dma_start3A_223] : memref<10240x128xf32, #tpu.memory_space<hbm>> -> memref<10240x128xf32, #tpu.memory_space<hbm>>
      tpu.enqueue_indirect_dma source(%dma_start3A_224 : memref<10240x128xf32, #tpu.memory_space<hbm>>) target(%arg10 : memref<128x128xf32, #tpu.memory_space<vmem>>) offsets(%dma_start3A_221 : memref<128xi32, #tpu.memory_space<vmem>>) semaphore(%arg13 : memref<!tpu.dma_semaphore, #tpu.memory_space<semaphore_mem>>)
    }
    %scan3A_37 = arith.constant 19 : i32
    %dma_wait3A = arith.constant 0 : i32
    %dma_wait3A_38 = arith.constant 0 : i32
    %dma_wait3A_39 = tpu.memref_slice %arg7[%dma_wait3A, %dma_wait3A_38] : memref<40x128xi32, #tpu.memory_space<vmem>> -> memref<1x128xi32, #tpu.memory_space<vmem>>
    %dma_wait3A_40 = tpu.memref_squeeze %dma_wait3A_39 : memref<1x128xi32, #tpu.memory_space<vmem>> -> memref<128xi32, #tpu.memory_space<vmem>>
    %dma_wait3A_41 = arith.constant 0 : i32
    %dma_wait3A_42 = arith.constant 0 : i32
    %dma_wait3A_43 = tpu.memref_slice %arg2[%dma_wait3A_41, %dma_wait3A_42] : memref<10240x128xf32, #tpu.memory_space<hbm>> -> memref<10240x128xf32, #tpu.memory_space<hbm>>
    tpu.wait_indirect_dma semaphore(%arg12 : memref<!tpu.dma_semaphore, #tpu.memory_space<semaphore_mem>>) src(%dma_wait3A_43 : memref<10240x128xf32, #tpu.memory_space<hbm>>) dst(%arg9 : memref<128x128xf32, #tpu.memory_space<vmem>>)
    %dma_start3A_44 = arith.constant 38 : i32
    %dma_start3A_45 = arith.constant 0 : i32
    %dma_start3A_46 = tpu.memref_slice %arg8[%dma_start3A_44, %dma_start3A_45] : memref<40x128xi32, #tpu.memory_space<vmem>> -> memref<1x128xi32, #tpu.memory_space<vmem>>
    %dma_start3A_47 = tpu.memref_squeeze %dma_start3A_46 : memref<1x128xi32, #tpu.memory_space<vmem>> -> memref<128xi32, #tpu.memory_space<vmem>>
    %dma_start3A_48 = arith.constant 0 : i32
    %dma_start3A_49 = arith.constant 0 : i32
    %dma_start3A_50 = tpu.memref_slice %arg11[%dma_start3A_48, %dma_start3A_49] : memref<10240x128xf32, #tpu.memory_space<vmem_shared>> -> memref<10240x128xf32, #tpu.memory_space<vmem_shared>>
    tpu.enqueue_indirect_dma source(%arg9 : memref<128x128xf32, #tpu.memory_space<vmem>>) target(%dma_start3A_50 : memref<10240x128xf32, #tpu.memory_space<vmem_shared>>) offsets(%dma_start3A_47 : memref<128xi32, #tpu.memory_space<vmem>>) semaphore(%arg14 : memref<!tpu.dma_semaphore, #tpu.memory_space<semaphore_mem>>) {add = true}
    %dma_wait3A_51 = arith.constant 0 : i32
    %dma_wait3A_52 = arith.constant 0 : i32
    %dma_wait3A_53 = tpu.memref_slice %arg8[%dma_wait3A_51, %dma_wait3A_52] : memref<40x128xi32, #tpu.memory_space<vmem>> -> memref<1x128xi32, #tpu.memory_space<vmem>>
    %dma_wait3A_54 = tpu.memref_squeeze %dma_wait3A_53 : memref<1x128xi32, #tpu.memory_space<vmem>> -> memref<128xi32, #tpu.memory_space<vmem>>
    %dma_wait3A_55 = arith.constant 0 : i32
    %dma_wait3A_56 = arith.constant 0 : i32
    %dma_wait3A_57 = tpu.memref_slice %arg11[%dma_wait3A_55, %dma_wait3A_56] : memref<10240x128xf32, #tpu.memory_space<vmem_shared>> -> memref<10240x128xf32, #tpu.memory_space<vmem_shared>>
    tpu.wait_indirect_dma semaphore(%arg14 : memref<!tpu.dma_semaphore, #tpu.memory_space<semaphore_mem>>) src(%arg9 : memref<128x128xf32, #tpu.memory_space<vmem>>) dst(%dma_wait3A_57 : memref<10240x128xf32, #tpu.memory_space<vmem_shared>>)
    %dma_wait3A_58 = arith.constant 0 : i32
    %dma_wait3A_59 = arith.constant 0 : i32
    %dma_wait3A_60 = tpu.memref_slice %arg7[%dma_wait3A_58, %dma_wait3A_59] : memref<40x128xi32, #tpu.memory_space<vmem>> -> memref<1x128xi32, #tpu.memory_space<vmem>>
    %dma_wait3A_61 = tpu.memref_squeeze %dma_wait3A_60 : memref<1x128xi32, #tpu.memory_space<vmem>> -> memref<128xi32, #tpu.memory_space<vmem>>
    %dma_wait3A_62 = arith.constant 0 : i32
    %dma_wait3A_63 = arith.constant 0 : i32
    %dma_wait3A_64 = tpu.memref_slice %arg2[%dma_wait3A_62, %dma_wait3A_63] : memref<10240x128xf32, #tpu.memory_space<hbm>> -> memref<10240x128xf32, #tpu.memory_space<hbm>>
    tpu.wait_indirect_dma semaphore(%arg13 : memref<!tpu.dma_semaphore, #tpu.memory_space<semaphore_mem>>) src(%dma_wait3A_64 : memref<10240x128xf32, #tpu.memory_space<hbm>>) dst(%arg10 : memref<128x128xf32, #tpu.memory_space<vmem>>)
    %dma_start3A_65 = arith.constant 39 : i32
    %dma_start3A_66 = arith.constant 0 : i32
    %dma_start3A_67 = tpu.memref_slice %arg8[%dma_start3A_65, %dma_start3A_66] : memref<40x128xi32, #tpu.memory_space<vmem>> -> memref<1x128xi32, #tpu.memory_space<vmem>>
    %dma_start3A_68 = tpu.memref_squeeze %dma_start3A_67 : memref<1x128xi32, #tpu.memory_space<vmem>> -> memref<128xi32, #tpu.memory_space<vmem>>
    %dma_start3A_69 = arith.constant 0 : i32
    %dma_start3A_70 = arith.constant 0 : i32
    %dma_start3A_71 = tpu.memref_slice %arg11[%dma_start3A_69, %dma_start3A_70] : memref<10240x128xf32, #tpu.memory_space<vmem_shared>> -> memref<10240x128xf32, #tpu.memory_space<vmem_shared>>
    tpu.enqueue_indirect_dma source(%arg10 : memref<128x128xf32, #tpu.memory_space<vmem>>) target(%dma_start3A_71 : memref<10240x128xf32, #tpu.memory_space<vmem_shared>>) offsets(%dma_start3A_68 : memref<128xi32, #tpu.memory_space<vmem>>) semaphore(%arg15 : memref<!tpu.dma_semaphore, #tpu.memory_space<semaphore_mem>>) {add = true}
    %dma_wait3A_72 = arith.constant 0 : i32
    %dma_wait3A_73 = arith.constant 0 : i32
    %dma_wait3A_74 = tpu.memref_slice %arg8[%dma_wait3A_72, %dma_wait3A_73] : memref<40x128xi32, #tpu.memory_space<vmem>> -> memref<1x128xi32, #tpu.memory_space<vmem>>
    %dma_wait3A_75 = tpu.memref_squeeze %dma_wait3A_74 : memref<1x128xi32, #tpu.memory_space<vmem>> -> memref<128xi32, #tpu.memory_space<vmem>>
    %dma_wait3A_76 = arith.constant 0 : i32
    %dma_wait3A_77 = arith.constant 0 : i32
    %dma_wait3A_78 = tpu.memref_slice %arg11[%dma_wait3A_76, %dma_wait3A_77] : memref<10240x128xf32, #tpu.memory_space<vmem_shared>> -> memref<10240x128xf32, #tpu.memory_space<vmem_shared>>
    tpu.wait_indirect_dma semaphore(%arg15 : memref<!tpu.dma_semaphore, #tpu.memory_space<semaphore_mem>>) src(%arg10 : memref<128x128xf32, #tpu.memory_space<vmem>>) dst(%dma_wait3A_78 : memref<10240x128xf32, #tpu.memory_space<vmem_shared>>)
    %add3A_79 = arith.constant 40 : i32
    %add3A_80 = arith.addi %mul3A_17, %add3A_79 : i32
    "tpu.region"() ({
      %run_scoped3A = tpu.sem_alloc : memref<!tpu.dma_semaphore, #tpu.memory_space<semaphore_mem>>
      %dma_start3A_164 = arith.constant 0 : i32
      %dma_start3A_165 = tpu.memref_slice %arg4[%add3A_80, %dma_start3A_164] : memref<2624x128xi32, #tpu.memory_space<hbm>> -> memref<40x128xi32, #tpu.memory_space<hbm>>
      %dma_start3A_166 = arith.constant 0 : i32
      %dma_start3A_167 = tpu.memref_slice %arg4[%add3A_80, %dma_start3A_166] : memref<2624x128xi32, #tpu.memory_space<hbm>> -> memref<40x128xi32, #tpu.memory_space<hbm>>
      tpu.enqueue_dma source(%dma_start3A_167 : memref<40x128xi32, #tpu.memory_space<hbm>>) target(%arg8 : memref<40x128xi32, #tpu.memory_space<vmem>>) target_semaphore(%run_scoped3A : memref<!tpu.dma_semaphore, #tpu.memory_space<semaphore_mem>>)
      %dma_wait3A_168 = arith.constant 0 : i32
      %dma_wait3A_169 = tpu.memref_slice %arg4[%add3A_80, %dma_wait3A_168] : memref<2624x128xi32, #tpu.memory_space<hbm>> -> memref<40x128xi32, #tpu.memory_space<hbm>>
      %dma_wait3A_170 = arith.constant 0 : i32
      %dma_wait3A_171 = tpu.memref_slice %arg4[%add3A_80, %dma_wait3A_170] : memref<2624x128xi32, #tpu.memory_space<hbm>> -> memref<40x128xi32, #tpu.memory_space<hbm>>
      tpu.wait_dma2 semaphore(%run_scoped3A : memref<!tpu.dma_semaphore, #tpu.memory_space<semaphore_mem>>) src(%dma_wait3A_171 : memref<40x128xi32, #tpu.memory_space<hbm>>) dst(%arg8 : memref<40x128xi32, #tpu.memory_space<vmem>>)
      tpu.yield
    }) : () -> ()
    "tpu.region"() ({
      %run_scoped3A = tpu.sem_alloc : memref<!tpu.dma_semaphore, #tpu.memory_space<semaphore_mem>>
      %dma_start3A_164 = arith.constant 0 : i32
      %dma_start3A_165 = tpu.memref_slice %arg3[%add3A_80, %dma_start3A_164] : memref<2624x128xi32, #tpu.memory_space<hbm>> -> memref<40x128xi32, #tpu.memory_space<hbm>>
      %dma_start3A_166 = arith.constant 0 : i32
      %dma_start3A_167 = tpu.memref_slice %arg3[%add3A_80, %dma_start3A_166] : memref<2624x128xi32, #tpu.memory_space<hbm>> -> memref<40x128xi32, #tpu.memory_space<hbm>>
      tpu.enqueue_dma source(%dma_start3A_167 : memref<40x128xi32, #tpu.memory_space<hbm>>) target(%arg7 : memref<40x128xi32, #tpu.memory_space<vmem>>) target_semaphore(%run_scoped3A : memref<!tpu.dma_semaphore, #tpu.memory_space<semaphore_mem>>)
      %dma_wait3A_168 = arith.constant 0 : i32
      %dma_wait3A_169 = tpu.memref_slice %arg3[%add3A_80, %dma_wait3A_168] : memref<2624x128xi32, #tpu.memory_space<hbm>> -> memref<40x128xi32, #tpu.memory_space<hbm>>
      %dma_wait3A_170 = arith.constant 0 : i32
      %dma_wait3A_171 = tpu.memref_slice %arg3[%add3A_80, %dma_wait3A_170] : memref<2624x128xi32, #tpu.memory_space<hbm>> -> memref<40x128xi32, #tpu.memory_space<hbm>>
      tpu.wait_dma2 semaphore(%run_scoped3A : memref<!tpu.dma_semaphore, #tpu.memory_space<semaphore_mem>>) src(%dma_wait3A_171 : memref<40x128xi32, #tpu.memory_space<hbm>>) dst(%arg7 : memref<40x128xi32, #tpu.memory_space<vmem>>)
      tpu.yield
    }) : () -> ()
    %dma_start3A_81 = arith.constant 0 : i32
    %dma_start3A_82 = arith.constant 0 : i32
    %dma_start3A_83 = tpu.memref_slice %arg7[%dma_start3A_81, %dma_start3A_82] : memref<40x128xi32, #tpu.memory_space<vmem>> -> memref<1x128xi32, #tpu.memory_space<vmem>>
    %dma_start3A_84 = tpu.memref_squeeze %dma_start3A_83 : memref<1x128xi32, #tpu.memory_space<vmem>> -> memref<128xi32, #tpu.memory_space<vmem>>
    %dma_start3A_85 = arith.constant 0 : i32
    %dma_start3A_86 = arith.constant 0 : i32
    %dma_start3A_87 = tpu.memref_slice %arg2[%dma_start3A_85, %dma_start3A_86] : memref<10240x128xf32, #tpu.memory_space<hbm>> -> memref<10240x128xf32, #tpu.memory_space<hbm>>
    tpu.enqueue_indirect_dma source(%dma_start3A_87 : memref<10240x128xf32, #tpu.memory_space<hbm>>) target(%arg9 : memref<128x128xf32, #tpu.memory_space<vmem>>) offsets(%dma_start3A_84 : memref<128xi32, #tpu.memory_space<vmem>>) semaphore(%arg12 : memref<!tpu.dma_semaphore, #tpu.memory_space<semaphore_mem>>)
    %dma_start3A_88 = arith.constant 1 : i32
    %dma_start3A_89 = arith.constant 0 : i32
    %dma_start3A_90 = tpu.memref_slice %arg7[%dma_start3A_88, %dma_start3A_89] : memref<40x128xi32, #tpu.memory_space<vmem>> -> memref<1x128xi32, #tpu.memory_space<vmem>>
    %dma_start3A_91 = tpu.memref_squeeze %dma_start3A_90 : memref<1x128xi32, #tpu.memory_space<vmem>> -> memref<128xi32, #tpu.memory_space<vmem>>
    %dma_start3A_92 = arith.constant 0 : i32
    %dma_start3A_93 = arith.constant 0 : i32
    %dma_start3A_94 = tpu.memref_slice %arg2[%dma_start3A_92, %dma_start3A_93] : memref<10240x128xf32, #tpu.memory_space<hbm>> -> memref<10240x128xf32, #tpu.memory_space<hbm>>
    tpu.enqueue_indirect_dma source(%dma_start3A_94 : memref<10240x128xf32, #tpu.memory_space<hbm>>) target(%arg10 : memref<128x128xf32, #tpu.memory_space<vmem>>) offsets(%dma_start3A_91 : memref<128xi32, #tpu.memory_space<vmem>>) semaphore(%arg13 : memref<!tpu.dma_semaphore, #tpu.memory_space<semaphore_mem>>)
    %scan3A_95 = arith.constant 0 : i32
    %scan3A_96 = arith.constant 0 : i32
    %scan3A_97 = arith.constant 19 : i32
    %scan3A_98 = arith.addi %scan3A_96, %scan3A_97 : i32
    %scan3A_99 = arith.constant 1 : i32
    scf.for %scan3A_164 = %scan3A_96 to %scan3A_98 step %scan3A_99  : i32 {
      %mul3A_165 = arith.constant 2 : i32
      %mul3A_166 = arith.muli %mul3A_165, %scan3A_164 : i32
      %dma_wait3A_167 = arith.constant 0 : i32
      %dma_wait3A_168 = arith.constant 0 : i32
      %dma_wait3A_169 = tpu.memref_slice %arg7[%dma_wait3A_167, %dma_wait3A_168] : memref<40x128xi32, #tpu.memory_space<vmem>> -> memref<1x128xi32, #tpu.memory_space<vmem>>
      %dma_wait3A_170 = tpu.memref_squeeze %dma_wait3A_169 : memref<1x128xi32, #tpu.memory_space<vmem>> -> memref<128xi32, #tpu.memory_space<vmem>>
      %dma_wait3A_171 = arith.constant 0 : i32
      %dma_wait3A_172 = arith.constant 0 : i32
      %dma_wait3A_173 = tpu.memref_slice %arg2[%dma_wait3A_171, %dma_wait3A_172] : memref<10240x128xf32, #tpu.memory_space<hbm>> -> memref<10240x128xf32, #tpu.memory_space<hbm>>
      tpu.wait_indirect_dma semaphore(%arg12 : memref<!tpu.dma_semaphore, #tpu.memory_space<semaphore_mem>>) src(%dma_wait3A_173 : memref<10240x128xf32, #tpu.memory_space<hbm>>) dst(%arg9 : memref<128x128xf32, #tpu.memory_space<vmem>>)
      %dma_start3A_174 = arith.constant 0 : i32
      %dma_start3A_175 = tpu.memref_slice %arg8[%mul3A_166, %dma_start3A_174] : memref<40x128xi32, #tpu.memory_space<vmem>> -> memref<1x128xi32, #tpu.memory_space<vmem>>
      %dma_start3A_176 = tpu.memref_squeeze %dma_start3A_175 : memref<1x128xi32, #tpu.memory_space<vmem>> -> memref<128xi32, #tpu.memory_space<vmem>>
      %dma_start3A_177 = arith.constant 0 : i32
      %dma_start3A_178 = arith.constant 0 : i32
      %dma_start3A_179 = tpu.memref_slice %arg11[%dma_start3A_177, %dma_start3A_178] : memref<10240x128xf32, #tpu.memory_space<vmem_shared>> -> memref<10240x128xf32, #tpu.memory_space<vmem_shared>>
      tpu.enqueue_indirect_dma source(%arg9 : memref<128x128xf32, #tpu.memory_space<vmem>>) target(%dma_start3A_179 : memref<10240x128xf32, #tpu.memory_space<vmem_shared>>) offsets(%dma_start3A_176 : memref<128xi32, #tpu.memory_space<vmem>>) semaphore(%arg14 : memref<!tpu.dma_semaphore, #tpu.memory_space<semaphore_mem>>) {add = true}
      %dma_wait3A_180 = arith.constant 0 : i32
      %dma_wait3A_181 = arith.constant 0 : i32
      %dma_wait3A_182 = tpu.memref_slice %arg8[%dma_wait3A_180, %dma_wait3A_181] : memref<40x128xi32, #tpu.memory_space<vmem>> -> memref<1x128xi32, #tpu.memory_space<vmem>>
      %dma_wait3A_183 = tpu.memref_squeeze %dma_wait3A_182 : memref<1x128xi32, #tpu.memory_space<vmem>> -> memref<128xi32, #tpu.memory_space<vmem>>
      %dma_wait3A_184 = arith.constant 0 : i32
      %dma_wait3A_185 = arith.constant 0 : i32
      %dma_wait3A_186 = tpu.memref_slice %arg11[%dma_wait3A_184, %dma_wait3A_185] : memref<10240x128xf32, #tpu.memory_space<vmem_shared>> -> memref<10240x128xf32, #tpu.memory_space<vmem_shared>>
      tpu.wait_indirect_dma semaphore(%arg14 : memref<!tpu.dma_semaphore, #tpu.memory_space<semaphore_mem>>) src(%arg9 : memref<128x128xf32, #tpu.memory_space<vmem>>) dst(%dma_wait3A_186 : memref<10240x128xf32, #tpu.memory_space<vmem_shared>>)
      %add3A_187 = arith.constant 2 : i32
      %add3A_188 = arith.addi %mul3A_166, %add3A_187 : i32
      %dma_start3A_189 = arith.constant 0 : i32
      %dma_start3A_190 = tpu.memref_slice %arg7[%add3A_188, %dma_start3A_189] : memref<40x128xi32, #tpu.memory_space<vmem>> -> memref<1x128xi32, #tpu.memory_space<vmem>>
      %dma_start3A_191 = tpu.memref_squeeze %dma_start3A_190 : memref<1x128xi32, #tpu.memory_space<vmem>> -> memref<128xi32, #tpu.memory_space<vmem>>
      %dma_start3A_192 = arith.constant 0 : i32
      %dma_start3A_193 = arith.constant 0 : i32
      %dma_start3A_194 = tpu.memref_slice %arg2[%dma_start3A_192, %dma_start3A_193] : memref<10240x128xf32, #tpu.memory_space<hbm>> -> memref<10240x128xf32, #tpu.memory_space<hbm>>
      tpu.enqueue_indirect_dma source(%dma_start3A_194 : memref<10240x128xf32, #tpu.memory_space<hbm>>) target(%arg9 : memref<128x128xf32, #tpu.memory_space<vmem>>) offsets(%dma_start3A_191 : memref<128xi32, #tpu.memory_space<vmem>>) semaphore(%arg12 : memref<!tpu.dma_semaphore, #tpu.memory_space<semaphore_mem>>)
      %dma_wait3A_195 = arith.constant 0 : i32
      %dma_wait3A_196 = arith.constant 0 : i32
      %dma_wait3A_197 = tpu.memref_slice %arg7[%dma_wait3A_195, %dma_wait3A_196] : memref<40x128xi32, #tpu.memory_space<vmem>> -> memref<1x128xi32, #tpu.memory_space<vmem>>
      %dma_wait3A_198 = tpu.memref_squeeze %dma_wait3A_197 : memref<1x128xi32, #tpu.memory_space<vmem>> -> memref<128xi32, #tpu.memory_space<vmem>>
      %dma_wait3A_199 = arith.constant 0 : i32
      %dma_wait3A_200 = arith.constant 0 : i32
      %dma_wait3A_201 = tpu.memref_slice %arg2[%dma_wait3A_199, %dma_wait3A_200] : memref<10240x128xf32, #tpu.memory_space<hbm>> -> memref<10240x128xf32, #tpu.memory_space<hbm>>
      tpu.wait_indirect_dma semaphore(%arg13 : memref<!tpu.dma_semaphore, #tpu.memory_space<semaphore_mem>>) src(%dma_wait3A_201 : memref<10240x128xf32, #tpu.memory_space<hbm>>) dst(%arg10 : memref<128x128xf32, #tpu.memory_space<vmem>>)
      %add3A_202 = arith.constant 1 : i32
      %add3A_203 = arith.addi %mul3A_166, %add3A_202 : i32
      %dma_start3A_204 = arith.constant 0 : i32
      %dma_start3A_205 = tpu.memref_slice %arg8[%add3A_203, %dma_start3A_204] : memref<40x128xi32, #tpu.memory_space<vmem>> -> memref<1x128xi32, #tpu.memory_space<vmem>>
      %dma_start3A_206 = tpu.memref_squeeze %dma_start3A_205 : memref<1x128xi32, #tpu.memory_space<vmem>> -> memref<128xi32, #tpu.memory_space<vmem>>
      %dma_start3A_207 = arith.constant 0 : i32
      %dma_start3A_208 = arith.constant 0 : i32
      %dma_start3A_209 = tpu.memref_slice %arg11[%dma_start3A_207, %dma_start3A_208] : memref<10240x128xf32, #tpu.memory_space<vmem_shared>> -> memref<10240x128xf32, #tpu.memory_space<vmem_shared>>
      tpu.enqueue_indirect_dma source(%arg10 : memref<128x128xf32, #tpu.memory_space<vmem>>) target(%dma_start3A_209 : memref<10240x128xf32, #tpu.memory_space<vmem_shared>>) offsets(%dma_start3A_206 : memref<128xi32, #tpu.memory_space<vmem>>) semaphore(%arg15 : memref<!tpu.dma_semaphore, #tpu.memory_space<semaphore_mem>>) {add = true}
      %dma_wait3A_210 = arith.constant 0 : i32
      %dma_wait3A_211 = arith.constant 0 : i32
      %dma_wait3A_212 = tpu.memref_slice %arg8[%dma_wait3A_210, %dma_wait3A_211] : memref<40x128xi32, #tpu.memory_space<vmem>> -> memref<1x128xi32, #tpu.memory_space<vmem>>
      %dma_wait3A_213 = tpu.memref_squeeze %dma_wait3A_212 : memref<1x128xi32, #tpu.memory_space<vmem>> -> memref<128xi32, #tpu.memory_space<vmem>>
      %dma_wait3A_214 = arith.constant 0 : i32
      %dma_wait3A_215 = arith.constant 0 : i32
      %dma_wait3A_216 = tpu.memref_slice %arg11[%dma_wait3A_214, %dma_wait3A_215] : memref<10240x128xf32, #tpu.memory_space<vmem_shared>> -> memref<10240x128xf32, #tpu.memory_space<vmem_shared>>
      tpu.wait_indirect_dma semaphore(%arg15 : memref<!tpu.dma_semaphore, #tpu.memory_space<semaphore_mem>>) src(%arg10 : memref<128x128xf32, #tpu.memory_space<vmem>>) dst(%dma_wait3A_216 : memref<10240x128xf32, #tpu.memory_space<vmem_shared>>)
      %add3A_217 = arith.constant 3 : i32
      %add3A_218 = arith.addi %mul3A_166, %add3A_217 : i32
      %dma_start3A_219 = arith.constant 0 : i32
      %dma_start3A_220 = tpu.memref_slice %arg7[%add3A_218, %dma_start3A_219] : memref<40x128xi32, #tpu.memory_space<vmem>> -> memref<1x128xi32, #tpu.memory_space<vmem>>
      %dma_start3A_221 = tpu.memref_squeeze %dma_start3A_220 : memref<1x128xi32, #tpu.memory_space<vmem>> -> memref<128xi32, #tpu.memory_space<vmem>>
      %dma_start3A_222 = arith.constant 0 : i32
      %dma_start3A_223 = arith.constant 0 : i32
      %dma_start3A_224 = tpu.memref_slice %arg2[%dma_start3A_222, %dma_start3A_223] : memref<10240x128xf32, #tpu.memory_space<hbm>> -> memref<10240x128xf32, #tpu.memory_space<hbm>>
      tpu.enqueue_indirect_dma source(%dma_start3A_224 : memref<10240x128xf32, #tpu.memory_space<hbm>>) target(%arg10 : memref<128x128xf32, #tpu.memory_space<vmem>>) offsets(%dma_start3A_221 : memref<128xi32, #tpu.memory_space<vmem>>) semaphore(%arg13 : memref<!tpu.dma_semaphore, #tpu.memory_space<semaphore_mem>>)
    }
    %scan3A_100 = arith.constant 19 : i32
    %dma_wait3A_101 = arith.constant 0 : i32
    %dma_wait3A_102 = arith.constant 0 : i32
    %dma_wait3A_103 = tpu.memref_slice %arg7[%dma_wait3A_101, %dma_wait3A_102] : memref<40x128xi32, #tpu.memory_space<vmem>> -> memref<1x128xi32, #tpu.memory_space<vmem>>
    %dma_wait3A_104 = tpu.memref_squeeze %dma_wait3A_103 : memref<1x128xi32, #tpu.memory_space<vmem>> -> memref<128xi32, #tpu.memory_space<vmem>>
    %dma_wait3A_105 = arith.constant 0 : i32
    %dma_wait3A_106 = arith.constant 0 : i32
    %dma_wait3A_107 = tpu.memref_slice %arg2[%dma_wait3A_105, %dma_wait3A_106] : memref<10240x128xf32, #tpu.memory_space<hbm>> -> memref<10240x128xf32, #tpu.memory_space<hbm>>
    tpu.wait_indirect_dma semaphore(%arg12 : memref<!tpu.dma_semaphore, #tpu.memory_space<semaphore_mem>>) src(%dma_wait3A_107 : memref<10240x128xf32, #tpu.memory_space<hbm>>) dst(%arg9 : memref<128x128xf32, #tpu.memory_space<vmem>>)
    %dma_start3A_108 = arith.constant 38 : i32
    %dma_start3A_109 = arith.constant 0 : i32
    %dma_start3A_110 = tpu.memref_slice %arg8[%dma_start3A_108, %dma_start3A_109] : memref<40x128xi32, #tpu.memory_space<vmem>> -> memref<1x128xi32, #tpu.memory_space<vmem>>
    %dma_start3A_111 = tpu.memref_squeeze %dma_start3A_110 : memref<1x128xi32, #tpu.memory_space<vmem>> -> memref<128xi32, #tpu.memory_space<vmem>>
    %dma_start3A_112 = arith.constant 0 : i32
    %dma_start3A_113 = arith.constant 0 : i32
    %dma_start3A_114 = tpu.memref_slice %arg11[%dma_start3A_112, %dma_start3A_113] : memref<10240x128xf32, #tpu.memory_space<vmem_shared>> -> memref<10240x128xf32, #tpu.memory_space<vmem_shared>>
    tpu.enqueue_indirect_dma source(%arg9 : memref<128x128xf32, #tpu.memory_space<vmem>>) target(%dma_start3A_114 : memref<10240x128xf32, #tpu.memory_space<vmem_shared>>) offsets(%dma_start3A_111 : memref<128xi32, #tpu.memory_space<vmem>>) semaphore(%arg14 : memref<!tpu.dma_semaphore, #tpu.memory_space<semaphore_mem>>) {add = true}
    %dma_wait3A_115 = arith.constant 0 : i32
    %dma_wait3A_116 = arith.constant 0 : i32
    %dma_wait3A_117 = tpu.memref_slice %arg8[%dma_wait3A_115, %dma_wait3A_116] : memref<40x128xi32, #tpu.memory_space<vmem>> -> memref<1x128xi32, #tpu.memory_space<vmem>>
    %dma_wait3A_118 = tpu.memref_squeeze %dma_wait3A_117 : memref<1x128xi32, #tpu.memory_space<vmem>> -> memref<128xi32, #tpu.memory_space<vmem>>
    %dma_wait3A_119 = arith.constant 0 : i32
    %dma_wait3A_120 = arith.constant 0 : i32
    %dma_wait3A_121 = tpu.memref_slice %arg11[%dma_wait3A_119, %dma_wait3A_120] : memref<10240x128xf32, #tpu.memory_space<vmem_shared>> -> memref<10240x128xf32, #tpu.memory_space<vmem_shared>>
    tpu.wait_indirect_dma semaphore(%arg14 : memref<!tpu.dma_semaphore, #tpu.memory_space<semaphore_mem>>) src(%arg9 : memref<128x128xf32, #tpu.memory_space<vmem>>) dst(%dma_wait3A_121 : memref<10240x128xf32, #tpu.memory_space<vmem_shared>>)
    %dma_wait3A_122 = arith.constant 0 : i32
    %dma_wait3A_123 = arith.constant 0 : i32
    %dma_wait3A_124 = tpu.memref_slice %arg7[%dma_wait3A_122, %dma_wait3A_123] : memref<40x128xi32, #tpu.memory_space<vmem>> -> memref<1x128xi32, #tpu.memory_space<vmem>>
    %dma_wait3A_125 = tpu.memref_squeeze %dma_wait3A_124 : memref<1x128xi32, #tpu.memory_space<vmem>> -> memref<128xi32, #tpu.memory_space<vmem>>
    %dma_wait3A_126 = arith.constant 0 : i32
    %dma_wait3A_127 = arith.constant 0 : i32
    %dma_wait3A_128 = tpu.memref_slice %arg2[%dma_wait3A_126, %dma_wait3A_127] : memref<10240x128xf32, #tpu.memory_space<hbm>> -> memref<10240x128xf32, #tpu.memory_space<hbm>>
    tpu.wait_indirect_dma semaphore(%arg13 : memref<!tpu.dma_semaphore, #tpu.memory_space<semaphore_mem>>) src(%dma_wait3A_128 : memref<10240x128xf32, #tpu.memory_space<hbm>>) dst(%arg10 : memref<128x128xf32, #tpu.memory_space<vmem>>)
    %dma_start3A_129 = arith.constant 39 : i32
    %dma_start3A_130 = arith.constant 0 : i32
    %dma_start3A_131 = tpu.memref_slice %arg8[%dma_start3A_129, %dma_start3A_130] : memref<40x128xi32, #tpu.memory_space<vmem>> -> memref<1x128xi32, #tpu.memory_space<vmem>>
    %dma_start3A_132 = tpu.memref_squeeze %dma_start3A_131 : memref<1x128xi32, #tpu.memory_space<vmem>> -> memref<128xi32, #tpu.memory_space<vmem>>
    %dma_start3A_133 = arith.constant 0 : i32
    %dma_start3A_134 = arith.constant 0 : i32
    %dma_start3A_135 = tpu.memref_slice %arg11[%dma_start3A_133, %dma_start3A_134] : memref<10240x128xf32, #tpu.memory_space<vmem_shared>> -> memref<10240x128xf32, #tpu.memory_space<vmem_shared>>
    tpu.enqueue_indirect_dma source(%arg10 : memref<128x128xf32, #tpu.memory_space<vmem>>) target(%dma_start3A_135 : memref<10240x128xf32, #tpu.memory_space<vmem_shared>>) offsets(%dma_start3A_132 : memref<128xi32, #tpu.memory_space<vmem>>) semaphore(%arg15 : memref<!tpu.dma_semaphore, #tpu.memory_space<semaphore_mem>>) {add = true}
    %dma_wait3A_136 = arith.constant 0 : i32
    %dma_wait3A_137 = arith.constant 0 : i32
    %dma_wait3A_138 = tpu.memref_slice %arg8[%dma_wait3A_136, %dma_wait3A_137] : memref<40x128xi32, #tpu.memory_space<vmem>> -> memref<1x128xi32, #tpu.memory_space<vmem>>
    %dma_wait3A_139 = tpu.memref_squeeze %dma_wait3A_138 : memref<1x128xi32, #tpu.memory_space<vmem>> -> memref<128xi32, #tpu.memory_space<vmem>>
    %dma_wait3A_140 = arith.constant 0 : i32
    %dma_wait3A_141 = arith.constant 0 : i32
    %dma_wait3A_142 = tpu.memref_slice %arg11[%dma_wait3A_140, %dma_wait3A_141] : memref<10240x128xf32, #tpu.memory_space<vmem_shared>> -> memref<10240x128xf32, #tpu.memory_space<vmem_shared>>
    tpu.wait_indirect_dma semaphore(%arg15 : memref<!tpu.dma_semaphore, #tpu.memory_space<semaphore_mem>>) src(%arg10 : memref<128x128xf32, #tpu.memory_space<vmem>>) dst(%dma_wait3A_142 : memref<10240x128xf32, #tpu.memory_space<vmem_shared>>)
    %barrier3A_143 = arith.constant 0 : index
    tpu.barrier barrier_id(%barrier3A_143)
    %add3A_144 = arith.constant 0 : i32
    %add3A_145 = arith.addi %mul3A_0, %add3A_144 : i32
    "tpu.region"() ({
      %run_scoped3A = tpu.sem_alloc : memref<!tpu.dma_semaphore, #tpu.memory_space<semaphore_mem>>
      %dma_start3A_164 = arith.constant 0 : i32
      %dma_start3A_165 = tpu.memref_slice %arg11[%add3A_145, %dma_start3A_164] : memref<10240x128xf32, #tpu.memory_space<vmem_shared>> -> memref<128x128xf32, #tpu.memory_space<vmem_shared>>
      %dma_start3A_166 = arith.constant 0 : i32
      %dma_start3A_167 = tpu.memref_slice %arg11[%add3A_145, %dma_start3A_166] : memref<10240x128xf32, #tpu.memory_space<vmem_shared>> -> memref<128x128xf32, #tpu.memory_space<vmem_shared>>
      tpu.enqueue_dma source(%dma_start3A_167 : memref<128x128xf32, #tpu.memory_space<vmem_shared>>) target(%arg9 : memref<128x128xf32, #tpu.memory_space<vmem>>) target_semaphore(%run_scoped3A : memref<!tpu.dma_semaphore, #tpu.memory_space<semaphore_mem>>)
      %dma_wait3A_168 = arith.constant 0 : i32
      %dma_wait3A_169 = tpu.memref_slice %arg11[%add3A_145, %dma_wait3A_168] : memref<10240x128xf32, #tpu.memory_space<vmem_shared>> -> memref<128x128xf32, #tpu.memory_space<vmem_shared>>
      %dma_wait3A_170 = arith.constant 0 : i32
      %dma_wait3A_171 = tpu.memref_slice %arg11[%add3A_145, %dma_wait3A_170] : memref<10240x128xf32, #tpu.memory_space<vmem_shared>> -> memref<128x128xf32, #tpu.memory_space<vmem_shared>>
      tpu.wait_dma2 semaphore(%run_scoped3A : memref<!tpu.dma_semaphore, #tpu.memory_space<semaphore_mem>>) src(%dma_wait3A_171 : memref<128x128xf32, #tpu.memory_space<vmem_shared>>) dst(%arg9 : memref<128x128xf32, #tpu.memory_space<vmem>>)
      tpu.yield
    }) : () -> ()
    %add3A_146 = arith.constant 0 : i32
    %add3A_147 = arith.addi %add3A, %add3A_146 : i32
    "tpu.region"() ({
      %run_scoped3A = tpu.sem_alloc : memref<!tpu.dma_semaphore, #tpu.memory_space<semaphore_mem>>
      %dma_start3A_164 = arith.constant 0 : i32
      %dma_start3A_165 = tpu.memref_slice %arg6[%add3A_147, %dma_start3A_164] : memref<20480x128xf32, #tpu.memory_space<hbm>> -> memref<128x128xf32, #tpu.memory_space<hbm>>
      %dma_start3A_166 = arith.constant 0 : i32
      %dma_start3A_167 = tpu.memref_slice %arg6[%add3A_147, %dma_start3A_166] : memref<20480x128xf32, #tpu.memory_space<hbm>> -> memref<128x128xf32, #tpu.memory_space<hbm>>
      tpu.enqueue_dma source(%arg9 : memref<128x128xf32, #tpu.memory_space<vmem>>) target(%dma_start3A_167 : memref<128x128xf32, #tpu.memory_space<hbm>>) target_semaphore(%run_scoped3A : memref<!tpu.dma_semaphore, #tpu.memory_space<semaphore_mem>>)
      %dma_wait3A_168 = arith.constant 0 : i32
      %dma_wait3A_169 = tpu.memref_slice %arg6[%add3A_147, %dma_wait3A_168] : memref<20480x128xf32, #tpu.memory_space<hbm>> -> memref<128x128xf32, #tpu.memory_space<hbm>>
      %dma_wait3A_170 = arith.constant 0 : i32
      %dma_wait3A_171 = tpu.memref_slice %arg6[%add3A_147, %dma_wait3A_170] : memref<20480x128xf32, #tpu.memory_space<hbm>> -> memref<128x128xf32, #tpu.memory_space<hbm>>
      tpu.wait_dma2 semaphore(%run_scoped3A : memref<!tpu.dma_semaphore, #tpu.memory_space<semaphore_mem>>) src(%arg9 : memref<128x128xf32, #tpu.memory_space<vmem>>) dst(%dma_wait3A_171 : memref<128x128xf32, #tpu.memory_space<hbm>>)
      tpu.yield
    }) : () -> ()
    %add3A_148 = arith.constant 128 : i32
    %add3A_149 = arith.addi %mul3A_0, %add3A_148 : i32
    "tpu.region"() ({
      %run_scoped3A = tpu.sem_alloc : memref<!tpu.dma_semaphore, #tpu.memory_space<semaphore_mem>>
      %dma_start3A_164 = arith.constant 0 : i32
      %dma_start3A_165 = tpu.memref_slice %arg11[%add3A_149, %dma_start3A_164] : memref<10240x128xf32, #tpu.memory_space<vmem_shared>> -> memref<128x128xf32, #tpu.memory_space<vmem_shared>>
      %dma_start3A_166 = arith.constant 0 : i32
      %dma_start3A_167 = tpu.memref_slice %arg11[%add3A_149, %dma_start3A_166] : memref<10240x128xf32, #tpu.memory_space<vmem_shared>> -> memref<128x128xf32, #tpu.memory_space<vmem_shared>>
      tpu.enqueue_dma source(%dma_start3A_167 : memref<128x128xf32, #tpu.memory_space<vmem_shared>>) target(%arg9 : memref<128x128xf32, #tpu.memory_space<vmem>>) target_semaphore(%run_scoped3A : memref<!tpu.dma_semaphore, #tpu.memory_space<semaphore_mem>>)
      %dma_wait3A_168 = arith.constant 0 : i32
      %dma_wait3A_169 = tpu.memref_slice %arg11[%add3A_149, %dma_wait3A_168] : memref<10240x128xf32, #tpu.memory_space<vmem_shared>> -> memref<128x128xf32, #tpu.memory_space<vmem_shared>>
      %dma_wait3A_170 = arith.constant 0 : i32
      %dma_wait3A_171 = tpu.memref_slice %arg11[%add3A_149, %dma_wait3A_170] : memref<10240x128xf32, #tpu.memory_space<vmem_shared>> -> memref<128x128xf32, #tpu.memory_space<vmem_shared>>
      tpu.wait_dma2 semaphore(%run_scoped3A : memref<!tpu.dma_semaphore, #tpu.memory_space<semaphore_mem>>) src(%dma_wait3A_171 : memref<128x128xf32, #tpu.memory_space<vmem_shared>>) dst(%arg9 : memref<128x128xf32, #tpu.memory_space<vmem>>)
      tpu.yield
    }) : () -> ()
    %add3A_150 = arith.constant 128 : i32
    %add3A_151 = arith.addi %add3A, %add3A_150 : i32
    "tpu.region"() ({
      %run_scoped3A = tpu.sem_alloc : memref<!tpu.dma_semaphore, #tpu.memory_space<semaphore_mem>>
      %dma_start3A_164 = arith.constant 0 : i32
      %dma_start3A_165 = tpu.memref_slice %arg6[%add3A_151, %dma_start3A_164] : memref<20480x128xf32, #tpu.memory_space<hbm>> -> memref<128x128xf32, #tpu.memory_space<hbm>>
      %dma_start3A_166 = arith.constant 0 : i32
      %dma_start3A_167 = tpu.memref_slice %arg6[%add3A_151, %dma_start3A_166] : memref<20480x128xf32, #tpu.memory_space<hbm>> -> memref<128x128xf32, #tpu.memory_space<hbm>>
      tpu.enqueue_dma source(%arg9 : memref<128x128xf32, #tpu.memory_space<vmem>>) target(%dma_start3A_167 : memref<128x128xf32, #tpu.memory_space<hbm>>) target_semaphore(%run_scoped3A : memref<!tpu.dma_semaphore, #tpu.memory_space<semaphore_mem>>)
      %dma_wait3A_168 = arith.constant 0 : i32
      %dma_wait3A_169 = tpu.memref_slice %arg6[%add3A_151, %dma_wait3A_168] : memref<20480x128xf32, #tpu.memory_space<hbm>> -> memref<128x128xf32, #tpu.memory_space<hbm>>
      %dma_wait3A_170 = arith.constant 0 : i32
      %dma_wait3A_171 = tpu.memref_slice %arg6[%add3A_151, %dma_wait3A_170] : memref<20480x128xf32, #tpu.memory_space<hbm>> -> memref<128x128xf32, #tpu.memory_space<hbm>>
      tpu.wait_dma2 semaphore(%run_scoped3A : memref<!tpu.dma_semaphore, #tpu.memory_space<semaphore_mem>>) src(%arg9 : memref<128x128xf32, #tpu.memory_space<vmem>>) dst(%dma_wait3A_171 : memref<128x128xf32, #tpu.memory_space<hbm>>)
      tpu.yield
    }) : () -> ()
    %add3A_152 = arith.constant 256 : i32
    %add3A_153 = arith.addi %mul3A_0, %add3A_152 : i32
    "tpu.region"() ({
      %run_scoped3A = tpu.sem_alloc : memref<!tpu.dma_semaphore, #tpu.memory_space<semaphore_mem>>
      %dma_start3A_164 = arith.constant 0 : i32
      %dma_start3A_165 = tpu.memref_slice %arg11[%add3A_153, %dma_start3A_164] : memref<10240x128xf32, #tpu.memory_space<vmem_shared>> -> memref<128x128xf32, #tpu.memory_space<vmem_shared>>
      %dma_start3A_166 = arith.constant 0 : i32
      %dma_start3A_167 = tpu.memref_slice %arg11[%add3A_153, %dma_start3A_166] : memref<10240x128xf32, #tpu.memory_space<vmem_shared>> -> memref<128x128xf32, #tpu.memory_space<vmem_shared>>
      tpu.enqueue_dma source(%dma_start3A_167 : memref<128x128xf32, #tpu.memory_space<vmem_shared>>) target(%arg9 : memref<128x128xf32, #tpu.memory_space<vmem>>) target_semaphore(%run_scoped3A : memref<!tpu.dma_semaphore, #tpu.memory_space<semaphore_mem>>)
      %dma_wait3A_168 = arith.constant 0 : i32
      %dma_wait3A_169 = tpu.memref_slice %arg11[%add3A_153, %dma_wait3A_168] : memref<10240x128xf32, #tpu.memory_space<vmem_shared>> -> memref<128x128xf32, #tpu.memory_space<vmem_shared>>
      %dma_wait3A_170 = arith.constant 0 : i32
      %dma_wait3A_171 = tpu.memref_slice %arg11[%add3A_153, %dma_wait3A_170] : memref<10240x128xf32, #tpu.memory_space<vmem_shared>> -> memref<128x128xf32, #tpu.memory_space<vmem_shared>>
      tpu.wait_dma2 semaphore(%run_scoped3A : memref<!tpu.dma_semaphore, #tpu.memory_space<semaphore_mem>>) src(%dma_wait3A_171 : memref<128x128xf32, #tpu.memory_space<vmem_shared>>) dst(%arg9 : memref<128x128xf32, #tpu.memory_space<vmem>>)
      tpu.yield
    }) : () -> ()
    %add3A_154 = arith.constant 256 : i32
    %add3A_155 = arith.addi %add3A, %add3A_154 : i32
    "tpu.region"() ({
      %run_scoped3A = tpu.sem_alloc : memref<!tpu.dma_semaphore, #tpu.memory_space<semaphore_mem>>
      %dma_start3A_164 = arith.constant 0 : i32
      %dma_start3A_165 = tpu.memref_slice %arg6[%add3A_155, %dma_start3A_164] : memref<20480x128xf32, #tpu.memory_space<hbm>> -> memref<128x128xf32, #tpu.memory_space<hbm>>
      %dma_start3A_166 = arith.constant 0 : i32
      %dma_start3A_167 = tpu.memref_slice %arg6[%add3A_155, %dma_start3A_166] : memref<20480x128xf32, #tpu.memory_space<hbm>> -> memref<128x128xf32, #tpu.memory_space<hbm>>
      tpu.enqueue_dma source(%arg9 : memref<128x128xf32, #tpu.memory_space<vmem>>) target(%dma_start3A_167 : memref<128x128xf32, #tpu.memory_space<hbm>>) target_semaphore(%run_scoped3A : memref<!tpu.dma_semaphore, #tpu.memory_space<semaphore_mem>>)
      %dma_wait3A_168 = arith.constant 0 : i32
      %dma_wait3A_169 = tpu.memref_slice %arg6[%add3A_155, %dma_wait3A_168] : memref<20480x128xf32, #tpu.memory_space<hbm>> -> memref<128x128xf32, #tpu.memory_space<hbm>>
      %dma_wait3A_170 = arith.constant 0 : i32
      %dma_wait3A_171 = tpu.memref_slice %arg6[%add3A_155, %dma_wait3A_170] : memref<20480x128xf32, #tpu.memory_space<hbm>> -> memref<128x128xf32, #tpu.memory_space<hbm>>
      tpu.wait_dma2 semaphore(%run_scoped3A : memref<!tpu.dma_semaphore, #tpu.memory_space<semaphore_mem>>) src(%arg9 : memref<128x128xf32, #tpu.memory_space<vmem>>) dst(%dma_wait3A_171 : memref<128x128xf32, #tpu.memory_space<hbm>>)
      tpu.yield
    }) : () -> ()
    %add3A_156 = arith.constant 384 : i32
    %add3A_157 = arith.addi %mul3A_0, %add3A_156 : i32
    "tpu.region"() ({
      %run_scoped3A = tpu.sem_alloc : memref<!tpu.dma_semaphore, #tpu.memory_space<semaphore_mem>>
      %dma_start3A_164 = arith.constant 0 : i32
      %dma_start3A_165 = tpu.memref_slice %arg11[%add3A_157, %dma_start3A_164] : memref<10240x128xf32, #tpu.memory_space<vmem_shared>> -> memref<128x128xf32, #tpu.memory_space<vmem_shared>>
      %dma_start3A_166 = arith.constant 0 : i32
      %dma_start3A_167 = tpu.memref_slice %arg11[%add3A_157, %dma_start3A_166] : memref<10240x128xf32, #tpu.memory_space<vmem_shared>> -> memref<128x128xf32, #tpu.memory_space<vmem_shared>>
      tpu.enqueue_dma source(%dma_start3A_167 : memref<128x128xf32, #tpu.memory_space<vmem_shared>>) target(%arg9 : memref<128x128xf32, #tpu.memory_space<vmem>>) target_semaphore(%run_scoped3A : memref<!tpu.dma_semaphore, #tpu.memory_space<semaphore_mem>>)
      %dma_wait3A_168 = arith.constant 0 : i32
      %dma_wait3A_169 = tpu.memref_slice %arg11[%add3A_157, %dma_wait3A_168] : memref<10240x128xf32, #tpu.memory_space<vmem_shared>> -> memref<128x128xf32, #tpu.memory_space<vmem_shared>>
      %dma_wait3A_170 = arith.constant 0 : i32
      %dma_wait3A_171 = tpu.memref_slice %arg11[%add3A_157, %dma_wait3A_170] : memref<10240x128xf32, #tpu.memory_space<vmem_shared>> -> memref<128x128xf32, #tpu.memory_space<vmem_shared>>
      tpu.wait_dma2 semaphore(%run_scoped3A : memref<!tpu.dma_semaphore, #tpu.memory_space<semaphore_mem>>) src(%dma_wait3A_171 : memref<128x128xf32, #tpu.memory_space<vmem_shared>>) dst(%arg9 : memref<128x128xf32, #tpu.memory_space<vmem>>)
      tpu.yield
    }) : () -> ()
    %add3A_158 = arith.constant 384 : i32
    %add3A_159 = arith.addi %add3A, %add3A_158 : i32
    "tpu.region"() ({
      %run_scoped3A = tpu.sem_alloc : memref<!tpu.dma_semaphore, #tpu.memory_space<semaphore_mem>>
      %dma_start3A_164 = arith.constant 0 : i32
      %dma_start3A_165 = tpu.memref_slice %arg6[%add3A_159, %dma_start3A_164] : memref<20480x128xf32, #tpu.memory_space<hbm>> -> memref<128x128xf32, #tpu.memory_space<hbm>>
      %dma_start3A_166 = arith.constant 0 : i32
      %dma_start3A_167 = tpu.memref_slice %arg6[%add3A_159, %dma_start3A_166] : memref<20480x128xf32, #tpu.memory_space<hbm>> -> memref<128x128xf32, #tpu.memory_space<hbm>>
      tpu.enqueue_dma source(%arg9 : memref<128x128xf32, #tpu.memory_space<vmem>>) target(%dma_start3A_167 : memref<128x128xf32, #tpu.memory_space<hbm>>) target_semaphore(%run_scoped3A : memref<!tpu.dma_semaphore, #tpu.memory_space<semaphore_mem>>)
      %dma_wait3A_168 = arith.constant 0 : i32
      %dma_wait3A_169 = tpu.memref_slice %arg6[%add3A_159, %dma_wait3A_168] : memref<20480x128xf32, #tpu.memory_space<hbm>> -> memref<128x128xf32, #tpu.memory_space<hbm>>
      %dma_wait3A_170 = arith.constant 0 : i32
      %dma_wait3A_171 = tpu.memref_slice %arg6[%add3A_159, %dma_wait3A_170] : memref<20480x128xf32, #tpu.memory_space<hbm>> -> memref<128x128xf32, #tpu.memory_space<hbm>>
      tpu.wait_dma2 semaphore(%run_scoped3A : memref<!tpu.dma_semaphore, #tpu.memory_space<semaphore_mem>>) src(%arg9 : memref<128x128xf32, #tpu.memory_space<vmem>>) dst(%dma_wait3A_171 : memref<128x128xf32, #tpu.memory_space<hbm>>)
      tpu.yield
    }) : () -> ()
    %add3A_160 = arith.constant 512 : i32
    %add3A_161 = arith.addi %mul3A_0, %add3A_160 : i32
    "tpu.region"() ({
      %run_scoped3A = tpu.sem_alloc : memref<!tpu.dma_semaphore, #tpu.memory_space<semaphore_mem>>
      %dma_start3A_164 = arith.constant 0 : i32
      %dma_start3A_165 = tpu.memref_slice %arg11[%add3A_161, %dma_start3A_164] : memref<10240x128xf32, #tpu.memory_space<vmem_shared>> -> memref<128x128xf32, #tpu.memory_space<vmem_shared>>
      %dma_start3A_166 = arith.constant 0 : i32
      %dma_start3A_167 = tpu.memref_slice %arg11[%add3A_161, %dma_start3A_166] : memref<10240x128xf32, #tpu.memory_space<vmem_shared>> -> memref<128x128xf32, #tpu.memory_space<vmem_shared>>
      tpu.enqueue_dma source(%dma_start3A_167 : memref<128x128xf32, #tpu.memory_space<vmem_shared>>) target(%arg9 : memref<128x128xf32, #tpu.memory_space<vmem>>) target_semaphore(%run_scoped3A : memref<!tpu.dma_semaphore, #tpu.memory_space<semaphore_mem>>)
      %dma_wait3A_168 = arith.constant 0 : i32
      %dma_wait3A_169 = tpu.memref_slice %arg11[%add3A_161, %dma_wait3A_168] : memref<10240x128xf32, #tpu.memory_space<vmem_shared>> -> memref<128x128xf32, #tpu.memory_space<vmem_shared>>
      %dma_wait3A_170 = arith.constant 0 : i32
      %dma_wait3A_171 = tpu.memref_slice %arg11[%add3A_161, %dma_wait3A_170] : memref<10240x128xf32, #tpu.memory_space<vmem_shared>> -> memref<128x128xf32, #tpu.memory_space<vmem_shared>>
      tpu.wait_dma2 semaphore(%run_scoped3A : memref<!tpu.dma_semaphore, #tpu.memory_space<semaphore_mem>>) src(%dma_wait3A_171 : memref<128x128xf32, #tpu.memory_space<vmem_shared>>) dst(%arg9 : memref<128x128xf32, #tpu.memory_space<vmem>>)
      tpu.yield
    }) : () -> ()
    %add3A_162 = arith.constant 512 : i32
    %add3A_163 = arith.addi %add3A, %add3A_162 : i32
    "tpu.region"() ({
      %run_scoped3A = tpu.sem_alloc : memref<!tpu.dma_semaphore, #tpu.memory_space<semaphore_mem>>
      %dma_start3A_164 = arith.constant 0 : i32
      %dma_start3A_165 = tpu.memref_slice %arg6[%add3A_163, %dma_start3A_164] : memref<20480x128xf32, #tpu.memory_space<hbm>> -> memref<128x128xf32, #tpu.memory_space<hbm>>
      %dma_start3A_166 = arith.constant 0 : i32
      %dma_start3A_167 = tpu.memref_slice %arg6[%add3A_163, %dma_start3A_166] : memref<20480x128xf32, #tpu.memory_space<hbm>> -> memref<128x128xf32, #tpu.memory_space<hbm>>
      tpu.enqueue_dma source(%arg9 : memref<128x128xf32, #tpu.memory_space<vmem>>) target(%dma_start3A_167 : memref<128x128xf32, #tpu.memory_space<hbm>>) target_semaphore(%run_scoped3A : memref<!tpu.dma_semaphore, #tpu.memory_space<semaphore_mem>>)
      %dma_wait3A_168 = arith.constant 0 : i32
      %dma_wait3A_169 = tpu.memref_slice %arg6[%add3A_163, %dma_wait3A_168] : memref<20480x128xf32, #tpu.memory_space<hbm>> -> memref<128x128xf32, #tpu.memory_space<hbm>>
      %dma_wait3A_170 = arith.constant 0 : i32
      %dma_wait3A_171 = tpu.memref_slice %arg6[%add3A_163, %dma_wait3A_170] : memref<20480x128xf32, #tpu.memory_space<hbm>> -> memref<128x128xf32, #tpu.memory_space<hbm>>
      tpu.wait_dma2 semaphore(%run_scoped3A : memref<!tpu.dma_semaphore, #tpu.memory_space<semaphore_mem>>) src(%arg9 : memref<128x128xf32, #tpu.memory_space<vmem>>) dst(%dma_wait3A_171 : memref<128x128xf32, #tpu.memory_space<hbm>>)
      tpu.yield
    }) : () -> ()
    return
  }
}

#map = affine_map<(d0, d1) -> (0, 0)>
module attributes {stable_mosaic.version = 14 : i64} {
  func.func @_sc_body(%arg0: i32, %arg1: i32, %arg2: memref<10240x128xf32, #tpu.memory_space<hbm>>, %arg3: memref<2624x128xi32, #tpu.memory_space<hbm>>, %arg4: memref<2624x128xi32, #tpu.memory_space<hbm>>, %arg5: memref<128x128xf32, #tpu.memory_space<hbm>>, %arg6: memref<20480x128xf32, #tpu.memory_space<hbm>>, %arg7: memref<40x128xi32, #tpu.memory_space<vmem>>, %arg8: memref<40x128xi32, #tpu.memory_space<vmem>>, %arg9: memref<128x128xf32, #tpu.memory_space<vmem>>, %arg10: memref<128x128xf32, #tpu.memory_space<vmem>>, %arg11: memref<10240x128xf32, #tpu.memory_space<vmem_shared>>, %arg12: memref<!tpu.dma_semaphore, #tpu.memory_space<semaphore_mem>>, %arg13: memref<!tpu.dma_semaphore, #tpu.memory_space<semaphore_mem>>, %arg14: memref<!tpu.dma_semaphore, #tpu.memory_space<semaphore_mem>>, %arg15: memref<!tpu.dma_semaphore, #tpu.memory_space<semaphore_mem>>) attributes {dimension_semantics = [#tpu.dimension_semantics<core_parallel>, #tpu.dimension_semantics<subcore_parallel>], iteration_bounds = array<i64: 2, 16>, scalar_prefetch = 0 : i64, scratch_operands = 9 : i64, tpu.core_type = #tpu.core_type<sc_vector_subcore>, window_params = [{transform_indices = #map}, {transform_indices = #map}, {transform_indices = #map}, {transform_indices = #map}, {transform_indices = #map}]} {
    %mul3A = arith.constant 640 : i32
    %mul3A_0 = arith.muli %arg1, %mul3A : i32
    %mul3A_1 = arith.constant 10240 : i32
    %mul3A_2 = arith.muli %arg0, %mul3A_1 : i32
    %add3A = arith.addi %mul3A_2, %mul3A_0 : i32
    "tpu.region"() ({
      %run_scoped3A = tpu.sem_alloc : memref<!tpu.dma_semaphore, #tpu.memory_space<semaphore_mem>>
      tpu.enqueue_dma source(%arg5 : memref<128x128xf32, #tpu.memory_space<hbm>>) target(%arg9 : memref<128x128xf32, #tpu.memory_space<vmem>>) target_semaphore(%run_scoped3A : memref<!tpu.dma_semaphore, #tpu.memory_space<semaphore_mem>>)
      tpu.wait_dma2 semaphore(%run_scoped3A : memref<!tpu.dma_semaphore, #tpu.memory_space<semaphore_mem>>) src(%arg5 : memref<128x128xf32, #tpu.memory_space<hbm>>) dst(%arg9 : memref<128x128xf32, #tpu.memory_space<vmem>>)
      tpu.yield
    }) : () -> ()
    "tpu.region"() ({
      %run_scoped3A = tpu.sem_alloc : memref<!tpu.dma_semaphore, #tpu.memory_space<semaphore_mem>>
      tpu.enqueue_dma source(%arg5 : memref<128x128xf32, #tpu.memory_space<hbm>>) target(%arg10 : memref<128x128xf32, #tpu.memory_space<vmem>>) target_semaphore(%run_scoped3A : memref<!tpu.dma_semaphore, #tpu.memory_space<semaphore_mem>>)
      tpu.wait_dma2 semaphore(%run_scoped3A : memref<!tpu.dma_semaphore, #tpu.memory_space<semaphore_mem>>) src(%arg5 : memref<128x128xf32, #tpu.memory_space<hbm>>) dst(%arg10 : memref<128x128xf32, #tpu.memory_space<vmem>>)
      tpu.yield
    }) : () -> ()
    %add3A_3 = arith.constant 0 : i32
    %add3A_4 = arith.addi %mul3A_0, %add3A_3 : i32
    "tpu.region"() ({
      %run_scoped3A = tpu.sem_alloc : memref<!tpu.dma_semaphore, #tpu.memory_space<semaphore_mem>>
      %dma_start3A_164 = arith.constant 0 : i32
      %dma_start3A_165 = tpu.memref_slice %arg11[%add3A_4, %dma_start3A_164] : memref<10240x128xf32, #tpu.memory_space<vmem_shared>> -> memref<128x128xf32, #tpu.memory_space<vmem_shared>>
      %dma_start3A_166 = arith.constant 0 : i32
      %dma_start3A_167 = tpu.memref_slice %arg11[%add3A_4, %dma_start3A_166] : memref<10240x128xf32, #tpu.memory_space<vmem_shared>> -> memref<128x128xf32, #tpu.memory_space<vmem_shared>>
      tpu.enqueue_dma source(%arg9 : memref<128x128xf32, #tpu.memory_space<vmem>>) target(%dma_start3A_167 : memref<128x128xf32, #tpu.memory_space<vmem_shared>>) target_semaphore(%run_scoped3A : memref<!tpu.dma_semaphore, #tpu.memory_space<semaphore_mem>>)
      %dma_wait3A_168 = arith.constant 0 : i32
      %dma_wait3A_169 = tpu.memref_slice %arg11[%add3A_4, %dma_wait3A_168] : memref<10240x128xf32, #tpu.memory_space<vmem_shared>> -> memref<128x128xf32, #tpu.memory_space<vmem_shared>>
      %dma_wait3A_170 = arith.constant 0 : i32
      %dma_wait3A_171 = tpu.memref_slice %arg11[%add3A_4, %dma_wait3A_170] : memref<10240x128xf32, #tpu.memory_space<vmem_shared>> -> memref<128x128xf32, #tpu.memory_space<vmem_shared>>
      tpu.wait_dma2 semaphore(%run_scoped3A : memref<!tpu.dma_semaphore, #tpu.memory_space<semaphore_mem>>) src(%arg9 : memref<128x128xf32, #tpu.memory_space<vmem>>) dst(%dma_wait3A_171 : memref<128x128xf32, #tpu.memory_space<vmem_shared>>)
      tpu.yield
    }) : () -> ()
    %add3A_5 = arith.constant 128 : i32
    %add3A_6 = arith.addi %mul3A_0, %add3A_5 : i32
    "tpu.region"() ({
      %run_scoped3A = tpu.sem_alloc : memref<!tpu.dma_semaphore, #tpu.memory_space<semaphore_mem>>
      %dma_start3A_164 = arith.constant 0 : i32
      %dma_start3A_165 = tpu.memref_slice %arg11[%add3A_6, %dma_start3A_164] : memref<10240x128xf32, #tpu.memory_space<vmem_shared>> -> memref<128x128xf32, #tpu.memory_space<vmem_shared>>
      %dma_start3A_166 = arith.constant 0 : i32
      %dma_start3A_167 = tpu.memref_slice %arg11[%add3A_6, %dma_start3A_166] : memref<10240x128xf32, #tpu.memory_space<vmem_shared>> -> memref<128x128xf32, #tpu.memory_space<vmem_shared>>
      tpu.enqueue_dma source(%arg9 : memref<128x128xf32, #tpu.memory_space<vmem>>) target(%dma_start3A_167 : memref<128x128xf32, #tpu.memory_space<vmem_shared>>) target_semaphore(%run_scoped3A : memref<!tpu.dma_semaphore, #tpu.memory_space<semaphore_mem>>)
      %dma_wait3A_168 = arith.constant 0 : i32
      %dma_wait3A_169 = tpu.memref_slice %arg11[%add3A_6, %dma_wait3A_168] : memref<10240x128xf32, #tpu.memory_space<vmem_shared>> -> memref<128x128xf32, #tpu.memory_space<vmem_shared>>
      %dma_wait3A_170 = arith.constant 0 : i32
      %dma_wait3A_171 = tpu.memref_slice %arg11[%add3A_6, %dma_wait3A_170] : memref<10240x128xf32, #tpu.memory_space<vmem_shared>> -> memref<128x128xf32, #tpu.memory_space<vmem_shared>>
      tpu.wait_dma2 semaphore(%run_scoped3A : memref<!tpu.dma_semaphore, #tpu.memory_space<semaphore_mem>>) src(%arg9 : memref<128x128xf32, #tpu.memory_space<vmem>>) dst(%dma_wait3A_171 : memref<128x128xf32, #tpu.memory_space<vmem_shared>>)
      tpu.yield
    }) : () -> ()
    %add3A_7 = arith.constant 256 : i32
    %add3A_8 = arith.addi %mul3A_0, %add3A_7 : i32
    "tpu.region"() ({
      %run_scoped3A = tpu.sem_alloc : memref<!tpu.dma_semaphore, #tpu.memory_space<semaphore_mem>>
      %dma_start3A_164 = arith.constant 0 : i32
      %dma_start3A_165 = tpu.memref_slice %arg11[%add3A_8, %dma_start3A_164] : memref<10240x128xf32, #tpu.memory_space<vmem_shared>> -> memref<128x128xf32, #tpu.memory_space<vmem_shared>>
      %dma_start3A_166 = arith.constant 0 : i32
      %dma_start3A_167 = tpu.memref_slice %arg11[%add3A_8, %dma_start3A_166] : memref<10240x128xf32, #tpu.memory_space<vmem_shared>> -> memref<128x128xf32, #tpu.memory_space<vmem_shared>>
      tpu.enqueue_dma source(%arg9 : memref<128x128xf32, #tpu.memory_space<vmem>>) target(%dma_start3A_167 : memref<128x128xf32, #tpu.memory_space<vmem_shared>>) target_semaphore(%run_scoped3A : memref<!tpu.dma_semaphore, #tpu.memory_space<semaphore_mem>>)
      %dma_wait3A_168 = arith.constant 0 : i32
      %dma_wait3A_169 = tpu.memref_slice %arg11[%add3A_8, %dma_wait3A_168] : memref<10240x128xf32, #tpu.memory_space<vmem_shared>> -> memref<128x128xf32, #tpu.memory_space<vmem_shared>>
      %dma_wait3A_170 = arith.constant 0 : i32
      %dma_wait3A_171 = tpu.memref_slice %arg11[%add3A_8, %dma_wait3A_170] : memref<10240x128xf32, #tpu.memory_space<vmem_shared>> -> memref<128x128xf32, #tpu.memory_space<vmem_shared>>
      tpu.wait_dma2 semaphore(%run_scoped3A : memref<!tpu.dma_semaphore, #tpu.memory_space<semaphore_mem>>) src(%arg9 : memref<128x128xf32, #tpu.memory_space<vmem>>) dst(%dma_wait3A_171 : memref<128x128xf32, #tpu.memory_space<vmem_shared>>)
      tpu.yield
    }) : () -> ()
    %add3A_9 = arith.constant 384 : i32
    %add3A_10 = arith.addi %mul3A_0, %add3A_9 : i32
    "tpu.region"() ({
      %run_scoped3A = tpu.sem_alloc : memref<!tpu.dma_semaphore, #tpu.memory_space<semaphore_mem>>
      %dma_start3A_164 = arith.constant 0 : i32
      %dma_start3A_165 = tpu.memref_slice %arg11[%add3A_10, %dma_start3A_164] : memref<10240x128xf32, #tpu.memory_space<vmem_shared>> -> memref<128x128xf32, #tpu.memory_space<vmem_shared>>
      %dma_start3A_166 = arith.constant 0 : i32
      %dma_start3A_167 = tpu.memref_slice %arg11[%add3A_10, %dma_start3A_166] : memref<10240x128xf32, #tpu.memory_space<vmem_shared>> -> memref<128x128xf32, #tpu.memory_space<vmem_shared>>
      tpu.enqueue_dma source(%arg9 : memref<128x128xf32, #tpu.memory_space<vmem>>) target(%dma_start3A_167 : memref<128x128xf32, #tpu.memory_space<vmem_shared>>) target_semaphore(%run_scoped3A : memref<!tpu.dma_semaphore, #tpu.memory_space<semaphore_mem>>)
      %dma_wait3A_168 = arith.constant 0 : i32
      %dma_wait3A_169 = tpu.memref_slice %arg11[%add3A_10, %dma_wait3A_168] : memref<10240x128xf32, #tpu.memory_space<vmem_shared>> -> memref<128x128xf32, #tpu.memory_space<vmem_shared>>
      %dma_wait3A_170 = arith.constant 0 : i32
      %dma_wait3A_171 = tpu.memref_slice %arg11[%add3A_10, %dma_wait3A_170] : memref<10240x128xf32, #tpu.memory_space<vmem_shared>> -> memref<128x128xf32, #tpu.memory_space<vmem_shared>>
      tpu.wait_dma2 semaphore(%run_scoped3A : memref<!tpu.dma_semaphore, #tpu.memory_space<semaphore_mem>>) src(%arg9 : memref<128x128xf32, #tpu.memory_space<vmem>>) dst(%dma_wait3A_171 : memref<128x128xf32, #tpu.memory_space<vmem_shared>>)
      tpu.yield
    }) : () -> ()
    %add3A_11 = arith.constant 512 : i32
    %add3A_12 = arith.addi %mul3A_0, %add3A_11 : i32
    "tpu.region"() ({
      %run_scoped3A = tpu.sem_alloc : memref<!tpu.dma_semaphore, #tpu.memory_space<semaphore_mem>>
      %dma_start3A_164 = arith.constant 0 : i32
      %dma_start3A_165 = tpu.memref_slice %arg11[%add3A_12, %dma_start3A_164] : memref<10240x128xf32, #tpu.memory_space<vmem_shared>> -> memref<128x128xf32, #tpu.memory_space<vmem_shared>>
      %dma_start3A_166 = arith.constant 0 : i32
      %dma_start3A_167 = tpu.memref_slice %arg11[%add3A_12, %dma_start3A_166] : memref<10240x128xf32, #tpu.memory_space<vmem_shared>> -> memref<128x128xf32, #tpu.memory_space<vmem_shared>>
      tpu.enqueue_dma source(%arg9 : memref<128x128xf32, #tpu.memory_space<vmem>>) target(%dma_start3A_167 : memref<128x128xf32, #tpu.memory_space<vmem_shared>>) target_semaphore(%run_scoped3A : memref<!tpu.dma_semaphore, #tpu.memory_space<semaphore_mem>>)
      %dma_wait3A_168 = arith.constant 0 : i32
      %dma_wait3A_169 = tpu.memref_slice %arg11[%add3A_12, %dma_wait3A_168] : memref<10240x128xf32, #tpu.memory_space<vmem_shared>> -> memref<128x128xf32, #tpu.memory_space<vmem_shared>>
      %dma_wait3A_170 = arith.constant 0 : i32
      %dma_wait3A_171 = tpu.memref_slice %arg11[%add3A_12, %dma_wait3A_170] : memref<10240x128xf32, #tpu.memory_space<vmem_shared>> -> memref<128x128xf32, #tpu.memory_space<vmem_shared>>
      tpu.wait_dma2 semaphore(%run_scoped3A : memref<!tpu.dma_semaphore, #tpu.memory_space<semaphore_mem>>) src(%arg9 : memref<128x128xf32, #tpu.memory_space<vmem>>) dst(%dma_wait3A_171 : memref<128x128xf32, #tpu.memory_space<vmem_shared>>)
      tpu.yield
    }) : () -> ()
    %barrier3A = arith.constant 0 : index
    tpu.barrier barrier_id(%barrier3A)
    %mul3A_13 = arith.constant 2 : i32
    %mul3A_14 = arith.muli %arg1, %mul3A_13 : i32
    %add3A_15 = arith.addi %mul3A_14, %arg0 : i32
    %mul3A_16 = arith.constant 80 : i32
    %mul3A_17 = arith.muli %add3A_15, %mul3A_16 : i32
    %add3A_18 = arith.constant 0 : i32
    %add3A_19 = arith.addi %mul3A_17, %add3A_18 : i32
    "tpu.region"() ({
      %run_scoped3A = tpu.sem_alloc : memref<!tpu.dma_semaphore, #tpu.memory_space<semaphore_mem>>
      %dma_start3A_164 = arith.constant 0 : i32
      %dma_start3A_165 = tpu.memref_slice %arg4[%add3A_19, %dma_start3A_164] : memref<2624x128xi32, #tpu.memory_space<hbm>> -> memref<40x128xi32, #tpu.memory_space<hbm>>
      %dma_start3A_166 = arith.constant 0 : i32
      %dma_start3A_167 = tpu.memref_slice %arg4[%add3A_19, %dma_start3A_166] : memref<2624x128xi32, #tpu.memory_space<hbm>> -> memref<40x128xi32, #tpu.memory_space<hbm>>
      tpu.enqueue_dma source(%dma_start3A_167 : memref<40x128xi32, #tpu.memory_space<hbm>>) target(%arg8 : memref<40x128xi32, #tpu.memory_space<vmem>>) target_semaphore(%run_scoped3A : memref<!tpu.dma_semaphore, #tpu.memory_space<semaphore_mem>>)
      %dma_wait3A_168 = arith.constant 0 : i32
      %dma_wait3A_169 = tpu.memref_slice %arg4[%add3A_19, %dma_wait3A_168] : memref<2624x128xi32, #tpu.memory_space<hbm>> -> memref<40x128xi32, #tpu.memory_space<hbm>>
      %dma_wait3A_170 = arith.constant 0 : i32
      %dma_wait3A_171 = tpu.memref_slice %arg4[%add3A_19, %dma_wait3A_170] : memref<2624x128xi32, #tpu.memory_space<hbm>> -> memref<40x128xi32, #tpu.memory_space<hbm>>
      tpu.wait_dma2 semaphore(%run_scoped3A : memref<!tpu.dma_semaphore, #tpu.memory_space<semaphore_mem>>) src(%dma_wait3A_171 : memref<40x128xi32, #tpu.memory_space<hbm>>) dst(%arg8 : memref<40x128xi32, #tpu.memory_space<vmem>>)
      tpu.yield
    }) : () -> ()
    "tpu.region"() ({
      %run_scoped3A = tpu.sem_alloc : memref<!tpu.dma_semaphore, #tpu.memory_space<semaphore_mem>>
      %dma_start3A_164 = arith.constant 0 : i32
      %dma_start3A_165 = tpu.memref_slice %arg3[%add3A_19, %dma_start3A_164] : memref<2624x128xi32, #tpu.memory_space<hbm>> -> memref<40x128xi32, #tpu.memory_space<hbm>>
      %dma_start3A_166 = arith.constant 0 : i32
      %dma_start3A_167 = tpu.memref_slice %arg3[%add3A_19, %dma_start3A_166] : memref<2624x128xi32, #tpu.memory_space<hbm>> -> memref<40x128xi32, #tpu.memory_space<hbm>>
      tpu.enqueue_dma source(%dma_start3A_167 : memref<40x128xi32, #tpu.memory_space<hbm>>) target(%arg7 : memref<40x128xi32, #tpu.memory_space<vmem>>) target_semaphore(%run_scoped3A : memref<!tpu.dma_semaphore, #tpu.memory_space<semaphore_mem>>)
      %dma_wait3A_168 = arith.constant 0 : i32
      %dma_wait3A_169 = tpu.memref_slice %arg3[%add3A_19, %dma_wait3A_168] : memref<2624x128xi32, #tpu.memory_space<hbm>> -> memref<40x128xi32, #tpu.memory_space<hbm>>
      %dma_wait3A_170 = arith.constant 0 : i32
      %dma_wait3A_171 = tpu.memref_slice %arg3[%add3A_19, %dma_wait3A_170] : memref<2624x128xi32, #tpu.memory_space<hbm>> -> memref<40x128xi32, #tpu.memory_space<hbm>>
      tpu.wait_dma2 semaphore(%run_scoped3A : memref<!tpu.dma_semaphore, #tpu.memory_space<semaphore_mem>>) src(%dma_wait3A_171 : memref<40x128xi32, #tpu.memory_space<hbm>>) dst(%arg7 : memref<40x128xi32, #tpu.memory_space<vmem>>)
      tpu.yield
    }) : () -> ()
    %dma_start3A = arith.constant 0 : i32
    %dma_start3A_20 = arith.constant 0 : i32
    %dma_start3A_21 = tpu.memref_slice %arg7[%dma_start3A, %dma_start3A_20] : memref<40x128xi32, #tpu.memory_space<vmem>> -> memref<1x128xi32, #tpu.memory_space<vmem>>
    %dma_start3A_22 = tpu.memref_squeeze %dma_start3A_21 : memref<1x128xi32, #tpu.memory_space<vmem>> -> memref<128xi32, #tpu.memory_space<vmem>>
    %dma_start3A_23 = arith.constant 0 : i32
    %dma_start3A_24 = arith.constant 0 : i32
    %dma_start3A_25 = tpu.memref_slice %arg2[%dma_start3A_23, %dma_start3A_24] : memref<10240x128xf32, #tpu.memory_space<hbm>> -> memref<10240x128xf32, #tpu.memory_space<hbm>>
    tpu.enqueue_indirect_dma source(%dma_start3A_25 : memref<10240x128xf32, #tpu.memory_space<hbm>>) target(%arg9 : memref<128x128xf32, #tpu.memory_space<vmem>>) offsets(%dma_start3A_22 : memref<128xi32, #tpu.memory_space<vmem>>) semaphore(%arg12 : memref<!tpu.dma_semaphore, #tpu.memory_space<semaphore_mem>>)
    %dma_start3A_26 = arith.constant 1 : i32
    %dma_start3A_27 = arith.constant 0 : i32
    %dma_start3A_28 = tpu.memref_slice %arg7[%dma_start3A_26, %dma_start3A_27] : memref<40x128xi32, #tpu.memory_space<vmem>> -> memref<1x128xi32, #tpu.memory_space<vmem>>
    %dma_start3A_29 = tpu.memref_squeeze %dma_start3A_28 : memref<1x128xi32, #tpu.memory_space<vmem>> -> memref<128xi32, #tpu.memory_space<vmem>>
    %dma_start3A_30 = arith.constant 0 : i32
    %dma_start3A_31 = arith.constant 0 : i32
    %dma_start3A_32 = tpu.memref_slice %arg2[%dma_start3A_30, %dma_start3A_31] : memref<10240x128xf32, #tpu.memory_space<hbm>> -> memref<10240x128xf32, #tpu.memory_space<hbm>>
    tpu.enqueue_indirect_dma source(%dma_start3A_32 : memref<10240x128xf32, #tpu.memory_space<hbm>>) target(%arg10 : memref<128x128xf32, #tpu.memory_space<vmem>>) offsets(%dma_start3A_29 : memref<128xi32, #tpu.memory_space<vmem>>) semaphore(%arg13 : memref<!tpu.dma_semaphore, #tpu.memory_space<semaphore_mem>>)
    %scan3A = arith.constant 0 : i32
    %scan3A_33 = arith.constant 0 : i32
    %scan3A_34 = arith.constant 19 : i32
    %scan3A_35 = arith.addi %scan3A_33, %scan3A_34 : i32
    %scan3A_36 = arith.constant 1 : i32
    scf.for %scan3A_164 = %scan3A_33 to %scan3A_35 step %scan3A_36  : i32 {
      %mul3A_165 = arith.constant 2 : i32
      %mul3A_166 = arith.muli %mul3A_165, %scan3A_164 : i32
      %dma_wait3A_167 = arith.constant 0 : i32
      %dma_wait3A_168 = arith.constant 0 : i32
      %dma_wait3A_169 = tpu.memref_slice %arg7[%dma_wait3A_167, %dma_wait3A_168] : memref<40x128xi32, #tpu.memory_space<vmem>> -> memref<1x128xi32, #tpu.memory_space<vmem>>
      %dma_wait3A_170 = tpu.memref_squeeze %dma_wait3A_169 : memref<1x128xi32, #tpu.memory_space<vmem>> -> memref<128xi32, #tpu.memory_space<vmem>>
      %dma_wait3A_171 = arith.constant 0 : i32
      %dma_wait3A_172 = arith.constant 0 : i32
      %dma_wait3A_173 = tpu.memref_slice %arg2[%dma_wait3A_171, %dma_wait3A_172] : memref<10240x128xf32, #tpu.memory_space<hbm>> -> memref<10240x128xf32, #tpu.memory_space<hbm>>
      tpu.wait_indirect_dma semaphore(%arg12 : memref<!tpu.dma_semaphore, #tpu.memory_space<semaphore_mem>>) src(%dma_wait3A_173 : memref<10240x128xf32, #tpu.memory_space<hbm>>) dst(%arg9 : memref<128x128xf32, #tpu.memory_space<vmem>>)
      %dma_start3A_174 = arith.constant 0 : i32
      %dma_start3A_175 = tpu.memref_slice %arg8[%mul3A_166, %dma_start3A_174] : memref<40x128xi32, #tpu.memory_space<vmem>> -> memref<1x128xi32, #tpu.memory_space<vmem>>
      %dma_start3A_176 = tpu.memref_squeeze %dma_start3A_175 : memref<1x128xi32, #tpu.memory_space<vmem>> -> memref<128xi32, #tpu.memory_space<vmem>>
      %dma_start3A_177 = arith.constant 0 : i32
      %dma_start3A_178 = arith.constant 0 : i32
      %dma_start3A_179 = tpu.memref_slice %arg11[%dma_start3A_177, %dma_start3A_178] : memref<10240x128xf32, #tpu.memory_space<vmem_shared>> -> memref<10240x128xf32, #tpu.memory_space<vmem_shared>>
      tpu.enqueue_indirect_dma source(%arg9 : memref<128x128xf32, #tpu.memory_space<vmem>>) target(%dma_start3A_179 : memref<10240x128xf32, #tpu.memory_space<vmem_shared>>) offsets(%dma_start3A_176 : memref<128xi32, #tpu.memory_space<vmem>>) semaphore(%arg14 : memref<!tpu.dma_semaphore, #tpu.memory_space<semaphore_mem>>) {add = true}
      %dma_wait3A_180 = arith.constant 0 : i32
      %dma_wait3A_181 = arith.constant 0 : i32
      %dma_wait3A_182 = tpu.memref_slice %arg8[%dma_wait3A_180, %dma_wait3A_181] : memref<40x128xi32, #tpu.memory_space<vmem>> -> memref<1x128xi32, #tpu.memory_space<vmem>>
      %dma_wait3A_183 = tpu.memref_squeeze %dma_wait3A_182 : memref<1x128xi32, #tpu.memory_space<vmem>> -> memref<128xi32, #tpu.memory_space<vmem>>
      %dma_wait3A_184 = arith.constant 0 : i32
      %dma_wait3A_185 = arith.constant 0 : i32
      %dma_wait3A_186 = tpu.memref_slice %arg11[%dma_wait3A_184, %dma_wait3A_185] : memref<10240x128xf32, #tpu.memory_space<vmem_shared>> -> memref<10240x128xf32, #tpu.memory_space<vmem_shared>>
      tpu.wait_indirect_dma semaphore(%arg14 : memref<!tpu.dma_semaphore, #tpu.memory_space<semaphore_mem>>) src(%arg9 : memref<128x128xf32, #tpu.memory_space<vmem>>) dst(%dma_wait3A_186 : memref<10240x128xf32, #tpu.memory_space<vmem_shared>>)
      %add3A_187 = arith.constant 2 : i32
      %add3A_188 = arith.addi %mul3A_166, %add3A_187 : i32
      %dma_start3A_189 = arith.constant 0 : i32
      %dma_start3A_190 = tpu.memref_slice %arg7[%add3A_188, %dma_start3A_189] : memref<40x128xi32, #tpu.memory_space<vmem>> -> memref<1x128xi32, #tpu.memory_space<vmem>>
      %dma_start3A_191 = tpu.memref_squeeze %dma_start3A_190 : memref<1x128xi32, #tpu.memory_space<vmem>> -> memref<128xi32, #tpu.memory_space<vmem>>
      %dma_start3A_192 = arith.constant 0 : i32
      %dma_start3A_193 = arith.constant 0 : i32
      %dma_start3A_194 = tpu.memref_slice %arg2[%dma_start3A_192, %dma_start3A_193] : memref<10240x128xf32, #tpu.memory_space<hbm>> -> memref<10240x128xf32, #tpu.memory_space<hbm>>
      tpu.enqueue_indirect_dma source(%dma_start3A_194 : memref<10240x128xf32, #tpu.memory_space<hbm>>) target(%arg9 : memref<128x128xf32, #tpu.memory_space<vmem>>) offsets(%dma_start3A_191 : memref<128xi32, #tpu.memory_space<vmem>>) semaphore(%arg12 : memref<!tpu.dma_semaphore, #tpu.memory_space<semaphore_mem>>)
      %dma_wait3A_195 = arith.constant 0 : i32
      %dma_wait3A_196 = arith.constant 0 : i32
      %dma_wait3A_197 = tpu.memref_slice %arg7[%dma_wait3A_195, %dma_wait3A_196] : memref<40x128xi32, #tpu.memory_space<vmem>> -> memref<1x128xi32, #tpu.memory_space<vmem>>
      %dma_wait3A_198 = tpu.memref_squeeze %dma_wait3A_197 : memref<1x128xi32, #tpu.memory_space<vmem>> -> memref<128xi32, #tpu.memory_space<vmem>>
      %dma_wait3A_199 = arith.constant 0 : i32
      %dma_wait3A_200 = arith.constant 0 : i32
      %dma_wait3A_201 = tpu.memref_slice %arg2[%dma_wait3A_199, %dma_wait3A_200] : memref<10240x128xf32, #tpu.memory_space<hbm>> -> memref<10240x128xf32, #tpu.memory_space<hbm>>
      tpu.wait_indirect_dma semaphore(%arg13 : memref<!tpu.dma_semaphore, #tpu.memory_space<semaphore_mem>>) src(%dma_wait3A_201 : memref<10240x128xf32, #tpu.memory_space<hbm>>) dst(%arg10 : memref<128x128xf32, #tpu.memory_space<vmem>>)
      %add3A_202 = arith.constant 1 : i32
      %add3A_203 = arith.addi %mul3A_166, %add3A_202 : i32
      %dma_start3A_204 = arith.constant 0 : i32
      %dma_start3A_205 = tpu.memref_slice %arg8[%add3A_203, %dma_start3A_204] : memref<40x128xi32, #tpu.memory_space<vmem>> -> memref<1x128xi32, #tpu.memory_space<vmem>>
      %dma_start3A_206 = tpu.memref_squeeze %dma_start3A_205 : memref<1x128xi32, #tpu.memory_space<vmem>> -> memref<128xi32, #tpu.memory_space<vmem>>
      %dma_start3A_207 = arith.constant 0 : i32
      %dma_start3A_208 = arith.constant 0 : i32
      %dma_start3A_209 = tpu.memref_slice %arg11[%dma_start3A_207, %dma_start3A_208] : memref<10240x128xf32, #tpu.memory_space<vmem_shared>> -> memref<10240x128xf32, #tpu.memory_space<vmem_shared>>
      tpu.enqueue_indirect_dma source(%arg10 : memref<128x128xf32, #tpu.memory_space<vmem>>) target(%dma_start3A_209 : memref<10240x128xf32, #tpu.memory_space<vmem_shared>>) offsets(%dma_start3A_206 : memref<128xi32, #tpu.memory_space<vmem>>) semaphore(%arg15 : memref<!tpu.dma_semaphore, #tpu.memory_space<semaphore_mem>>) {add = true}
      %dma_wait3A_210 = arith.constant 0 : i32
      %dma_wait3A_211 = arith.constant 0 : i32
      %dma_wait3A_212 = tpu.memref_slice %arg8[%dma_wait3A_210, %dma_wait3A_211] : memref<40x128xi32, #tpu.memory_space<vmem>> -> memref<1x128xi32, #tpu.memory_space<vmem>>
      %dma_wait3A_213 = tpu.memref_squeeze %dma_wait3A_212 : memref<1x128xi32, #tpu.memory_space<vmem>> -> memref<128xi32, #tpu.memory_space<vmem>>
      %dma_wait3A_214 = arith.constant 0 : i32
      %dma_wait3A_215 = arith.constant 0 : i32
      %dma_wait3A_216 = tpu.memref_slice %arg11[%dma_wait3A_214, %dma_wait3A_215] : memref<10240x128xf32, #tpu.memory_space<vmem_shared>> -> memref<10240x128xf32, #tpu.memory_space<vmem_shared>>
      tpu.wait_indirect_dma semaphore(%arg15 : memref<!tpu.dma_semaphore, #tpu.memory_space<semaphore_mem>>) src(%arg10 : memref<128x128xf32, #tpu.memory_space<vmem>>) dst(%dma_wait3A_216 : memref<10240x128xf32, #tpu.memory_space<vmem_shared>>)
      %add3A_217 = arith.constant 3 : i32
      %add3A_218 = arith.addi %mul3A_166, %add3A_217 : i32
      %dma_start3A_219 = arith.constant 0 : i32
      %dma_start3A_220 = tpu.memref_slice %arg7[%add3A_218, %dma_start3A_219] : memref<40x128xi32, #tpu.memory_space<vmem>> -> memref<1x128xi32, #tpu.memory_space<vmem>>
      %dma_start3A_221 = tpu.memref_squeeze %dma_start3A_220 : memref<1x128xi32, #tpu.memory_space<vmem>> -> memref<128xi32, #tpu.memory_space<vmem>>
      %dma_start3A_222 = arith.constant 0 : i32
      %dma_start3A_223 = arith.constant 0 : i32
      %dma_start3A_224 = tpu.memref_slice %arg2[%dma_start3A_222, %dma_start3A_223] : memref<10240x128xf32, #tpu.memory_space<hbm>> -> memref<10240x128xf32, #tpu.memory_space<hbm>>
      tpu.enqueue_indirect_dma source(%dma_start3A_224 : memref<10240x128xf32, #tpu.memory_space<hbm>>) target(%arg10 : memref<128x128xf32, #tpu.memory_space<vmem>>) offsets(%dma_start3A_221 : memref<128xi32, #tpu.memory_space<vmem>>) semaphore(%arg13 : memref<!tpu.dma_semaphore, #tpu.memory_space<semaphore_mem>>)
    }
    %scan3A_37 = arith.constant 19 : i32
    %dma_wait3A = arith.constant 0 : i32
    %dma_wait3A_38 = arith.constant 0 : i32
    %dma_wait3A_39 = tpu.memref_slice %arg7[%dma_wait3A, %dma_wait3A_38] : memref<40x128xi32, #tpu.memory_space<vmem>> -> memref<1x128xi32, #tpu.memory_space<vmem>>
    %dma_wait3A_40 = tpu.memref_squeeze %dma_wait3A_39 : memref<1x128xi32, #tpu.memory_space<vmem>> -> memref<128xi32, #tpu.memory_space<vmem>>
    %dma_wait3A_41 = arith.constant 0 : i32
    %dma_wait3A_42 = arith.constant 0 : i32
    %dma_wait3A_43 = tpu.memref_slice %arg2[%dma_wait3A_41, %dma_wait3A_42] : memref<10240x128xf32, #tpu.memory_space<hbm>> -> memref<10240x128xf32, #tpu.memory_space<hbm>>
    tpu.wait_indirect_dma semaphore(%arg12 : memref<!tpu.dma_semaphore, #tpu.memory_space<semaphore_mem>>) src(%dma_wait3A_43 : memref<10240x128xf32, #tpu.memory_space<hbm>>) dst(%arg9 : memref<128x128xf32, #tpu.memory_space<vmem>>)
    %dma_start3A_44 = arith.constant 38 : i32
    %dma_start3A_45 = arith.constant 0 : i32
    %dma_start3A_46 = tpu.memref_slice %arg8[%dma_start3A_44, %dma_start3A_45] : memref<40x128xi32, #tpu.memory_space<vmem>> -> memref<1x128xi32, #tpu.memory_space<vmem>>
    %dma_start3A_47 = tpu.memref_squeeze %dma_start3A_46 : memref<1x128xi32, #tpu.memory_space<vmem>> -> memref<128xi32, #tpu.memory_space<vmem>>
    %dma_start3A_48 = arith.constant 0 : i32
    %dma_start3A_49 = arith.constant 0 : i32
    %dma_start3A_50 = tpu.memref_slice %arg11[%dma_start3A_48, %dma_start3A_49] : memref<10240x128xf32, #tpu.memory_space<vmem_shared>> -> memref<10240x128xf32, #tpu.memory_space<vmem_shared>>
    tpu.enqueue_indirect_dma source(%arg9 : memref<128x128xf32, #tpu.memory_space<vmem>>) target(%dma_start3A_50 : memref<10240x128xf32, #tpu.memory_space<vmem_shared>>) offsets(%dma_start3A_47 : memref<128xi32, #tpu.memory_space<vmem>>) semaphore(%arg14 : memref<!tpu.dma_semaphore, #tpu.memory_space<semaphore_mem>>) {add = true}
    %dma_wait3A_51 = arith.constant 0 : i32
    %dma_wait3A_52 = arith.constant 0 : i32
    %dma_wait3A_53 = tpu.memref_slice %arg8[%dma_wait3A_51, %dma_wait3A_52] : memref<40x128xi32, #tpu.memory_space<vmem>> -> memref<1x128xi32, #tpu.memory_space<vmem>>
    %dma_wait3A_54 = tpu.memref_squeeze %dma_wait3A_53 : memref<1x128xi32, #tpu.memory_space<vmem>> -> memref<128xi32, #tpu.memory_space<vmem>>
    %dma_wait3A_55 = arith.constant 0 : i32
    %dma_wait3A_56 = arith.constant 0 : i32
    %dma_wait3A_57 = tpu.memref_slice %arg11[%dma_wait3A_55, %dma_wait3A_56] : memref<10240x128xf32, #tpu.memory_space<vmem_shared>> -> memref<10240x128xf32, #tpu.memory_space<vmem_shared>>
    tpu.wait_indirect_dma semaphore(%arg14 : memref<!tpu.dma_semaphore, #tpu.memory_space<semaphore_mem>>) src(%arg9 : memref<128x128xf32, #tpu.memory_space<vmem>>) dst(%dma_wait3A_57 : memref<10240x128xf32, #tpu.memory_space<vmem_shared>>)
    %dma_wait3A_58 = arith.constant 0 : i32
    %dma_wait3A_59 = arith.constant 0 : i32
    %dma_wait3A_60 = tpu.memref_slice %arg7[%dma_wait3A_58, %dma_wait3A_59] : memref<40x128xi32, #tpu.memory_space<vmem>> -> memref<1x128xi32, #tpu.memory_space<vmem>>
    %dma_wait3A_61 = tpu.memref_squeeze %dma_wait3A_60 : memref<1x128xi32, #tpu.memory_space<vmem>> -> memref<128xi32, #tpu.memory_space<vmem>>
    %dma_wait3A_62 = arith.constant 0 : i32
    %dma_wait3A_63 = arith.constant 0 : i32
    %dma_wait3A_64 = tpu.memref_slice %arg2[%dma_wait3A_62, %dma_wait3A_63] : memref<10240x128xf32, #tpu.memory_space<hbm>> -> memref<10240x128xf32, #tpu.memory_space<hbm>>
    tpu.wait_indirect_dma semaphore(%arg13 : memref<!tpu.dma_semaphore, #tpu.memory_space<semaphore_mem>>) src(%dma_wait3A_64 : memref<10240x128xf32, #tpu.memory_space<hbm>>) dst(%arg10 : memref<128x128xf32, #tpu.memory_space<vmem>>)
    %dma_start3A_65 = arith.constant 39 : i32
    %dma_start3A_66 = arith.constant 0 : i32
    %dma_start3A_67 = tpu.memref_slice %arg8[%dma_start3A_65, %dma_start3A_66] : memref<40x128xi32, #tpu.memory_space<vmem>> -> memref<1x128xi32, #tpu.memory_space<vmem>>
    %dma_start3A_68 = tpu.memref_squeeze %dma_start3A_67 : memref<1x128xi32, #tpu.memory_space<vmem>> -> memref<128xi32, #tpu.memory_space<vmem>>
    %dma_start3A_69 = arith.constant 0 : i32
    %dma_start3A_70 = arith.constant 0 : i32
    %dma_start3A_71 = tpu.memref_slice %arg11[%dma_start3A_69, %dma_start3A_70] : memref<10240x128xf32, #tpu.memory_space<vmem_shared>> -> memref<10240x128xf32, #tpu.memory_space<vmem_shared>>
    tpu.enqueue_indirect_dma source(%arg10 : memref<128x128xf32, #tpu.memory_space<vmem>>) target(%dma_start3A_71 : memref<10240x128xf32, #tpu.memory_space<vmem_shared>>) offsets(%dma_start3A_68 : memref<128xi32, #tpu.memory_space<vmem>>) semaphore(%arg15 : memref<!tpu.dma_semaphore, #tpu.memory_space<semaphore_mem>>) {add = true}
    %dma_wait3A_72 = arith.constant 0 : i32
    %dma_wait3A_73 = arith.constant 0 : i32
    %dma_wait3A_74 = tpu.memref_slice %arg8[%dma_wait3A_72, %dma_wait3A_73] : memref<40x128xi32, #tpu.memory_space<vmem>> -> memref<1x128xi32, #tpu.memory_space<vmem>>
    %dma_wait3A_75 = tpu.memref_squeeze %dma_wait3A_74 : memref<1x128xi32, #tpu.memory_space<vmem>> -> memref<128xi32, #tpu.memory_space<vmem>>
    %dma_wait3A_76 = arith.constant 0 : i32
    %dma_wait3A_77 = arith.constant 0 : i32
    %dma_wait3A_78 = tpu.memref_slice %arg11[%dma_wait3A_76, %dma_wait3A_77] : memref<10240x128xf32, #tpu.memory_space<vmem_shared>> -> memref<10240x128xf32, #tpu.memory_space<vmem_shared>>
    tpu.wait_indirect_dma semaphore(%arg15 : memref<!tpu.dma_semaphore, #tpu.memory_space<semaphore_mem>>) src(%arg10 : memref<128x128xf32, #tpu.memory_space<vmem>>) dst(%dma_wait3A_78 : memref<10240x128xf32, #tpu.memory_space<vmem_shared>>)
    %add3A_79 = arith.constant 40 : i32
    %add3A_80 = arith.addi %mul3A_17, %add3A_79 : i32
    "tpu.region"() ({
      %run_scoped3A = tpu.sem_alloc : memref<!tpu.dma_semaphore, #tpu.memory_space<semaphore_mem>>
      %dma_start3A_164 = arith.constant 0 : i32
      %dma_start3A_165 = tpu.memref_slice %arg4[%add3A_80, %dma_start3A_164] : memref<2624x128xi32, #tpu.memory_space<hbm>> -> memref<40x128xi32, #tpu.memory_space<hbm>>
      %dma_start3A_166 = arith.constant 0 : i32
      %dma_start3A_167 = tpu.memref_slice %arg4[%add3A_80, %dma_start3A_166] : memref<2624x128xi32, #tpu.memory_space<hbm>> -> memref<40x128xi32, #tpu.memory_space<hbm>>
      tpu.enqueue_dma source(%dma_start3A_167 : memref<40x128xi32, #tpu.memory_space<hbm>>) target(%arg8 : memref<40x128xi32, #tpu.memory_space<vmem>>) target_semaphore(%run_scoped3A : memref<!tpu.dma_semaphore, #tpu.memory_space<semaphore_mem>>)
      %dma_wait3A_168 = arith.constant 0 : i32
      %dma_wait3A_169 = tpu.memref_slice %arg4[%add3A_80, %dma_wait3A_168] : memref<2624x128xi32, #tpu.memory_space<hbm>> -> memref<40x128xi32, #tpu.memory_space<hbm>>
      %dma_wait3A_170 = arith.constant 0 : i32
      %dma_wait3A_171 = tpu.memref_slice %arg4[%add3A_80, %dma_wait3A_170] : memref<2624x128xi32, #tpu.memory_space<hbm>> -> memref<40x128xi32, #tpu.memory_space<hbm>>
      tpu.wait_dma2 semaphore(%run_scoped3A : memref<!tpu.dma_semaphore, #tpu.memory_space<semaphore_mem>>) src(%dma_wait3A_171 : memref<40x128xi32, #tpu.memory_space<hbm>>) dst(%arg8 : memref<40x128xi32, #tpu.memory_space<vmem>>)
      tpu.yield
    }) : () -> ()
    "tpu.region"() ({
      %run_scoped3A = tpu.sem_alloc : memref<!tpu.dma_semaphore, #tpu.memory_space<semaphore_mem>>
      %dma_start3A_164 = arith.constant 0 : i32
      %dma_start3A_165 = tpu.memref_slice %arg3[%add3A_80, %dma_start3A_164] : memref<2624x128xi32, #tpu.memory_space<hbm>> -> memref<40x128xi32, #tpu.memory_space<hbm>>
      %dma_start3A_166 = arith.constant 0 : i32
      %dma_start3A_167 = tpu.memref_slice %arg3[%add3A_80, %dma_start3A_166] : memref<2624x128xi32, #tpu.memory_space<hbm>> -> memref<40x128xi32, #tpu.memory_space<hbm>>
      tpu.enqueue_dma source(%dma_start3A_167 : memref<40x128xi32, #tpu.memory_space<hbm>>) target(%arg7 : memref<40x128xi32, #tpu.memory_space<vmem>>) target_semaphore(%run_scoped3A : memref<!tpu.dma_semaphore, #tpu.memory_space<semaphore_mem>>)
      %dma_wait3A_168 = arith.constant 0 : i32
      %dma_wait3A_169 = tpu.memref_slice %arg3[%add3A_80, %dma_wait3A_168] : memref<2624x128xi32, #tpu.memory_space<hbm>> -> memref<40x128xi32, #tpu.memory_space<hbm>>
      %dma_wait3A_170 = arith.constant 0 : i32
      %dma_wait3A_171 = tpu.memref_slice %arg3[%add3A_80, %dma_wait3A_170] : memref<2624x128xi32, #tpu.memory_space<hbm>> -> memref<40x128xi32, #tpu.memory_space<hbm>>
      tpu.wait_dma2 semaphore(%run_scoped3A : memref<!tpu.dma_semaphore, #tpu.memory_space<semaphore_mem>>) src(%dma_wait3A_171 : memref<40x128xi32, #tpu.memory_space<hbm>>) dst(%arg7 : memref<40x128xi32, #tpu.memory_space<vmem>>)
      tpu.yield
    }) : () -> ()
    %dma_start3A_81 = arith.constant 0 : i32
    %dma_start3A_82 = arith.constant 0 : i32
    %dma_start3A_83 = tpu.memref_slice %arg7[%dma_start3A_81, %dma_start3A_82] : memref<40x128xi32, #tpu.memory_space<vmem>> -> memref<1x128xi32, #tpu.memory_space<vmem>>
    %dma_start3A_84 = tpu.memref_squeeze %dma_start3A_83 : memref<1x128xi32, #tpu.memory_space<vmem>> -> memref<128xi32, #tpu.memory_space<vmem>>
    %dma_start3A_85 = arith.constant 0 : i32
    %dma_start3A_86 = arith.constant 0 : i32
    %dma_start3A_87 = tpu.memref_slice %arg2[%dma_start3A_85, %dma_start3A_86] : memref<10240x128xf32, #tpu.memory_space<hbm>> -> memref<10240x128xf32, #tpu.memory_space<hbm>>
    tpu.enqueue_indirect_dma source(%dma_start3A_87 : memref<10240x128xf32, #tpu.memory_space<hbm>>) target(%arg9 : memref<128x128xf32, #tpu.memory_space<vmem>>) offsets(%dma_start3A_84 : memref<128xi32, #tpu.memory_space<vmem>>) semaphore(%arg12 : memref<!tpu.dma_semaphore, #tpu.memory_space<semaphore_mem>>)
    %dma_start3A_88 = arith.constant 1 : i32
    %dma_start3A_89 = arith.constant 0 : i32
    %dma_start3A_90 = tpu.memref_slice %arg7[%dma_start3A_88, %dma_start3A_89] : memref<40x128xi32, #tpu.memory_space<vmem>> -> memref<1x128xi32, #tpu.memory_space<vmem>>
    %dma_start3A_91 = tpu.memref_squeeze %dma_start3A_90 : memref<1x128xi32, #tpu.memory_space<vmem>> -> memref<128xi32, #tpu.memory_space<vmem>>
    %dma_start3A_92 = arith.constant 0 : i32
    %dma_start3A_93 = arith.constant 0 : i32
    %dma_start3A_94 = tpu.memref_slice %arg2[%dma_start3A_92, %dma_start3A_93] : memref<10240x128xf32, #tpu.memory_space<hbm>> -> memref<10240x128xf32, #tpu.memory_space<hbm>>
    tpu.enqueue_indirect_dma source(%dma_start3A_94 : memref<10240x128xf32, #tpu.memory_space<hbm>>) target(%arg10 : memref<128x128xf32, #tpu.memory_space<vmem>>) offsets(%dma_start3A_91 : memref<128xi32, #tpu.memory_space<vmem>>) semaphore(%arg13 : memref<!tpu.dma_semaphore, #tpu.memory_space<semaphore_mem>>)
    %scan3A_95 = arith.constant 0 : i32
    %scan3A_96 = arith.constant 0 : i32
    %scan3A_97 = arith.constant 19 : i32
    %scan3A_98 = arith.addi %scan3A_96, %scan3A_97 : i32
    %scan3A_99 = arith.constant 1 : i32
    scf.for %scan3A_164 = %scan3A_96 to %scan3A_98 step %scan3A_99  : i32 {
      %mul3A_165 = arith.constant 2 : i32
      %mul3A_166 = arith.muli %mul3A_165, %scan3A_164 : i32
      %dma_wait3A_167 = arith.constant 0 : i32
      %dma_wait3A_168 = arith.constant 0 : i32
      %dma_wait3A_169 = tpu.memref_slice %arg7[%dma_wait3A_167, %dma_wait3A_168] : memref<40x128xi32, #tpu.memory_space<vmem>> -> memref<1x128xi32, #tpu.memory_space<vmem>>
      %dma_wait3A_170 = tpu.memref_squeeze %dma_wait3A_169 : memref<1x128xi32, #tpu.memory_space<vmem>> -> memref<128xi32, #tpu.memory_space<vmem>>
      %dma_wait3A_171 = arith.constant 0 : i32
      %dma_wait3A_172 = arith.constant 0 : i32
      %dma_wait3A_173 = tpu.memref_slice %arg2[%dma_wait3A_171, %dma_wait3A_172] : memref<10240x128xf32, #tpu.memory_space<hbm>> -> memref<10240x128xf32, #tpu.memory_space<hbm>>
      tpu.wait_indirect_dma semaphore(%arg12 : memref<!tpu.dma_semaphore, #tpu.memory_space<semaphore_mem>>) src(%dma_wait3A_173 : memref<10240x128xf32, #tpu.memory_space<hbm>>) dst(%arg9 : memref<128x128xf32, #tpu.memory_space<vmem>>)
      %dma_start3A_174 = arith.constant 0 : i32
      %dma_start3A_175 = tpu.memref_slice %arg8[%mul3A_166, %dma_start3A_174] : memref<40x128xi32, #tpu.memory_space<vmem>> -> memref<1x128xi32, #tpu.memory_space<vmem>>
      %dma_start3A_176 = tpu.memref_squeeze %dma_start3A_175 : memref<1x128xi32, #tpu.memory_space<vmem>> -> memref<128xi32, #tpu.memory_space<vmem>>
      %dma_start3A_177 = arith.constant 0 : i32
      %dma_start3A_178 = arith.constant 0 : i32
      %dma_start3A_179 = tpu.memref_slice %arg11[%dma_start3A_177, %dma_start3A_178] : memref<10240x128xf32, #tpu.memory_space<vmem_shared>> -> memref<10240x128xf32, #tpu.memory_space<vmem_shared>>
      tpu.enqueue_indirect_dma source(%arg9 : memref<128x128xf32, #tpu.memory_space<vmem>>) target(%dma_start3A_179 : memref<10240x128xf32, #tpu.memory_space<vmem_shared>>) offsets(%dma_start3A_176 : memref<128xi32, #tpu.memory_space<vmem>>) semaphore(%arg14 : memref<!tpu.dma_semaphore, #tpu.memory_space<semaphore_mem>>) {add = true}
      %dma_wait3A_180 = arith.constant 0 : i32
      %dma_wait3A_181 = arith.constant 0 : i32
      %dma_wait3A_182 = tpu.memref_slice %arg8[%dma_wait3A_180, %dma_wait3A_181] : memref<40x128xi32, #tpu.memory_space<vmem>> -> memref<1x128xi32, #tpu.memory_space<vmem>>
      %dma_wait3A_183 = tpu.memref_squeeze %dma_wait3A_182 : memref<1x128xi32, #tpu.memory_space<vmem>> -> memref<128xi32, #tpu.memory_space<vmem>>
      %dma_wait3A_184 = arith.constant 0 : i32
      %dma_wait3A_185 = arith.constant 0 : i32
      %dma_wait3A_186 = tpu.memref_slice %arg11[%dma_wait3A_184, %dma_wait3A_185] : memref<10240x128xf32, #tpu.memory_space<vmem_shared>> -> memref<10240x128xf32, #tpu.memory_space<vmem_shared>>
      tpu.wait_indirect_dma semaphore(%arg14 : memref<!tpu.dma_semaphore, #tpu.memory_space<semaphore_mem>>) src(%arg9 : memref<128x128xf32, #tpu.memory_space<vmem>>) dst(%dma_wait3A_186 : memref<10240x128xf32, #tpu.memory_space<vmem_shared>>)
      %add3A_187 = arith.constant 2 : i32
      %add3A_188 = arith.addi %mul3A_166, %add3A_187 : i32
      %dma_start3A_189 = arith.constant 0 : i32
      %dma_start3A_190 = tpu.memref_slice %arg7[%add3A_188, %dma_start3A_189] : memref<40x128xi32, #tpu.memory_space<vmem>> -> memref<1x128xi32, #tpu.memory_space<vmem>>
      %dma_start3A_191 = tpu.memref_squeeze %dma_start3A_190 : memref<1x128xi32, #tpu.memory_space<vmem>> -> memref<128xi32, #tpu.memory_space<vmem>>
      %dma_start3A_192 = arith.constant 0 : i32
      %dma_start3A_193 = arith.constant 0 : i32
      %dma_start3A_194 = tpu.memref_slice %arg2[%dma_start3A_192, %dma_start3A_193] : memref<10240x128xf32, #tpu.memory_space<hbm>> -> memref<10240x128xf32, #tpu.memory_space<hbm>>
      tpu.enqueue_indirect_dma source(%dma_start3A_194 : memref<10240x128xf32, #tpu.memory_space<hbm>>) target(%arg9 : memref<128x128xf32, #tpu.memory_space<vmem>>) offsets(%dma_start3A_191 : memref<128xi32, #tpu.memory_space<vmem>>) semaphore(%arg12 : memref<!tpu.dma_semaphore, #tpu.memory_space<semaphore_mem>>)
      %dma_wait3A_195 = arith.constant 0 : i32
      %dma_wait3A_196 = arith.constant 0 : i32
      %dma_wait3A_197 = tpu.memref_slice %arg7[%dma_wait3A_195, %dma_wait3A_196] : memref<40x128xi32, #tpu.memory_space<vmem>> -> memref<1x128xi32, #tpu.memory_space<vmem>>
      %dma_wait3A_198 = tpu.memref_squeeze %dma_wait3A_197 : memref<1x128xi32, #tpu.memory_space<vmem>> -> memref<128xi32, #tpu.memory_space<vmem>>
      %dma_wait3A_199 = arith.constant 0 : i32
      %dma_wait3A_200 = arith.constant 0 : i32
      %dma_wait3A_201 = tpu.memref_slice %arg2[%dma_wait3A_199, %dma_wait3A_200] : memref<10240x128xf32, #tpu.memory_space<hbm>> -> memref<10240x128xf32, #tpu.memory_space<hbm>>
      tpu.wait_indirect_dma semaphore(%arg13 : memref<!tpu.dma_semaphore, #tpu.memory_space<semaphore_mem>>) src(%dma_wait3A_201 : memref<10240x128xf32, #tpu.memory_space<hbm>>) dst(%arg10 : memref<128x128xf32, #tpu.memory_space<vmem>>)
      %add3A_202 = arith.constant 1 : i32
      %add3A_203 = arith.addi %mul3A_166, %add3A_202 : i32
      %dma_start3A_204 = arith.constant 0 : i32
      %dma_start3A_205 = tpu.memref_slice %arg8[%add3A_203, %dma_start3A_204] : memref<40x128xi32, #tpu.memory_space<vmem>> -> memref<1x128xi32, #tpu.memory_space<vmem>>
      %dma_start3A_206 = tpu.memref_squeeze %dma_start3A_205 : memref<1x128xi32, #tpu.memory_space<vmem>> -> memref<128xi32, #tpu.memory_space<vmem>>
      %dma_start3A_207 = arith.constant 0 : i32
      %dma_start3A_208 = arith.constant 0 : i32
      %dma_start3A_209 = tpu.memref_slice %arg11[%dma_start3A_207, %dma_start3A_208] : memref<10240x128xf32, #tpu.memory_space<vmem_shared>> -> memref<10240x128xf32, #tpu.memory_space<vmem_shared>>
      tpu.enqueue_indirect_dma source(%arg10 : memref<128x128xf32, #tpu.memory_space<vmem>>) target(%dma_start3A_209 : memref<10240x128xf32, #tpu.memory_space<vmem_shared>>) offsets(%dma_start3A_206 : memref<128xi32, #tpu.memory_space<vmem>>) semaphore(%arg15 : memref<!tpu.dma_semaphore, #tpu.memory_space<semaphore_mem>>) {add = true}
      %dma_wait3A_210 = arith.constant 0 : i32
      %dma_wait3A_211 = arith.constant 0 : i32
      %dma_wait3A_212 = tpu.memref_slice %arg8[%dma_wait3A_210, %dma_wait3A_211] : memref<40x128xi32, #tpu.memory_space<vmem>> -> memref<1x128xi32, #tpu.memory_space<vmem>>
      %dma_wait3A_213 = tpu.memref_squeeze %dma_wait3A_212 : memref<1x128xi32, #tpu.memory_space<vmem>> -> memref<128xi32, #tpu.memory_space<vmem>>
      %dma_wait3A_214 = arith.constant 0 : i32
      %dma_wait3A_215 = arith.constant 0 : i32
      %dma_wait3A_216 = tpu.memref_slice %arg11[%dma_wait3A_214, %dma_wait3A_215] : memref<10240x128xf32, #tpu.memory_space<vmem_shared>> -> memref<10240x128xf32, #tpu.memory_space<vmem_shared>>
      tpu.wait_indirect_dma semaphore(%arg15 : memref<!tpu.dma_semaphore, #tpu.memory_space<semaphore_mem>>) src(%arg10 : memref<128x128xf32, #tpu.memory_space<vmem>>) dst(%dma_wait3A_216 : memref<10240x128xf32, #tpu.memory_space<vmem_shared>>)
      %add3A_217 = arith.constant 3 : i32
      %add3A_218 = arith.addi %mul3A_166, %add3A_217 : i32
      %dma_start3A_219 = arith.constant 0 : i32
      %dma_start3A_220 = tpu.memref_slice %arg7[%add3A_218, %dma_start3A_219] : memref<40x128xi32, #tpu.memory_space<vmem>> -> memref<1x128xi32, #tpu.memory_space<vmem>>
      %dma_start3A_221 = tpu.memref_squeeze %dma_start3A_220 : memref<1x128xi32, #tpu.memory_space<vmem>> -> memref<128xi32, #tpu.memory_space<vmem>>
      %dma_start3A_222 = arith.constant 0 : i32
      %dma_start3A_223 = arith.constant 0 : i32
      %dma_start3A_224 = tpu.memref_slice %arg2[%dma_start3A_222, %dma_start3A_223] : memref<10240x128xf32, #tpu.memory_space<hbm>> -> memref<10240x128xf32, #tpu.memory_space<hbm>>
      tpu.enqueue_indirect_dma source(%dma_start3A_224 : memref<10240x128xf32, #tpu.memory_space<hbm>>) target(%arg10 : memref<128x128xf32, #tpu.memory_space<vmem>>) offsets(%dma_start3A_221 : memref<128xi32, #tpu.memory_space<vmem>>) semaphore(%arg13 : memref<!tpu.dma_semaphore, #tpu.memory_space<semaphore_mem>>)
    }
    %scan3A_100 = arith.constant 19 : i32
    %dma_wait3A_101 = arith.constant 0 : i32
    %dma_wait3A_102 = arith.constant 0 : i32
    %dma_wait3A_103 = tpu.memref_slice %arg7[%dma_wait3A_101, %dma_wait3A_102] : memref<40x128xi32, #tpu.memory_space<vmem>> -> memref<1x128xi32, #tpu.memory_space<vmem>>
    %dma_wait3A_104 = tpu.memref_squeeze %dma_wait3A_103 : memref<1x128xi32, #tpu.memory_space<vmem>> -> memref<128xi32, #tpu.memory_space<vmem>>
    %dma_wait3A_105 = arith.constant 0 : i32
    %dma_wait3A_106 = arith.constant 0 : i32
    %dma_wait3A_107 = tpu.memref_slice %arg2[%dma_wait3A_105, %dma_wait3A_106] : memref<10240x128xf32, #tpu.memory_space<hbm>> -> memref<10240x128xf32, #tpu.memory_space<hbm>>
    tpu.wait_indirect_dma semaphore(%arg12 : memref<!tpu.dma_semaphore, #tpu.memory_space<semaphore_mem>>) src(%dma_wait3A_107 : memref<10240x128xf32, #tpu.memory_space<hbm>>) dst(%arg9 : memref<128x128xf32, #tpu.memory_space<vmem>>)
    %dma_start3A_108 = arith.constant 38 : i32
    %dma_start3A_109 = arith.constant 0 : i32
    %dma_start3A_110 = tpu.memref_slice %arg8[%dma_start3A_108, %dma_start3A_109] : memref<40x128xi32, #tpu.memory_space<vmem>> -> memref<1x128xi32, #tpu.memory_space<vmem>>
    %dma_start3A_111 = tpu.memref_squeeze %dma_start3A_110 : memref<1x128xi32, #tpu.memory_space<vmem>> -> memref<128xi32, #tpu.memory_space<vmem>>
    %dma_start3A_112 = arith.constant 0 : i32
    %dma_start3A_113 = arith.constant 0 : i32
    %dma_start3A_114 = tpu.memref_slice %arg11[%dma_start3A_112, %dma_start3A_113] : memref<10240x128xf32, #tpu.memory_space<vmem_shared>> -> memref<10240x128xf32, #tpu.memory_space<vmem_shared>>
    tpu.enqueue_indirect_dma source(%arg9 : memref<128x128xf32, #tpu.memory_space<vmem>>) target(%dma_start3A_114 : memref<10240x128xf32, #tpu.memory_space<vmem_shared>>) offsets(%dma_start3A_111 : memref<128xi32, #tpu.memory_space<vmem>>) semaphore(%arg14 : memref<!tpu.dma_semaphore, #tpu.memory_space<semaphore_mem>>) {add = true}
    %dma_wait3A_115 = arith.constant 0 : i32
    %dma_wait3A_116 = arith.constant 0 : i32
    %dma_wait3A_117 = tpu.memref_slice %arg8[%dma_wait3A_115, %dma_wait3A_116] : memref<40x128xi32, #tpu.memory_space<vmem>> -> memref<1x128xi32, #tpu.memory_space<vmem>>
    %dma_wait3A_118 = tpu.memref_squeeze %dma_wait3A_117 : memref<1x128xi32, #tpu.memory_space<vmem>> -> memref<128xi32, #tpu.memory_space<vmem>>
    %dma_wait3A_119 = arith.constant 0 : i32
    %dma_wait3A_120 = arith.constant 0 : i32
    %dma_wait3A_121 = tpu.memref_slice %arg11[%dma_wait3A_119, %dma_wait3A_120] : memref<10240x128xf32, #tpu.memory_space<vmem_shared>> -> memref<10240x128xf32, #tpu.memory_space<vmem_shared>>
    tpu.wait_indirect_dma semaphore(%arg14 : memref<!tpu.dma_semaphore, #tpu.memory_space<semaphore_mem>>) src(%arg9 : memref<128x128xf32, #tpu.memory_space<vmem>>) dst(%dma_wait3A_121 : memref<10240x128xf32, #tpu.memory_space<vmem_shared>>)
    %dma_wait3A_122 = arith.constant 0 : i32
    %dma_wait3A_123 = arith.constant 0 : i32
    %dma_wait3A_124 = tpu.memref_slice %arg7[%dma_wait3A_122, %dma_wait3A_123] : memref<40x128xi32, #tpu.memory_space<vmem>> -> memref<1x128xi32, #tpu.memory_space<vmem>>
    %dma_wait3A_125 = tpu.memref_squeeze %dma_wait3A_124 : memref<1x128xi32, #tpu.memory_space<vmem>> -> memref<128xi32, #tpu.memory_space<vmem>>
    %dma_wait3A_126 = arith.constant 0 : i32
    %dma_wait3A_127 = arith.constant 0 : i32
    %dma_wait3A_128 = tpu.memref_slice %arg2[%dma_wait3A_126, %dma_wait3A_127] : memref<10240x128xf32, #tpu.memory_space<hbm>> -> memref<10240x128xf32, #tpu.memory_space<hbm>>
    tpu.wait_indirect_dma semaphore(%arg13 : memref<!tpu.dma_semaphore, #tpu.memory_space<semaphore_mem>>) src(%dma_wait3A_128 : memref<10240x128xf32, #tpu.memory_space<hbm>>) dst(%arg10 : memref<128x128xf32, #tpu.memory_space<vmem>>)
    %dma_start3A_129 = arith.constant 39 : i32
    %dma_start3A_130 = arith.constant 0 : i32
    %dma_start3A_131 = tpu.memref_slice %arg8[%dma_start3A_129, %dma_start3A_130] : memref<40x128xi32, #tpu.memory_space<vmem>> -> memref<1x128xi32, #tpu.memory_space<vmem>>
    %dma_start3A_132 = tpu.memref_squeeze %dma_start3A_131 : memref<1x128xi32, #tpu.memory_space<vmem>> -> memref<128xi32, #tpu.memory_space<vmem>>
    %dma_start3A_133 = arith.constant 0 : i32
    %dma_start3A_134 = arith.constant 0 : i32
    %dma_start3A_135 = tpu.memref_slice %arg11[%dma_start3A_133, %dma_start3A_134] : memref<10240x128xf32, #tpu.memory_space<vmem_shared>> -> memref<10240x128xf32, #tpu.memory_space<vmem_shared>>
    tpu.enqueue_indirect_dma source(%arg10 : memref<128x128xf32, #tpu.memory_space<vmem>>) target(%dma_start3A_135 : memref<10240x128xf32, #tpu.memory_space<vmem_shared>>) offsets(%dma_start3A_132 : memref<128xi32, #tpu.memory_space<vmem>>) semaphore(%arg15 : memref<!tpu.dma_semaphore, #tpu.memory_space<semaphore_mem>>) {add = true}
    %dma_wait3A_136 = arith.constant 0 : i32
    %dma_wait3A_137 = arith.constant 0 : i32
    %dma_wait3A_138 = tpu.memref_slice %arg8[%dma_wait3A_136, %dma_wait3A_137] : memref<40x128xi32, #tpu.memory_space<vmem>> -> memref<1x128xi32, #tpu.memory_space<vmem>>
    %dma_wait3A_139 = tpu.memref_squeeze %dma_wait3A_138 : memref<1x128xi32, #tpu.memory_space<vmem>> -> memref<128xi32, #tpu.memory_space<vmem>>
    %dma_wait3A_140 = arith.constant 0 : i32
    %dma_wait3A_141 = arith.constant 0 : i32
    %dma_wait3A_142 = tpu.memref_slice %arg11[%dma_wait3A_140, %dma_wait3A_141] : memref<10240x128xf32, #tpu.memory_space<vmem_shared>> -> memref<10240x128xf32, #tpu.memory_space<vmem_shared>>
    tpu.wait_indirect_dma semaphore(%arg15 : memref<!tpu.dma_semaphore, #tpu.memory_space<semaphore_mem>>) src(%arg10 : memref<128x128xf32, #tpu.memory_space<vmem>>) dst(%dma_wait3A_142 : memref<10240x128xf32, #tpu.memory_space<vmem_shared>>)
    %barrier3A_143 = arith.constant 0 : index
    tpu.barrier barrier_id(%barrier3A_143)
    %add3A_144 = arith.constant 0 : i32
    %add3A_145 = arith.addi %mul3A_0, %add3A_144 : i32
    "tpu.region"() ({
      %run_scoped3A = tpu.sem_alloc : memref<!tpu.dma_semaphore, #tpu.memory_space<semaphore_mem>>
      %dma_start3A_164 = arith.constant 0 : i32
      %dma_start3A_165 = tpu.memref_slice %arg11[%add3A_145, %dma_start3A_164] : memref<10240x128xf32, #tpu.memory_space<vmem_shared>> -> memref<128x128xf32, #tpu.memory_space<vmem_shared>>
      %dma_start3A_166 = arith.constant 0 : i32
      %dma_start3A_167 = tpu.memref_slice %arg11[%add3A_145, %dma_start3A_166] : memref<10240x128xf32, #tpu.memory_space<vmem_shared>> -> memref<128x128xf32, #tpu.memory_space<vmem_shared>>
      tpu.enqueue_dma source(%dma_start3A_167 : memref<128x128xf32, #tpu.memory_space<vmem_shared>>) target(%arg9 : memref<128x128xf32, #tpu.memory_space<vmem>>) target_semaphore(%run_scoped3A : memref<!tpu.dma_semaphore, #tpu.memory_space<semaphore_mem>>)
      %dma_wait3A_168 = arith.constant 0 : i32
      %dma_wait3A_169 = tpu.memref_slice %arg11[%add3A_145, %dma_wait3A_168] : memref<10240x128xf32, #tpu.memory_space<vmem_shared>> -> memref<128x128xf32, #tpu.memory_space<vmem_shared>>
      %dma_wait3A_170 = arith.constant 0 : i32
      %dma_wait3A_171 = tpu.memref_slice %arg11[%add3A_145, %dma_wait3A_170] : memref<10240x128xf32, #tpu.memory_space<vmem_shared>> -> memref<128x128xf32, #tpu.memory_space<vmem_shared>>
      tpu.wait_dma2 semaphore(%run_scoped3A : memref<!tpu.dma_semaphore, #tpu.memory_space<semaphore_mem>>) src(%dma_wait3A_171 : memref<128x128xf32, #tpu.memory_space<vmem_shared>>) dst(%arg9 : memref<128x128xf32, #tpu.memory_space<vmem>>)
      tpu.yield
    }) : () -> ()
    %add3A_146 = arith.constant 0 : i32
    %add3A_147 = arith.addi %add3A, %add3A_146 : i32
    "tpu.region"() ({
      %run_scoped3A = tpu.sem_alloc : memref<!tpu.dma_semaphore, #tpu.memory_space<semaphore_mem>>
      %dma_start3A_164 = arith.constant 0 : i32
      %dma_start3A_165 = tpu.memref_slice %arg6[%add3A_147, %dma_start3A_164] : memref<20480x128xf32, #tpu.memory_space<hbm>> -> memref<128x128xf32, #tpu.memory_space<hbm>>
      %dma_start3A_166 = arith.constant 0 : i32
      %dma_start3A_167 = tpu.memref_slice %arg6[%add3A_147, %dma_start3A_166] : memref<20480x128xf32, #tpu.memory_space<hbm>> -> memref<128x128xf32, #tpu.memory_space<hbm>>
      tpu.enqueue_dma source(%arg9 : memref<128x128xf32, #tpu.memory_space<vmem>>) target(%dma_start3A_167 : memref<128x128xf32, #tpu.memory_space<hbm>>) target_semaphore(%run_scoped3A : memref<!tpu.dma_semaphore, #tpu.memory_space<semaphore_mem>>)
      %dma_wait3A_168 = arith.constant 0 : i32
      %dma_wait3A_169 = tpu.memref_slice %arg6[%add3A_147, %dma_wait3A_168] : memref<20480x128xf32, #tpu.memory_space<hbm>> -> memref<128x128xf32, #tpu.memory_space<hbm>>
      %dma_wait3A_170 = arith.constant 0 : i32
      %dma_wait3A_171 = tpu.memref_slice %arg6[%add3A_147, %dma_wait3A_170] : memref<20480x128xf32, #tpu.memory_space<hbm>> -> memref<128x128xf32, #tpu.memory_space<hbm>>
      tpu.wait_dma2 semaphore(%run_scoped3A : memref<!tpu.dma_semaphore, #tpu.memory_space<semaphore_mem>>) src(%arg9 : memref<128x128xf32, #tpu.memory_space<vmem>>) dst(%dma_wait3A_171 : memref<128x128xf32, #tpu.memory_space<hbm>>)
      tpu.yield
    }) : () -> ()
    %add3A_148 = arith.constant 128 : i32
    %add3A_149 = arith.addi %mul3A_0, %add3A_148 : i32
    "tpu.region"() ({
      %run_scoped3A = tpu.sem_alloc : memref<!tpu.dma_semaphore, #tpu.memory_space<semaphore_mem>>
      %dma_start3A_164 = arith.constant 0 : i32
      %dma_start3A_165 = tpu.memref_slice %arg11[%add3A_149, %dma_start3A_164] : memref<10240x128xf32, #tpu.memory_space<vmem_shared>> -> memref<128x128xf32, #tpu.memory_space<vmem_shared>>
      %dma_start3A_166 = arith.constant 0 : i32
      %dma_start3A_167 = tpu.memref_slice %arg11[%add3A_149, %dma_start3A_166] : memref<10240x128xf32, #tpu.memory_space<vmem_shared>> -> memref<128x128xf32, #tpu.memory_space<vmem_shared>>
      tpu.enqueue_dma source(%dma_start3A_167 : memref<128x128xf32, #tpu.memory_space<vmem_shared>>) target(%arg9 : memref<128x128xf32, #tpu.memory_space<vmem>>) target_semaphore(%run_scoped3A : memref<!tpu.dma_semaphore, #tpu.memory_space<semaphore_mem>>)
      %dma_wait3A_168 = arith.constant 0 : i32
      %dma_wait3A_169 = tpu.memref_slice %arg11[%add3A_149, %dma_wait3A_168] : memref<10240x128xf32, #tpu.memory_space<vmem_shared>> -> memref<128x128xf32, #tpu.memory_space<vmem_shared>>
      %dma_wait3A_170 = arith.constant 0 : i32
      %dma_wait3A_171 = tpu.memref_slice %arg11[%add3A_149, %dma_wait3A_170] : memref<10240x128xf32, #tpu.memory_space<vmem_shared>> -> memref<128x128xf32, #tpu.memory_space<vmem_shared>>
      tpu.wait_dma2 semaphore(%run_scoped3A : memref<!tpu.dma_semaphore, #tpu.memory_space<semaphore_mem>>) src(%dma_wait3A_171 : memref<128x128xf32, #tpu.memory_space<vmem_shared>>) dst(%arg9 : memref<128x128xf32, #tpu.memory_space<vmem>>)
      tpu.yield
    }) : () -> ()
    %add3A_150 = arith.constant 128 : i32
    %add3A_151 = arith.addi %add3A, %add3A_150 : i32
    "tpu.region"() ({
      %run_scoped3A = tpu.sem_alloc : memref<!tpu.dma_semaphore, #tpu.memory_space<semaphore_mem>>
      %dma_start3A_164 = arith.constant 0 : i32
      %dma_start3A_165 = tpu.memref_slice %arg6[%add3A_151, %dma_start3A_164] : memref<20480x128xf32, #tpu.memory_space<hbm>> -> memref<128x128xf32, #tpu.memory_space<hbm>>
      %dma_start3A_166 = arith.constant 0 : i32
      %dma_start3A_167 = tpu.memref_slice %arg6[%add3A_151, %dma_start3A_166] : memref<20480x128xf32, #tpu.memory_space<hbm>> -> memref<128x128xf32, #tpu.memory_space<hbm>>
      tpu.enqueue_dma source(%arg9 : memref<128x128xf32, #tpu.memory_space<vmem>>) target(%dma_start3A_167 : memref<128x128xf32, #tpu.memory_space<hbm>>) target_semaphore(%run_scoped3A : memref<!tpu.dma_semaphore, #tpu.memory_space<semaphore_mem>>)
      %dma_wait3A_168 = arith.constant 0 : i32
      %dma_wait3A_169 = tpu.memref_slice %arg6[%add3A_151, %dma_wait3A_168] : memref<20480x128xf32, #tpu.memory_space<hbm>> -> memref<128x128xf32, #tpu.memory_space<hbm>>
      %dma_wait3A_170 = arith.constant 0 : i32
      %dma_wait3A_171 = tpu.memref_slice %arg6[%add3A_151, %dma_wait3A_170] : memref<20480x128xf32, #tpu.memory_space<hbm>> -> memref<128x128xf32, #tpu.memory_space<hbm>>
      tpu.wait_dma2 semaphore(%run_scoped3A : memref<!tpu.dma_semaphore, #tpu.memory_space<semaphore_mem>>) src(%arg9 : memref<128x128xf32, #tpu.memory_space<vmem>>) dst(%dma_wait3A_171 : memref<128x128xf32, #tpu.memory_space<hbm>>)
      tpu.yield
    }) : () -> ()
    %add3A_152 = arith.constant 256 : i32
    %add3A_153 = arith.addi %mul3A_0, %add3A_152 : i32
    "tpu.region"() ({
      %run_scoped3A = tpu.sem_alloc : memref<!tpu.dma_semaphore, #tpu.memory_space<semaphore_mem>>
      %dma_start3A_164 = arith.constant 0 : i32
      %dma_start3A_165 = tpu.memref_slice %arg11[%add3A_153, %dma_start3A_164] : memref<10240x128xf32, #tpu.memory_space<vmem_shared>> -> memref<128x128xf32, #tpu.memory_space<vmem_shared>>
      %dma_start3A_166 = arith.constant 0 : i32
      %dma_start3A_167 = tpu.memref_slice %arg11[%add3A_153, %dma_start3A_166] : memref<10240x128xf32, #tpu.memory_space<vmem_shared>> -> memref<128x128xf32, #tpu.memory_space<vmem_shared>>
      tpu.enqueue_dma source(%dma_start3A_167 : memref<128x128xf32, #tpu.memory_space<vmem_shared>>) target(%arg9 : memref<128x128xf32, #tpu.memory_space<vmem>>) target_semaphore(%run_scoped3A : memref<!tpu.dma_semaphore, #tpu.memory_space<semaphore_mem>>)
      %dma_wait3A_168 = arith.constant 0 : i32
      %dma_wait3A_169 = tpu.memref_slice %arg11[%add3A_153, %dma_wait3A_168] : memref<10240x128xf32, #tpu.memory_space<vmem_shared>> -> memref<128x128xf32, #tpu.memory_space<vmem_shared>>
      %dma_wait3A_170 = arith.constant 0 : i32
      %dma_wait3A_171 = tpu.memref_slice %arg11[%add3A_153, %dma_wait3A_170] : memref<10240x128xf32, #tpu.memory_space<vmem_shared>> -> memref<128x128xf32, #tpu.memory_space<vmem_shared>>
      tpu.wait_dma2 semaphore(%run_scoped3A : memref<!tpu.dma_semaphore, #tpu.memory_space<semaphore_mem>>) src(%dma_wait3A_171 : memref<128x128xf32, #tpu.memory_space<vmem_shared>>) dst(%arg9 : memref<128x128xf32, #tpu.memory_space<vmem>>)
      tpu.yield
    }) : () -> ()
    %add3A_154 = arith.constant 256 : i32
    %add3A_155 = arith.addi %add3A, %add3A_154 : i32
    "tpu.region"() ({
      %run_scoped3A = tpu.sem_alloc : memref<!tpu.dma_semaphore, #tpu.memory_space<semaphore_mem>>
      %dma_start3A_164 = arith.constant 0 : i32
      %dma_start3A_165 = tpu.memref_slice %arg6[%add3A_155, %dma_start3A_164] : memref<20480x128xf32, #tpu.memory_space<hbm>> -> memref<128x128xf32, #tpu.memory_space<hbm>>
      %dma_start3A_166 = arith.constant 0 : i32
      %dma_start3A_167 = tpu.memref_slice %arg6[%add3A_155, %dma_start3A_166] : memref<20480x128xf32, #tpu.memory_space<hbm>> -> memref<128x128xf32, #tpu.memory_space<hbm>>
      tpu.enqueue_dma source(%arg9 : memref<128x128xf32, #tpu.memory_space<vmem>>) target(%dma_start3A_167 : memref<128x128xf32, #tpu.memory_space<hbm>>) target_semaphore(%run_scoped3A : memref<!tpu.dma_semaphore, #tpu.memory_space<semaphore_mem>>)
      %dma_wait3A_168 = arith.constant 0 : i32
      %dma_wait3A_169 = tpu.memref_slice %arg6[%add3A_155, %dma_wait3A_168] : memref<20480x128xf32, #tpu.memory_space<hbm>> -> memref<128x128xf32, #tpu.memory_space<hbm>>
      %dma_wait3A_170 = arith.constant 0 : i32
      %dma_wait3A_171 = tpu.memref_slice %arg6[%add3A_155, %dma_wait3A_170] : memref<20480x128xf32, #tpu.memory_space<hbm>> -> memref<128x128xf32, #tpu.memory_space<hbm>>
      tpu.wait_dma2 semaphore(%run_scoped3A : memref<!tpu.dma_semaphore, #tpu.memory_space<semaphore_mem>>) src(%arg9 : memref<128x128xf32, #tpu.memory_space<vmem>>) dst(%dma_wait3A_171 : memref<128x128xf32, #tpu.memory_space<hbm>>)
      tpu.yield
    }) : () -> ()
    %add3A_156 = arith.constant 384 : i32
    %add3A_157 = arith.addi %mul3A_0, %add3A_156 : i32
    "tpu.region"() ({
      %run_scoped3A = tpu.sem_alloc : memref<!tpu.dma_semaphore, #tpu.memory_space<semaphore_mem>>
      %dma_start3A_164 = arith.constant 0 : i32
      %dma_start3A_165 = tpu.memref_slice %arg11[%add3A_157, %dma_start3A_164] : memref<10240x128xf32, #tpu.memory_space<vmem_shared>> -> memref<128x128xf32, #tpu.memory_space<vmem_shared>>
      %dma_start3A_166 = arith.constant 0 : i32
      %dma_start3A_167 = tpu.memref_slice %arg11[%add3A_157, %dma_start3A_166] : memref<10240x128xf32, #tpu.memory_space<vmem_shared>> -> memref<128x128xf32, #tpu.memory_space<vmem_shared>>
      tpu.enqueue_dma source(%dma_start3A_167 : memref<128x128xf32, #tpu.memory_space<vmem_shared>>) target(%arg9 : memref<128x128xf32, #tpu.memory_space<vmem>>) target_semaphore(%run_scoped3A : memref<!tpu.dma_semaphore, #tpu.memory_space<semaphore_mem>>)
      %dma_wait3A_168 = arith.constant 0 : i32
      %dma_wait3A_169 = tpu.memref_slice %arg11[%add3A_157, %dma_wait3A_168] : memref<10240x128xf32, #tpu.memory_space<vmem_shared>> -> memref<128x128xf32, #tpu.memory_space<vmem_shared>>
      %dma_wait3A_170 = arith.constant 0 : i32
      %dma_wait3A_171 = tpu.memref_slice %arg11[%add3A_157, %dma_wait3A_170] : memref<10240x128xf32, #tpu.memory_space<vmem_shared>> -> memref<128x128xf32, #tpu.memory_space<vmem_shared>>
      tpu.wait_dma2 semaphore(%run_scoped3A : memref<!tpu.dma_semaphore, #tpu.memory_space<semaphore_mem>>) src(%dma_wait3A_171 : memref<128x128xf32, #tpu.memory_space<vmem_shared>>) dst(%arg9 : memref<128x128xf32, #tpu.memory_space<vmem>>)
      tpu.yield
    }) : () -> ()
    %add3A_158 = arith.constant 384 : i32
    %add3A_159 = arith.addi %add3A, %add3A_158 : i32
    "tpu.region"() ({
      %run_scoped3A = tpu.sem_alloc : memref<!tpu.dma_semaphore, #tpu.memory_space<semaphore_mem>>
      %dma_start3A_164 = arith.constant 0 : i32
      %dma_start3A_165 = tpu.memref_slice %arg6[%add3A_159, %dma_start3A_164] : memref<20480x128xf32, #tpu.memory_space<hbm>> -> memref<128x128xf32, #tpu.memory_space<hbm>>
      %dma_start3A_166 = arith.constant 0 : i32
      %dma_start3A_167 = tpu.memref_slice %arg6[%add3A_159, %dma_start3A_166] : memref<20480x128xf32, #tpu.memory_space<hbm>> -> memref<128x128xf32, #tpu.memory_space<hbm>>
      tpu.enqueue_dma source(%arg9 : memref<128x128xf32, #tpu.memory_space<vmem>>) target(%dma_start3A_167 : memref<128x128xf32, #tpu.memory_space<hbm>>) target_semaphore(%run_scoped3A : memref<!tpu.dma_semaphore, #tpu.memory_space<semaphore_mem>>)
      %dma_wait3A_168 = arith.constant 0 : i32
      %dma_wait3A_169 = tpu.memref_slice %arg6[%add3A_159, %dma_wait3A_168] : memref<20480x128xf32, #tpu.memory_space<hbm>> -> memref<128x128xf32, #tpu.memory_space<hbm>>
      %dma_wait3A_170 = arith.constant 0 : i32
      %dma_wait3A_171 = tpu.memref_slice %arg6[%add3A_159, %dma_wait3A_170] : memref<20480x128xf32, #tpu.memory_space<hbm>> -> memref<128x128xf32, #tpu.memory_space<hbm>>
      tpu.wait_dma2 semaphore(%run_scoped3A : memref<!tpu.dma_semaphore, #tpu.memory_space<semaphore_mem>>) src(%arg9 : memref<128x128xf32, #tpu.memory_space<vmem>>) dst(%dma_wait3A_171 : memref<128x128xf32, #tpu.memory_space<hbm>>)
      tpu.yield
    }) : () -> ()
    %add3A_160 = arith.constant 512 : i32
    %add3A_161 = arith.addi %mul3A_0, %add3A_160 : i32
    "tpu.region"() ({
      %run_scoped3A = tpu.sem_alloc : memref<!tpu.dma_semaphore, #tpu.memory_space<semaphore_mem>>
      %dma_start3A_164 = arith.constant 0 : i32
      %dma_start3A_165 = tpu.memref_slice %arg11[%add3A_161, %dma_start3A_164] : memref<10240x128xf32, #tpu.memory_space<vmem_shared>> -> memref<128x128xf32, #tpu.memory_space<vmem_shared>>
      %dma_start3A_166 = arith.constant 0 : i32
      %dma_start3A_167 = tpu.memref_slice %arg11[%add3A_161, %dma_start3A_166] : memref<10240x128xf32, #tpu.memory_space<vmem_shared>> -> memref<128x128xf32, #tpu.memory_space<vmem_shared>>
      tpu.enqueue_dma source(%dma_start3A_167 : memref<128x128xf32, #tpu.memory_space<vmem_shared>>) target(%arg9 : memref<128x128xf32, #tpu.memory_space<vmem>>) target_semaphore(%run_scoped3A : memref<!tpu.dma_semaphore, #tpu.memory_space<semaphore_mem>>)
      %dma_wait3A_168 = arith.constant 0 : i32
      %dma_wait3A_169 = tpu.memref_slice %arg11[%add3A_161, %dma_wait3A_168] : memref<10240x128xf32, #tpu.memory_space<vmem_shared>> -> memref<128x128xf32, #tpu.memory_space<vmem_shared>>
      %dma_wait3A_170 = arith.constant 0 : i32
      %dma_wait3A_171 = tpu.memref_slice %arg11[%add3A_161, %dma_wait3A_170] : memref<10240x128xf32, #tpu.memory_space<vmem_shared>> -> memref<128x128xf32, #tpu.memory_space<vmem_shared>>
      tpu.wait_dma2 semaphore(%run_scoped3A : memref<!tpu.dma_semaphore, #tpu.memory_space<semaphore_mem>>) src(%dma_wait3A_171 : memref<128x128xf32, #tpu.memory_space<vmem_shared>>) dst(%arg9 : memref<128x128xf32, #tpu.memory_space<vmem>>)
      tpu.yield
    }) : () -> ()
    %add3A_162 = arith.constant 512 : i32
    %add3A_163 = arith.addi %add3A, %add3A_162 : i32
    "tpu.region"() ({
      %run_scoped3A = tpu.sem_alloc : memref<!tpu.dma_semaphore, #tpu.memory_space<semaphore_mem>>
      %dma_start3A_164 = arith.constant 0 : i32
      %dma_start3A_165 = tpu.memref_slice %arg6[%add3A_163, %dma_start3A_164] : memref<20480x128xf32, #tpu.memory_space<hbm>> -> memref<128x128xf32, #tpu.memory_space<hbm>>
      %dma_start3A_166 = arith.constant 0 : i32
      %dma_start3A_167 = tpu.memref_slice %arg6[%add3A_163, %dma_start3A_166] : memref<20480x128xf32, #tpu.memory_space<hbm>> -> memref<128x128xf32, #tpu.memory_space<hbm>>
      tpu.enqueue_dma source(%arg9 : memref<128x128xf32, #tpu.memory_space<vmem>>) target(%dma_start3A_167 : memref<128x128xf32, #tpu.memory_space<hbm>>) target_semaphore(%run_scoped3A : memref<!tpu.dma_semaphore, #tpu.memory_space<semaphore_mem>>)
      %dma_wait3A_168 = arith.constant 0 : i32
      %dma_wait3A_169 = tpu.memref_slice %arg6[%add3A_163, %dma_wait3A_168] : memref<20480x128xf32, #tpu.memory_space<hbm>> -> memref<128x128xf32, #tpu.memory_space<hbm>>
      %dma_wait3A_170 = arith.constant 0 : i32
      %dma_wait3A_171 = tpu.memref_slice %arg6[%add3A_163, %dma_wait3A_170] : memref<20480x128xf32, #tpu.memory_space<hbm>> -> memref<128x128xf32, #tpu.memory_space<hbm>>
      tpu.wait_dma2 semaphore(%run_scoped3A : memref<!tpu.dma_semaphore, #tpu.memory_space<semaphore_mem>>) src(%arg9 : memref<128x128xf32, #tpu.memory_space<vmem>>) dst(%dma_wait3A_171 : memref<128x128xf32, #tpu.memory_space<hbm>>)
      tpu.yield
    }) : () -> ()
    return
  }
}

module attributes {stable_mosaic.version = 14 : i64} {
  func.func @_tc_body(%arg0: i32, %arg1: memref<2x512x128xf32, #tpu.memory_space<vmem>>, %arg2: memref<2x512x128xf32, #tpu.memory_space<vmem>>, %arg3: memref<512x128xf32, #tpu.memory_space<vmem>>, %arg4: memref<128x128xf32, #tpu.memory_space<vmem>>, %arg5: memref<1x128xf32, #tpu.memory_space<vmem>>, %arg6: memref<128x128xf32, #tpu.memory_space<vmem>>, %arg7: memref<512x128xf32, #tpu.memory_space<vmem>>) attributes {dimension_semantics = [#tpu.dimension_semantics<arbitrary>], iteration_bounds = array<i64: 20>, scalar_prefetch = 0 : i64, scratch_operands = 0 : i64, tpu.core_type = #tpu.core_type<tc>, window_params = [{transform_indices = @transform_0, window_bounds = array<i64: 2, 512, 128>}, {transform_indices = @transform_1, window_bounds = array<i64: 2, 512, 128>}, {transform_indices = @transform_2, window_bounds = array<i64: 512, 128>}, {pipeline_mode = #tpu.pipeline_mode<synchronous>, transform_indices = @transform_3, window_bounds = array<i64: 128, 128>}, {pipeline_mode = #tpu.pipeline_mode<synchronous>, transform_indices = @transform_4, window_bounds = array<i64: 1, 128>}, {pipeline_mode = #tpu.pipeline_mode<synchronous>, transform_indices = @transform_5, window_bounds = array<i64: 128, 128>}, {transform_indices = @transform_6, window_bounds = array<i64: 512, 128>}]} {
    %get3A = arith.constant 0 : index
    %get3A_0 = arith.constant 0 : index
    %get3A_1 = arith.constant 0 : index
    %get3A_2 = vector.load %arg2[%get3A, %get3A_0, %get3A_1] : memref<2x512x128xf32, #tpu.memory_space<vmem>>, vector<1x512x1xf32>
    %get3A_3 = vector.shape_cast %get3A_2 : vector<1x512x1xf32> to vector<512x1xf32>
    %get3A_4 = arith.constant 1 : index
    %get3A_5 = arith.constant 0 : index
    %get3A_6 = arith.constant 0 : index
    %get3A_7 = vector.load %arg2[%get3A_4, %get3A_5, %get3A_6] : memref<2x512x128xf32, #tpu.memory_space<vmem>>, vector<1x512x1xf32>
    %get3A_8 = vector.shape_cast %get3A_7 : vector<1x512x1xf32> to vector<512x1xf32>
    %add3A = arith.addf %get3A_3, %get3A_8 : vector<512x1xf32>
    %max3A = arith.constant 1.000000e+00 : f32
    %max3A_9 = vector.broadcast %max3A : f32 to vector<512x1xf32>
    %max3A_10 = arith.maximumf %add3A, %max3A_9 : vector<512x1xf32>
    %div3A = arith.constant 1.000000e+00 : f32
    %div3A_11 = vector.broadcast %div3A : f32 to vector<512x1xf32>
    %div3A_12 = arith.divf %div3A_11, %max3A_10 : vector<512x1xf32>
    %get3A_13 = arith.constant 0 : index
    %get3A_14 = arith.constant 0 : index
    %get3A_15 = arith.constant 0 : index
    %get3A_16 = vector.load %arg1[%get3A_13, %get3A_14, %get3A_15] : memref<2x512x128xf32, #tpu.memory_space<vmem>>, vector<1x512x128xf32>
    %get3A_17 = vector.shape_cast %get3A_16 : vector<1x512x128xf32> to vector<512x128xf32>
    %get3A_18 = arith.constant 1 : index
    %get3A_19 = arith.constant 0 : index
    %get3A_20 = arith.constant 0 : index
    %get3A_21 = vector.load %arg1[%get3A_18, %get3A_19, %get3A_20] : memref<2x512x128xf32, #tpu.memory_space<vmem>>, vector<1x512x128xf32>
    %get3A_22 = vector.shape_cast %get3A_21 : vector<1x512x128xf32> to vector<512x128xf32>
    %add3A_23 = arith.addf %get3A_17, %get3A_22 : vector<512x128xf32>
    %mul3A = vector.broadcast %div3A_12 : vector<512x1xf32> to vector<512x128xf32>
    %mul3A_24 = arith.mulf %add3A_23, %mul3A : vector<512x128xf32>
    %get3A_25 = arith.constant 0 : index
    %get3A_26 = arith.constant 0 : index
    %get3A_27 = vector.load %arg4[%get3A_25, %get3A_26] : memref<128x128xf32, #tpu.memory_space<vmem>>, vector<128x128xf32>
    %dot_general3A = arith.constant dense<0.000000e+00> : vector<512x128xf32>
    %dot_general3A_28 = tpu.matmul %mul3A_24, %get3A_27, %dot_general3A {dimension_numbers = #tpu.dot_dimension_numbers<[1], [0], [0], [1], [0, 0, 1, 1], [], []>, transpose_lhs_hint = false} : vector<512x128xf32>, vector<128x128xf32>, vector<512x128xf32> -> vector<512x128xf32>
    %get3A_29 = arith.constant 0 : index
    %get3A_30 = arith.constant 0 : index
    %get3A_31 = vector.load %arg5[%get3A_29, %get3A_30] : memref<1x128xf32, #tpu.memory_space<vmem>>, vector<1x128xf32>
    %add3A_32 = vector.broadcast %get3A_31 : vector<1x128xf32> to vector<512x128xf32>
    %add3A_33 = arith.addf %dot_general3A_28, %add3A_32 : vector<512x128xf32>
    %get3A_34 = arith.constant 0 : index
    %get3A_35 = arith.constant 0 : index
    %get3A_36 = vector.load %arg3[%get3A_34, %get3A_35] : memref<512x128xf32, #tpu.memory_space<vmem>>, vector<512x128xf32>
    %get3A_37 = arith.constant 0 : index
    %get3A_38 = arith.constant 0 : index
    %get3A_39 = vector.load %arg6[%get3A_37, %get3A_38] : memref<128x128xf32, #tpu.memory_space<vmem>>, vector<128x128xf32>
    %dot_general3A_40 = arith.constant dense<0.000000e+00> : vector<512x128xf32>
    %dot_general3A_41 = tpu.matmul %get3A_36, %get3A_39, %dot_general3A_40 {dimension_numbers = #tpu.dot_dimension_numbers<[1], [0], [0], [1], [0, 0, 1, 1], [], []>, transpose_lhs_hint = false} : vector<512x128xf32>, vector<128x128xf32>, vector<512x128xf32> -> vector<512x128xf32>
    %add3A_42 = arith.addf %add3A_33, %dot_general3A_41 : vector<512x128xf32>
    %mul3A_43 = arith.mulf %add3A_42, %add3A_42 : vector<512x128xf32>
    %reduce_sum3A = arith.constant dense<0.000000e+00> : vector<512xf32>
    %reduce_sum3A_44 = vector.multi_reduction <add>, %mul3A_43, %reduce_sum3A [1] : vector<512x128xf32> to vector<512xf32>
    %broadcast_in_dim3A = vector.shape_cast %reduce_sum3A_44 : vector<512xf32> to vector<512x1xf32>
    %sqrt3A = math.sqrt %broadcast_in_dim3A : vector<512x1xf32>
    %max3A_45 = arith.constant 9.99999996E-13 : f32
    %max3A_46 = vector.broadcast %max3A_45 : f32 to vector<512x1xf32>
    %max3A_47 = arith.maximumf %sqrt3A, %max3A_46 : vector<512x1xf32>
    %div3A_48 = vector.broadcast %max3A_47 : vector<512x1xf32> to vector<512x128xf32>
    %div3A_49 = arith.divf %add3A_42, %div3A_48 : vector<512x128xf32>
    %swap3A = arith.constant 0 : index
    %swap3A_50 = arith.constant 0 : index
    %swap3A_51 = vector.load %arg7[%swap3A, %swap3A_50] : memref<512x128xf32, #tpu.memory_space<vmem>>, vector<512x128xf32>
    tpu.vector_store %arg7[%swap3A, %swap3A_50], %div3A_49 {strides = array<i32>} : memref<512x128xf32, #tpu.memory_space<vmem>>, vector<512x128xf32>,
    return
  }
  func.func @transform_0(%arg0: i32) -> (i32, i32, i32) {
    %c0_i32 = arith.constant 0 : i32
    %c0_i32_0 = arith.constant 0 : i32
    %c0_i32_1 = arith.constant 0 : i32
    return %c0_i32, %arg0, %c0_i32_0 : i32, i32, i32
  }
  func.func @transform_1(%arg0: i32) -> (i32, i32, i32) {
    %c0_i32 = arith.constant 0 : i32
    %c0_i32_0 = arith.constant 0 : i32
    %c0_i32_1 = arith.constant 0 : i32
    return %c0_i32, %arg0, %c0_i32_0 : i32, i32, i32
  }
  func.func @transform_2(%arg0: i32) -> (i32, i32) {
    %c0_i32 = arith.constant 0 : i32
    %c0_i32_0 = arith.constant 0 : i32
    return %arg0, %c0_i32 : i32, i32
  }
  func.func @transform_3(%arg0: i32) -> (i32, i32) {
    %c0_i32 = arith.constant 0 : i32
    %c0_i32_0 = arith.constant 0 : i32
    %c0_i32_1 = arith.constant 0 : i32
    return %c0_i32, %c0_i32_0 : i32, i32
  }
  func.func @transform_4(%arg0: i32) -> (i32, i32) {
    %c0_i32 = arith.constant 0 : i32
    %c0_i32_0 = arith.constant 0 : i32
    %c0_i32_1 = arith.constant 0 : i32
    return %c0_i32, %c0_i32_0 : i32, i32
  }
  func.func @transform_5(%arg0: i32) -> (i32, i32) {
    %c0_i32 = arith.constant 0 : i32
    %c0_i32_0 = arith.constant 0 : i32
    %c0_i32_1 = arith.constant 0 : i32
    return %c0_i32, %c0_i32_0 : i32, i32
  }
  func.func @transform_6(%arg0: i32) -> (i32, i32) {
    %c0_i32 = arith.constant 0 : i32
    %c0_i32_0 = arith.constant 0 : i32
    return %arg0, %c0_i32 : i32, i32
  }
}

module attributes {stable_mosaic.version = 14 : i64} {
  func.func @_tc_body(%arg0: i32, %arg1: memref<2x512x128xf32, #tpu.memory_space<vmem>>, %arg2: memref<2x512x128xf32, #tpu.memory_space<vmem>>, %arg3: memref<512x128xf32, #tpu.memory_space<vmem>>, %arg4: memref<128x128xf32, #tpu.memory_space<vmem>>, %arg5: memref<1x128xf32, #tpu.memory_space<vmem>>, %arg6: memref<128x128xf32, #tpu.memory_space<vmem>>, %arg7: memref<512x128xf32, #tpu.memory_space<vmem>>) attributes {dimension_semantics = [#tpu.dimension_semantics<arbitrary>], iteration_bounds = array<i64: 20>, scalar_prefetch = 0 : i64, scratch_operands = 0 : i64, tpu.core_type = #tpu.core_type<tc>, window_params = [{transform_indices = @transform_0, window_bounds = array<i64: 2, 512, 128>}, {transform_indices = @transform_1, window_bounds = array<i64: 2, 512, 128>}, {transform_indices = @transform_2, window_bounds = array<i64: 512, 128>}, {pipeline_mode = #tpu.pipeline_mode<synchronous>, transform_indices = @transform_3, window_bounds = array<i64: 128, 128>}, {pipeline_mode = #tpu.pipeline_mode<synchronous>, transform_indices = @transform_4, window_bounds = array<i64: 1, 128>}, {pipeline_mode = #tpu.pipeline_mode<synchronous>, transform_indices = @transform_5, window_bounds = array<i64: 128, 128>}, {transform_indices = @transform_6, window_bounds = array<i64: 512, 128>}]} {
    %get3A = arith.constant 0 : index
    %get3A_0 = arith.constant 0 : index
    %get3A_1 = arith.constant 0 : index
    %get3A_2 = vector.load %arg2[%get3A, %get3A_0, %get3A_1] : memref<2x512x128xf32, #tpu.memory_space<vmem>>, vector<1x512x1xf32>
    %get3A_3 = vector.shape_cast %get3A_2 : vector<1x512x1xf32> to vector<512x1xf32>
    %get3A_4 = arith.constant 1 : index
    %get3A_5 = arith.constant 0 : index
    %get3A_6 = arith.constant 0 : index
    %get3A_7 = vector.load %arg2[%get3A_4, %get3A_5, %get3A_6] : memref<2x512x128xf32, #tpu.memory_space<vmem>>, vector<1x512x1xf32>
    %get3A_8 = vector.shape_cast %get3A_7 : vector<1x512x1xf32> to vector<512x1xf32>
    %add3A = arith.addf %get3A_3, %get3A_8 : vector<512x1xf32>
    %max3A = arith.constant 1.000000e+00 : f32
    %max3A_9 = vector.broadcast %max3A : f32 to vector<512x1xf32>
    %max3A_10 = arith.maximumf %add3A, %max3A_9 : vector<512x1xf32>
    %div3A = arith.constant 1.000000e+00 : f32
    %div3A_11 = vector.broadcast %div3A : f32 to vector<512x1xf32>
    %div3A_12 = arith.divf %div3A_11, %max3A_10 : vector<512x1xf32>
    %get3A_13 = arith.constant 0 : index
    %get3A_14 = arith.constant 0 : index
    %get3A_15 = arith.constant 0 : index
    %get3A_16 = vector.load %arg1[%get3A_13, %get3A_14, %get3A_15] : memref<2x512x128xf32, #tpu.memory_space<vmem>>, vector<1x512x128xf32>
    %get3A_17 = vector.shape_cast %get3A_16 : vector<1x512x128xf32> to vector<512x128xf32>
    %get3A_18 = arith.constant 1 : index
    %get3A_19 = arith.constant 0 : index
    %get3A_20 = arith.constant 0 : index
    %get3A_21 = vector.load %arg1[%get3A_18, %get3A_19, %get3A_20] : memref<2x512x128xf32, #tpu.memory_space<vmem>>, vector<1x512x128xf32>
    %get3A_22 = vector.shape_cast %get3A_21 : vector<1x512x128xf32> to vector<512x128xf32>
    %add3A_23 = arith.addf %get3A_17, %get3A_22 : vector<512x128xf32>
    %mul3A = vector.broadcast %div3A_12 : vector<512x1xf32> to vector<512x128xf32>
    %mul3A_24 = arith.mulf %add3A_23, %mul3A : vector<512x128xf32>
    %get3A_25 = arith.constant 0 : index
    %get3A_26 = arith.constant 0 : index
    %get3A_27 = vector.load %arg4[%get3A_25, %get3A_26] : memref<128x128xf32, #tpu.memory_space<vmem>>, vector<128x128xf32>
    %dot_general3A = arith.constant dense<0.000000e+00> : vector<512x128xf32>
    %dot_general3A_28 = tpu.matmul %mul3A_24, %get3A_27, %dot_general3A {dimension_numbers = #tpu.dot_dimension_numbers<[1], [0], [0], [1], [0, 0, 1, 1], [], []>, transpose_lhs_hint = false} : vector<512x128xf32>, vector<128x128xf32>, vector<512x128xf32> -> vector<512x128xf32>
    %get3A_29 = arith.constant 0 : index
    %get3A_30 = arith.constant 0 : index
    %get3A_31 = vector.load %arg5[%get3A_29, %get3A_30] : memref<1x128xf32, #tpu.memory_space<vmem>>, vector<1x128xf32>
    %add3A_32 = vector.broadcast %get3A_31 : vector<1x128xf32> to vector<512x128xf32>
    %add3A_33 = arith.addf %dot_general3A_28, %add3A_32 : vector<512x128xf32>
    %get3A_34 = arith.constant 0 : index
    %get3A_35 = arith.constant 0 : index
    %get3A_36 = vector.load %arg3[%get3A_34, %get3A_35] : memref<512x128xf32, #tpu.memory_space<vmem>>, vector<512x128xf32>
    %get3A_37 = arith.constant 0 : index
    %get3A_38 = arith.constant 0 : index
    %get3A_39 = vector.load %arg6[%get3A_37, %get3A_38] : memref<128x128xf32, #tpu.memory_space<vmem>>, vector<128x128xf32>
    %dot_general3A_40 = arith.constant dense<0.000000e+00> : vector<512x128xf32>
    %dot_general3A_41 = tpu.matmul %get3A_36, %get3A_39, %dot_general3A_40 {dimension_numbers = #tpu.dot_dimension_numbers<[1], [0], [0], [1], [0, 0, 1, 1], [], []>, transpose_lhs_hint = false} : vector<512x128xf32>, vector<128x128xf32>, vector<512x128xf32> -> vector<512x128xf32>
    %add3A_42 = arith.addf %add3A_33, %dot_general3A_41 : vector<512x128xf32>
    %max3A_43 = arith.constant 0.000000e+00 : f32
    %max3A_44 = vector.broadcast %max3A_43 : f32 to vector<512x128xf32>
    %max3A_45 = arith.maximumf %add3A_42, %max3A_44 : vector<512x128xf32>
    %swap3A = arith.constant 0 : index
    %swap3A_46 = arith.constant 0 : index
    %swap3A_47 = vector.load %arg7[%swap3A, %swap3A_46] : memref<512x128xf32, #tpu.memory_space<vmem>>, vector<512x128xf32>
    tpu.vector_store %arg7[%swap3A, %swap3A_46], %max3A_45 {strides = array<i32>} : memref<512x128xf32, #tpu.memory_space<vmem>>, vector<512x128xf32>,
    return
  }
  func.func @transform_0(%arg0: i32) -> (i32, i32, i32) {
    %c0_i32 = arith.constant 0 : i32
    %c0_i32_0 = arith.constant 0 : i32
    %c0_i32_1 = arith.constant 0 : i32
    return %c0_i32, %arg0, %c0_i32_0 : i32, i32, i32
  }
  func.func @transform_1(%arg0: i32) -> (i32, i32, i32) {
    %c0_i32 = arith.constant 0 : i32
    %c0_i32_0 = arith.constant 0 : i32
    %c0_i32_1 = arith.constant 0 : i32
    return %c0_i32, %arg0, %c0_i32_0 : i32, i32, i32
  }
  func.func @transform_2(%arg0: i32) -> (i32, i32) {
    %c0_i32 = arith.constant 0 : i32
    %c0_i32_0 = arith.constant 0 : i32
    return %arg0, %c0_i32 : i32, i32
  }
  func.func @transform_3(%arg0: i32) -> (i32, i32) {
    %c0_i32 = arith.constant 0 : i32
    %c0_i32_0 = arith.constant 0 : i32
    %c0_i32_1 = arith.constant 0 : i32
    return %c0_i32, %c0_i32_0 : i32, i32
  }
  func.func @transform_4(%arg0: i32) -> (i32, i32) {
    %c0_i32 = arith.constant 0 : i32
    %c0_i32_0 = arith.constant 0 : i32
    %c0_i32_1 = arith.constant 0 : i32
    return %c0_i32, %c0_i32_0 : i32, i32
  }
  func.func @transform_5(%arg0: i32) -> (i32, i32) {
    %c0_i32 = arith.constant 0 : i32
    %c0_i32_0 = arith.constant 0 : i32
    %c0_i32_1 = arith.constant 0 : i32
    return %c0_i32, %c0_i32_0 : i32, i32
  }
  func.func @transform_6(%arg0: i32) -> (i32, i32) {
    %c0_i32 = arith.constant 0 : i32
    %c0_i32_0 = arith.constant 0 : i32
    return %arg0, %c0_i32 : i32, i32
  }
}

</mosaic_0001>

<sc_bundles>
// kernel: kernel.10.cloned.1.call-start
scs
__scs_entry_jumppad:
0x0: {  	(pc) =	sbr.rel $0x88, $3  }
0x1: {  	(tag) =	ssettag $0x0;
	lr =	simm.s32 $0x1  }
0x2: {  	[smem:$0x3F99] =	sst lr;
	_ =	strace $0xD0000000  }
0x3: {  	_ = 	snop  }
0x4: {  	_ = 	snop  }
0x5: {  	_ = 	snop  }
0x6: {  	_ = 	snop  }
0x7: {  	_ = 	snop  }
__scs_overlays_trampoline_lowered:
0x8: {  	[smem:$0x3FA8] =	sst s0  }
0x9: {  	[smem:$0x3FA9] =	sst s1  }
0xa: {  	[smem:$0x3FAA] =	sst s2  }
0xb: {  	[smem:$0x3FAB] =	sst s3  }
0xc: {  	[smem:$0x3FAC] =	sst s4  }
0xd: {  	[smem:$0x3FAD] =	sst s5  }
0xe: {  	[smem:$0x3FAE] =	sst s6  }
0xf: {  	[smem:$0x3FAF] =	sst s7  }
0x10: {  	[smem:$0x3FB0] =	sst s8  }
0x11: {  	[smem:$0x3FB1] =	sst s9;
	s0 =	simm.s32 @!p0 $0x0  }
0x12: {  	s1 =	sld [smem:$0x3F97];
	s0 =	simm.s32 @p0 $0x1  }
0x13: {  	[smem:$0x3FB2] =	sst s0;
	s0 =	simm.s32 @!p1 $0x0  }
0x14: {  	s2 =	sld [smem:$0x3F96];
	s0 =	simm.s32 @p1 $0x1  }
0x15: {  	[smem:$0x3FB3] =	sst s0;
	s0 =	simm.s32 @!p2 $0x0  }
0x16: {  	s3 =	sld [smem:$0x3FDB];
	s0 =	simm.s32 @p2 $0x1  }
0x17: {  	s4 =	simm.s32 $0x1BF5;
	[smem:$0x3FB5] =	sst s0  }
0x18: {  	s0 =	sld [smem:$0x3F98];
	_ =	swait.ge [sflag:s4], $0x0  }
0x19: {  	s7 =	sld [smem:$0x3F99]  }
0x1a: {  	s8 =	sadd.s32 $0xFFFFE003, lr  }
0x1b: {  	s9 =	sadd.s32 $0xFFFFFEF7, lr;
	s5 =	simm.s32 $0xFFFFFFFF;
	p2 =	slt.u32 s8, $0xFFFFF086  }
0x1c: {  	p1 =	slt.u32 s9, $0xF7A;
	s5 =	simm.s32 @!p2 $0x0  }
0x1d: {  	s5 =	simm.s32 @p1 $0x1;
	p0 =	seq.s32 s7, s2  }
0x1e: {  	s7 =	smul.u32 @!p0 $0xF7A, s2;
	p2 =	seq.s32 @!p0 s5, $0x0  }
0x1f: {  	s9 =	smul.u32 $0xF7A, s1;
	s8 =	simm.s32 @!p0 $0x1BF5;
	p2 =	por !p2, p0  }
0x20: {  	[sflag:s8] =	ssyncset.s32 @!p0 $0xFFFFF086;
	s6 =	sadd.s32 @!p0 s3, s7;
	s7 =	simm.s32 @!p0 $0x108  }
0x21: {  	s3 =	sadd.s32 s3, s9;
	s6 =	sadd.s32 @!p0 $0x88, s6;
	s7 =	simm.s32 @p2 $0x1082  }
0x22: {  	[simem:s7], [sflag:s8] =	dma.local @!p0 [hbm:s6], $0xF7A  }
0x23: {  	s9 =	sor.u32 $0xD0000000, s2;
	s6 =	simm.s32 $0x108;
	_ =	swait.ge @!p0 [sflag:s8], $0x0  }
0x24: {  	s3 =	sadd.s32 $0x88, s3;
	s6 =	simm.s32 @!p1 $0x1082;
	[sflag:s4] =	ssyncset.s32 $0xFFFFF086  }
0x25: {  	[simem:s6], [sflag:s4] =	dma.local [hbm:s3], $0xF7A  }
0x26: {  	[smem:$0x3F99] =	sst s1;
	(tag) =	ssettag s2;
	_ =	strace s9  }
0x27: {  	s1 =	sld [smem:$0x3FA9]  }
0x28: {  	s2 =	sld [smem:$0x3FAA]  }
0x29: {  	s4 =	sld [smem:$0x3FAC]  }
0x2a: {  	p0 =	seq.s32 s5, $0x0;
	s5 =	sld [smem:$0x3FAD]  }
0x2b: {  	s6 =	sld [smem:$0x3FAE]  }
0x2c: {  	s7 =	sld [smem:$0x3FAF]  }
0x2d: {  	s3 =	simm.s32 $0x108;
	s8 =	sld [smem:$0x3FB0]  }
0x2e: {  	s3 =	simm.s32 @!p0 $0x1082;
	s9 =	sld [smem:$0x3FB1]  }
0x2f: {  	lr =	sadd.s32 s0, s3;
	s0 =	sld [smem:$0x3FA8]  }
0x30: {  	s3 =	sld [smem:$0x3FAB]  }
0x31: {  	[smem:$0x3FB4] =	sst s10  }
0x32: {  	s10 =	sld [smem:$0x3FB2];
	_ =	sdelay $0x3  }
0x33: {  	p0 =	seq.s32 s10, $0x1;
	s10 =	sld [smem:$0x3FB4];
	_ =	sdelay $0x3  }
0x34: {  	[smem:$0x3FB4] =	sst s10  }
0x35: {  	s10 =	sld [smem:$0x3FB3];
	_ =	sdelay $0x3  }
0x36: {  	p1 =	seq.s32 s10, $0x1;
	s10 =	sld [smem:$0x3FB4];
	_ =	sdelay $0x3  }
0x37: {  	[smem:$0x3FB4] =	sst s10  }
0x38: {  	s10 =	sld [smem:$0x3FB5]  }
0x39: {  	_ = 	snop;
	(pc) =	sbr.ind lr, $3  }
0x3a: {  	_ = 	snop  }
0x3b: {  	_ = 	snop  }
0x3c: {  	p2 =	seq.s32 s10, $0x1;
	s10 =	sld [smem:$0x3FB4]  }
0x3d: {  	_ =	shalt  }
0x3e: {  	_ =	shalt  }
0x3f: {  	_ =	shalt  }
0x40: {  	_ =	shalt  }
0x41: {  	_ =	shalt  }
0x42: {  	_ =	shalt  }
0x43: {  	_ =	shalt  }
0x44: {  	_ =	shalt  }
0x45: {  	_ =	shalt  }
0x46: {  	_ =	shalt  }
0x47: {  	_ =	shalt  }
0x48: {  	_ =	shalt  }
0x49: {  	_ =	shalt  }
0x4a: {  	_ =	shalt  }
0x4b: {  	_ =	shalt  }
0x4c: {  	_ =	shalt  }
0x4d: {  	_ =	shalt  }
0x4e: {  	_ =	shalt  }
0x4f: {  	_ =	shalt  }
0x50: {  	_ =	shalt  }
0x51: {  	_ =	shalt  }
0x52: {  	_ =	shalt  }
0x53: {  	_ =	shalt  }
0x54: {  	_ =	shalt  }
0x55: {  	_ =	shalt  }
0x56: {  	_ =	shalt  }
0x57: {  	_ =	shalt  }
0x58: {  	_ =	shalt  }
0x59: {  	_ =	shalt  }
0x5a: {  	_ =	shalt  }
0x5b: {  	_ =	shalt  }
0x5c: {  	_ =	shalt  }
0x5d: {  	_ =	shalt  }
0x5e: {  	_ =	shalt  }
0x5f: {  	_ =	shalt  }
0x60: {  	_ =	shalt  }
0x61: {  	_ =	shalt  }
0x62: {  	_ =	shalt  }
0x63: {  	_ =	shalt  }
0x64: {  	_ =	shalt  }
0x65: {  	_ =	shalt  }
0x66: {  	_ =	shalt  }
0x67: {  	_ =	shalt  }
0x68: {  	_ =	shalt  }
0x69: {  	_ =	shalt  }
0x6a: {  	_ =	shalt  }
0x6b: {  	_ =	shalt  }
0x6c: {  	_ =	shalt  }
0x6d: {  	_ =	shalt  }
0x6e: {  	_ =	shalt  }
0x6f: {  	_ =	shalt  }
0x70: {  	_ =	shalt  }
0x71: {  	_ =	shalt  }
0x72: {  	_ =	shalt  }
0x73: {  	_ =	shalt  }
0x74: {  	_ =	shalt  }
0x75: {  	_ =	shalt  }
0x76: {  	_ =	shalt  }
0x77: {  	_ =	shalt  }
0x78: {  	_ =	shalt  }
0x79: {  	_ =	shalt  }
0x7a: {  	_ =	shalt  }
0x7b: {  	_ =	shalt  }
0x7c: {  	_ =	shalt  }
0x7d: {  	_ =	shalt  }
0x7e: {  	_ =	shalt  }
0x7f: {  	_ =	shalt  }
0x80: {  	_ =	shalt  }
0x81: {  	_ =	shalt  }
0x82: {  	_ =	shalt  }
0x83: {  	_ =	shalt  }
0x84: {  	_ =	shalt  }
0x85: {  	_ =	shalt  }
0x86: {  	_ =	shalt  }
0x87: {  	_ =	shalt  }
.Lfunc_end0:
.L_simem_size_0:
called_computation.1_lowered:
.L_overlay_start_0:
0x88: {  	s2 =	sld [smem:$0x3FD9]  }
0x89: {  	s3 =	sld [smem:$0x3FFE];
	_ =	sdelay $0x1  }
0x8a: {  	s1 =	srdreg.scid  }
0x8b: {  	s0 =	sand.u32 $0x1, s1  }
0x8c: {  	s17 =	sshll.u32 s0, $0xA;
	s2 =	sadd.s32 s3, s2  }
0x8d: {  	s2 =	sadd.s32 s2, s17  }
0x8e: {  	[smem:$0x3FC0] =	sst s2  }
0x8f: {  	_ = 	snop  }
0x90: {  	s18 =	sld [smem:$0x3FD0];
	(tm) =	ssettm $0x1  }
0x91: {  	s19 =	sld [smem:$0x3FFB];
	_ =	sdelay $0x3  }
0x92: {  	_ =	strace s19  }
0x93: {  	s2 =	sld [smem:$0x3FFC];
	_ =	sdelay $0x3  }
0x94: {  	_ =	strace s2  }
0x95: {  	s2 =	sld [smem:$0x3FFD];
	_ =	sdelay $0x3  }
0x96: {  	_ =	strace s2  }
0x97: {  	_ =	strace $0x8FFFFFFF  }
0x98: {  	s20 =	sld [smem:$0x3FDB];
	_ =	sdelay $0x1  }
0x99: {  	s4 =	simm.s32 $_scs_section_size  }
0x9a: {  	s5 =	simm.s32 $_size__tile_overlayer_lowered;
	s6 =	simm.s32 $_tile_overlayer_lowered  }
0x9b: {  	s7 =	simm.s32 $0x1BFF;
	s21 =	sshll.u32 s6, $0x1;
	s4 =	sadd.s32 s4, s20  }
0x9c: {  	s22 =	simm.s32 $0x0;
	s5 =	sshll.u32 s5, $0x1;
	s6 =	sadd.s32 s21, s4  }
0x9d: {  	[timem:s22], [sflag:s7] =	dma.local [hbm:s6], s5  }
0x9e: {  	_ =	swait.ge [sflag:s7], s5  }
0x9f: {  	s5 =	ssub.s32 $0x0, s5;
	[sflag:s7] =	ssyncset.done $0x0  }
0xa0: {  	[sflag:s7] =	ssyncadd.s32 s5;
	_ =	sdelay $0x1  }
0xa1: {  	s23 =	simm.s32 $0x1B8B  }
0xa2: {  	_ =	swait.ge [sflag:s23], $0x1  }
0xa3: {  	[sflag:s23] =	ssyncset.done $0x0  }
0xa4: {  	[sflag:s23] =	ssyncadd.s32 $0xFFFFFFFF  }
0xa5: {  	s5 =	sld [smem:$0x0]  }
0xa6: {  	s6 =	sand.u32 $0xFFFFFFFE, s1  }
0xa7: {  	p0 =	sne.s32 s1, s6  }
0xa8: {  	s6 =	sshll.u32 @p0 s6, $0xE  }
0xa9: {  	s6 =	sadd.s32 @p0 $0x11B8D, s6;
	s7 =	sshll.u32 @p0 s5, $0x11  }
0xaa: {  	s6 =	sor.u32 @p0 s7, s6  }
0xab: {  	[sflag:s6] =	ssyncadd.remote.s32 @p0 $0x1;
	_ =	sdelay $0x1  }
0xac: {  	s6 =	simm.s32 @p0 $0x1B8D  }
0xad: {  	_ =	swait.eq @p0 [sflag:s6], $0x1  }
0xae: {  	[sflag:s6] =	ssyncadd.s32 @p0 $0xFFFFFFFF  }
0xaf: {  	s7 =	sshll.u32 @!p0 s1, $0xE  }
0xb0: {  	s7 =	sor.u32 @!p0 $0x4000, s7;
	s6 =	simm.s32 @!p0 $0x1B8D  }
0xb1: {  	s5 =	sshll.u32 @!p0 s5, $0x11;
	s7 =	sadd.s32 @!p0 $0x11B8D, s7;
	_ =	swait.eq @!p0 [sflag:s6], $0x1  }
0xb2: {  	s5 =	sor.u32 @!p0 s5, s7;
	[sflag:s6] =	ssyncadd.s32 @!p0 $0xFFFFFFFF  }
0xb3: {  	s25 =	simm.s32 $0x1B8E;
	s24 =	sld [smem:$0x3FFE];
	[sflag:s5] =	ssyncadd.remote.s32 @!p0 $0x1  }
0xb4: {  	s26 =	simm.s32 $execute0_lowered;
	[smem:$0x3FD2] =	sst s25  }
0xb5: {  	s6 =	sshll.u32 s26, $0x1;
	_ =	strace $0x80000049;
	[dreg:$0x1] =	wrdreg $0xFFFFFFFF  }
0xb6: {  	s28 =	simm.s32 $_size_execute0_lowered;
	s4 =	sadd.s32 s4, s6;
	[dreg:$0x0] =	wrdreg $0x0  }
0xb7: {  	s6 =	sshll.u32 s28, $0x1;
	[dreg:$0x2] =	wrdreg s4  }
0xb8: {  	[dreg:$0x3] =	wrdreg s6  }
0xb9: {  	[dreg:$0x4] =	wrdreg $0xC0  }
0xba: {  	_ =	task [dreg:s22], $0x5FFFF  }
0xbb: {  	[dreg:$0x1] =	wrdreg $0xFFFFFFFF  }
0xbc: {  	[dreg:$0x0] =	wrdreg $0x60  }
0xbd: {  	[dreg:$0x2] =	wrdreg s24  }
0xbe: {  	[dreg:$0x3] =	wrdreg s18  }
0xbf: {  	[dreg:$0x4] =	wrdreg $0xA8000  }
0xc0: {  	[dreg:$0x5] =	wrdreg $0xA  }
0xc1: {  	_ =	task.clear_ibuf [dreg:s22], $0x6FFFF;
	_ =	strace $0x90000049  }
0xc2: {  	s29 =	simm.s32 $0xA;
	_ =	strace $0x8000004B  }
0xc3: {  	_ =	swait.ge [sflag:s29], $0x1  }
0xc4: {  	[sflag:s29] =	ssyncadd.s32 $0xFFFFFFFF  }
0xc5: {  	_ =	strace $0x9000004B  }
0xc6: {  	_ =	sfence  }
0xc7: {  	s30 =	sld [smem:$0x0];
	_ =	sdelay $0x2  }
0xc8: {  	s31 =	sshll.u32 s1, $0xD;
	s1 =	sshrl.u32 s1, $0x2  }
0xc9: {  	s4 =	sand.u32 $0x4000, s31;
	s1 =	sadd.s32 s1, s30  }
0xca: {  	s0 =	sor.u32 s4, s0;
	s1 =	sshll.u32 s1, $0x11  }
0xcb: {  	s0 =	sor.u32 s1, s0  }
0xcc: {  	s0 =	sadd.s32 $0x8F2B, s0  }
0xcd: {  	[sflag:s0] =	ssyncadd.remote.s32 $0x1  }
0xce: {  	_ =	sfence.sel $0xFFFF  }
0xcf: {  	[dreg:$0x0] =	wrdreg $0xFFFFFFFF;
	(pc) =	sbr.abs _section_cstart, $3  }
0xd0: {  	[dreg:$0x1] =	wrdreg $0xFFFFFFFF  }
0xd1: {  	_ =	task.clear_ibuf [dreg:s22], $0x2FFFF;
	_ =	strace $0x9FFFFFFF  }
0xd2: {  	(tm) =	ssettm $0x7FFFFFFF  }
0xd3: {  	_ =	shalt  }
tec
execute0_lowered:
.L_overlay_start_1:
0x0: {  	(tag) =	ssettag $0x1  }
0x1: {  	s0 =	rddreg [dreg:$0x0]  }
0x2: {  	s1 =	rddreg [dreg:$0x1]  }
0x3: {  	s3 =	srdreg.scid;
	s9 =	stileid.u32  }
0x4: {  	s2 =	rddreg [dreg:$0x2];
	s21 =	simm.s32 $0x2800;
	s22 =	simm.s32 $0x5  }
0x5: {  	s23 =	simm.s32 $0x6800;
	s28 =	simm.s32 $0x3;
	s29 =	simm.s32 $0x2  }
0x6: {  	s30 =	simm.s32 $0x4;
	s31 =	simm.s32 $0x2700;
	s6 =	sand.u32 $0x1, s3  }
0x7: {  	s5 =	smul.u32 $0x280, s9;
	s3 =	simm.s32 $0x0;
	s4 =	sadd.s32 $0x5DE00, s0  }
0x8: {  	s11 =	sadd.s32 $0x2A00, s0;
	s8 =	smul.u32 $0x50000, s9;
	s24 =	sshll.u32 s9, $0x1  }
0x9: {  	s7 =	smul.u32 $0x2800, s6;
	[smem:$0x7FF] =	sst s3;
	s25 =	ssub.s32 $0x2, s6  }
0xa: {  	s10 =	sor.u32 s6, s24;
	s24 =	simm.s32 $0x1400;
	_ =	strace $0x8000004A  }
0xb: {  	s8 =	sshrl.u32 s8, $0x2;
	s26 =	sshrl.u32 s25, $0x1;
	s12 =	smul.u32 $0x2800, s10  }
0xc: {  	s13 =	smul.u32 $0x500, s10;
	s5 =	sadd.s32 s5, s7;
	s6 =	sadd.s32 s8, s2  }
0xd: {  	s20 =	ssub.s32 s25, s26;
	s25 =	simm.s32 $0x80;
	s26 =	simm.s32 $0x1  }
0xe: {  	s7 =	sshll.u32 s5, $0x4;
	s5 =	sadd.s32 $0xCE00, s0;
	s8 =	sadd.s32 $0x8000, s6  }
0xf: {  	s9 =	sadd.s32 $0xC000, s6;
	s12 =	sshrl.u32 s12, $0x3;
	s10 =	sadd.s32 $0x10000, s6  }
0x10: {  	s14 =	sadd.s32 s1, s13;
	s13 =	sadd.s32 s11, s13;
	s20 =	smax.u32 s20, $0x1  }
0x11: {  	s0 =	sadd.s32 s7, s0;
	[dreg:$0x4] =	wrdreg s14;
	s12 =	sadd.s32 $0x280, s12  }
0x12: {  	s7 =	sadd.s32 $0x4000, s6;
	[dreg:$0x5] =	wrdreg s13;
	s1 =	sadd.s32 s1, s12  }
0x13: {  	s14 =	sadd.s32 s11, s12;
	s15 =	sadd.s32 $0x85E00, s0;
	s16 =	sadd.s32 $0x86600, s0  }
0x14: {  	s17 =	sadd.s32 $0x86E00, s0;
	s18 =	sadd.s32 $0x87600, s0;
	s19 =	sadd.s32 $0x87E00, s0  }
0x15: {  	s0 =	simm.s32 $0x0;
	[dreg:$0x6] =	wrdreg s1;
	s1 =	simm.s32 $0x2780  }
.LBB2_1:
0x16: {  	[tilespmem:s21], [sflag:$0x5] =	stream.linear.gather [hbm4b:s5+s3], $0x4000, $0x38;
	[tilespmem:$0x1E800] =	vst v63  }
0x17: {  	_ =	swait.ge [sflag:s22], $0x4000  }
0x18: {  	[sflag:s22] =	ssyncset.done $0x0  }
0x19: {  	[sflag:s22] =	ssyncadd.s32 $0xFFFFC000  }
0x1a: {  	[tilespmem:s23], [sflag:$0x5] =	stream.linear.gather [hbm4b:s5+s3], $0x4000, $0x38;
	[tilespmem:$0x1E800] =	vst v63  }
0x1b: {  	_ =	swait.ge [sflag:s22], $0x4000  }
0x1c: {  	[sflag:s22] =	ssyncset.done $0x0  }
0x1d: {  	[sflag:s22] =	ssyncadd.s32 $0xFFFFC000  }
0x1e: {  	[spmem:s6] =	stream.linear.scatter [tilespmem:s21], [sflag:$0x5], $0x4000, $0x38;
	[tilespmem:$0x1E800] =	vst v63  }
0x1f: {  	_ =	swait.ge [sflag:s22], $0x4000  }
0x20: {  	[sflag:s22] =	ssyncset.done $0x0  }
0x21: {  	[sflag:s22] =	ssyncadd.s32 $0xFFFFC000  }
0x22: {  	[spmem:s7] =	stream.linear.scatter [tilespmem:s21], [sflag:$0x5], $0x4000, $0x38;
	[tilespmem:$0x1E800] =	vst v63  }
0x23: {  	_ =	swait.ge [sflag:s22], $0x4000  }
0x24: {  	[sflag:s22] =	ssyncset.done $0x0  }
0x25: {  	[sflag:s22] =	ssyncadd.s32 $0xFFFFC000  }
0x26: {  	[spmem:s8] =	stream.linear.scatter [tilespmem:s21], [sflag:$0x5], $0x4000, $0x38;
	[tilespmem:$0x1E800] =	vst v63  }
0x27: {  	_ =	swait.ge [sflag:s22], $0x4000  }
0x28: {  	[sflag:s22] =	ssyncset.done $0x0  }
0x29: {  	[sflag:s22] =	ssyncadd.s32 $0xFFFFC000  }
0x2a: {  	[spmem:s9] =	stream.linear.scatter [tilespmem:s21], [sflag:$0x5], $0x4000, $0x38;
	[tilespmem:$0x1E800] =	vst v63  }
0x2b: {  	_ =	swait.ge [sflag:s22], $0x4000  }
0x2c: {  	[sflag:s22] =	ssyncset.done $0x0  }
0x2d: {  	[sflag:s22] =	ssyncadd.s32 $0xFFFFC000  }
0x2e: {  	[spmem:s10] =	stream.linear.scatter [tilespmem:s21], [sflag:$0x5], $0x4000, $0x38;
	[tilespmem:$0x1E800] =	vst v63  }
0x2f: {  	_ =	swait.ge [sflag:s22], $0x4000  }
0x30: {  	[sflag:s22] =	ssyncset.done $0x0  }
0x31: {  	[sflag:s22] =	ssyncadd.s32 $0xFFFFC000  }
0x32: {  	[bflag:$0x0] =	sbarrier.arrive $0xFFFF  }
0x33: {  	s11 =	rddreg [dreg:$0x4]  }
0x34: {  	[tilespmem:s24], [sflag:$0x5] =	stream.linear.gather [hbm4b:s11+s3], $0x1400, $0x38;
	[tilespmem:$0x1E800] =	vst v63  }
0x35: {  	_ =	swait.ge [sflag:s22], $0x1400  }
0x36: {  	[sflag:s22] =	ssyncset.done $0x0  }
0x37: {  	s12 =	rddreg [dreg:$0x5];
	[sflag:s22] =	ssyncadd.s32 $0xFFFFEC00  }
0x38: {  	[tilespmem:s3], [sflag:$0x5] =	stream.linear.gather [hbm4b:s12+s3], $0x1400, $0x38;
	[tilespmem:$0x1E800] =	vst v63  }
0x39: {  	_ =	swait.ge [sflag:s22], $0x1400  }
0x3a: {  	[sflag:s22] =	ssyncset.done $0x0  }
0x3b: {  	[sflag:s22] =	ssyncadd.s32 $0xFFFFEC00  }
0x3c: {  	[tilespmem:s21], [sflag:$0x1] =	stream.indirect.gather [hbm4b:s4+s25], $0x80, s3, s25, $0xb8;
	[tilespmem:$0x1E800] =	vst v63  }
0x3d: {  	_ = 	snop  }
0x3e: {  	[tilespmem:s23], [sflag:$0x2] =	stream.indirect.gather [hbm4b:s4+s25], $0x80, s25, s25, $0xb8;
	[tilespmem:$0x1E800] =	vst v63  }
0x3f: {  	_ =	swait.ge [sflag:s26], $0x4000  }
0x40: {  	[sflag:s26] =	ssyncset.done $0x0  }
0x41: {  	s13 =	simm.s32 $0x1400;
	[sflag:s26] =	ssyncadd.s32 $0xFFFFC000  }
0x42: {  	[spmem:s2] =	stream.indirect.scatter.add.f32 [tilespmem:s21], [sflag:$0x3], $0x80, s13, s25, $0xb8;
	[tilespmem:$0x1E800] =	vst v63  }
0x43: {  	_ =	swait.ge [sflag:s28], $0x4000  }
0x44: {  	[sflag:s28] =	ssyncset.done $0x0  }
0x45: {  	s12 =	simm.s32 $0x100;
	[sflag:s28] =	ssyncadd.s32 $0xFFFFC000  }
0x46: {  	[tilespmem:s21], [sflag:$0x1] =	stream.indirect.gather [hbm4b:s4+s25], $0x80, s12, s25, $0xb8;
	[tilespmem:$0x1E800] =	vst v63  }
0x47: {  	_ =	swait.ge [sflag:s29], $0x4000  }
0x48: {  	[sflag:s29] =	ssyncset.done $0x0  }
0x49: {  	s13 =	simm.s32 $0x1480;
	[sflag:s29] =	ssyncadd.s32 $0xFFFFC000  }
0x4a: {  	[spmem:s2] =	stream.indirect.scatter.add.f32 [tilespmem:s23], [sflag:$0x4], $0x80, s13, s25, $0xb8;
	[tilespmem:$0x1E800] =	vst v63  }
0x4b: {  	_ =	swait.ge [sflag:s30], $0x4000  }
0x4c: {  	[sflag:s30] =	ssyncset.done $0x0  }
0x4d: {  	s11 =	simm.s32 $0x400;
	s12 =	simm.s32 $0x180;
	[sflag:s30] =	ssyncadd.s32 $0xFFFFC000  }
.LBB2_2:
0x4e: {  	[tilespmem:s23], [sflag:$0x2] =	stream.indirect.gather [hbm4b:s4+s25], $0x80, s12, s25, $0xb8;
	[tilespmem:$0x1E800] =	vst v63  }
0x4f: {  	s12 =	smov.u32 s11  }
0x50: {  	p0 =	sne.s32 s11, $0x4800;
	s11 =	sadd.s32 $0x400, s11;
	_ =	swait.ge [sflag:s26], $0x4000  }
0x51: {  	s12 =	sshra.s32 s12, $0x2;
	[sflag:s26] =	ssyncset.done $0x0  }
0x52: {  	s13 =	sadd.s32 $0x1400, s12;
	[sflag:s26] =	ssyncadd.s32 $0xFFFFC000  }
0x53: {  	[spmem:s2] =	stream.indirect.scatter.add.f32 [tilespmem:s21], [sflag:$0x3], $0x80, s13, s25, $0xb8;
	[tilespmem:$0x1E800] =	vst v63  }
0x54: {  	_ =	swait.ge [sflag:s28], $0x4000  }
0x55: {  	[sflag:s28] =	ssyncset.done $0x0  }
0x56: {  	s13 =	sadd.s32 $0x100, s12;
	[sflag:s28] =	ssyncadd.s32 $0xFFFFC000  }
0x57: {  	[tilespmem:s21], [sflag:$0x1] =	stream.indirect.gather [hbm4b:s4+s25], $0x80, s13, s25, $0xb8;
	[tilespmem:$0x1E800] =	vst v63  }
0x58: {  	_ =	swait.ge [sflag:s29], $0x4000  }
0x59: {  	[sflag:s29] =	ssyncset.done $0x0  }
.Ltmp0:
0x5a: {  	s13 =	sadd.s32 $0x1480, s12;
	[sflag:s29] =	ssyncadd.s32 $0xFFFFC000;
	(pc) =	sbr.rel @p0 .LBB2_2-.Ltmp0, $4  }
0x5b: {  	[spmem:s2] =	stream.indirect.scatter.add.f32 [tilespmem:s23], [sflag:$0x4], $0x80, s13, s25, $0xb8;
	[tilespmem:$0x1E800] =	vst v63  }
0x5c: {  	_ =	swait.ge [sflag:s30], $0x4000  }
0x5d: {  	[sflag:s30] =	ssyncset.done $0x0  }
0x5e: {  	s12 =	sadd.s32 $0x180, s12;
	[sflag:s30] =	ssyncadd.s32 $0xFFFFC000  }
0x5f: {  	[tilespmem:s23], [sflag:$0x2] =	stream.indirect.gather [hbm4b:s4+s25], $0x80, s12, s25, $0xb8;
	[tilespmem:$0x1E800] =	vst v63  }
0x60: {  	_ =	swait.ge [sflag:s26], $0x4000  }
0x61: {  	[sflag:s26] =	ssyncset.done $0x0  }
0x62: {  	[sflag:s26] =	ssyncadd.s32 $0xFFFFC000  }
0x63: {  	[spmem:s2] =	stream.indirect.scatter.add.f32 [tilespmem:s21], [sflag:$0x3], $0x80, s31, s25, $0xb8;
	[tilespmem:$0x1E800] =	vst v63  }
0x64: {  	_ =	swait.ge [sflag:s28], $0x4000  }
0x65: {  	[sflag:s28] =	ssyncset.done $0x0  }
0x66: {  	[sflag:s28] =	ssyncadd.s32 $0xFFFFC000  }
0x67: {  	_ =	swait.ge [sflag:s29], $0x4000  }
0x68: {  	[sflag:s29] =	ssyncset.done $0x0  }
0x69: {  	[sflag:s29] =	ssyncadd.s32 $0xFFFFC000  }
0x6a: {  	[spmem:s2] =	stream.indirect.scatter.add.f32 [tilespmem:s23], [sflag:$0x4], $0x80, s1, s25, $0xb8;
	[tilespmem:$0x1E800] =	vst v63  }
0x6b: {  	_ =	swait.ge [sflag:s30], $0x4000  }
0x6c: {  	[sflag:s30] =	ssyncset.done $0x0  }
0x6d: {  	s11 =	simm.s32 $0x0;
	s13 =	rddreg [dreg:$0x6];
	[sflag:s30] =	ssyncadd.s32 $0xFFFFC000  }
0x6e: {  	[tilespmem:s24], [sflag:$0x5] =	stream.linear.gather [hbm4b:s13+s11], $0x1400, $0x38;
	[tilespmem:$0x1E800] =	vst v63  }
0x6f: {  	_ =	swait.ge [sflag:s22], $0x1400  }
0x70: {  	[sflag:s22] =	ssyncset.done $0x0  }
0x71: {  	[sflag:s22] =	ssyncadd.s32 $0xFFFFEC00  }
0x72: {  	[tilespmem:s11], [sflag:$0x5] =	stream.linear.gather [hbm4b:s14+s11], $0x1400, $0x38;
	[tilespmem:$0x1E800] =	vst v63  }
0x73: {  	_ =	swait.ge [sflag:s22], $0x1400  }
0x74: {  	[sflag:s22] =	ssyncset.done $0x0  }
0x75: {  	[sflag:s22] =	ssyncadd.s32 $0xFFFFEC00  }
0x76: {  	[tilespmem:s21], [sflag:$0x1] =	stream.indirect.gather [hbm4b:s4+s25], $0x80, s11, s25, $0xb8;
	[tilespmem:$0x1E800] =	vst v63  }
0x77: {  	_ = 	snop  }
0x78: {  	[tilespmem:s23], [sflag:$0x2] =	stream.indirect.gather [hbm4b:s4+s25], $0x80, s25, s25, $0xb8;
	[tilespmem:$0x1E800] =	vst v63  }
0x79: {  	_ =	swait.ge [sflag:s26], $0x4000  }
0x7a: {  	[sflag:s26] =	ssyncset.done $0x0  }
0x7b: {  	s13 =	simm.s32 $0x1400;
	[sflag:s26] =	ssyncadd.s32 $0xFFFFC000  }
0x7c: {  	[spmem:s2] =	stream.indirect.scatter.add.f32 [tilespmem:s21], [sflag:$0x3], $0x80, s13, s25, $0xb8;
	[tilespmem:$0x1E800] =	vst v63  }
0x7d: {  	_ =	swait.ge [sflag:s28], $0x4000  }
0x7e: {  	[sflag:s28] =	ssyncset.done $0x0  }
0x7f: {  	s12 =	simm.s32 $0x100;
	[sflag:s28] =	ssyncadd.s32 $0xFFFFC000  }
0x80: {  	[tilespmem:s21], [sflag:$0x1] =	stream.indirect.gather [hbm4b:s4+s25], $0x80, s12, s25, $0xb8;
	[tilespmem:$0x1E800] =	vst v63  }
0x81: {  	_ =	swait.ge [sflag:s29], $0x4000  }
0x82: {  	[sflag:s29] =	ssyncset.done $0x0  }
0x83: {  	s13 =	simm.s32 $0x1480;
	[sflag:s29] =	ssyncadd.s32 $0xFFFFC000  }
0x84: {  	[spmem:s2] =	stream.indirect.scatter.add.f32 [tilespmem:s23], [sflag:$0x4], $0x80, s13, s25, $0xb8;
	[tilespmem:$0x1E800] =	vst v63  }
0x85: {  	_ =	swait.ge [sflag:s30], $0x4000  }
0x86: {  	[sflag:s30] =	ssyncset.done $0x0  }
0x87: {  	s11 =	simm.s32 $0x400;
	s12 =	simm.s32 $0x180;
	[sflag:s30] =	ssyncadd.s32 $0xFFFFC000  }
.LBB2_4:
0x88: {  	[tilespmem:s23], [sflag:$0x2] =	stream.indirect.gather [hbm4b:s4+s25], $0x80, s12, s25, $0xb8;
	[tilespmem:$0x1E800] =	vst v63  }
0x89: {  	s12 =	smov.u32 s11  }
0x8a: {  	p0 =	sne.s32 s11, $0x4800;
	s11 =	sadd.s32 $0x400, s11;
	_ =	swait.ge [sflag:s26], $0x4000  }
0x8b: {  	s12 =	sshra.s32 s12, $0x2;
	[sflag:s26] =	ssyncset.done $0x0  }
0x8c: {  	s13 =	sadd.s32 $0x1400, s12;
	[sflag:s26] =	ssyncadd.s32 $0xFFFFC000  }
0x8d: {  	[spmem:s2] =	stream.indirect.scatter.add.f32 [tilespmem:s21], [sflag:$0x3], $0x80, s13, s25, $0xb8;
	[tilespmem:$0x1E800] =	vst v63  }
0x8e: {  	_ =	swait.ge [sflag:s28], $0x4000  }
0x8f: {  	[sflag:s28] =	ssyncset.done $0x0  }
0x90: {  	s13 =	sadd.s32 $0x100, s12;
	[sflag:s28] =	ssyncadd.s32 $0xFFFFC000  }
0x91: {  	[tilespmem:s21], [sflag:$0x1] =	stream.indirect.gather [hbm4b:s4+s25], $0x80, s13, s25, $0xb8;
	[tilespmem:$0x1E800] =	vst v63  }
0x92: {  	_ =	swait.ge [sflag:s29], $0x4000  }
0x93: {  	[sflag:s29] =	ssyncset.done $0x0  }
.Ltmp1:
0x94: {  	s13 =	sadd.s32 $0x1480, s12;
	[sflag:s29] =	ssyncadd.s32 $0xFFFFC000;
	(pc) =	sbr.rel @p0 .LBB2_4-.Ltmp1, $4  }
0x95: {  	[spmem:s2] =	stream.indirect.scatter.add.f32 [tilespmem:s23], [sflag:$0x4], $0x80, s13, s25, $0xb8;
	[tilespmem:$0x1E800] =	vst v63  }
0x96: {  	_ =	swait.ge [sflag:s30], $0x4000  }
0x97: {  	[sflag:s30] =	ssyncset.done $0x0  }
0x98: {  	s12 =	sadd.s32 $0x180, s12;
	[sflag:s30] =	ssyncadd.s32 $0xFFFFC000  }
0x99: {  	[tilespmem:s23], [sflag:$0x2] =	stream.indirect.gather [hbm4b:s4+s25], $0x80, s12, s25, $0xb8;
	[tilespmem:$0x1E800] =	vst v63  }
0x9a: {  	_ =	swait.ge [sflag:s26], $0x4000  }
0x9b: {  	[sflag:s26] =	ssyncset.done $0x0  }
0x9c: {  	[sflag:s26] =	ssyncadd.s32 $0xFFFFC000  }
0x9d: {  	[spmem:s2] =	stream.indirect.scatter.add.f32 [tilespmem:s21], [sflag:$0x3], $0x80, s31, s25, $0xb8;
	[tilespmem:$0x1E800] =	vst v63  }
0x9e: {  	_ =	swait.ge [sflag:s28], $0x4000  }
0x9f: {  	[sflag:s28] =	ssyncset.done $0x0  }
0xa0: {  	[sflag:s28] =	ssyncadd.s32 $0xFFFFC000  }
0xa1: {  	_ =	swait.ge [sflag:s29], $0x4000  }
0xa2: {  	[sflag:s29] =	ssyncset.done $0x0  }
0xa3: {  	[sflag:s29] =	ssyncadd.s32 $0xFFFFC000  }
0xa4: {  	[spmem:s2] =	stream.indirect.scatter.add.f32 [tilespmem:s23], [sflag:$0x4], $0x80, s1, s25, $0xb8;
	[tilespmem:$0x1E800] =	vst v63  }
0xa5: {  	_ =	swait.ge [sflag:s30], $0x4000  }
0xa6: {  	[sflag:s30] =	ssyncset.done $0x0  }
0xa7: {  	[sflag:s30] =	ssyncadd.s32 $0xFFFFC000  }
0xa8: {  	[bflag:$0x0] =	sbarrier.arrive $0xFFFF  }
0xa9: {  	[tilespmem:s21], [sflag:$0x5] =	stream.linear.gather [spmem:s6], $0x4000, $0x38;
	[tilespmem:$0x1E800] =	vst v63  }
0xaa: {  	_ =	swait.ge [sflag:s22], $0x4000  }
0xab: {  	[sflag:s22] =	ssyncset.done $0x0  }
0xac: {  	[sflag:s22] =	ssyncadd.s32 $0xFFFFC000  }
0xad: {  	[hbm4b:s15+s3] =	stream.linear.scatter [tilespmem:s21], [sflag:$0x5], $0x4000, $0x38;
	[tilespmem:$0x1E800] =	vst v63  }
0xae: {  	_ =	swait.ge [sflag:s22], $0x4000  }
0xaf: {  	[sflag:s22] =	ssyncset.done $0x0  }
0xb0: {  	[sflag:s22] =	ssyncadd.s32 $0xFFFFC000  }
0xb1: {  	[tilespmem:s21], [sflag:$0x5] =	stream.linear.gather [spmem:s7], $0x4000, $0x38;
	[tilespmem:$0x1E800] =	vst v63  }
0xb2: {  	_ =	swait.ge [sflag:s22], $0x4000  }
0xb3: {  	[sflag:s22] =	ssyncset.done $0x0  }
0xb4: {  	[sflag:s22] =	ssyncadd.s32 $0xFFFFC000  }
0xb5: {  	[hbm4b:s16+s3] =	stream.linear.scatter [tilespmem:s21], [sflag:$0x5], $0x4000, $0x38;
	[tilespmem:$0x1E800] =	vst v63  }
0xb6: {  	_ =	swait.ge [sflag:s22], $0x4000  }
0xb7: {  	[sflag:s22] =	ssyncset.done $0x0  }
0xb8: {  	[sflag:s22] =	ssyncadd.s32 $0xFFFFC000  }
0xb9: {  	[tilespmem:s21], [sflag:$0x5] =	stream.linear.gather [spmem:s8], $0x4000, $0x38;
	[tilespmem:$0x1E800] =	vst v63  }
0xba: {  	_ =	swait.ge [sflag:s22], $0x4000  }
0xbb: {  	[sflag:s22] =	ssyncset.done $0x0  }
0xbc: {  	[sflag:s22] =	ssyncadd.s32 $0xFFFFC000  }
0xbd: {  	[hbm4b:s17+s3] =	stream.linear.scatter [tilespmem:s21], [sflag:$0x5], $0x4000, $0x38;
	[tilespmem:$0x1E800] =	vst v63  }
0xbe: {  	_ =	swait.ge [sflag:s22], $0x4000  }
0xbf: {  	[sflag:s22] =	ssyncset.done $0x0  }
0xc0: {  	[sflag:s22] =	ssyncadd.s32 $0xFFFFC000  }
0xc1: {  	[tilespmem:s21], [sflag:$0x5] =	stream.linear.gather [spmem:s9], $0x4000, $0x38;
	[tilespmem:$0x1E800] =	vst v63  }
0xc2: {  	_ =	swait.ge [sflag:s22], $0x4000  }
0xc3: {  	[sflag:s22] =	ssyncset.done $0x0  }
0xc4: {  	[sflag:s22] =	ssyncadd.s32 $0xFFFFC000  }
0xc5: {  	[hbm4b:s18+s3] =	stream.linear.scatter [tilespmem:s21], [sflag:$0x5], $0x4000, $0x38;
	[tilespmem:$0x1E800] =	vst v63  }
0xc6: {  	_ =	swait.ge [sflag:s22], $0x4000  }
0xc7: {  	[sflag:s22] =	ssyncset.done $0x0  }
0xc8: {  	[sflag:s22] =	ssyncadd.s32 $0xFFFFC000  }
0xc9: {  	[tilespmem:s21], [sflag:$0x5] =	stream.linear.gather [spmem:s10], $0x4000, $0x38;
	[tilespmem:$0x1E800] =	vst v63  }
0xca: {  	s0 =	sadd.s32 $0x1, s0;
	_ =	swait.ge [sflag:s22], $0x4000  }
0xcb: {  	p0 =	sne.s32 s0, s20;
	[sflag:s22] =	ssyncset.done $0x0  }
.Ltmp2:
0xcc: {  	[sflag:s22] =	ssyncadd.s32 $0xFFFFC000;
	(pc) =	sbr.rel @p0 .LBB2_1-.Ltmp2, $4  }
0xcd: {  	[hbm4b:s19+s3] =	stream.linear.scatter [tilespmem:s21], [sflag:$0x5], $0x4000, $0x38;
	[tilespmem:$0x1E800] =	vst v63  }
0xce: {  	_ =	swait.ge [sflag:s22], $0x4000  }
0xcf: {  	[sflag:s22] =	ssyncset.done $0x0  }
0xd0: {  	[sflag:s22] =	ssyncadd.s32 $0xFFFFC000  }
0xd1: {  	_ =	sfence.sel $0x180000  }
0xd2: {  	[bflag:$0x0] =	sbarrier.arrive $0xFFFF  }
0xd3: {  	_ =	strace $0x9000004A  }
0xd4: {  	s0 =	stileid.u32;
	[bflag:$0x2] =	sbarrier.arrive $0xFFFF  }
0xd5: {  	p0 =	sne.s32 s0, $0x0;
	s0 =	rddreg [dreg:$0x3]  }
0xd6: {  	s0 =	sadd.s32 @!p0 $0x100000, s0  }
0xd7: {  	[sflag:s0] =	ssyncadd.tile.s32 @!p0 $0x1;
	_ =	shalt  }
.Lfunc_end2:
_tile_overlayer_lowered:
.L_overlay_start_2:
0xd8: {  	(tag) =	ssettag $0x2  }
0xd9: {  	s0 =	rddreg [dreg:$0x0];
	s2 =	stileid.u32  }
0xda: {  	s1 =	rddreg [dreg:$0x1];
	p0 =	sne.s32 s2, $0x0  }
0xdb: {  	s3 =	rddreg [dreg:$0x2];
	[bflag:$0x3] =	sbarrier.arrive $0xFFFF;
	s2 =	simm.s32 @!p0 $0x1C05  }
0xdc: {  	[timem:s3], [sflag:s2] =	dma.local @!p0 [hbm:s0], s1  }
0xdd: {  	s0 =	simm.s32 @!p0 $0x5  }
0xde: {  	_ =	swait.ge @!p0 [sflag:s0], s1  }
0xdf: {  	s1 =	ssub.s32 @!p0 $0x0, s1;
	[sflag:s0] =	ssyncset.done @!p0 $0x0  }
0xe0: {  	[sflag:s0] =	ssyncadd.s32 @!p0 s1  }
0xe1: {  	[bflag:$0x3] =	sbarrier.arrive $0xFFFF  }
0xe2: {  	_ =	shalt  }

// kernel: kernel.13.cloned.1.call-start
scs
__scs_entry_jumppad:
0x0: {  	(pc) =	sbr.rel $0x88, $3  }
0x1: {  	(tag) =	ssettag $0x0;
	lr =	simm.s32 $0x1  }
0x2: {  	[smem:$0x3F99] =	sst lr;
	_ =	strace $0xD0000000  }
0x3: {  	_ = 	snop  }
0x4: {  	_ = 	snop  }
0x5: {  	_ = 	snop  }
0x6: {  	_ = 	snop  }
0x7: {  	_ = 	snop  }
__scs_overlays_trampoline_lowered:
0x8: {  	[smem:$0x3FA8] =	sst s0  }
0x9: {  	[smem:$0x3FA9] =	sst s1  }
0xa: {  	[smem:$0x3FAA] =	sst s2  }
0xb: {  	[smem:$0x3FAB] =	sst s3  }
0xc: {  	[smem:$0x3FAC] =	sst s4  }
0xd: {  	[smem:$0x3FAD] =	sst s5  }
0xe: {  	[smem:$0x3FAE] =	sst s6  }
0xf: {  	[smem:$0x3FAF] =	sst s7  }
0x10: {  	[smem:$0x3FB0] =	sst s8  }
0x11: {  	[smem:$0x3FB1] =	sst s9;
	s0 =	simm.s32 @!p0 $0x0  }
0x12: {  	s1 =	sld [smem:$0x3F97];
	s0 =	simm.s32 @p0 $0x1  }
0x13: {  	[smem:$0x3FB2] =	sst s0;
	s0 =	simm.s32 @!p1 $0x0  }
0x14: {  	s2 =	sld [smem:$0x3F96];
	s0 =	simm.s32 @p1 $0x1  }
0x15: {  	[smem:$0x3FB3] =	sst s0;
	s0 =	simm.s32 @!p2 $0x0  }
0x16: {  	s3 =	sld [smem:$0x3FDB];
	s0 =	simm.s32 @p2 $0x1  }
0x17: {  	s4 =	simm.s32 $0x1BF5;
	[smem:$0x3FB5] =	sst s0  }
0x18: {  	s0 =	sld [smem:$0x3F98];
	_ =	swait.ge [sflag:s4], $0x0  }
0x19: {  	s7 =	sld [smem:$0x3F99]  }
0x1a: {  	s8 =	sadd.s32 $0xFFFFE003, lr  }
0x1b: {  	s9 =	sadd.s32 $0xFFFFFEF7, lr;
	s5 =	simm.s32 $0xFFFFFFFF;
	p2 =	slt.u32 s8, $0xFFFFF086  }
0x1c: {  	p1 =	slt.u32 s9, $0xF7A;
	s5 =	simm.s32 @!p2 $0x0  }
0x1d: {  	s5 =	simm.s32 @p1 $0x1;
	p0 =	seq.s32 s7, s2  }
0x1e: {  	s7 =	smul.u32 @!p0 $0xF7A, s2;
	p2 =	seq.s32 @!p0 s5, $0x0  }
0x1f: {  	s9 =	smul.u32 $0xF7A, s1;
	s8 =	simm.s32 @!p0 $0x1BF5;
	p2 =	por !p2, p0  }
0x20: {  	[sflag:s8] =	ssyncset.s32 @!p0 $0xFFFFF086;
	s6 =	sadd.s32 @!p0 s3, s7;
	s7 =	simm.s32 @!p0 $0x108  }
0x21: {  	s3 =	sadd.s32 s3, s9;
	s6 =	sadd.s32 @!p0 $0x88, s6;
	s7 =	simm.s32 @p2 $0x1082  }
0x22: {  	[simem:s7], [sflag:s8] =	dma.local @!p0 [hbm:s6], $0xF7A  }
0x23: {  	s9 =	sor.u32 $0xD0000000, s2;
	s6 =	simm.s32 $0x108;
	_ =	swait.ge @!p0 [sflag:s8], $0x0  }
0x24: {  	s3 =	sadd.s32 $0x88, s3;
	s6 =	simm.s32 @!p1 $0x1082;
	[sflag:s4] =	ssyncset.s32 $0xFFFFF086  }
0x25: {  	[simem:s6], [sflag:s4] =	dma.local [hbm:s3], $0xF7A  }
0x26: {  	[smem:$0x3F99] =	sst s1;
	(tag) =	ssettag s2;
	_ =	strace s9  }
0x27: {  	s1 =	sld [smem:$0x3FA9]  }
0x28: {  	s2 =	sld [smem:$0x3FAA]  }
0x29: {  	s4 =	sld [smem:$0x3FAC]  }
0x2a: {  	p0 =	seq.s32 s5, $0x0;
	s5 =	sld [smem:$0x3FAD]  }
0x2b: {  	s6 =	sld [smem:$0x3FAE]  }
0x2c: {  	s7 =	sld [smem:$0x3FAF]  }
0x2d: {  	s3 =	simm.s32 $0x108;
	s8 =	sld [smem:$0x3FB0]  }
0x2e: {  	s3 =	simm.s32 @!p0 $0x1082;
	s9 =	sld [smem:$0x3FB1]  }
0x2f: {  	lr =	sadd.s32 s0, s3;
	s0 =	sld [smem:$0x3FA8]  }
0x30: {  	s3 =	sld [smem:$0x3FAB]  }
0x31: {  	[smem:$0x3FB4] =	sst s10  }
0x32: {  	s10 =	sld [smem:$0x3FB2];
	_ =	sdelay $0x3  }
0x33: {  	p0 =	seq.s32 s10, $0x1;
	s10 =	sld [smem:$0x3FB4];
	_ =	sdelay $0x3  }
0x34: {  	[smem:$0x3FB4] =	sst s10  }
0x35: {  	s10 =	sld [smem:$0x3FB3];
	_ =	sdelay $0x3  }
0x36: {  	p1 =	seq.s32 s10, $0x1;
	s10 =	sld [smem:$0x3FB4];
	_ =	sdelay $0x3  }
0x37: {  	[smem:$0x3FB4] =	sst s10  }
0x38: {  	s10 =	sld [smem:$0x3FB5]  }
0x39: {  	_ = 	snop;
	(pc) =	sbr.ind lr, $3  }
0x3a: {  	_ = 	snop  }
0x3b: {  	_ = 	snop  }
0x3c: {  	p2 =	seq.s32 s10, $0x1;
	s10 =	sld [smem:$0x3FB4]  }
0x3d: {  	_ =	shalt  }
0x3e: {  	_ =	shalt  }
0x3f: {  	_ =	shalt  }
0x40: {  	_ =	shalt  }
0x41: {  	_ =	shalt  }
0x42: {  	_ =	shalt  }
0x43: {  	_ =	shalt  }
0x44: {  	_ =	shalt  }
0x45: {  	_ =	shalt  }
0x46: {  	_ =	shalt  }
0x47: {  	_ =	shalt  }
0x48: {  	_ =	shalt  }
0x49: {  	_ =	shalt  }
0x4a: {  	_ =	shalt  }
0x4b: {  	_ =	shalt  }
0x4c: {  	_ =	shalt  }
0x4d: {  	_ =	shalt  }
0x4e: {  	_ =	shalt  }
0x4f: {  	_ =	shalt  }
0x50: {  	_ =	shalt  }
0x51: {  	_ =	shalt  }
0x52: {  	_ =	shalt  }
0x53: {  	_ =	shalt  }
0x54: {  	_ =	shalt  }
0x55: {  	_ =	shalt  }
0x56: {  	_ =	shalt  }
0x57: {  	_ =	shalt  }
0x58: {  	_ =	shalt  }
0x59: {  	_ =	shalt  }
0x5a: {  	_ =	shalt  }
0x5b: {  	_ =	shalt  }
0x5c: {  	_ =	shalt  }
0x5d: {  	_ =	shalt  }
0x5e: {  	_ =	shalt  }
0x5f: {  	_ =	shalt  }
0x60: {  	_ =	shalt  }
0x61: {  	_ =	shalt  }
0x62: {  	_ =	shalt  }
0x63: {  	_ =	shalt  }
0x64: {  	_ =	shalt  }
0x65: {  	_ =	shalt  }
0x66: {  	_ =	shalt  }
0x67: {  	_ =	shalt  }
0x68: {  	_ =	shalt  }
0x69: {  	_ =	shalt  }
0x6a: {  	_ =	shalt  }
0x6b: {  	_ =	shalt  }
0x6c: {  	_ =	shalt  }
0x6d: {  	_ =	shalt  }
0x6e: {  	_ =	shalt  }
0x6f: {  	_ =	shalt  }
0x70: {  	_ =	shalt  }
0x71: {  	_ =	shalt  }
0x72: {  	_ =	shalt  }
0x73: {  	_ =	shalt  }
0x74: {  	_ =	shalt  }
0x75: {  	_ =	shalt  }
0x76: {  	_ =	shalt  }
0x77: {  	_ =	shalt  }
0x78: {  	_ =	shalt  }
0x79: {  	_ =	shalt  }
0x7a: {  	_ =	shalt  }
0x7b: {  	_ =	shalt  }
0x7c: {  	_ =	shalt  }
0x7d: {  	_ =	shalt  }
0x7e: {  	_ =	shalt  }
0x7f: {  	_ =	shalt  }
0x80: {  	_ =	shalt  }
0x81: {  	_ =	shalt  }
0x82: {  	_ =	shalt  }
0x83: {  	_ =	shalt  }
0x84: {  	_ =	shalt  }
0x85: {  	_ =	shalt  }
0x86: {  	_ =	shalt  }
0x87: {  	_ =	shalt  }
.Lfunc_end0:
.L_simem_size_0:
called_computation.2_lowered:
.L_overlay_start_0:
0x88: {  	s2 =	sld [smem:$0x3FD9]  }
0x89: {  	s3 =	sld [smem:$0x3FFE];
	_ =	sdelay $0x1  }
0x8a: {  	s1 =	srdreg.scid  }
0x8b: {  	s0 =	sand.u32 $0x1, s1  }
0x8c: {  	s17 =	sshll.u32 s0, $0xA;
	s2 =	sadd.s32 s3, s2  }
0x8d: {  	s2 =	sadd.s32 s2, s17  }
0x8e: {  	[smem:$0x3FC0] =	sst s2  }
0x8f: {  	_ = 	snop  }
0x90: {  	s2 =	sld [smem:$0x3FD0];
	(tm) =	ssettm $0x1  }
0x91: {  	s18 =	sld [smem:$0x3FFB];
	_ =	sdelay $0x3  }
0x92: {  	_ =	strace s18  }
0x93: {  	s3 =	sld [smem:$0x3FFC];
	_ =	sdelay $0x3  }
0x94: {  	_ =	strace s3  }
0x95: {  	s3 =	sld [smem:$0x3FFD];
	_ =	sdelay $0x3  }
0x96: {  	_ =	strace s3  }
0x97: {  	_ =	strace $0x8FFFFFFF  }
0x98: {  	s19 =	sld [smem:$0x3FDB];
	_ =	sdelay $0x1  }
0x99: {  	s4 =	simm.s32 $_scs_section_size  }
0x9a: {  	s5 =	simm.s32 $_size__tile_overlayer_lowered;
	s6 =	simm.s32 $_tile_overlayer_lowered  }
0x9b: {  	s22 =	simm.s32 $0x1BFF;
	s21 =	sshll.u32 s6, $0x1;
	s3 =	sadd.s32 s4, s19  }
0x9c: {  	s7 =	simm.s32 $0x0;
	s20 =	sshll.u32 s5, $0x1;
	s5 =	sadd.s32 s21, s3  }
0x9d: {  	[timem:s7], [sflag:s22] =	dma.local [hbm:s5], s20  }
0x9e: {  	_ =	swait.ge [sflag:s22], s20  }
0x9f: {  	s4 =	ssub.s32 $0x0, s20;
	[sflag:s22] =	ssyncset.done $0x0  }
0xa0: {  	[sflag:s22] =	ssyncadd.s32 s4;
	_ =	sdelay $0x1  }
0xa1: {  	s23 =	simm.s32 $0x1B8B  }
0xa2: {  	_ =	swait.ge [sflag:s23], $0x1  }
0xa3: {  	[sflag:s23] =	ssyncset.done $0x0  }
0xa4: {  	s25 =	simm.s32 $0x1B8E;
	s24 =	sld [smem:$0x3FFE];
	[sflag:s23] =	ssyncadd.s32 $0xFFFFFFFF  }
0xa5: {  	s26 =	simm.s32 $execute0_lowered;
	[smem:$0x3FD2] =	sst s25  }
0xa6: {  	s5 =	sshll.u32 s26, $0x1;
	_ =	strace $0x8000004C;
	[dreg:$0x1] =	wrdreg $0xFFFFFFFF  }
0xa7: {  	s28 =	simm.s32 $_size_execute0_lowered;
	s3 =	sadd.s32 s3, s5;
	[dreg:$0x0] =	wrdreg $0x0  }
0xa8: {  	s5 =	sshll.u32 s28, $0x1;
	[dreg:$0x2] =	wrdreg s3  }
0xa9: {  	[dreg:$0x3] =	wrdreg s5  }
0xaa: {  	[dreg:$0x4] =	wrdreg $0xC0  }
0xab: {  	_ =	task [dreg:s7], $0x5FFFF  }
0xac: {  	[dreg:$0x1] =	wrdreg $0xFFFFFFFF  }
0xad: {  	[dreg:$0x0] =	wrdreg $0x60  }
0xae: {  	[dreg:$0x2] =	wrdreg s24  }
0xaf: {  	[dreg:$0x3] =	wrdreg s2  }
0xb0: {  	[dreg:$0x4] =	wrdreg $0xA8000  }
0xb1: {  	[dreg:$0x5] =	wrdreg $0x9  }
0xb2: {  	_ =	task.clear_ibuf [dreg:s7], $0x6FFFF;
	_ =	strace $0x9000004C  }
0xb3: {  	s29 =	simm.s32 $0x9;
	_ =	strace $0x8000004E  }
0xb4: {  	_ =	swait.ge [sflag:s29], $0x1  }
0xb5: {  	[sflag:s29] =	ssyncadd.s32 $0xFFFFFFFF  }
0xb6: {  	_ =	strace $0x9000004E  }
0xb7: {  	_ =	sfence  }
0xb8: {  	s30 =	sld [smem:$0x0];
	_ =	sdelay $0x2  }
0xb9: {  	s31 =	sshll.u32 s1, $0xD;
	s1 =	sshrl.u32 s1, $0x2  }
0xba: {  	s3 =	sand.u32 $0x4000, s31;
	s1 =	sadd.s32 s1, s30  }
0xbb: {  	s0 =	sor.u32 s3, s0;
	s1 =	sshll.u32 s1, $0x11  }
0xbc: {  	s0 =	sor.u32 s1, s0  }
0xbd: {  	s0 =	sadd.s32 $0x8F2B, s0  }
0xbe: {  	[sflag:s0] =	ssyncadd.remote.s32 $0x1  }
0xbf: {  	_ =	sfence.sel $0xFFFF  }
0xc0: {  	[dreg:$0x0] =	wrdreg $0xFFFFFFFF;
	(pc) =	sbr.abs _section_cstart, $3  }
0xc1: {  	[dreg:$0x1] =	wrdreg $0xFFFFFFFF  }
0xc2: {  	_ =	task.clear_ibuf [dreg:s7], $0x2FFFF;
	_ =	strace $0x9FFFFFFF  }
0xc3: {  	(tm) =	ssettm $0x7FFFFFFF  }
tec
execute0_lowered:
.L_overlay_start_1:
0x0: {  	(tag) =	ssettag $0x1  }
0x1: {  	s0 =	rddreg [dreg:$0x0]  }
0x2: {  	s1 =	rddreg [dreg:$0x1]  }
0x3: {  	s3 =	srdreg.scid;
	s9 =	stileid.u32  }
0x4: {  	s2 =	rddreg [dreg:$0x2];
	s21 =	simm.s32 $0x2800;
	s22 =	simm.s32 $0x5  }
0x5: {  	s23 =	simm.s32 $0x6800;
	s28 =	simm.s32 $0x3;
	s29 =	simm.s32 $0x2  }
0x6: {  	s30 =	simm.s32 $0x4;
	s31 =	simm.s32 $0x2700;
	s6 =	sand.u32 $0x1, s3  }
0x7: {  	s5 =	smul.u32 $0x280, s9;
	s3 =	simm.s32 $0x0;
	s4 =	sadd.s32 $0x5DE00, s0  }
0x8: {  	s11 =	sadd.s32 $0x2A00, s0;
	s8 =	smul.u32 $0x50000, s9;
	s24 =	sshll.u32 s9, $0x1  }
0x9: {  	s7 =	smul.u32 $0x2800, s6;
	[smem:$0x7FF] =	sst s3;
	s25 =	ssub.s32 $0x2, s6  }
0xa: {  	s10 =	sor.u32 s6, s24;
	s24 =	simm.s32 $0x1400;
	_ =	strace $0x8000004D  }
0xb: {  	s8 =	sshrl.u32 s8, $0x2;
	s26 =	sshrl.u32 s25, $0x1;
	s12 =	smul.u32 $0x2800, s10  }
0xc: {  	s13 =	smul.u32 $0x500, s10;
	s5 =	sadd.s32 s5, s7;
	s6 =	sadd.s32 s8, s2  }
0xd: {  	s20 =	ssub.s32 s25, s26;
	s25 =	simm.s32 $0x80;
	s26 =	simm.s32 $0x1  }
0xe: {  	s7 =	sshll.u32 s5, $0x4;
	s5 =	sadd.s32 $0xCE00, s0;
	s8 =	sadd.s32 $0x8000, s6  }
0xf: {  	s9 =	sadd.s32 $0xC000, s6;
	s12 =	sshrl.u32 s12, $0x3;
	s10 =	sadd.s32 $0x10000, s6  }
0x10: {  	s14 =	sadd.s32 s1, s13;
	s13 =	sadd.s32 s11, s13;
	s20 =	smax.u32 s20, $0x1  }
0x11: {  	s0 =	sadd.s32 s7, s0;
	[dreg:$0x4] =	wrdreg s14;
	s12 =	sadd.s32 $0x280, s12  }
0x12: {  	s7 =	sadd.s32 $0x4000, s6;
	[dreg:$0x5] =	wrdreg s13;
	s1 =	sadd.s32 s1, s12  }
0x13: {  	s14 =	sadd.s32 s11, s12;
	s15 =	sadd.s32 $0x85E00, s0;
	s16 =	sadd.s32 $0x86600, s0  }
0x14: {  	s17 =	sadd.s32 $0x86E00, s0;
	s18 =	sadd.s32 $0x87600, s0;
	s19 =	sadd.s32 $0x87E00, s0  }
0x15: {  	s0 =	simm.s32 $0x0;
	[dreg:$0x6] =	wrdreg s1;
	s1 =	simm.s32 $0x2780  }
.LBB2_1:
0x16: {  	[tilespmem:s21], [sflag:$0x5] =	stream.linear.gather [hbm4b:s5+s3], $0x4000, $0x38;
	[tilespmem:$0x1E800] =	vst v63  }
0x17: {  	_ =	swait.ge [sflag:s22], $0x4000  }
0x18: {  	[sflag:s22] =	ssyncset.done $0x0  }
0x19: {  	[sflag:s22] =	ssyncadd.s32 $0xFFFFC000  }
0x1a: {  	[tilespmem:s23], [sflag:$0x5] =	stream.linear.gather [hbm4b:s5+s3], $0x4000, $0x38;
	[tilespmem:$0x1E800] =	vst v63  }
0x1b: {  	_ =	swait.ge [sflag:s22], $0x4000  }
0x1c: {  	[sflag:s22] =	ssyncset.done $0x0  }
0x1d: {  	[sflag:s22] =	ssyncadd.s32 $0xFFFFC000  }
0x1e: {  	[spmem:s6] =	stream.linear.scatter [tilespmem:s21], [sflag:$0x5], $0x4000, $0x38;
	[tilespmem:$0x1E800] =	vst v63  }
0x1f: {  	_ =	swait.ge [sflag:s22], $0x4000  }
0x20: {  	[sflag:s22] =	ssyncset.done $0x0  }
0x21: {  	[sflag:s22] =	ssyncadd.s32 $0xFFFFC000  }
0x22: {  	[spmem:s7] =	stream.linear.scatter [tilespmem:s21], [sflag:$0x5], $0x4000, $0x38;
	[tilespmem:$0x1E800] =	vst v63  }
0x23: {  	_ =	swait.ge [sflag:s22], $0x4000  }
0x24: {  	[sflag:s22] =	ssyncset.done $0x0  }
0x25: {  	[sflag:s22] =	ssyncadd.s32 $0xFFFFC000  }
0x26: {  	[spmem:s8] =	stream.linear.scatter [tilespmem:s21], [sflag:$0x5], $0x4000, $0x38;
	[tilespmem:$0x1E800] =	vst v63  }
0x27: {  	_ =	swait.ge [sflag:s22], $0x4000  }
0x28: {  	[sflag:s22] =	ssyncset.done $0x0  }
0x29: {  	[sflag:s22] =	ssyncadd.s32 $0xFFFFC000  }
0x2a: {  	[spmem:s9] =	stream.linear.scatter [tilespmem:s21], [sflag:$0x5], $0x4000, $0x38;
	[tilespmem:$0x1E800] =	vst v63  }
0x2b: {  	_ =	swait.ge [sflag:s22], $0x4000  }
0x2c: {  	[sflag:s22] =	ssyncset.done $0x0  }
0x2d: {  	[sflag:s22] =	ssyncadd.s32 $0xFFFFC000  }
0x2e: {  	[spmem:s10] =	stream.linear.scatter [tilespmem:s21], [sflag:$0x5], $0x4000, $0x38;
	[tilespmem:$0x1E800] =	vst v63  }
0x2f: {  	_ =	swait.ge [sflag:s22], $0x4000  }
0x30: {  	[sflag:s22] =	ssyncset.done $0x0  }
0x31: {  	[sflag:s22] =	ssyncadd.s32 $0xFFFFC000  }
0x32: {  	[bflag:$0x0] =	sbarrier.arrive $0xFFFF  }
0x33: {  	s11 =	rddreg [dreg:$0x4]  }
0x34: {  	[tilespmem:s24], [sflag:$0x5] =	stream.linear.gather [hbm4b:s11+s3], $0x1400, $0x38;
	[tilespmem:$0x1E800] =	vst v63  }
0x35: {  	_ =	swait.ge [sflag:s22], $0x1400  }
0x36: {  	[sflag:s22] =	ssyncset.done $0x0  }
0x37: {  	s12 =	rddreg [dreg:$0x5];
	[sflag:s22] =	ssyncadd.s32 $0xFFFFEC00  }
0x38: {  	[tilespmem:s3], [sflag:$0x5] =	stream.linear.gather [hbm4b:s12+s3], $0x1400, $0x38;
	[tilespmem:$0x1E800] =	vst v63  }
0x39: {  	_ =	swait.ge [sflag:s22], $0x1400  }
0x3a: {  	[sflag:s22] =	ssyncset.done $0x0  }
0x3b: {  	[sflag:s22] =	ssyncadd.s32 $0xFFFFEC00  }
0x3c: {  	[tilespmem:s21], [sflag:$0x1] =	stream.indirect.gather [hbm4b:s4+s25], $0x80, s3, s25, $0xb8;
	[tilespmem:$0x1E800] =	vst v63  }
0x3d: {  	_ = 	snop  }
0x3e: {  	[tilespmem:s23], [sflag:$0x2] =	stream.indirect.gather [hbm4b:s4+s25], $0x80, s25, s25, $0xb8;
	[tilespmem:$0x1E800] =	vst v63  }
0x3f: {  	_ =	swait.ge [sflag:s26], $0x4000  }
0x40: {  	[sflag:s26] =	ssyncset.done $0x0  }
0x41: {  	s13 =	simm.s32 $0x1400;
	[sflag:s26] =	ssyncadd.s32 $0xFFFFC000  }
0x42: {  	[spmem:s2] =	stream.indirect.scatter.add.f32 [tilespmem:s21], [sflag:$0x3], $0x80, s13, s25, $0xb8;
	[tilespmem:$0x1E800] =	vst v63  }
0x43: {  	_ =	swait.ge [sflag:s28], $0x4000  }
0x44: {  	[sflag:s28] =	ssyncset.done $0x0  }
0x45: {  	s12 =	simm.s32 $0x100;
	[sflag:s28] =	ssyncadd.s32 $0xFFFFC000  }
0x46: {  	[tilespmem:s21], [sflag:$0x1] =	stream.indirect.gather [hbm4b:s4+s25], $0x80, s12, s25, $0xb8;
	[tilespmem:$0x1E800] =	vst v63  }
0x47: {  	_ =	swait.ge [sflag:s29], $0x4000  }
0x48: {  	[sflag:s29] =	ssyncset.done $0x0  }
0x49: {  	s13 =	simm.s32 $0x1480;
	[sflag:s29] =	ssyncadd.s32 $0xFFFFC000  }
0x4a: {  	[spmem:s2] =	stream.indirect.scatter.add.f32 [tilespmem:s23], [sflag:$0x4], $0x80, s13, s25, $0xb8;
	[tilespmem:$0x1E800] =	vst v63  }
0x4b: {  	_ =	swait.ge [sflag:s30], $0x4000  }
0x4c: {  	[sflag:s30] =	ssyncset.done $0x0  }
0x4d: {  	s11 =	simm.s32 $0x400;
	s12 =	simm.s32 $0x180;
	[sflag:s30] =	ssyncadd.s32 $0xFFFFC000  }
.LBB2_2:
0x4e: {  	[tilespmem:s23], [sflag:$0x2] =	stream.indirect.gather [hbm4b:s4+s25], $0x80, s12, s25, $0xb8;
	[tilespmem:$0x1E800] =	vst v63  }
0x4f: {  	s12 =	smov.u32 s11  }
0x50: {  	p0 =	sne.s32 s11, $0x4800;
	s11 =	sadd.s32 $0x400, s11;
	_ =	swait.ge [sflag:s26], $0x4000  }
0x51: {  	s12 =	sshra.s32 s12, $0x2;
	[sflag:s26] =	ssyncset.done $0x0  }
0x52: {  	s13 =	sadd.s32 $0x1400, s12;
	[sflag:s26] =	ssyncadd.s32 $0xFFFFC000  }
0x53: {  	[spmem:s2] =	stream.indirect.scatter.add.f32 [tilespmem:s21], [sflag:$0x3], $0x80, s13, s25, $0xb8;
	[tilespmem:$0x1E800] =	vst v63  }
0x54: {  	_ =	swait.ge [sflag:s28], $0x4000  }
0x55: {  	[sflag:s28] =	ssyncset.done $0x0  }
0x56: {  	s13 =	sadd.s32 $0x100, s12;
	[sflag:s28] =	ssyncadd.s32 $0xFFFFC000  }
0x57: {  	[tilespmem:s21], [sflag:$0x1] =	stream.indirect.gather [hbm4b:s4+s25], $0x80, s13, s25, $0xb8;
	[tilespmem:$0x1E800] =	vst v63  }
0x58: {  	_ =	swait.ge [sflag:s29], $0x4000  }
0x59: {  	[sflag:s29] =	ssyncset.done $0x0  }
.Ltmp0:
0x5a: {  	s13 =	sadd.s32 $0x1480, s12;
	[sflag:s29] =	ssyncadd.s32 $0xFFFFC000;
	(pc) =	sbr.rel @p0 .LBB2_2-.Ltmp0, $4  }
0x5b: {  	[spmem:s2] =	stream.indirect.scatter.add.f32 [tilespmem:s23], [sflag:$0x4], $0x80, s13, s25, $0xb8;
	[tilespmem:$0x1E800] =	vst v63  }
0x5c: {  	_ =	swait.ge [sflag:s30], $0x4000  }
0x5d: {  	[sflag:s30] =	ssyncset.done $0x0  }
0x5e: {  	s12 =	sadd.s32 $0x180, s12;
	[sflag:s30] =	ssyncadd.s32 $0xFFFFC000  }
0x5f: {  	[tilespmem:s23], [sflag:$0x2] =	stream.indirect.gather [hbm4b:s4+s25], $0x80, s12, s25, $0xb8;
	[tilespmem:$0x1E800] =	vst v63  }
0x60: {  	_ =	swait.ge [sflag:s26], $0x4000  }
0x61: {  	[sflag:s26] =	ssyncset.done $0x0  }
0x62: {  	[sflag:s26] =	ssyncadd.s32 $0xFFFFC000  }
0x63: {  	[spmem:s2] =	stream.indirect.scatter.add.f32 [tilespmem:s21], [sflag:$0x3], $0x80, s31, s25, $0xb8;
	[tilespmem:$0x1E800] =	vst v63  }
0x64: {  	_ =	swait.ge [sflag:s28], $0x4000  }
0x65: {  	[sflag:s28] =	ssyncset.done $0x0  }
0x66: {  	[sflag:s28] =	ssyncadd.s32 $0xFFFFC000  }
0x67: {  	_ =	swait.ge [sflag:s29], $0x4000  }
0x68: {  	[sflag:s29] =	ssyncset.done $0x0  }
0x69: {  	[sflag:s29] =	ssyncadd.s32 $0xFFFFC000  }
0x6a: {  	[spmem:s2] =	stream.indirect.scatter.add.f32 [tilespmem:s23], [sflag:$0x4], $0x80, s1, s25, $0xb8;
	[tilespmem:$0x1E800] =	vst v63  }
0x6b: {  	_ =	swait.ge [sflag:s30], $0x4000  }
0x6c: {  	[sflag:s30] =	ssyncset.done $0x0  }
0x6d: {  	s11 =	simm.s32 $0x0;
	s13 =	rddreg [dreg:$0x6];
	[sflag:s30] =	ssyncadd.s32 $0xFFFFC000  }
0x6e: {  	[tilespmem:s24], [sflag:$0x5] =	stream.linear.gather [hbm4b:s13+s11], $0x1400, $0x38;
	[tilespmem:$0x1E800] =	vst v63  }
0x6f: {  	_ =	swait.ge [sflag:s22], $0x1400  }
0x70: {  	[sflag:s22] =	ssyncset.done $0x0  }
0x71: {  	[sflag:s22] =	ssyncadd.s32 $0xFFFFEC00  }
0x72: {  	[tilespmem:s11], [sflag:$0x5] =	stream.linear.gather [hbm4b:s14+s11], $0x1400, $0x38;
	[tilespmem:$0x1E800] =	vst v63  }
0x73: {  	_ =	swait.ge [sflag:s22], $0x1400  }
0x74: {  	[sflag:s22] =	ssyncset.done $0x0  }
0x75: {  	[sflag:s22] =	ssyncadd.s32 $0xFFFFEC00  }
0x76: {  	[tilespmem:s21], [sflag:$0x1] =	stream.indirect.gather [hbm4b:s4+s25], $0x80, s11, s25, $0xb8;
	[tilespmem:$0x1E800] =	vst v63  }
0x77: {  	_ = 	snop  }
0x78: {  	[tilespmem:s23], [sflag:$0x2] =	stream.indirect.gather [hbm4b:s4+s25], $0x80, s25, s25, $0xb8;
	[tilespmem:$0x1E800] =	vst v63  }
0x79: {  	_ =	swait.ge [sflag:s26], $0x4000  }
0x7a: {  	[sflag:s26] =	ssyncset.done $0x0  }
0x7b: {  	s13 =	simm.s32 $0x1400;
	[sflag:s26] =	ssyncadd.s32 $0xFFFFC000  }
0x7c: {  	[spmem:s2] =	stream.indirect.scatter.add.f32 [tilespmem:s21], [sflag:$0x3], $0x80, s13, s25, $0xb8;
	[tilespmem:$0x1E800] =	vst v63  }
0x7d: {  	_ =	swait.ge [sflag:s28], $0x4000  }
0x7e: {  	[sflag:s28] =	ssyncset.done $0x0  }
0x7f: {  	s12 =	simm.s32 $0x100;
	[sflag:s28] =	ssyncadd.s32 $0xFFFFC000  }
0x80: {  	[tilespmem:s21], [sflag:$0x1] =	stream.indirect.gather [hbm4b:s4+s25], $0x80, s12, s25, $0xb8;
	[tilespmem:$0x1E800] =	vst v63  }
0x81: {  	_ =	swait.ge [sflag:s29], $0x4000  }
0x82: {  	[sflag:s29] =	ssyncset.done $0x0  }
0x83: {  	s13 =	simm.s32 $0x1480;
	[sflag:s29] =	ssyncadd.s32 $0xFFFFC000  }
0x84: {  	[spmem:s2] =	stream.indirect.scatter.add.f32 [tilespmem:s23], [sflag:$0x4], $0x80, s13, s25, $0xb8;
	[tilespmem:$0x1E800] =	vst v63  }
0x85: {  	_ =	swait.ge [sflag:s30], $0x4000  }
0x86: {  	[sflag:s30] =	ssyncset.done $0x0  }
0x87: {  	s11 =	simm.s32 $0x400;
	s12 =	simm.s32 $0x180;
	[sflag:s30] =	ssyncadd.s32 $0xFFFFC000  }
.LBB2_4:
0x88: {  	[tilespmem:s23], [sflag:$0x2] =	stream.indirect.gather [hbm4b:s4+s25], $0x80, s12, s25, $0xb8;
	[tilespmem:$0x1E800] =	vst v63  }
0x89: {  	s12 =	smov.u32 s11  }
0x8a: {  	p0 =	sne.s32 s11, $0x4800;
	s11 =	sadd.s32 $0x400, s11;
	_ =	swait.ge [sflag:s26], $0x4000  }
0x8b: {  	s12 =	sshra.s32 s12, $0x2;
	[sflag:s26] =	ssyncset.done $0x0  }
0x8c: {  	s13 =	sadd.s32 $0x1400, s12;
	[sflag:s26] =	ssyncadd.s32 $0xFFFFC000  }
0x8d: {  	[spmem:s2] =	stream.indirect.scatter.add.f32 [tilespmem:s21], [sflag:$0x3], $0x80, s13, s25, $0xb8;
	[tilespmem:$0x1E800] =	vst v63  }
0x8e: {  	_ =	swait.ge [sflag:s28], $0x4000  }
0x8f: {  	[sflag:s28] =	ssyncset.done $0x0  }
0x90: {  	s13 =	sadd.s32 $0x100, s12;
	[sflag:s28] =	ssyncadd.s32 $0xFFFFC000  }
0x91: {  	[tilespmem:s21], [sflag:$0x1] =	stream.indirect.gather [hbm4b:s4+s25], $0x80, s13, s25, $0xb8;
	[tilespmem:$0x1E800] =	vst v63  }
0x92: {  	_ =	swait.ge [sflag:s29], $0x4000  }
0x93: {  	[sflag:s29] =	ssyncset.done $0x0  }
.Ltmp1:
0x94: {  	s13 =	sadd.s32 $0x1480, s12;
	[sflag:s29] =	ssyncadd.s32 $0xFFFFC000;
	(pc) =	sbr.rel @p0 .LBB2_4-.Ltmp1, $4  }
0x95: {  	[spmem:s2] =	stream.indirect.scatter.add.f32 [tilespmem:s23], [sflag:$0x4], $0x80, s13, s25, $0xb8;
	[tilespmem:$0x1E800] =	vst v63  }
0x96: {  	_ =	swait.ge [sflag:s30], $0x4000  }
0x97: {  	[sflag:s30] =	ssyncset.done $0x0  }
0x98: {  	s12 =	sadd.s32 $0x180, s12;
	[sflag:s30] =	ssyncadd.s32 $0xFFFFC000  }
0x99: {  	[tilespmem:s23], [sflag:$0x2] =	stream.indirect.gather [hbm4b:s4+s25], $0x80, s12, s25, $0xb8;
	[tilespmem:$0x1E800] =	vst v63  }
0x9a: {  	_ =	swait.ge [sflag:s26], $0x4000  }
0x9b: {  	[sflag:s26] =	ssyncset.done $0x0  }
0x9c: {  	[sflag:s26] =	ssyncadd.s32 $0xFFFFC000  }
0x9d: {  	[spmem:s2] =	stream.indirect.scatter.add.f32 [tilespmem:s21], [sflag:$0x3], $0x80, s31, s25, $0xb8;
	[tilespmem:$0x1E800] =	vst v63  }
0x9e: {  	_ =	swait.ge [sflag:s28], $0x4000  }
0x9f: {  	[sflag:s28] =	ssyncset.done $0x0  }
0xa0: {  	[sflag:s28] =	ssyncadd.s32 $0xFFFFC000  }
0xa1: {  	_ =	swait.ge [sflag:s29], $0x4000  }
0xa2: {  	[sflag:s29] =	ssyncset.done $0x0  }
0xa3: {  	[sflag:s29] =	ssyncadd.s32 $0xFFFFC000  }
0xa4: {  	[spmem:s2] =	stream.indirect.scatter.add.f32 [tilespmem:s23], [sflag:$0x4], $0x80, s1, s25, $0xb8;
	[tilespmem:$0x1E800] =	vst v63  }
0xa5: {  	_ =	swait.ge [sflag:s30], $0x4000  }
0xa6: {  	[sflag:s30] =	ssyncset.done $0x0  }
0xa7: {  	[sflag:s30] =	ssyncadd.s32 $0xFFFFC000  }
0xa8: {  	[bflag:$0x0] =	sbarrier.arrive $0xFFFF  }
0xa9: {  	[tilespmem:s21], [sflag:$0x5] =	stream.linear.gather [spmem:s6], $0x4000, $0x38;
	[tilespmem:$0x1E800] =	vst v63  }
0xaa: {  	_ =	swait.ge [sflag:s22], $0x4000  }
0xab: {  	[sflag:s22] =	ssyncset.done $0x0  }
0xac: {  	[sflag:s22] =	ssyncadd.s32 $0xFFFFC000  }
0xad: {  	[hbm4b:s15+s3] =	stream.linear.scatter [tilespmem:s21], [sflag:$0x5], $0x4000, $0x38;
	[tilespmem:$0x1E800] =	vst v63  }
0xae: {  	_ =	swait.ge [sflag:s22], $0x4000  }
0xaf: {  	[sflag:s22] =	ssyncset.done $0x0  }
0xb0: {  	[sflag:s22] =	ssyncadd.s32 $0xFFFFC000  }
0xb1: {  	[tilespmem:s21], [sflag:$0x5] =	stream.linear.gather [spmem:s7], $0x4000, $0x38;
	[tilespmem:$0x1E800] =	vst v63  }
0xb2: {  	_ =	swait.ge [sflag:s22], $0x4000  }
0xb3: {  	[sflag:s22] =	ssyncset.done $0x0  }
0xb4: {  	[sflag:s22] =	ssyncadd.s32 $0xFFFFC000  }
0xb5: {  	[hbm4b:s16+s3] =	stream.linear.scatter [tilespmem:s21], [sflag:$0x5], $0x4000, $0x38;
	[tilespmem:$0x1E800] =	vst v63  }
0xb6: {  	_ =	swait.ge [sflag:s22], $0x4000  }
0xb7: {  	[sflag:s22] =	ssyncset.done $0x0  }
0xb8: {  	[sflag:s22] =	ssyncadd.s32 $0xFFFFC000  }
0xb9: {  	[tilespmem:s21], [sflag:$0x5] =	stream.linear.gather [spmem:s8], $0x4000, $0x38;
	[tilespmem:$0x1E800] =	vst v63  }
0xba: {  	_ =	swait.ge [sflag:s22], $0x4000  }
0xbb: {  	[sflag:s22] =	ssyncset.done $0x0  }
0xbc: {  	[sflag:s22] =	ssyncadd.s32 $0xFFFFC000  }
0xbd: {  	[hbm4b:s17+s3] =	stream.linear.scatter [tilespmem:s21], [sflag:$0x5], $0x4000, $0x38;
	[tilespmem:$0x1E800] =	vst v63  }
0xbe: {  	_ =	swait.ge [sflag:s22], $0x4000  }
0xbf: {  	[sflag:s22] =	ssyncset.done $0x0  }
0xc0: {  	[sflag:s22] =	ssyncadd.s32 $0xFFFFC000  }
0xc1: {  	[tilespmem:s21], [sflag:$0x5] =	stream.linear.gather [spmem:s9], $0x4000, $0x38;
	[tilespmem:$0x1E800] =	vst v63  }
0xc2: {  	_ =	swait.ge [sflag:s22], $0x4000  }
0xc3: {  	[sflag:s22] =	ssyncset.done $0x0  }
0xc4: {  	[sflag:s22] =	ssyncadd.s32 $0xFFFFC000  }
0xc5: {  	[hbm4b:s18+s3] =	stream.linear.scatter [tilespmem:s21], [sflag:$0x5], $0x4000, $0x38;
	[tilespmem:$0x1E800] =	vst v63  }
0xc6: {  	_ =	swait.ge [sflag:s22], $0x4000  }
0xc7: {  	[sflag:s22] =	ssyncset.done $0x0  }
0xc8: {  	[sflag:s22] =	ssyncadd.s32 $0xFFFFC000  }
0xc9: {  	[tilespmem:s21], [sflag:$0x5] =	stream.linear.gather [spmem:s10], $0x4000, $0x38;
	[tilespmem:$0x1E800] =	vst v63  }
0xca: {  	s0 =	sadd.s32 $0x1, s0;
	_ =	swait.ge [sflag:s22], $0x4000  }
0xcb: {  	p0 =	sne.s32 s0, s20;
	[sflag:s22] =	ssyncset.done $0x0  }
.Ltmp2:
0xcc: {  	[sflag:s22] =	ssyncadd.s32 $0xFFFFC000;
	(pc) =	sbr.rel @p0 .LBB2_1-.Ltmp2, $4  }
0xcd: {  	[hbm4b:s19+s3] =	stream.linear.scatter [tilespmem:s21], [sflag:$0x5], $0x4000, $0x38;
	[tilespmem:$0x1E800] =	vst v63  }
0xce: {  	_ =	swait.ge [sflag:s22], $0x4000  }
0xcf: {  	[sflag:s22] =	ssyncset.done $0x0  }
0xd0: {  	[sflag:s22] =	ssyncadd.s32 $0xFFFFC000  }
0xd1: {  	_ =	sfence.sel $0x180000  }
0xd2: {  	[bflag:$0x0] =	sbarrier.arrive $0xFFFF  }
0xd3: {  	_ =	strace $0x9000004D  }
0xd4: {  	s0 =	stileid.u32;
	[bflag:$0x2] =	sbarrier.arrive $0xFFFF  }
0xd5: {  	p0 =	sne.s32 s0, $0x0;
	s0 =	rddreg [dreg:$0x3]  }
0xd6: {  	s0 =	sadd.s32 @!p0 $0x100000, s0  }
0xd7: {  	[sflag:s0] =	ssyncadd.tile.s32 @!p0 $0x1;
	_ =	shalt  }
.Lfunc_end2:
_tile_overlayer_lowered:
.L_overlay_start_2:
0xd8: {  	(tag) =	ssettag $0x2  }
0xd9: {  	s0 =	rddreg [dreg:$0x0];
	s2 =	stileid.u32  }
0xda: {  	s1 =	rddreg [dreg:$0x1];
	p0 =	sne.s32 s2, $0x0  }
0xdb: {  	s3 =	rddreg [dreg:$0x2];
	[bflag:$0x3] =	sbarrier.arrive $0xFFFF;
	s2 =	simm.s32 @!p0 $0x1C05  }
0xdc: {  	[timem:s3], [sflag:s2] =	dma.local @!p0 [hbm:s0], s1  }
0xdd: {  	s0 =	simm.s32 @!p0 $0x5  }
0xde: {  	_ =	swait.ge @!p0 [sflag:s0], s1  }
0xdf: {  	s1 =	ssub.s32 @!p0 $0x0, s1;
	[sflag:s0] =	ssyncset.done @!p0 $0x0  }
0xe0: {  	[sflag:s0] =	ssyncadd.s32 @!p0 s1  }
0xe1: {  	[bflag:$0x3] =	sbarrier.arrive $0xFFFF  }
0xe2: {  	_ =	shalt  }

// kernel: kernel.7.cloned.1.call-start
scs
__scs_entry_jumppad:
0x0: {  	(pc) =	sbr.rel $0x88, $3  }
0x1: {  	(tag) =	ssettag $0x0;
	lr =	simm.s32 $0x1  }
0x2: {  	[smem:$0x3F99] =	sst lr;
	_ =	strace $0xD0000000  }
0x3: {  	_ = 	snop  }
0x4: {  	_ = 	snop  }
0x5: {  	_ = 	snop  }
0x6: {  	_ = 	snop  }
0x7: {  	_ = 	snop  }
__scs_overlays_trampoline_lowered:
0x8: {  	[smem:$0x3FA8] =	sst s0  }
0x9: {  	[smem:$0x3FA9] =	sst s1  }
0xa: {  	[smem:$0x3FAA] =	sst s2  }
0xb: {  	[smem:$0x3FAB] =	sst s3  }
0xc: {  	[smem:$0x3FAC] =	sst s4  }
0xd: {  	[smem:$0x3FAD] =	sst s5  }
0xe: {  	[smem:$0x3FAE] =	sst s6  }
0xf: {  	[smem:$0x3FAF] =	sst s7  }
0x10: {  	[smem:$0x3FB0] =	sst s8  }
0x11: {  	[smem:$0x3FB1] =	sst s9;
	s0 =	simm.s32 @!p0 $0x0  }
0x12: {  	s1 =	sld [smem:$0x3F97];
	s0 =	simm.s32 @p0 $0x1  }
0x13: {  	[smem:$0x3FB2] =	sst s0;
	s0 =	simm.s32 @!p1 $0x0  }
0x14: {  	s2 =	sld [smem:$0x3F96];
	s0 =	simm.s32 @p1 $0x1  }
0x15: {  	[smem:$0x3FB3] =	sst s0;
	s0 =	simm.s32 @!p2 $0x0  }
0x16: {  	s3 =	sld [smem:$0x3FDB];
	s0 =	simm.s32 @p2 $0x1  }
0x17: {  	s4 =	simm.s32 $0x1BF5;
	[smem:$0x3FB5] =	sst s0  }
0x18: {  	s0 =	sld [smem:$0x3F98];
	_ =	swait.ge [sflag:s4], $0x0  }
0x19: {  	s7 =	sld [smem:$0x3F99]  }
0x1a: {  	s8 =	sadd.s32 $0xFFFFE003, lr  }
0x1b: {  	s9 =	sadd.s32 $0xFFFFFEF7, lr;
	s5 =	simm.s32 $0xFFFFFFFF;
	p2 =	slt.u32 s8, $0xFFFFF086  }
0x1c: {  	p1 =	slt.u32 s9, $0xF7A;
	s5 =	simm.s32 @!p2 $0x0  }
0x1d: {  	s5 =	simm.s32 @p1 $0x1;
	p0 =	seq.s32 s7, s2  }
0x1e: {  	s7 =	smul.u32 @!p0 $0xF7A, s2;
	p2 =	seq.s32 @!p0 s5, $0x0  }
0x1f: {  	s9 =	smul.u32 $0xF7A, s1;
	s8 =	simm.s32 @!p0 $0x1BF5;
	p2 =	por !p2, p0  }
0x20: {  	[sflag:s8] =	ssyncset.s32 @!p0 $0xFFFFF086;
	s6 =	sadd.s32 @!p0 s3, s7;
	s7 =	simm.s32 @!p0 $0x108  }
0x21: {  	s3 =	sadd.s32 s3, s9;
	s6 =	sadd.s32 @!p0 $0x88, s6;
	s7 =	simm.s32 @p2 $0x1082  }
0x22: {  	[simem:s7], [sflag:s8] =	dma.local @!p0 [hbm:s6], $0xF7A  }
0x23: {  	s9 =	sor.u32 $0xD0000000, s2;
	s6 =	simm.s32 $0x108;
	_ =	swait.ge @!p0 [sflag:s8], $0x0  }
0x24: {  	s3 =	sadd.s32 $0x88, s3;
	s6 =	simm.s32 @!p1 $0x1082;
	[sflag:s4] =	ssyncset.s32 $0xFFFFF086  }
0x25: {  	[simem:s6], [sflag:s4] =	dma.local [hbm:s3], $0xF7A  }
0x26: {  	[smem:$0x3F99] =	sst s1;
	(tag) =	ssettag s2;
	_ =	strace s9  }
0x27: {  	s1 =	sld [smem:$0x3FA9]  }
0x28: {  	s2 =	sld [smem:$0x3FAA]  }
0x29: {  	s4 =	sld [smem:$0x3FAC]  }
0x2a: {  	p0 =	seq.s32 s5, $0x0;
	s5 =	sld [smem:$0x3FAD]  }
0x2b: {  	s6 =	sld [smem:$0x3FAE]  }
0x2c: {  	s7 =	sld [smem:$0x3FAF]  }
0x2d: {  	s3 =	simm.s32 $0x108;
	s8 =	sld [smem:$0x3FB0]  }
0x2e: {  	s3 =	simm.s32 @!p0 $0x1082;
	s9 =	sld [smem:$0x3FB1]  }
0x2f: {  	lr =	sadd.s32 s0, s3;
	s0 =	sld [smem:$0x3FA8]  }
0x30: {  	s3 =	sld [smem:$0x3FAB]  }
0x31: {  	[smem:$0x3FB4] =	sst s10  }
0x32: {  	s10 =	sld [smem:$0x3FB2];
	_ =	sdelay $0x3  }
0x33: {  	p0 =	seq.s32 s10, $0x1;
	s10 =	sld [smem:$0x3FB4];
	_ =	sdelay $0x3  }
0x34: {  	[smem:$0x3FB4] =	sst s10  }
0x35: {  	s10 =	sld [smem:$0x3FB3];
	_ =	sdelay $0x3  }
0x36: {  	p1 =	seq.s32 s10, $0x1;
	s10 =	sld [smem:$0x3FB4];
	_ =	sdelay $0x3  }
0x37: {  	[smem:$0x3FB4] =	sst s10  }
0x38: {  	s10 =	sld [smem:$0x3FB5]  }
0x39: {  	_ = 	snop;
	(pc) =	sbr.ind lr, $3  }
0x3a: {  	_ = 	snop  }
0x3b: {  	_ = 	snop  }
0x3c: {  	p2 =	seq.s32 s10, $0x1;
	s10 =	sld [smem:$0x3FB4]  }
0x3d: {  	_ =	shalt  }
0x3e: {  	_ =	shalt  }
0x3f: {  	_ =	shalt  }
0x40: {  	_ =	shalt  }
0x41: {  	_ =	shalt  }
0x42: {  	_ =	shalt  }
0x43: {  	_ =	shalt  }
0x44: {  	_ =	shalt  }
0x45: {  	_ =	shalt  }
0x46: {  	_ =	shalt  }
0x47: {  	_ =	shalt  }
0x48: {  	_ =	shalt  }
0x49: {  	_ =	shalt  }
0x4a: {  	_ =	shalt  }
0x4b: {  	_ =	shalt  }
0x4c: {  	_ =	shalt  }
0x4d: {  	_ =	shalt  }
0x4e: {  	_ =	shalt  }
0x4f: {  	_ =	shalt  }
0x50: {  	_ =	shalt  }
0x51: {  	_ =	shalt  }
0x52: {  	_ =	shalt  }
0x53: {  	_ =	shalt  }
0x54: {  	_ =	shalt  }
0x55: {  	_ =	shalt  }
0x56: {  	_ =	shalt  }
0x57: {  	_ =	shalt  }
0x58: {  	_ =	shalt  }
0x59: {  	_ =	shalt  }
0x5a: {  	_ =	shalt  }
0x5b: {  	_ =	shalt  }
0x5c: {  	_ =	shalt  }
0x5d: {  	_ =	shalt  }
0x5e: {  	_ =	shalt  }
0x5f: {  	_ =	shalt  }
0x60: {  	_ =	shalt  }
0x61: {  	_ =	shalt  }
0x62: {  	_ =	shalt  }
0x63: {  	_ =	shalt  }
0x64: {  	_ =	shalt  }
0x65: {  	_ =	shalt  }
0x66: {  	_ =	shalt  }
0x67: {  	_ =	shalt  }
0x68: {  	_ =	shalt  }
0x69: {  	_ =	shalt  }
0x6a: {  	_ =	shalt  }
0x6b: {  	_ =	shalt  }
0x6c: {  	_ =	shalt  }
0x6d: {  	_ =	shalt  }
0x6e: {  	_ =	shalt  }
0x6f: {  	_ =	shalt  }
0x70: {  	_ =	shalt  }
0x71: {  	_ =	shalt  }
0x72: {  	_ =	shalt  }
0x73: {  	_ =	shalt  }
0x74: {  	_ =	shalt  }
0x75: {  	_ =	shalt  }
0x76: {  	_ =	shalt  }
0x77: {  	_ =	shalt  }
0x78: {  	_ =	shalt  }
0x79: {  	_ =	shalt  }
0x7a: {  	_ =	shalt  }
0x7b: {  	_ =	shalt  }
0x7c: {  	_ =	shalt  }
0x7d: {  	_ =	shalt  }
0x7e: {  	_ =	shalt  }
0x7f: {  	_ =	shalt  }
0x80: {  	_ =	shalt  }
0x81: {  	_ =	shalt  }
0x82: {  	_ =	shalt  }
0x83: {  	_ =	shalt  }
0x84: {  	_ =	shalt  }
0x85: {  	_ =	shalt  }
0x86: {  	_ =	shalt  }
0x87: {  	_ =	shalt  }
.Lfunc_end0:
.L_simem_size_0:
called_computation_lowered:
.L_overlay_start_0:
0x88: {  	s2 =	sld [smem:$0x3FD9]  }
0x89: {  	s3 =	sld [smem:$0x3FFE];
	_ =	sdelay $0x1  }
0x8a: {  	s1 =	srdreg.scid  }
0x8b: {  	s0 =	sand.u32 $0x1, s1  }
0x8c: {  	s17 =	sshll.u32 s0, $0xA;
	s2 =	sadd.s32 s3, s2  }
0x8d: {  	s2 =	sadd.s32 s2, s17  }
0x8e: {  	[smem:$0x3FC0] =	sst s2  }
0x8f: {  	_ = 	snop  }
0x90: {  	s2 =	sld [smem:$0x3FD0];
	(tm) =	ssettm $0x1  }
0x91: {  	s18 =	sld [smem:$0x3FFB];
	_ =	sdelay $0x3  }
0x92: {  	_ =	strace s18  }
0x93: {  	s3 =	sld [smem:$0x3FFC];
	_ =	sdelay $0x3  }
0x94: {  	_ =	strace s3  }
0x95: {  	s3 =	sld [smem:$0x3FFD];
	_ =	sdelay $0x3  }
0x96: {  	_ =	strace s3  }
0x97: {  	_ =	strace $0x8FFFFFFF  }
0x98: {  	s19 =	sld [smem:$0x3FDB];
	_ =	sdelay $0x1  }
0x99: {  	s4 =	simm.s32 $_scs_section_size  }
0x9a: {  	s5 =	simm.s32 $_size__tile_overlayer_lowered;
	s6 =	simm.s32 $_tile_overlayer_lowered  }
0x9b: {  	s22 =	simm.s32 $0x1BFF;
	s21 =	sshll.u32 s6, $0x1;
	s3 =	sadd.s32 s4, s19  }
0x9c: {  	s7 =	simm.s32 $0x0;
	s20 =	sshll.u32 s5, $0x1;
	s5 =	sadd.s32 s21, s3  }
0x9d: {  	[timem:s7], [sflag:s22] =	dma.local [hbm:s5], s20  }
0x9e: {  	_ =	swait.ge [sflag:s22], s20  }
0x9f: {  	s4 =	ssub.s32 $0x0, s20;
	[sflag:s22] =	ssyncset.done $0x0  }
0xa0: {  	[sflag:s22] =	ssyncadd.s32 s4;
	_ =	sdelay $0x1  }
0xa1: {  	s23 =	simm.s32 $0x1B8B  }
0xa2: {  	_ =	swait.ge [sflag:s23], $0x1  }
0xa3: {  	[sflag:s23] =	ssyncset.done $0x0  }
0xa4: {  	s25 =	simm.s32 $0x1B8E;
	s24 =	sld [smem:$0x3FFE];
	[sflag:s23] =	ssyncadd.s32 $0xFFFFFFFF  }
0xa5: {  	s26 =	simm.s32 $execute0_lowered;
	[smem:$0x3FD2] =	sst s25  }
0xa6: {  	s5 =	sshll.u32 s26, $0x1;
	_ =	strace $0x80000046;
	[dreg:$0x1] =	wrdreg $0xFFFFFFFF  }
0xa7: {  	s28 =	simm.s32 $_size_execute0_lowered;
	s3 =	sadd.s32 s3, s5;
	[dreg:$0x0] =	wrdreg $0x0  }
0xa8: {  	s5 =	sshll.u32 s28, $0x1;
	[dreg:$0x2] =	wrdreg s3  }
0xa9: {  	[dreg:$0x3] =	wrdreg s5  }
0xaa: {  	[dreg:$0x4] =	wrdreg $0xC0  }
0xab: {  	_ =	task [dreg:s7], $0x5FFFF  }
0xac: {  	[dreg:$0x1] =	wrdreg $0xFFFFFFFF  }
0xad: {  	[dreg:$0x0] =	wrdreg $0x60  }
0xae: {  	[dreg:$0x2] =	wrdreg s24  }
0xaf: {  	[dreg:$0x3] =	wrdreg s2  }
0xb0: {  	[dreg:$0x4] =	wrdreg $0x94000  }
0xb1: {  	[dreg:$0x5] =	wrdreg $0x9  }
0xb2: {  	_ =	task.clear_ibuf [dreg:s7], $0x6FFFF;
	_ =	strace $0x90000046  }
0xb3: {  	s29 =	simm.s32 $0x9;
	_ =	strace $0x80000048  }
0xb4: {  	_ =	swait.ge [sflag:s29], $0x1  }
0xb5: {  	[sflag:s29] =	ssyncadd.s32 $0xFFFFFFFF  }
0xb6: {  	_ =	strace $0x90000048  }
0xb7: {  	_ =	sfence  }
0xb8: {  	s30 =	sld [smem:$0x0];
	_ =	sdelay $0x2  }
0xb9: {  	s31 =	sshll.u32 s1, $0xD;
	s1 =	sshrl.u32 s1, $0x2  }
0xba: {  	s3 =	sand.u32 $0x4000, s31;
	s1 =	sadd.s32 s1, s30  }
0xbb: {  	s0 =	sor.u32 s3, s0;
	s1 =	sshll.u32 s1, $0x11  }
0xbc: {  	s0 =	sor.u32 s1, s0  }
0xbd: {  	s0 =	sadd.s32 $0x8F2B, s0  }
0xbe: {  	[sflag:s0] =	ssyncadd.remote.s32 $0x1  }
0xbf: {  	_ =	sfence.sel $0xFFFF  }
0xc0: {  	[dreg:$0x0] =	wrdreg $0xFFFFFFFF;
	(pc) =	sbr.abs _section_cstart, $3  }
0xc1: {  	[dreg:$0x1] =	wrdreg $0xFFFFFFFF  }
0xc2: {  	_ =	task.clear_ibuf [dreg:s7], $0x2FFFF;
	_ =	strace $0x9FFFFFFF  }
0xc3: {  	(tm) =	ssettm $0x7FFFFFFF  }
tec
execute0_lowered:
.L_overlay_start_1:
0x0: {  	(tag) =	ssettag $0x1  }
0x1: {  	s0 =	rddreg [dreg:$0x0]  }
0x2: {  	s1 =	rddreg [dreg:$0x1]  }
0x3: {  	s2 =	rddreg [dreg:$0x2]  }
0x4: {  	s3 =	srdreg.scid;
	s9 =	stileid.u32;
	s17 =	simm.s32 $0x5400  }
0x5: {  	s7 =	sand.u32 $0x1, s3;
	s4 =	smul.u32 $0x280, s9;
	s5 =	sshll.u32 s9, $0x1  }
0x6: {  	s3 =	simm.s32 $0x0;
	s8 =	sadd.s32 $0xD600, s0;
	[dreg:$0x13] =	wrdreg s7  }
0x7: {  	s6 =	smul.u32 $0x2800, s7;
	s5 =	sor.u32 s7, s5;
	[smem:$0x7FF] =	sst s3  }
0x8: {  	s7 =	smul.u32 $0x2800, s5;
	_ =	strace $0x80000047;
	[dreg:$0x4] =	wrdreg s8  }
0x9: {  	s16 =	sadd.s32 $0xCE00, s0;
	s5 =	smul.u32 $0x500, s5;
	[dreg:$0xc] =	wrdreg s17  }
0xa: {  	s4 =	sadd.s32 s4, s6;
	s6 =	simm.s32 $0x1400;
	s10 =	sshrl.u32 s7, $0x3  }
0xb: {  	[tilespmem:s6], [sflag:$0x2] =	stream.linear.gather [hbm4b:s16+s3], $0x4000, $0x38;
	[tilespmem:$0x1D400] =	vst v63  }
0xc: {  	s4 =	sshll.u32 s4, $0x4;
	s5 =	sadd.s32 s1, s5;
	s1 =	sadd.s32 s1, s10  }
0xd: {  	s4 =	sadd.s32 s4, s0;
	[dreg:$0x5] =	wrdreg s5;
	s1 =	sadd.s32 $0x280, s1  }
0xe: {  	s11 =	sadd.s32 $0xDE00, s4;
	[dreg:$0x6] =	wrdreg s1  }
0xf: {  	s12 =	sadd.s32 $0xE600, s4;
	[dreg:$0x7] =	wrdreg s11  }
0x10: {  	s13 =	sadd.s32 $0xEE00, s4;
	[dreg:$0x8] =	wrdreg s12  }
0x11: {  	s14 =	sadd.s32 $0xF600, s4;
	[dreg:$0x9] =	wrdreg s13  }
0x12: {  	s15 =	sadd.s32 $0xFE00, s4;
	[dreg:$0xa] =	wrdreg s14  }
0x13: {  	s5 =	simm.s32 $0x2;
	[dreg:$0xb] =	wrdreg s15  }
0x14: {  	_ =	swait.ge [sflag:s5], $0x4000  }
0x15: {  	[dreg:$0xd] =	wrdreg s16;
	[sflag:s5] =	ssyncset.done $0x0  }
0x16: {  	s19 =	smul.u32 $0x50000, s9;
	s18 =	rddreg [dreg:$0xc];
	[sflag:s5] =	ssyncadd.s32 $0xFFFFC000  }
0x17: {  	[tilespmem:s18], [sflag:$0x2] =	stream.linear.gather [hbm4b:s16+s3], $0x4000, $0x38;
	[tilespmem:$0x1D400] =	vst v63  }
0x18: {  	_ =	swait.ge [sflag:s5], $0x4000  }
0x19: {  	s20 =	sshrl.u32 s19, $0x2;
	[sflag:s5] =	ssyncset.done $0x0  }
0x1a: {  	s8 =	sadd.s32 s20, s2;
	[sflag:s5] =	ssyncadd.s32 $0xFFFFC000  }
0x1b: {  	[spmem:s8] =	stream.linear.scatter [tilespmem:s6], [sflag:$0x2], $0x4000, $0x38;
	[tilespmem:$0x1D400] =	vst v63  }
0x1c: {  	_ =	swait.ge [sflag:s5], $0x4000  }
0x1d: {  	[sflag:s5] =	ssyncset.done $0x0  }
0x1e: {  	s9 =	sadd.s32 $0x4000, s8;
	[sflag:s5] =	ssyncadd.s32 $0xFFFFC000  }
0x1f: {  	[spmem:s9] =	stream.linear.scatter [tilespmem:s6], [sflag:$0x2], $0x4000, $0x38;
	[tilespmem:$0x1D400] =	vst v63  }
0x20: {  	_ =	swait.ge [sflag:s5], $0x4000  }
0x21: {  	[sflag:s5] =	ssyncset.done $0x0  }
0x22: {  	s10 =	sadd.s32 $0x8000, s8;
	[sflag:s5] =	ssyncadd.s32 $0xFFFFC000  }
0x23: {  	[spmem:s10] =	stream.linear.scatter [tilespmem:s6], [sflag:$0x2], $0x4000, $0x38;
	[tilespmem:$0x1D400] =	vst v63  }
0x24: {  	_ =	swait.ge [sflag:s5], $0x4000  }
0x25: {  	[sflag:s5] =	ssyncset.done $0x0  }
0x26: {  	s11 =	sadd.s32 $0xC000, s8;
	[sflag:s5] =	ssyncadd.s32 $0xFFFFC000  }
0x27: {  	[spmem:s11] =	stream.linear.scatter [tilespmem:s6], [sflag:$0x2], $0x4000, $0x38;
	[tilespmem:$0x1D400] =	vst v63  }
0x28: {  	_ =	swait.ge [sflag:s5], $0x4000  }
0x29: {  	[sflag:s5] =	ssyncset.done $0x0  }
0x2a: {  	s31 =	sadd.s32 $0x10000, s8;
	[sflag:s5] =	ssyncadd.s32 $0xFFFFC000  }
0x2b: {  	[spmem:s31] =	stream.linear.scatter [tilespmem:s6], [sflag:$0x2], $0x4000, $0x38;
	[tilespmem:$0x1D400] =	vst v63  }
0x2c: {  	_ =	swait.ge [sflag:s5], $0x4000  }
0x2d: {  	[sflag:s5] =	ssyncset.done $0x0  }
0x2e: {  	s21 =	rddreg [dreg:$0x4];
	[sflag:s5] =	ssyncadd.s32 $0xFFFFC000  }
0x2f: {  	[tilespmem:s6], [sflag:$0x2] =	stream.linear.gather [hbm4b:s21+s3], $0x4000, $0x38;
	[tilespmem:$0x1D400] =	vst v63  }
0x30: {  	_ =	swait.ge [sflag:s5], $0x4000  }
0x31: {  	[sflag:s5] =	ssyncset.done $0x0  }
0x32: {  	[sflag:s5] =	ssyncadd.s32 $0xFFFFC000  }
0x33: {  	[bflag:$0x0] =	sbarrier.arrive $0xFFFF  }
0x34: {  	s22 =	rddreg [dreg:$0x5]  }
0x35: {  	[tilespmem:s3], [sflag:$0x2] =	stream.linear.gather [hbm4b:s22+s3], $0x1400, $0x38;
	[tilespmem:$0x1D400] =	vst v63  }
0x36: {  	_ =	swait.ge [sflag:s5], $0x1400  }
0x37: {  	[sflag:s5] =	ssyncset.done $0x0  }
0x38: {  	s12 =	simm.s32 $0x80;
	[sflag:s5] =	ssyncadd.s32 $0xFFFFEC00  }
0x39: {  	[spmem:s2] =	stream.indirect.scatter.add.f32 [tilespmem:s6], [sflag:$0x1], $0x80, s3, s12, $0xb8;
	[tilespmem:$0x1D400] =	vst v63  }
0x3a: {  	_ = 	snop  }
0x3b: {  	[spmem:s2] =	stream.indirect.scatter.add.f32 [tilespmem:s6], [sflag:$0x1], $0x80, s12, s12, $0xb8;
	[tilespmem:$0x1D400] =	vst v63  }
0x3c: {  	s23 =	simm.s32 $0x100  }
0x3d: {  	[spmem:s2] =	stream.indirect.scatter.add.f32 [tilespmem:s6], [sflag:$0x1], $0x80, s23, s12, $0xb8;
	[tilespmem:$0x1D400] =	vst v63  }
0x3e: {  	s24 =	simm.s32 $0x180  }
0x3f: {  	[spmem:s2] =	stream.indirect.scatter.add.f32 [tilespmem:s6], [sflag:$0x1], $0x80, s24, s12, $0xb8;
	[tilespmem:$0x1D400] =	vst v63  }
0x40: {  	s25 =	simm.s32 $0x200  }
0x41: {  	[spmem:s2] =	stream.indirect.scatter.add.f32 [tilespmem:s6], [sflag:$0x1], $0x80, s25, s12, $0xb8;
	[tilespmem:$0x1D400] =	vst v63  }
0x42: {  	s26 =	simm.s32 $0x280  }
0x43: {  	[spmem:s2] =	stream.indirect.scatter.add.f32 [tilespmem:s6], [sflag:$0x1], $0x80, s26, s12, $0xb8;
	[tilespmem:$0x1D400] =	vst v63  }
0x44: {  	s28 =	simm.s32 $0x300  }
0x45: {  	[spmem:s2] =	stream.indirect.scatter.add.f32 [tilespmem:s6], [sflag:$0x1], $0x80, s28, s12, $0xb8;
	[tilespmem:$0x1D400] =	vst v63  }
0x46: {  	s29 =	simm.s32 $0x380;
	s19 =	simm.s32 $0x1  }
0x47: {  	[spmem:s2] =	stream.indirect.scatter.add.f32 [tilespmem:s6], [sflag:$0x1], $0x80, s29, s12, $0xb8;
	[tilespmem:$0x1D400] =	vst v63  }
0x48: {  	_ =	swait.ge [sflag:s19], $0x4000  }
0x49: {  	[sflag:s19] =	ssyncset.done $0x0  }
0x4a: {  	[sflag:s19] =	ssyncadd.s32 $0xFFFFC000  }
0x4b: {  	_ =	swait.ge [sflag:s19], $0x4000  }
0x4c: {  	[sflag:s19] =	ssyncset.done $0x0  }
0x4d: {  	[sflag:s19] =	ssyncadd.s32 $0xFFFFC000  }
0x4e: {  	_ =	swait.ge [sflag:s19], $0x4000  }
0x4f: {  	[sflag:s19] =	ssyncset.done $0x0  }
0x50: {  	[sflag:s19] =	ssyncadd.s32 $0xFFFFC000  }
0x51: {  	_ =	swait.ge [sflag:s19], $0x4000  }
0x52: {  	[sflag:s19] =	ssyncset.done $0x0  }
0x53: {  	[sflag:s19] =	ssyncadd.s32 $0xFFFFC000  }
0x54: {  	_ =	swait.ge [sflag:s19], $0x4000  }
0x55: {  	[sflag:s19] =	ssyncset.done $0x0  }
0x56: {  	[sflag:s19] =	ssyncadd.s32 $0xFFFFC000  }
0x57: {  	_ =	swait.ge [sflag:s19], $0x4000  }
0x58: {  	[sflag:s19] =	ssyncset.done $0x0  }
0x59: {  	[sflag:s19] =	ssyncadd.s32 $0xFFFFC000  }
0x5a: {  	_ =	swait.ge [sflag:s19], $0x4000  }
0x5b: {  	[sflag:s19] =	ssyncset.done $0x0  }
0x5c: {  	[sflag:s19] =	ssyncadd.s32 $0xFFFFC000  }
0x5d: {  	_ =	swait.ge [sflag:s19], $0x4000  }
0x5e: {  	[sflag:s19] =	ssyncset.done $0x0  }
0x5f: {  	s30 =	simm.s32 $0x400;
	[sflag:s19] =	ssyncadd.s32 $0xFFFFC000  }
0x60: {  	[spmem:s2] =	stream.indirect.scatter.add.f32 [tilespmem:s6], [sflag:$0x1], $0x80, s30, s12, $0xb8;
	[tilespmem:$0x1D400] =	vst v63  }
0x61: {  	s1 =	simm.s32 $0x480  }
0x62: {  	[spmem:s2] =	stream.indirect.scatter.add.f32 [tilespmem:s6], [sflag:$0x1], $0x80, s1, s12, $0xb8;
	[tilespmem:$0x1D400] =	vst v63  }
0x63: {  	s4 =	simm.s32 $0x500  }
0x64: {  	[spmem:s2] =	stream.indirect.scatter.add.f32 [tilespmem:s6], [sflag:$0x1], $0x80, s4, s12, $0xb8;
	[tilespmem:$0x1D400] =	vst v63  }
0x65: {  	s7 =	simm.s32 $0x580  }
0x66: {  	[spmem:s2] =	stream.indirect.scatter.add.f32 [tilespmem:s6], [sflag:$0x1], $0x80, s7, s12, $0xb8;
	[tilespmem:$0x1D400] =	vst v63  }
0x67: {  	s13 =	simm.s32 $0x600  }
0x68: {  	[spmem:s2] =	stream.indirect.scatter.add.f32 [tilespmem:s6], [sflag:$0x1], $0x80, s13, s12, $0xb8;
	[tilespmem:$0x1D400] =	vst v63  }
0x69: {  	s14 =	simm.s32 $0x680  }
0x6a: {  	[spmem:s2] =	stream.indirect.scatter.add.f32 [tilespmem:s6], [sflag:$0x1], $0x80, s14, s12, $0xb8;
	[tilespmem:$0x1D400] =	vst v63  }
0x6b: {  	s15 =	simm.s32 $0x700  }
0x6c: {  	[spmem:s2] =	stream.indirect.scatter.add.f32 [tilespmem:s6], [sflag:$0x1], $0x80, s15, s12, $0xb8;
	[tilespmem:$0x1D400] =	vst v63  }
0x6d: {  	s16 =	simm.s32 $0x780  }
0x6e: {  	[spmem:s2] =	stream.indirect.scatter.add.f32 [tilespmem:s6], [sflag:$0x1], $0x80, s16, s12, $0xb8;
	[tilespmem:$0x1D400] =	vst v63  }
0x6f: {  	_ =	swait.ge [sflag:s19], $0x4000  }
0x70: {  	[sflag:s19] =	ssyncset.done $0x0  }
0x71: {  	[sflag:s19] =	ssyncadd.s32 $0xFFFFC000  }
0x72: {  	_ =	swait.ge [sflag:s19], $0x4000  }
0x73: {  	[sflag:s19] =	ssyncset.done $0x0  }
0x74: {  	[sflag:s19] =	ssyncadd.s32 $0xFFFFC000  }
0x75: {  	_ =	swait.ge [sflag:s19], $0x4000  }
0x76: {  	[sflag:s19] =	ssyncset.done $0x0  }
0x77: {  	[sflag:s19] =	ssyncadd.s32 $0xFFFFC000  }
0x78: {  	_ =	swait.ge [sflag:s19], $0x4000  }
0x79: {  	[sflag:s19] =	ssyncset.done $0x0  }
0x7a: {  	[sflag:s19] =	ssyncadd.s32 $0xFFFFC000  }
0x7b: {  	_ =	swait.ge [sflag:s19], $0x4000  }
0x7c: {  	[sflag:s19] =	ssyncset.done $0x0  }
0x7d: {  	[sflag:s19] =	ssyncadd.s32 $0xFFFFC000  }
0x7e: {  	_ =	swait.ge [sflag:s19], $0x4000  }
0x7f: {  	[sflag:s19] =	ssyncset.done $0x0  }
0x80: {  	[sflag:s19] =	ssyncadd.s32 $0xFFFFC000  }
0x81: {  	_ =	swait.ge [sflag:s19], $0x4000  }
0x82: {  	[sflag:s19] =	ssyncset.done $0x0  }
0x83: {  	[sflag:s19] =	ssyncadd.s32 $0xFFFFC000  }
0x84: {  	_ =	swait.ge [sflag:s19], $0x4000  }
0x85: {  	[sflag:s19] =	ssyncset.done $0x0  }
0x86: {  	s17 =	simm.s32 $0x800;
	[sflag:s19] =	ssyncadd.s32 $0xFFFFC000  }
0x87: {  	[spmem:s2] =	stream.indirect.scatter.add.f32 [tilespmem:s6], [sflag:$0x1], $0x80, s17, s12, $0xb8;
	[tilespmem:$0x1D400] =	vst v63  }
0x88: {  	s18 =	simm.s32 $0x880  }
0x89: {  	[spmem:s2] =	stream.indirect.scatter.add.f32 [tilespmem:s6], [sflag:$0x1], $0x80, s18, s12, $0xb8;
	[tilespmem:$0x1D400] =	vst v63  }
0x8a: {  	s20 =	simm.s32 $0x900  }
0x8b: {  	[spmem:s2] =	stream.indirect.scatter.add.f32 [tilespmem:s6], [sflag:$0x1], $0x80, s20, s12, $0xb8;
	[tilespmem:$0x1D400] =	vst v63  }
0x8c: {  	s21 =	simm.s32 $0x980  }
0x8d: {  	[spmem:s2] =	stream.indirect.scatter.add.f32 [tilespmem:s6], [sflag:$0x1], $0x80, s21, s12, $0xb8;
	[tilespmem:$0x1D400] =	vst v63  }
0x8e: {  	s22 =	simm.s32 $0xA00  }
0x8f: {  	[spmem:s2] =	stream.indirect.scatter.add.f32 [tilespmem:s6], [sflag:$0x1], $0x80, s22, s12, $0xb8;
	[tilespmem:$0x1D400] =	vst v63  }
0x90: {  	s30 =	simm.s32 $0xA80  }
0x91: {  	[spmem:s2] =	stream.indirect.scatter.add.f32 [tilespmem:s6], [sflag:$0x1], $0x80, s30, s12, $0xb8;
	[tilespmem:$0x1D400] =	vst v63  }
0x92: {  	s29 =	simm.s32 $0xB00  }
0x93: {  	[spmem:s2] =	stream.indirect.scatter.add.f32 [tilespmem:s6], [sflag:$0x1], $0x80, s29, s12, $0xb8;
	[tilespmem:$0x1D400] =	vst v63  }
0x94: {  	s28 =	simm.s32 $0xB80  }
0x95: {  	[spmem:s2] =	stream.indirect.scatter.add.f32 [tilespmem:s6], [sflag:$0x1], $0x80, s28, s12, $0xb8;
	[tilespmem:$0x1D400] =	vst v63  }
0x96: {  	_ =	swait.ge [sflag:s19], $0x4000  }
0x97: {  	[sflag:s19] =	ssyncset.done $0x0  }
0x98: {  	[sflag:s19] =	ssyncadd.s32 $0xFFFFC000  }
0x99: {  	_ =	swait.ge [sflag:s19], $0x4000  }
0x9a: {  	[sflag:s19] =	ssyncset.done $0x0  }
0x9b: {  	[sflag:s19] =	ssyncadd.s32 $0xFFFFC000  }
0x9c: {  	_ =	swait.ge [sflag:s19], $0x4000  }
0x9d: {  	[sflag:s19] =	ssyncset.done $0x0  }
0x9e: {  	[sflag:s19] =	ssyncadd.s32 $0xFFFFC000  }
0x9f: {  	_ =	swait.ge [sflag:s19], $0x4000  }
0xa0: {  	[sflag:s19] =	ssyncset.done $0x0  }
0xa1: {  	[sflag:s19] =	ssyncadd.s32 $0xFFFFC000  }
0xa2: {  	_ =	swait.ge [sflag:s19], $0x4000  }
0xa3: {  	[sflag:s19] =	ssyncset.done $0x0  }
0xa4: {  	[sflag:s19] =	ssyncadd.s32 $0xFFFFC000  }
0xa5: {  	_ =	swait.ge [sflag:s19], $0x4000  }
0xa6: {  	[sflag:s19] =	ssyncset.done $0x0  }
0xa7: {  	[sflag:s19] =	ssyncadd.s32 $0xFFFFC000  }
0xa8: {  	_ =	swait.ge [sflag:s19], $0x4000  }
0xa9: {  	[sflag:s19] =	ssyncset.done $0x0  }
0xaa: {  	[sflag:s19] =	ssyncadd.s32 $0xFFFFC000  }
0xab: {  	_ =	swait.ge [sflag:s19], $0x4000  }
0xac: {  	[sflag:s19] =	ssyncset.done $0x0  }
0xad: {  	s26 =	simm.s32 $0xC00;
	[sflag:s19] =	ssyncadd.s32 $0xFFFFC000  }
0xae: {  	[spmem:s2] =	stream.indirect.scatter.add.f32 [tilespmem:s6], [sflag:$0x1], $0x80, s26, s12, $0xb8;
	[tilespmem:$0x1D400] =	vst v63  }
0xaf: {  	s25 =	simm.s32 $0xC80  }
0xb0: {  	[spmem:s2] =	stream.indirect.scatter.add.f32 [tilespmem:s6], [sflag:$0x1], $0x80, s25, s12, $0xb8;
	[tilespmem:$0x1D400] =	vst v63  }
0xb1: {  	s24 =	simm.s32 $0xD00  }
0xb2: {  	[spmem:s2] =	stream.indirect.scatter.add.f32 [tilespmem:s6], [sflag:$0x1], $0x80, s24, s12, $0xb8;
	[tilespmem:$0x1D400] =	vst v63  }
0xb3: {  	s23 =	simm.s32 $0xD80  }
0xb4: {  	[spmem:s2] =	stream.indirect.scatter.add.f32 [tilespmem:s6], [sflag:$0x1], $0x80, s23, s12, $0xb8;
	[tilespmem:$0x1D400] =	vst v63  }
0xb5: {  	s22 =	simm.s32 $0xE00  }
0xb6: {  	[spmem:s2] =	stream.indirect.scatter.add.f32 [tilespmem:s6], [sflag:$0x1], $0x80, s22, s12, $0xb8;
	[tilespmem:$0x1D400] =	vst v63  }
0xb7: {  	s21 =	simm.s32 $0xE80  }
0xb8: {  	[spmem:s2] =	stream.indirect.scatter.add.f32 [tilespmem:s6], [sflag:$0x1], $0x80, s21, s12, $0xb8;
	[tilespmem:$0x1D400] =	vst v63  }
0xb9: {  	s20 =	simm.s32 $0xF00  }
0xba: {  	[spmem:s2] =	stream.indirect.scatter.add.f32 [tilespmem:s6], [sflag:$0x1], $0x80, s20, s12, $0xb8;
	[tilespmem:$0x1D400] =	vst v63  }
0xbb: {  	s18 =	simm.s32 $0xF80  }
0xbc: {  	[spmem:s2] =	stream.indirect.scatter.add.f32 [tilespmem:s6], [sflag:$0x1], $0x80, s18, s12, $0xb8;
	[tilespmem:$0x1D400] =	vst v63  }
0xbd: {  	_ =	swait.ge [sflag:s19], $0x4000  }
0xbe: {  	[sflag:s19] =	ssyncset.done $0x0  }
0xbf: {  	[sflag:s19] =	ssyncadd.s32 $0xFFFFC000  }
0xc0: {  	_ =	swait.ge [sflag:s19], $0x4000  }
0xc1: {  	[sflag:s19] =	ssyncset.done $0x0  }
0xc2: {  	[sflag:s19] =	ssyncadd.s32 $0xFFFFC000  }
0xc3: {  	_ =	swait.ge [sflag:s19], $0x4000  }
0xc4: {  	[sflag:s19] =	ssyncset.done $0x0  }
0xc5: {  	[sflag:s19] =	ssyncadd.s32 $0xFFFFC000  }
0xc6: {  	_ =	swait.ge [sflag:s19], $0x4000  }
0xc7: {  	[sflag:s19] =	ssyncset.done $0x0  }
0xc8: {  	[sflag:s19] =	ssyncadd.s32 $0xFFFFC000  }
0xc9: {  	_ =	swait.ge [sflag:s19], $0x4000  }
0xca: {  	[sflag:s19] =	ssyncset.done $0x0  }
0xcb: {  	[sflag:s19] =	ssyncadd.s32 $0xFFFFC000  }
0xcc: {  	_ =	swait.ge [sflag:s19], $0x4000  }
0xcd: {  	[sflag:s19] =	ssyncset.done $0x0  }
0xce: {  	[sflag:s19] =	ssyncadd.s32 $0xFFFFC000  }
0xcf: {  	_ =	swait.ge [sflag:s19], $0x4000  }
0xd0: {  	[sflag:s19] =	ssyncset.done $0x0  }
0xd1: {  	[sflag:s19] =	ssyncadd.s32 $0xFFFFC000  }
0xd2: {  	_ =	swait.ge [sflag:s19], $0x4000  }
0xd3: {  	[sflag:s19] =	ssyncset.done $0x0  }
0xd4: {  	s17 =	simm.s32 $0x1000;
	[sflag:s19] =	ssyncadd.s32 $0xFFFFC000  }
0xd5: {  	[spmem:s2] =	stream.indirect.scatter.add.f32 [tilespmem:s6], [sflag:$0x1], $0x80, s17, s12, $0xb8;
	[tilespmem:$0x1D400] =	vst v63  }
0xd6: {  	s16 =	simm.s32 $0x1080  }
0xd7: {  	[spmem:s2] =	stream.indirect.scatter.add.f32 [tilespmem:s6], [sflag:$0x1], $0x80, s16, s12, $0xb8;
	[tilespmem:$0x1D400] =	vst v63  }
0xd8: {  	s15 =	simm.s32 $0x1100  }
0xd9: {  	[spmem:s2] =	stream.indirect.scatter.add.f32 [tilespmem:s6], [sflag:$0x1], $0x80, s15, s12, $0xb8;
	[tilespmem:$0x1D400] =	vst v63  }
0xda: {  	s14 =	simm.s32 $0x1180  }
0xdb: {  	[spmem:s2] =	stream.indirect.scatter.add.f32 [tilespmem:s6], [sflag:$0x1], $0x80, s14, s12, $0xb8;
	[tilespmem:$0x1D400] =	vst v63  }
0xdc: {  	s7 =	simm.s32 $0x1200  }
0xdd: {  	[spmem:s2] =	stream.indirect.scatter.add.f32 [tilespmem:s6], [sflag:$0x1], $0x80, s7, s12, $0xb8;
	[tilespmem:$0x1D400] =	vst v63  }
0xde: {  	s4 =	simm.s32 $0x1280  }
0xdf: {  	[spmem:s2] =	stream.indirect.scatter.add.f32 [tilespmem:s6], [sflag:$0x1], $0x80, s4, s12, $0xb8;
	[tilespmem:$0x1D400] =	vst v63  }
0xe0: {  	s1 =	simm.s32 $0x1300  }
0xe1: {  	[spmem:s2] =	stream.indirect.scatter.add.f32 [tilespmem:s6], [sflag:$0x1], $0x80, s1, s12, $0xb8;
	[tilespmem:$0x1D400] =	vst v63  }
0xe2: {  	s0 =	simm.s32 $0x1380  }
0xe3: {  	[spmem:s2] =	stream.indirect.scatter.add.f32 [tilespmem:s6], [sflag:$0x1], $0x80, s0, s12, $0xb8;
	[tilespmem:$0x1D400] =	vst v63  }
0xe4: {  	_ =	swait.ge [sflag:s19], $0x4000  }
0xe5: {  	[sflag:s19] =	ssyncset.done $0x0  }
0xe6: {  	[sflag:s19] =	ssyncadd.s32 $0xFFFFC000  }
0xe7: {  	_ =	swait.ge [sflag:s19], $0x4000  }
0xe8: {  	[sflag:s19] =	ssyncset.done $0x0  }
0xe9: {  	[sflag:s19] =	ssyncadd.s32 $0xFFFFC000  }
0xea: {  	_ =	swait.ge [sflag:s19], $0x4000  }
0xeb: {  	[sflag:s19] =	ssyncset.done $0x0  }
0xec: {  	[sflag:s19] =	ssyncadd.s32 $0xFFFFC000  }
0xed: {  	_ =	swait.ge [sflag:s19], $0x4000  }
0xee: {  	[sflag:s19] =	ssyncset.done $0x0  }
0xef: {  	[sflag:s19] =	ssyncadd.s32 $0xFFFFC000  }
0xf0: {  	_ =	swait.ge [sflag:s19], $0x4000  }
0xf1: {  	[sflag:s19] =	ssyncset.done $0x0  }
0xf2: {  	[sflag:s19] =	ssyncadd.s32 $0xFFFFC000  }
0xf3: {  	_ =	swait.ge [sflag:s19], $0x4000  }
0xf4: {  	[sflag:s19] =	ssyncset.done $0x0  }
0xf5: {  	[sflag:s19] =	ssyncadd.s32 $0xFFFFC000  }
0xf6: {  	_ =	swait.ge [sflag:s19], $0x4000  }
0xf7: {  	[sflag:s19] =	ssyncset.done $0x0  }
0xf8: {  	[sflag:s19] =	ssyncadd.s32 $0xFFFFC000  }
0xf9: {  	_ =	swait.ge [sflag:s19], $0x4000  }
0xfa: {  	[sflag:s19] =	ssyncset.done $0x0  }
0xfb: {  	s13 =	rddreg [dreg:$0x6];
	[sflag:s19] =	ssyncadd.s32 $0xFFFFC000  }
0xfc: {  	[tilespmem:s3], [sflag:$0x2] =	stream.linear.gather [hbm4b:s13+s3], $0x1400, $0x38;
	[tilespmem:$0x1D400] =	vst v63  }
0xfd: {  	_ =	swait.ge [sflag:s5], $0x1400  }
0xfe: {  	[sflag:s5] =	ssyncset.done $0x0  }
0xff: {  	[sflag:s5] =	ssyncadd.s32 $0xFFFFEC00  }
0x100: {  	[spmem:s2] =	stream.indirect.scatter.add.f32 [tilespmem:s6], [sflag:$0x1], $0x80, s3, s12, $0xb8;
	[tilespmem:$0x1D400] =	vst v63  }
0x101: {  	_ = 	snop  }
0x102: {  	[spmem:s2] =	stream.indirect.scatter.add.f32 [tilespmem:s6], [sflag:$0x1], $0x80, s12, s12, $0xb8;
	[tilespmem:$0x1D400] =	vst v63  }
0x103: {  	s13 =	simm.s32 $0x100  }
0x104: {  	[spmem:s2] =	stream.indirect.scatter.add.f32 [tilespmem:s6], [sflag:$0x1], $0x80, s13, s12, $0xb8;
	[tilespmem:$0x1D400] =	vst v63  }
0x105: {  	s13 =	simm.s32 $0x180  }
0x106: {  	[spmem:s2] =	stream.indirect.scatter.add.f32 [tilespmem:s6], [sflag:$0x1], $0x80, s13, s12, $0xb8;
	[tilespmem:$0x1D400] =	vst v63  }
0x107: {  	s13 =	simm.s32 $0x200  }
0x108: {  	[spmem:s2] =	stream.indirect.scatter.add.f32 [tilespmem:s6], [sflag:$0x1], $0x80, s13, s12, $0xb8;
	[tilespmem:$0x1D400] =	vst v63  }
0x109: {  	s13 =	simm.s32 $0x280  }
0x10a: {  	[spmem:s2] =	stream.indirect.scatter.add.f32 [tilespmem:s6], [sflag:$0x1], $0x80, s13, s12, $0xb8;
	[tilespmem:$0x1D400] =	vst v63  }
0x10b: {  	s13 =	simm.s32 $0x300  }
0x10c: {  	[spmem:s2] =	stream.indirect.scatter.add.f32 [tilespmem:s6], [sflag:$0x1], $0x80, s13, s12, $0xb8;
	[tilespmem:$0x1D400] =	vst v63  }
0x10d: {  	s13 =	simm.s32 $0x380  }
0x10e: {  	[spmem:s2] =	stream.indirect.scatter.add.f32 [tilespmem:s6], [sflag:$0x1], $0x80, s13, s12, $0xb8;
	[tilespmem:$0x1D400] =	vst v63  }
0x10f: {  	_ =	swait.ge [sflag:s19], $0x4000  }
0x110: {  	[sflag:s19] =	ssyncset.done $0x0  }
0x111: {  	[sflag:s19] =	ssyncadd.s32 $0xFFFFC000  }
0x112: {  	_ =	swait.ge [sflag:s19], $0x4000  }
0x113: {  	[sflag:s19] =	ssyncset.done $0x0  }
0x114: {  	[sflag:s19] =	ssyncadd.s32 $0xFFFFC000  }
0x115: {  	_ =	swait.ge [sflag:s19], $0x4000  }
0x116: {  	[sflag:s19] =	ssyncset.done $0x0  }
0x117: {  	[sflag:s19] =	ssyncadd.s32 $0xFFFFC000  }
0x118: {  	_ =	swait.ge [sflag:s19], $0x4000  }
0x119: {  	[sflag:s19] =	ssyncset.done $0x0  }
0x11a: {  	[sflag:s19] =	ssyncadd.s32 $0xFFFFC000  }
0x11b: {  	_ =	swait.ge [sflag:s19], $0x4000  }
0x11c: {  	[sflag:s19] =	ssyncset.done $0x0  }
0x11d: {  	[sflag:s19] =	ssyncadd.s32 $0xFFFFC000  }
0x11e: {  	_ =	swait.ge [sflag:s19], $0x4000  }
0x11f: {  	[sflag:s19] =	ssyncset.done $0x0  }
0x120: {  	[sflag:s19] =	ssyncadd.s32 $0xFFFFC000  }
0x121: {  	_ =	swait.ge [sflag:s19], $0x4000  }
0x122: {  	[sflag:s19] =	ssyncset.done $0x0  }
0x123: {  	[sflag:s19] =	ssyncadd.s32 $0xFFFFC000  }
0x124: {  	_ =	swait.ge [sflag:s19], $0x4000  }
0x125: {  	[sflag:s19] =	ssyncset.done $0x0  }
0x126: {  	s13 =	simm.s32 $0x400;
	[sflag:s19] =	ssyncadd.s32 $0xFFFFC000  }
0x127: {  	[spmem:s2] =	stream.indirect.scatter.add.f32 [tilespmem:s6], [sflag:$0x1], $0x80, s13, s12, $0xb8;
	[tilespmem:$0x1D400] =	vst v63  }
0x128: {  	s13 =	simm.s32 $0x480  }
0x129: {  	[spmem:s2] =	stream.indirect.scatter.add.f32 [tilespmem:s6], [sflag:$0x1], $0x80, s13, s12, $0xb8;
	[tilespmem:$0x1D400] =	vst v63  }
0x12a: {  	s13 =	simm.s32 $0x500  }
0x12b: {  	[spmem:s2] =	stream.indirect.scatter.add.f32 [tilespmem:s6], [sflag:$0x1], $0x80, s13, s12, $0xb8;
	[tilespmem:$0x1D400] =	vst v63  }
0x12c: {  	s13 =	simm.s32 $0x580  }
0x12d: {  	[spmem:s2] =	stream.indirect.scatter.add.f32 [tilespmem:s6], [sflag:$0x1], $0x80, s13, s12, $0xb8;
	[tilespmem:$0x1D400] =	vst v63  }
0x12e: {  	s13 =	simm.s32 $0x600  }
0x12f: {  	[spmem:s2] =	stream.indirect.scatter.add.f32 [tilespmem:s6], [sflag:$0x1], $0x80, s13, s12, $0xb8;
	[tilespmem:$0x1D400] =	vst v63  }
0x130: {  	s13 =	simm.s32 $0x680  }
0x131: {  	[spmem:s2] =	stream.indirect.scatter.add.f32 [tilespmem:s6], [sflag:$0x1], $0x80, s13, s12, $0xb8;
	[tilespmem:$0x1D400] =	vst v63  }
0x132: {  	s13 =	simm.s32 $0x700  }
0x133: {  	[spmem:s2] =	stream.indirect.scatter.add.f32 [tilespmem:s6], [sflag:$0x1], $0x80, s13, s12, $0xb8;
	[tilespmem:$0x1D400] =	vst v63  }
0x134: {  	s13 =	simm.s32 $0x780  }
0x135: {  	[spmem:s2] =	stream.indirect.scatter.add.f32 [tilespmem:s6], [sflag:$0x1], $0x80, s13, s12, $0xb8;
	[tilespmem:$0x1D400] =	vst v63  }
0x136: {  	_ =	swait.ge [sflag:s19], $0x4000  }
0x137: {  	[sflag:s19] =	ssyncset.done $0x0  }
0x138: {  	[sflag:s19] =	ssyncadd.s32 $0xFFFFC000  }
0x139: {  	_ =	swait.ge [sflag:s19], $0x4000  }
0x13a: {  	[sflag:s19] =	ssyncset.done $0x0  }
0x13b: {  	[sflag:s19] =	ssyncadd.s32 $0xFFFFC000  }
0x13c: {  	_ =	swait.ge [sflag:s19], $0x4000  }
0x13d: {  	[sflag:s19] =	ssyncset.done $0x0  }
0x13e: {  	[sflag:s19] =	ssyncadd.s32 $0xFFFFC000  }
0x13f: {  	_ =	swait.ge [sflag:s19], $0x4000  }
0x140: {  	[sflag:s19] =	ssyncset.done $0x0  }
0x141: {  	[sflag:s19] =	ssyncadd.s32 $0xFFFFC000  }
0x142: {  	_ =	swait.ge [sflag:s19], $0x4000  }
0x143: {  	[sflag:s19] =	ssyncset.done $0x0  }
0x144: {  	[sflag:s19] =	ssyncadd.s32 $0xFFFFC000  }
0x145: {  	_ =	swait.ge [sflag:s19], $0x4000  }
0x146: {  	[sflag:s19] =	ssyncset.done $0x0  }
0x147: {  	[sflag:s19] =	ssyncadd.s32 $0xFFFFC000  }
0x148: {  	_ =	swait.ge [sflag:s19], $0x4000  }
0x149: {  	[sflag:s19] =	ssyncset.done $0x0  }
0x14a: {  	[sflag:s19] =	ssyncadd.s32 $0xFFFFC000  }
0x14b: {  	_ =	swait.ge [sflag:s19], $0x4000  }
0x14c: {  	[sflag:s19] =	ssyncset.done $0x0  }
0x14d: {  	s13 =	simm.s32 $0x800;
	[sflag:s19] =	ssyncadd.s32 $0xFFFFC000  }
0x14e: {  	[spmem:s2] =	stream.indirect.scatter.add.f32 [tilespmem:s6], [sflag:$0x1], $0x80, s13, s12, $0xb8;
	[tilespmem:$0x1D400] =	vst v63  }
0x14f: {  	s13 =	simm.s32 $0x880  }
0x150: {  	[spmem:s2] =	stream.indirect.scatter.add.f32 [tilespmem:s6], [sflag:$0x1], $0x80, s13, s12, $0xb8;
	[tilespmem:$0x1D400] =	vst v63  }
0x151: {  	s13 =	simm.s32 $0x900  }
0x152: {  	[spmem:s2] =	stream.indirect.scatter.add.f32 [tilespmem:s6], [sflag:$0x1], $0x80, s13, s12, $0xb8;
	[tilespmem:$0x1D400] =	vst v63  }
0x153: {  	s13 =	simm.s32 $0x980  }
0x154: {  	[spmem:s2] =	stream.indirect.scatter.add.f32 [tilespmem:s6], [sflag:$0x1], $0x80, s13, s12, $0xb8;
	[tilespmem:$0x1D400] =	vst v63  }
0x155: {  	s13 =	simm.s32 $0xA00  }
0x156: {  	[spmem:s2] =	stream.indirect.scatter.add.f32 [tilespmem:s6], [sflag:$0x1], $0x80, s13, s12, $0xb8;
	[tilespmem:$0x1D400] =	vst v63  }
0x157: {  	_ = 	snop  }
0x158: {  	[spmem:s2] =	stream.indirect.scatter.add.f32 [tilespmem:s6], [sflag:$0x1], $0x80, s30, s12, $0xb8;
	[tilespmem:$0x1D400] =	vst v63  }
0x159: {  	_ = 	snop  }
0x15a: {  	[spmem:s2] =	stream.indirect.scatter.add.f32 [tilespmem:s6], [sflag:$0x1], $0x80, s29, s12, $0xb8;
	[tilespmem:$0x1D400] =	vst v63  }
0x15b: {  	_ = 	snop  }
0x15c: {  	[spmem:s2] =	stream.indirect.scatter.add.f32 [tilespmem:s6], [sflag:$0x1], $0x80, s28, s12, $0xb8;
	[tilespmem:$0x1D400] =	vst v63  }
0x15d: {  	_ =	swait.ge [sflag:s19], $0x4000  }
0x15e: {  	[sflag:s19] =	ssyncset.done $0x0  }
0x15f: {  	[sflag:s19] =	ssyncadd.s32 $0xFFFFC000  }
0x160: {  	_ =	swait.ge [sflag:s19], $0x4000  }
0x161: {  	[sflag:s19] =	ssyncset.done $0x0  }
0x162: {  	[sflag:s19] =	ssyncadd.s32 $0xFFFFC000  }
0x163: {  	_ =	swait.ge [sflag:s19], $0x4000  }
0x164: {  	[sflag:s19] =	ssyncset.done $0x0  }
0x165: {  	[sflag:s19] =	ssyncadd.s32 $0xFFFFC000  }
0x166: {  	_ =	swait.ge [sflag:s19], $0x4000  }
0x167: {  	[sflag:s19] =	ssyncset.done $0x0  }
0x168: {  	[sflag:s19] =	ssyncadd.s32 $0xFFFFC000  }
0x169: {  	_ =	swait.ge [sflag:s19], $0x4000  }
0x16a: {  	[sflag:s19] =	ssyncset.done $0x0  }
0x16b: {  	[sflag:s19] =	ssyncadd.s32 $0xFFFFC000  }
0x16c: {  	_ =	swait.ge [sflag:s19], $0x4000  }
0x16d: {  	[sflag:s19] =	ssyncset.done $0x0  }
0x16e: {  	[sflag:s19] =	ssyncadd.s32 $0xFFFFC000  }
0x16f: {  	_ =	swait.ge [sflag:s19], $0x4000  }
0x170: {  	[sflag:s19] =	ssyncset.done $0x0  }
0x171: {  	[sflag:s19] =	ssyncadd.s32 $0xFFFFC000  }
0x172: {  	_ =	swait.ge [sflag:s19], $0x4000  }
0x173: {  	[sflag:s19] =	ssyncset.done $0x0  }
0x174: {  	[sflag:s19] =	ssyncadd.s32 $0xFFFFC000  }
0x175: {  	[spmem:s2] =	stream.indirect.scatter.add.f32 [tilespmem:s6], [sflag:$0x1], $0x80, s26, s12, $0xb8;
	[tilespmem:$0x1D400] =	vst v63  }
0x176: {  	_ = 	snop  }
0x177: {  	[spmem:s2] =	stream.indirect.scatter.add.f32 [tilespmem:s6], [sflag:$0x1], $0x80, s25, s12, $0xb8;
	[tilespmem:$0x1D400] =	vst v63  }
0x178: {  	_ = 	snop  }
0x179: {  	[spmem:s2] =	stream.indirect.scatter.add.f32 [tilespmem:s6], [sflag:$0x1], $0x80, s24, s12, $0xb8;
	[tilespmem:$0x1D400] =	vst v63  }
0x17a: {  	_ = 	snop  }
0x17b: {  	[spmem:s2] =	stream.indirect.scatter.add.f32 [tilespmem:s6], [sflag:$0x1], $0x80, s23, s12, $0xb8;
	[tilespmem:$0x1D400] =	vst v63  }
0x17c: {  	_ = 	snop  }
0x17d: {  	[spmem:s2] =	stream.indirect.scatter.add.f32 [tilespmem:s6], [sflag:$0x1], $0x80, s22, s12, $0xb8;
	[tilespmem:$0x1D400] =	vst v63  }
0x17e: {  	_ = 	snop  }
0x17f: {  	[spmem:s2] =	stream.indirect.scatter.add.f32 [tilespmem:s6], [sflag:$0x1], $0x80, s21, s12, $0xb8;
	[tilespmem:$0x1D400] =	vst v63  }
0x180: {  	_ = 	snop  }
0x181: {  	[spmem:s2] =	stream.indirect.scatter.add.f32 [tilespmem:s6], [sflag:$0x1], $0x80, s20, s12, $0xb8;
	[tilespmem:$0x1D400] =	vst v63  }
0x182: {  	_ = 	snop  }
0x183: {  	[spmem:s2] =	stream.indirect.scatter.add.f32 [tilespmem:s6], [sflag:$0x1], $0x80, s18, s12, $0xb8;
	[tilespmem:$0x1D400] =	vst v63  }
0x184: {  	_ =	swait.ge [sflag:s19], $0x4000  }
0x185: {  	[sflag:s19] =	ssyncset.done $0x0  }
0x186: {  	[sflag:s19] =	ssyncadd.s32 $0xFFFFC000  }
0x187: {  	_ =	swait.ge [sflag:s19], $0x4000  }
0x188: {  	[sflag:s19] =	ssyncset.done $0x0  }
0x189: {  	[sflag:s19] =	ssyncadd.s32 $0xFFFFC000  }
0x18a: {  	_ =	swait.ge [sflag:s19], $0x4000  }
0x18b: {  	[sflag:s19] =	ssyncset.done $0x0  }
0x18c: {  	[sflag:s19] =	ssyncadd.s32 $0xFFFFC000  }
0x18d: {  	_ =	swait.ge [sflag:s19], $0x4000  }
0x18e: {  	[sflag:s19] =	ssyncset.done $0x0  }
0x18f: {  	[sflag:s19] =	ssyncadd.s32 $0xFFFFC000  }
0x190: {  	_ =	swait.ge [sflag:s19], $0x4000  }
0x191: {  	[sflag:s19] =	ssyncset.done $0x0  }
0x192: {  	[sflag:s19] =	ssyncadd.s32 $0xFFFFC000  }
0x193: {  	_ =	swait.ge [sflag:s19], $0x4000  }
0x194: {  	[sflag:s19] =	ssyncset.done $0x0  }
0x195: {  	[sflag:s19] =	ssyncadd.s32 $0xFFFFC000  }
0x196: {  	_ =	swait.ge [sflag:s19], $0x4000  }
0x197: {  	[sflag:s19] =	ssyncset.done $0x0  }
0x198: {  	[sflag:s19] =	ssyncadd.s32 $0xFFFFC000  }
0x199: {  	_ =	swait.ge [sflag:s19], $0x4000  }
0x19a: {  	[sflag:s19] =	ssyncset.done $0x0  }
0x19b: {  	[sflag:s19] =	ssyncadd.s32 $0xFFFFC000  }
0x19c: {  	[spmem:s2] =	stream.indirect.scatter.add.f32 [tilespmem:s6], [sflag:$0x1], $0x80, s17, s12, $0xb8;
	[tilespmem:$0x1D400] =	vst v63  }
0x19d: {  	_ = 	snop  }
0x19e: {  	[spmem:s2] =	stream.indirect.scatter.add.f32 [tilespmem:s6], [sflag:$0x1], $0x80, s16, s12, $0xb8;
	[tilespmem:$0x1D400] =	vst v63  }
0x19f: {  	_ = 	snop  }
0x1a0: {  	[spmem:s2] =	stream.indirect.scatter.add.f32 [tilespmem:s6], [sflag:$0x1], $0x80, s15, s12, $0xb8;
	[tilespmem:$0x1D400] =	vst v63  }
0x1a1: {  	_ = 	snop  }
0x1a2: {  	[spmem:s2] =	stream.indirect.scatter.add.f32 [tilespmem:s6], [sflag:$0x1], $0x80, s14, s12, $0xb8;
	[tilespmem:$0x1D400] =	vst v63  }
0x1a3: {  	_ = 	snop  }
0x1a4: {  	[spmem:s2] =	stream.indirect.scatter.add.f32 [tilespmem:s6], [sflag:$0x1], $0x80, s7, s12, $0xb8;
	[tilespmem:$0x1D400] =	vst v63  }
0x1a5: {  	_ = 	snop  }
0x1a6: {  	[spmem:s2] =	stream.indirect.scatter.add.f32 [tilespmem:s6], [sflag:$0x1], $0x80, s4, s12, $0xb8;
	[tilespmem:$0x1D400] =	vst v63  }
0x1a7: {  	_ = 	snop  }
0x1a8: {  	[spmem:s2] =	stream.indirect.scatter.add.f32 [tilespmem:s6], [sflag:$0x1], $0x80, s1, s12, $0xb8;
	[tilespmem:$0x1D400] =	vst v63  }
0x1a9: {  	_ = 	snop  }
0x1aa: {  	[spmem:s2] =	stream.indirect.scatter.add.f32 [tilespmem:s6], [sflag:$0x1], $0x80, s0, s12, $0xb8;
	[tilespmem:$0x1D400] =	vst v63  }
0x1ab: {  	_ =	swait.ge [sflag:s19], $0x4000  }
0x1ac: {  	[sflag:s19] =	ssyncset.done $0x0  }
0x1ad: {  	[sflag:s19] =	ssyncadd.s32 $0xFFFFC000  }
0x1ae: {  	_ =	swait.ge [sflag:s19], $0x4000  }
0x1af: {  	[sflag:s19] =	ssyncset.done $0x0  }
0x1b0: {  	[sflag:s19] =	ssyncadd.s32 $0xFFFFC000  }
0x1b1: {  	_ =	swait.ge [sflag:s19], $0x4000  }
0x1b2: {  	[sflag:s19] =	ssyncset.done $0x0  }
0x1b3: {  	[sflag:s19] =	ssyncadd.s32 $0xFFFFC000  }
0x1b4: {  	_ =	swait.ge [sflag:s19], $0x4000  }
0x1b5: {  	[sflag:s19] =	ssyncset.done $0x0  }
0x1b6: {  	[sflag:s19] =	ssyncadd.s32 $0xFFFFC000  }
0x1b7: {  	_ =	swait.ge [sflag:s19], $0x4000  }
0x1b8: {  	[sflag:s19] =	ssyncset.done $0x0  }
0x1b9: {  	[sflag:s19] =	ssyncadd.s32 $0xFFFFC000  }
0x1ba: {  	_ =	swait.ge [sflag:s19], $0x4000  }
0x1bb: {  	[sflag:s19] =	ssyncset.done $0x0  }
0x1bc: {  	[sflag:s19] =	ssyncadd.s32 $0xFFFFC000  }
0x1bd: {  	_ =	swait.ge [sflag:s19], $0x4000  }
0x1be: {  	[sflag:s19] =	ssyncset.done $0x0  }
0x1bf: {  	[sflag:s19] =	ssyncadd.s32 $0xFFFFC000  }
0x1c0: {  	_ =	swait.ge [sflag:s19], $0x4000  }
0x1c1: {  	[sflag:s19] =	ssyncset.done $0x0  }
0x1c2: {  	[sflag:s19] =	ssyncadd.s32 $0xFFFFC000  }
0x1c3: {  	[bflag:$0x0] =	sbarrier.arrive $0xFFFF  }
0x1c4: {  	[dreg:$0xe] =	wrdreg s8  }
0x1c5: {  	[tilespmem:s6], [sflag:$0x2] =	stream.linear.gather [spmem:s8], $0x4000, $0x38;
	[tilespmem:$0x1D400] =	vst v63  }
0x1c6: {  	_ =	swait.ge [sflag:s5], $0x4000  }
0x1c7: {  	[sflag:s5] =	ssyncset.done $0x0  }
0x1c8: {  	s23 =	rddreg [dreg:$0x7];
	[sflag:s5] =	ssyncadd.s32 $0xFFFFC000  }
0x1c9: {  	[hbm4b:s23+s3] =	stream.linear.scatter [tilespmem:s6], [sflag:$0x2], $0x4000, $0x38;
	[tilespmem:$0x1D400] =	vst v63  }
0x1ca: {  	_ =	swait.ge [sflag:s5], $0x4000  }
0x1cb: {  	[sflag:s5] =	ssyncset.done $0x0  }
0x1cc: {  	[dreg:$0xf] =	wrdreg s9;
	[sflag:s5] =	ssyncadd.s32 $0xFFFFC000  }
0x1cd: {  	[tilespmem:s6], [sflag:$0x2] =	stream.linear.gather [spmem:s9], $0x4000, $0x38;
	[tilespmem:$0x1D400] =	vst v63  }
0x1ce: {  	_ =	swait.ge [sflag:s5], $0x4000  }
0x1cf: {  	[sflag:s5] =	ssyncset.done $0x0  }
0x1d0: {  	s24 =	rddreg [dreg:$0x8];
	[sflag:s5] =	ssyncadd.s32 $0xFFFFC000  }
0x1d1: {  	[hbm4b:s24+s3] =	stream.linear.scatter [tilespmem:s6], [sflag:$0x2], $0x4000, $0x38;
	[tilespmem:$0x1D400] =	vst v63  }
0x1d2: {  	_ =	swait.ge [sflag:s5], $0x4000  }
0x1d3: {  	[sflag:s5] =	ssyncset.done $0x0  }
0x1d4: {  	[dreg:$0x10] =	wrdreg s10;
	[sflag:s5] =	ssyncadd.s32 $0xFFFFC000  }
0x1d5: {  	[tilespmem:s6], [sflag:$0x2] =	stream.linear.gather [spmem:s10], $0x4000, $0x38;
	[tilespmem:$0x1D400] =	vst v63  }
0x1d6: {  	_ =	swait.ge [sflag:s5], $0x4000  }
0x1d7: {  	[sflag:s5] =	ssyncset.done $0x0  }
0x1d8: {  	s25 =	rddreg [dreg:$0x9];
	[sflag:s5] =	ssyncadd.s32 $0xFFFFC000  }
0x1d9: {  	[hbm4b:s25+s3] =	stream.linear.scatter [tilespmem:s6], [sflag:$0x2], $0x4000, $0x38;
	[tilespmem:$0x1D400] =	vst v63  }
0x1da: {  	_ =	swait.ge [sflag:s5], $0x4000  }
0x1db: {  	[sflag:s5] =	ssyncset.done $0x0  }
0x1dc: {  	[dreg:$0x11] =	wrdreg s11;
	[sflag:s5] =	ssyncadd.s32 $0xFFFFC000  }
0x1dd: {  	[tilespmem:s6], [sflag:$0x2] =	stream.linear.gather [spmem:s11], $0x4000, $0x38;
	[tilespmem:$0x1D400] =	vst v63  }
0x1de: {  	_ =	swait.ge [sflag:s5], $0x4000  }
0x1df: {  	[sflag:s5] =	ssyncset.done $0x0  }
0x1e0: {  	s26 =	rddreg [dreg:$0xa];
	[sflag:s5] =	ssyncadd.s32 $0xFFFFC000  }
0x1e1: {  	[hbm4b:s26+s3] =	stream.linear.scatter [tilespmem:s6], [sflag:$0x2], $0x4000, $0x38;
	[tilespmem:$0x1D400] =	vst v63  }
0x1e2: {  	_ =	swait.ge [sflag:s5], $0x4000  }
0x1e3: {  	[sflag:s5] =	ssyncset.done $0x0  }
0x1e4: {  	[dreg:$0x12] =	wrdreg s31;
	[sflag:s5] =	ssyncadd.s32 $0xFFFFC000  }
0x1e5: {  	[tilespmem:s6], [sflag:$0x2] =	stream.linear.gather [spmem:s31], $0x4000, $0x38;
	[tilespmem:$0x1D400] =	vst v63  }
0x1e6: {  	_ =	swait.ge [sflag:s5], $0x4000  }
0x1e7: {  	s28 =	rddreg [dreg:$0x13]  }
0x1e8: {  	s29 =	ssub.s32 $0x2, s28  }
0x1e9: {  	s31 =	sshrl.u32 s29, $0x1  }
0x1ea: {  	s13 =	ssub.s32 s29, s31  }
0x1eb: {  	s13 =	smax.u32 s13, $0x1  }
0x1ec: {  	p0 =	sne.s32 s13, $0x1  }
.Ltmp0:
0x1ed: {  	[sflag:s5] =	ssyncset.done $0x0;
	(pc) =	sbr.rel @!p0 .LBB2_3-.Ltmp0, $4  }
0x1ee: {  	s30 =	rddreg [dreg:$0xb];
	[sflag:s5] =	ssyncadd.s32 $0xFFFFC000  }
0x1ef: {  	[hbm4b:s30+s3] =	stream.linear.scatter [tilespmem:s6], [sflag:$0x2], $0x4000, $0x38;
	[tilespmem:$0x1D400] =	vst v63  }
0x1f0: {  	_ =	swait.ge [sflag:s5], $0x4000  }
0x1f1: {  	[sflag:s5] =	ssyncset.done $0x0;
	s13 =	sadd.s32 $0xFFFFFFFF, s13  }
0x1f2: {  	s15 =	simm.s32 $0x100  }
0x1f3: {  	s16 =	simm.s32 $0x180;
	s17 =	simm.s32 $0x200;
	s18 =	simm.s32 $0x280  }
0x1f4: {  	s20 =	simm.s32 $0x300;
	s21 =	simm.s32 $0x380;
	s22 =	simm.s32 $0x400  }
0x1f5: {  	s23 =	simm.s32 $0x480;
	s24 =	simm.s32 $0x500;
	s25 =	simm.s32 $0x580  }
0x1f6: {  	s26 =	simm.s32 $0x600;
	s28 =	simm.s32 $0x680;
	s29 =	simm.s32 $0x700  }
0x1f7: {  	s30 =	simm.s32 $0x780;
	s31 =	simm.s32 $0x800;
	s1 =	simm.s32 $0x900  }
0x1f8: {  	s4 =	simm.s32 $0x980;
	s7 =	simm.s32 $0xA00;
	s8 =	simm.s32 $0xA80  }
0x1f9: {  	s9 =	simm.s32 $0xB00;
	s10 =	simm.s32 $0xB80;
	s11 =	simm.s32 $0xC00  }
.LBB2_2:
0x1fa: {  	[sflag:s5] =	ssyncadd.s32 $0xFFFFC000;
	s0 =	rddreg [dreg:$0xd]  }
0x1fb: {  	[tilespmem:s6], [sflag:$0x2] =	stream.linear.gather [hbm4b:s0+s3], $0x4000, $0x38;
	[tilespmem:$0x1D400] =	vst v63  }
0x1fc: {  	_ =	swait.ge [sflag:s5], $0x4000  }
0x1fd: {  	[sflag:s5] =	ssyncset.done $0x0  }
0x1fe: {  	s14 =	rddreg [dreg:$0xc];
	[sflag:s5] =	ssyncadd.s32 $0xFFFFC000  }
0x1ff: {  	[tilespmem:s14], [sflag:$0x2] =	stream.linear.gather [hbm4b:s0+s3], $0x4000, $0x38;
	[tilespmem:$0x1D400] =	vst v63  }
0x200: {  	_ =	swait.ge [sflag:s5], $0x4000  }
0x201: {  	[sflag:s5] =	ssyncset.done $0x0  }
0x202: {  	s14 =	rddreg [dreg:$0xe];
	[sflag:s5] =	ssyncadd.s32 $0xFFFFC000  }
0x203: {  	[spmem:s14] =	stream.linear.scatter [tilespmem:s6], [sflag:$0x2], $0x4000, $0x38;
	[tilespmem:$0x1D400] =	vst v63  }
0x204: {  	_ =	swait.ge [sflag:s5], $0x4000  }
0x205: {  	[sflag:s5] =	ssyncset.done $0x0  }
0x206: {  	s14 =	rddreg [dreg:$0xf];
	[sflag:s5] =	ssyncadd.s32 $0xFFFFC000  }
0x207: {  	[spmem:s14] =	stream.linear.scatter [tilespmem:s6], [sflag:$0x2], $0x4000, $0x38;
	[tilespmem:$0x1D400] =	vst v63  }
0x208: {  	_ =	swait.ge [sflag:s5], $0x4000  }
0x209: {  	[sflag:s5] =	ssyncset.done $0x0  }
0x20a: {  	s14 =	rddreg [dreg:$0x10];
	[sflag:s5] =	ssyncadd.s32 $0xFFFFC000  }
0x20b: {  	[spmem:s14] =	stream.linear.scatter [tilespmem:s6], [sflag:$0x2], $0x4000, $0x38;
	[tilespmem:$0x1D400] =	vst v63  }
0x20c: {  	_ =	swait.ge [sflag:s5], $0x4000  }
0x20d: {  	[sflag:s5] =	ssyncset.done $0x0  }
0x20e: {  	s14 =	rddreg [dreg:$0x11];
	[sflag:s5] =	ssyncadd.s32 $0xFFFFC000  }
0x20f: {  	[spmem:s14] =	stream.linear.scatter [tilespmem:s6], [sflag:$0x2], $0x4000, $0x38;
	[tilespmem:$0x1D400] =	vst v63  }
0x210: {  	_ =	swait.ge [sflag:s5], $0x4000  }
0x211: {  	[sflag:s5] =	ssyncset.done $0x0  }
0x212: {  	s14 =	rddreg [dreg:$0x12];
	[sflag:s5] =	ssyncadd.s32 $0xFFFFC000  }
0x213: {  	[spmem:s14] =	stream.linear.scatter [tilespmem:s6], [sflag:$0x2], $0x4000, $0x38;
	[tilespmem:$0x1D400] =	vst v63  }
0x214: {  	_ =	swait.ge [sflag:s5], $0x4000  }
0x215: {  	[sflag:s5] =	ssyncset.done $0x0  }
0x216: {  	s0 =	rddreg [dreg:$0x4];
	[sflag:s5] =	ssyncadd.s32 $0xFFFFC000  }
0x217: {  	[tilespmem:s6], [sflag:$0x2] =	stream.linear.gather [hbm4b:s0+s3], $0x4000, $0x38;
	[tilespmem:$0x1D400] =	vst v63  }
0x218: {  	_ =	swait.ge [sflag:s5], $0x4000  }
0x219: {  	[sflag:s5] =	ssyncset.done $0x0  }
0x21a: {  	[sflag:s5] =	ssyncadd.s32 $0xFFFFC000  }
0x21b: {  	[bflag:$0x0] =	sbarrier.arrive $0xFFFF  }
0x21c: {  	s0 =	rddreg [dreg:$0x5]  }
0x21d: {  	[tilespmem:s3], [sflag:$0x2] =	stream.linear.gather [hbm4b:s0+s3], $0x1400, $0x38;
	[tilespmem:$0x1D400] =	vst v63  }
0x21e: {  	_ =	swait.ge [sflag:s5], $0x1400  }
0x21f: {  	[sflag:s5] =	ssyncset.done $0x0  }
0x220: {  	[sflag:s5] =	ssyncadd.s32 $0xFFFFEC00  }
0x221: {  	[spmem:s2] =	stream.indirect.scatter.add.f32 [tilespmem:s6], [sflag:$0x1], $0x80, s3, s12, $0xb8;
	[tilespmem:$0x1D400] =	vst v63  }
0x222: {  	_ = 	snop  }
0x223: {  	[spmem:s2] =	stream.indirect.scatter.add.f32 [tilespmem:s6], [sflag:$0x1], $0x80, s12, s12, $0xb8;
	[tilespmem:$0x1D400] =	vst v63  }
0x224: {  	_ = 	snop  }
0x225: {  	[spmem:s2] =	stream.indirect.scatter.add.f32 [tilespmem:s6], [sflag:$0x1], $0x80, s15, s12, $0xb8;
	[tilespmem:$0x1D400] =	vst v63  }
0x226: {  	_ = 	snop  }
0x227: {  	[spmem:s2] =	stream.indirect.scatter.add.f32 [tilespmem:s6], [sflag:$0x1], $0x80, s16, s12, $0xb8;
	[tilespmem:$0x1D400] =	vst v63  }
0x228: {  	_ = 	snop  }
0x229: {  	[spmem:s2] =	stream.indirect.scatter.add.f32 [tilespmem:s6], [sflag:$0x1], $0x80, s17, s12, $0xb8;
	[tilespmem:$0x1D400] =	vst v63  }
0x22a: {  	_ = 	snop  }
0x22b: {  	[spmem:s2] =	stream.indirect.scatter.add.f32 [tilespmem:s6], [sflag:$0x1], $0x80, s18, s12, $0xb8;
	[tilespmem:$0x1D400] =	vst v63  }
0x22c: {  	_ = 	snop  }
0x22d: {  	[spmem:s2] =	stream.indirect.scatter.add.f32 [tilespmem:s6], [sflag:$0x1], $0x80, s20, s12, $0xb8;
	[tilespmem:$0x1D400] =	vst v63  }
0x22e: {  	_ = 	snop  }
0x22f: {  	[spmem:s2] =	stream.indirect.scatter.add.f32 [tilespmem:s6], [sflag:$0x1], $0x80, s21, s12, $0xb8;
	[tilespmem:$0x1D400] =	vst v63  }
0x230: {  	_ =	swait.ge [sflag:s19], $0x4000  }
0x231: {  	[sflag:s19] =	ssyncset.done $0x0  }
0x232: {  	[sflag:s19] =	ssyncadd.s32 $0xFFFFC000  }
0x233: {  	_ =	swait.ge [sflag:s19], $0x4000  }
0x234: {  	[sflag:s19] =	ssyncset.done $0x0  }
0x235: {  	[sflag:s19] =	ssyncadd.s32 $0xFFFFC000  }
0x236: {  	_ =	swait.ge [sflag:s19], $0x4000  }
0x237: {  	[sflag:s19] =	ssyncset.done $0x0  }
0x238: {  	[sflag:s19] =	ssyncadd.s32 $0xFFFFC000  }
0x239: {  	_ =	swait.ge [sflag:s19], $0x4000  }
0x23a: {  	[sflag:s19] =	ssyncset.done $0x0  }
0x23b: {  	[sflag:s19] =	ssyncadd.s32 $0xFFFFC000  }
0x23c: {  	_ =	swait.ge [sflag:s19], $0x4000  }
0x23d: {  	[sflag:s19] =	ssyncset.done $0x0  }
0x23e: {  	[sflag:s19] =	ssyncadd.s32 $0xFFFFC000  }
0x23f: {  	_ =	swait.ge [sflag:s19], $0x4000  }
0x240: {  	[sflag:s19] =	ssyncset.done $0x0  }
0x241: {  	[sflag:s19] =	ssyncadd.s32 $0xFFFFC000  }
0x242: {  	_ =	swait.ge [sflag:s19], $0x4000  }
0x243: {  	[sflag:s19] =	ssyncset.done $0x0  }
0x244: {  	[sflag:s19] =	ssyncadd.s32 $0xFFFFC000  }
0x245: {  	_ =	swait.ge [sflag:s19], $0x4000  }
0x246: {  	[sflag:s19] =	ssyncset.done $0x0  }
0x247: {  	[sflag:s19] =	ssyncadd.s32 $0xFFFFC000  }
0x248: {  	[spmem:s2] =	stream.indirect.scatter.add.f32 [tilespmem:s6], [sflag:$0x1], $0x80, s22, s12, $0xb8;
	[tilespmem:$0x1D400] =	vst v63  }
0x249: {  	_ = 	snop  }
0x24a: {  	[spmem:s2] =	stream.indirect.scatter.add.f32 [tilespmem:s6], [sflag:$0x1], $0x80, s23, s12, $0xb8;
	[tilespmem:$0x1D400] =	vst v63  }
0x24b: {  	_ = 	snop  }
0x24c: {  	[spmem:s2] =	stream.indirect.scatter.add.f32 [tilespmem:s6], [sflag:$0x1], $0x80, s24, s12, $0xb8;
	[tilespmem:$0x1D400] =	vst v63  }
0x24d: {  	_ = 	snop  }
0x24e: {  	[spmem:s2] =	stream.indirect.scatter.add.f32 [tilespmem:s6], [sflag:$0x1], $0x80, s25, s12, $0xb8;
	[tilespmem:$0x1D400] =	vst v63  }
0x24f: {  	_ = 	snop  }
0x250: {  	[spmem:s2] =	stream.indirect.scatter.add.f32 [tilespmem:s6], [sflag:$0x1], $0x80, s26, s12, $0xb8;
	[tilespmem:$0x1D400] =	vst v63  }
0x251: {  	_ = 	snop  }
0x252: {  	[spmem:s2] =	stream.indirect.scatter.add.f32 [tilespmem:s6], [sflag:$0x1], $0x80, s28, s12, $0xb8;
	[tilespmem:$0x1D400] =	vst v63  }
0x253: {  	_ = 	snop  }
0x254: {  	[spmem:s2] =	stream.indirect.scatter.add.f32 [tilespmem:s6], [sflag:$0x1], $0x80, s29, s12, $0xb8;
	[tilespmem:$0x1D400] =	vst v63  }
0x255: {  	_ = 	snop  }
0x256: {  	[spmem:s2] =	stream.indirect.scatter.add.f32 [tilespmem:s6], [sflag:$0x1], $0x80, s30, s12, $0xb8;
	[tilespmem:$0x1D400] =	vst v63  }
0x257: {  	_ =	swait.ge [sflag:s19], $0x4000  }
0x258: {  	[sflag:s19] =	ssyncset.done $0x0  }
0x259: {  	[sflag:s19] =	ssyncadd.s32 $0xFFFFC000  }
0x25a: {  	_ =	swait.ge [sflag:s19], $0x4000  }
0x25b: {  	[sflag:s19] =	ssyncset.done $0x0  }
0x25c: {  	[sflag:s19] =	ssyncadd.s32 $0xFFFFC000  }
0x25d: {  	_ =	swait.ge [sflag:s19], $0x4000  }
0x25e: {  	[sflag:s19] =	ssyncset.done $0x0  }
0x25f: {  	[sflag:s19] =	ssyncadd.s32 $0xFFFFC000  }
0x260: {  	_ =	swait.ge [sflag:s19], $0x4000  }
0x261: {  	[sflag:s19] =	ssyncset.done $0x0  }
0x262: {  	[sflag:s19] =	ssyncadd.s32 $0xFFFFC000  }
0x263: {  	_ =	swait.ge [sflag:s19], $0x4000  }
0x264: {  	[sflag:s19] =	ssyncset.done $0x0  }
0x265: {  	[sflag:s19] =	ssyncadd.s32 $0xFFFFC000  }
0x266: {  	_ =	swait.ge [sflag:s19], $0x4000  }
0x267: {  	[sflag:s19] =	ssyncset.done $0x0  }
0x268: {  	[sflag:s19] =	ssyncadd.s32 $0xFFFFC000  }
0x269: {  	_ =	swait.ge [sflag:s19], $0x4000  }
0x26a: {  	[sflag:s19] =	ssyncset.done $0x0  }
0x26b: {  	[sflag:s19] =	ssyncadd.s32 $0xFFFFC000  }
0x26c: {  	_ =	swait.ge [sflag:s19], $0x4000  }
0x26d: {  	[sflag:s19] =	ssyncset.done $0x0  }
0x26e: {  	[sflag:s19] =	ssyncadd.s32 $0xFFFFC000  }
0x26f: {  	[spmem:s2] =	stream.indirect.scatter.add.f32 [tilespmem:s6], [sflag:$0x1], $0x80, s31, s12, $0xb8;
	[tilespmem:$0x1D400] =	vst v63  }
0x270: {  	s0 =	simm.s32 $0x880  }
0x271: {  	[spmem:s2] =	stream.indirect.scatter.add.f32 [tilespmem:s6], [sflag:$0x1], $0x80, s0, s12, $0xb8;
	[tilespmem:$0x1D400] =	vst v63  }
0x272: {  	_ = 	snop  }
0x273: {  	[spmem:s2] =	stream.indirect.scatter.add.f32 [tilespmem:s6], [sflag:$0x1], $0x80, s1, s12, $0xb8;
	[tilespmem:$0x1D400] =	vst v63  }
0x274: {  	_ = 	snop  }
0x275: {  	[spmem:s2] =	stream.indirect.scatter.add.f32 [tilespmem:s6], [sflag:$0x1], $0x80, s4, s12, $0xb8;
	[tilespmem:$0x1D400] =	vst v63  }
0x276: {  	_ = 	snop  }
0x277: {  	[spmem:s2] =	stream.indirect.scatter.add.f32 [tilespmem:s6], [sflag:$0x1], $0x80, s7, s12, $0xb8;
	[tilespmem:$0x1D400] =	vst v63  }
0x278: {  	_ = 	snop  }
0x279: {  	[spmem:s2] =	stream.indirect.scatter.add.f32 [tilespmem:s6], [sflag:$0x1], $0x80, s8, s12, $0xb8;
	[tilespmem:$0x1D400] =	vst v63  }
0x27a: {  	_ = 	snop  }
0x27b: {  	[spmem:s2] =	stream.indirect.scatter.add.f32 [tilespmem:s6], [sflag:$0x1], $0x80, s9, s12, $0xb8;
	[tilespmem:$0x1D400] =	vst v63  }
0x27c: {  	_ = 	snop  }
0x27d: {  	[spmem:s2] =	stream.indirect.scatter.add.f32 [tilespmem:s6], [sflag:$0x1], $0x80, s10, s12, $0xb8;
	[tilespmem:$0x1D400] =	vst v63  }
0x27e: {  	_ =	swait.ge [sflag:s19], $0x4000  }
0x27f: {  	[sflag:s19] =	ssyncset.done $0x0  }
0x280: {  	[sflag:s19] =	ssyncadd.s32 $0xFFFFC000  }
0x281: {  	_ =	swait.ge [sflag:s19], $0x4000  }
0x282: {  	[sflag:s19] =	ssyncset.done $0x0  }
0x283: {  	[sflag:s19] =	ssyncadd.s32 $0xFFFFC000  }
0x284: {  	_ =	swait.ge [sflag:s19], $0x4000  }
0x285: {  	[sflag:s19] =	ssyncset.done $0x0  }
0x286: {  	[sflag:s19] =	ssyncadd.s32 $0xFFFFC000  }
0x287: {  	_ =	swait.ge [sflag:s19], $0x4000  }
0x288: {  	[sflag:s19] =	ssyncset.done $0x0  }
0x289: {  	[sflag:s19] =	ssyncadd.s32 $0xFFFFC000  }
0x28a: {  	_ =	swait.ge [sflag:s19], $0x4000  }
0x28b: {  	[sflag:s19] =	ssyncset.done $0x0  }
0x28c: {  	[sflag:s19] =	ssyncadd.s32 $0xFFFFC000  }
0x28d: {  	_ =	swait.ge [sflag:s19], $0x4000  }
0x28e: {  	[sflag:s19] =	ssyncset.done $0x0  }
0x28f: {  	[sflag:s19] =	ssyncadd.s32 $0xFFFFC000  }
0x290: {  	_ =	swait.ge [sflag:s19], $0x4000  }
0x291: {  	[sflag:s19] =	ssyncset.done $0x0  }
0x292: {  	[sflag:s19] =	ssyncadd.s32 $0xFFFFC000  }
0x293: {  	_ =	swait.ge [sflag:s19], $0x4000  }
0x294: {  	[sflag:s19] =	ssyncset.done $0x0  }
0x295: {  	[sflag:s19] =	ssyncadd.s32 $0xFFFFC000  }
0x296: {  	[spmem:s2] =	stream.indirect.scatter.add.f32 [tilespmem:s6], [sflag:$0x1], $0x80, s11, s12, $0xb8;
	[tilespmem:$0x1D400] =	vst v63  }
0x297: {  	s14 =	simm.s32 $0xC80  }
0x298: {  	[spmem:s2] =	stream.indirect.scatter.add.f32 [tilespmem:s6], [sflag:$0x1], $0x80, s14, s12, $0xb8;
	[tilespmem:$0x1D400] =	vst v63  }
0x299: {  	s14 =	simm.s32 $0xD00  }
0x29a: {  	[spmem:s2] =	stream.indirect.scatter.add.f32 [tilespmem:s6], [sflag:$0x1], $0x80, s14, s12, $0xb8;
	[tilespmem:$0x1D400] =	vst v63  }
0x29b: {  	s14 =	simm.s32 $0xD80  }
0x29c: {  	[spmem:s2] =	stream.indirect.scatter.add.f32 [tilespmem:s6], [sflag:$0x1], $0x80, s14, s12, $0xb8;
	[tilespmem:$0x1D400] =	vst v63  }
0x29d: {  	s14 =	simm.s32 $0xE00  }
0x29e: {  	[spmem:s2] =	stream.indirect.scatter.add.f32 [tilespmem:s6], [sflag:$0x1], $0x80, s14, s12, $0xb8;
	[tilespmem:$0x1D400] =	vst v63  }
0x29f: {  	s14 =	simm.s32 $0xE80  }
0x2a0: {  	[spmem:s2] =	stream.indirect.scatter.add.f32 [tilespmem:s6], [sflag:$0x1], $0x80, s14, s12, $0xb8;
	[tilespmem:$0x1D400] =	vst v63  }
0x2a1: {  	s14 =	simm.s32 $0xF00  }
0x2a2: {  	[spmem:s2] =	stream.indirect.scatter.add.f32 [tilespmem:s6], [sflag:$0x1], $0x80, s14, s12, $0xb8;
	[tilespmem:$0x1D400] =	vst v63  }
0x2a3: {  	s14 =	simm.s32 $0xF80  }
0x2a4: {  	[spmem:s2] =	stream.indirect.scatter.add.f32 [tilespmem:s6], [sflag:$0x1], $0x80, s14, s12, $0xb8;
	[tilespmem:$0x1D400] =	vst v63  }
0x2a5: {  	_ =	swait.ge [sflag:s19], $0x4000  }
0x2a6: {  	[sflag:s19] =	ssyncset.done $0x0  }
0x2a7: {  	[sflag:s19] =	ssyncadd.s32 $0xFFFFC000  }
0x2a8: {  	_ =	swait.ge [sflag:s19], $0x4000  }
0x2a9: {  	[sflag:s19] =	ssyncset.done $0x0  }
0x2aa: {  	[sflag:s19] =	ssyncadd.s32 $0xFFFFC000  }
0x2ab: {  	_ =	swait.ge [sflag:s19], $0x4000  }
0x2ac: {  	[sflag:s19] =	ssyncset.done $0x0  }
0x2ad: {  	[sflag:s19] =	ssyncadd.s32 $0xFFFFC000  }
0x2ae: {  	_ =	swait.ge [sflag:s19], $0x4000  }
0x2af: {  	[sflag:s19] =	ssyncset.done $0x0  }
0x2b0: {  	[sflag:s19] =	ssyncadd.s32 $0xFFFFC000  }
0x2b1: {  	_ =	swait.ge [sflag:s19], $0x4000  }
0x2b2: {  	[sflag:s19] =	ssyncset.done $0x0  }
0x2b3: {  	[sflag:s19] =	ssyncadd.s32 $0xFFFFC000  }
0x2b4: {  	_ =	swait.ge [sflag:s19], $0x4000  }
0x2b5: {  	[sflag:s19] =	ssyncset.done $0x0  }
0x2b6: {  	[sflag:s19] =	ssyncadd.s32 $0xFFFFC000  }
0x2b7: {  	_ =	swait.ge [sflag:s19], $0x4000  }
0x2b8: {  	[sflag:s19] =	ssyncset.done $0x0  }
0x2b9: {  	[sflag:s19] =	ssyncadd.s32 $0xFFFFC000  }
0x2ba: {  	_ =	swait.ge [sflag:s19], $0x4000  }
0x2bb: {  	[sflag:s19] =	ssyncset.done $0x0  }
0x2bc: {  	s14 =	simm.s32 $0x1000;
	[sflag:s19] =	ssyncadd.s32 $0xFFFFC000  }
0x2bd: {  	[spmem:s2] =	stream.indirect.scatter.add.f32 [tilespmem:s6], [sflag:$0x1], $0x80, s14, s12, $0xb8;
	[tilespmem:$0x1D400] =	vst v63  }
0x2be: {  	s14 =	simm.s32 $0x1080  }
0x2bf: {  	[spmem:s2] =	stream.indirect.scatter.add.f32 [tilespmem:s6], [sflag:$0x1], $0x80, s14, s12, $0xb8;
	[tilespmem:$0x1D400] =	vst v63  }
0x2c0: {  	s14 =	simm.s32 $0x1100  }
0x2c1: {  	[spmem:s2] =	stream.indirect.scatter.add.f32 [tilespmem:s6], [sflag:$0x1], $0x80, s14, s12, $0xb8;
	[tilespmem:$0x1D400] =	vst v63  }
0x2c2: {  	s14 =	simm.s32 $0x1180  }
0x2c3: {  	[spmem:s2] =	stream.indirect.scatter.add.f32 [tilespmem:s6], [sflag:$0x1], $0x80, s14, s12, $0xb8;
	[tilespmem:$0x1D400] =	vst v63  }
0x2c4: {  	s14 =	simm.s32 $0x1200  }
0x2c5: {  	[spmem:s2] =	stream.indirect.scatter.add.f32 [tilespmem:s6], [sflag:$0x1], $0x80, s14, s12, $0xb8;
	[tilespmem:$0x1D400] =	vst v63  }
0x2c6: {  	s14 =	simm.s32 $0x1280  }
0x2c7: {  	[spmem:s2] =	stream.indirect.scatter.add.f32 [tilespmem:s6], [sflag:$0x1], $0x80, s14, s12, $0xb8;
	[tilespmem:$0x1D400] =	vst v63  }
0x2c8: {  	s14 =	simm.s32 $0x1300  }
0x2c9: {  	[spmem:s2] =	stream.indirect.scatter.add.f32 [tilespmem:s6], [sflag:$0x1], $0x80, s14, s12, $0xb8;
	[tilespmem:$0x1D400] =	vst v63  }
0x2ca: {  	s14 =	simm.s32 $0x1380  }
0x2cb: {  	[spmem:s2] =	stream.indirect.scatter.add.f32 [tilespmem:s6], [sflag:$0x1], $0x80, s14, s12, $0xb8;
	[tilespmem:$0x1D400] =	vst v63  }
0x2cc: {  	_ =	swait.ge [sflag:s19], $0x4000  }
0x2cd: {  	[sflag:s19] =	ssyncset.done $0x0  }
0x2ce: {  	[sflag:s19] =	ssyncadd.s32 $0xFFFFC000  }
0x2cf: {  	_ =	swait.ge [sflag:s19], $0x4000  }
0x2d0: {  	[sflag:s19] =	ssyncset.done $0x0  }
0x2d1: {  	[sflag:s19] =	ssyncadd.s32 $0xFFFFC000  }
0x2d2: {  	_ =	swait.ge [sflag:s19], $0x4000  }
0x2d3: {  	[sflag:s19] =	ssyncset.done $0x0  }
0x2d4: {  	[sflag:s19] =	ssyncadd.s32 $0xFFFFC000  }
0x2d5: {  	_ =	swait.ge [sflag:s19], $0x4000  }
0x2d6: {  	[sflag:s19] =	ssyncset.done $0x0  }
0x2d7: {  	[sflag:s19] =	ssyncadd.s32 $0xFFFFC000  }
0x2d8: {  	_ =	swait.ge [sflag:s19], $0x4000  }
0x2d9: {  	[sflag:s19] =	ssyncset.done $0x0  }
0x2da: {  	[sflag:s19] =	ssyncadd.s32 $0xFFFFC000  }
0x2db: {  	_ =	swait.ge [sflag:s19], $0x4000  }
0x2dc: {  	[sflag:s19] =	ssyncset.done $0x0  }
0x2dd: {  	[sflag:s19] =	ssyncadd.s32 $0xFFFFC000  }
0x2de: {  	_ =	swait.ge [sflag:s19], $0x4000  }
0x2df: {  	[sflag:s19] =	ssyncset.done $0x0  }
0x2e0: {  	[sflag:s19] =	ssyncadd.s32 $0xFFFFC000  }
0x2e1: {  	_ =	swait.ge [sflag:s19], $0x4000  }
0x2e2: {  	[sflag:s19] =	ssyncset.done $0x0  }
0x2e3: {  	s14 =	rddreg [dreg:$0x6];
	[sflag:s19] =	ssyncadd.s32 $0xFFFFC000  }
0x2e4: {  	[tilespmem:s3], [sflag:$0x2] =	stream.linear.gather [hbm4b:s14+s3], $0x1400, $0x38;
	[tilespmem:$0x1D400] =	vst v63  }
0x2e5: {  	_ =	swait.ge [sflag:s5], $0x1400  }
0x2e6: {  	[sflag:s5] =	ssyncset.done $0x0  }
0x2e7: {  	[sflag:s5] =	ssyncadd.s32 $0xFFFFEC00  }
0x2e8: {  	[spmem:s2] =	stream.indirect.scatter.add.f32 [tilespmem:s6], [sflag:$0x1], $0x80, s3, s12, $0xb8;
	[tilespmem:$0x1D400] =	vst v63  }
0x2e9: {  	_ = 	snop  }
0x2ea: {  	[spmem:s2] =	stream.indirect.scatter.add.f32 [tilespmem:s6], [sflag:$0x1], $0x80, s12, s12, $0xb8;
	[tilespmem:$0x1D400] =	vst v63  }
0x2eb: {  	_ = 	snop  }
0x2ec: {  	[spmem:s2] =	stream.indirect.scatter.add.f32 [tilespmem:s6], [sflag:$0x1], $0x80, s15, s12, $0xb8;
	[tilespmem:$0x1D400] =	vst v63  }
0x2ed: {  	_ = 	snop  }
0x2ee: {  	[spmem:s2] =	stream.indirect.scatter.add.f32 [tilespmem:s6], [sflag:$0x1], $0x80, s16, s12, $0xb8;
	[tilespmem:$0x1D400] =	vst v63  }
0x2ef: {  	_ = 	snop  }
0x2f0: {  	[spmem:s2] =	stream.indirect.scatter.add.f32 [tilespmem:s6], [sflag:$0x1], $0x80, s17, s12, $0xb8;
	[tilespmem:$0x1D400] =	vst v63  }
0x2f1: {  	_ = 	snop  }
0x2f2: {  	[spmem:s2] =	stream.indirect.scatter.add.f32 [tilespmem:s6], [sflag:$0x1], $0x80, s18, s12, $0xb8;
	[tilespmem:$0x1D400] =	vst v63  }
0x2f3: {  	_ = 	snop  }
0x2f4: {  	[spmem:s2] =	stream.indirect.scatter.add.f32 [tilespmem:s6], [sflag:$0x1], $0x80, s20, s12, $0xb8;
	[tilespmem:$0x1D400] =	vst v63  }
0x2f5: {  	_ = 	snop  }
0x2f6: {  	[spmem:s2] =	stream.indirect.scatter.add.f32 [tilespmem:s6], [sflag:$0x1], $0x80, s21, s12, $0xb8;
	[tilespmem:$0x1D400] =	vst v63  }
0x2f7: {  	_ =	swait.ge [sflag:s19], $0x4000  }
0x2f8: {  	[sflag:s19] =	ssyncset.done $0x0  }
0x2f9: {  	[sflag:s19] =	ssyncadd.s32 $0xFFFFC000  }
0x2fa: {  	_ =	swait.ge [sflag:s19], $0x4000  }
0x2fb: {  	[sflag:s19] =	ssyncset.done $0x0  }
0x2fc: {  	[sflag:s19] =	ssyncadd.s32 $0xFFFFC000  }
0x2fd: {  	_ =	swait.ge [sflag:s19], $0x4000  }
0x2fe: {  	[sflag:s19] =	ssyncset.done $0x0  }
0x2ff: {  	[sflag:s19] =	ssyncadd.s32 $0xFFFFC000  }
0x300: {  	_ =	swait.ge [sflag:s19], $0x4000  }
0x301: {  	[sflag:s19] =	ssyncset.done $0x0  }
0x302: {  	[sflag:s19] =	ssyncadd.s32 $0xFFFFC000  }
0x303: {  	_ =	swait.ge [sflag:s19], $0x4000  }
0x304: {  	[sflag:s19] =	ssyncset.done $0x0  }
0x305: {  	[sflag:s19] =	ssyncadd.s32 $0xFFFFC000  }
0x306: {  	_ =	swait.ge [sflag:s19], $0x4000  }
0x307: {  	[sflag:s19] =	ssyncset.done $0x0  }
0x308: {  	[sflag:s19] =	ssyncadd.s32 $0xFFFFC000  }
0x309: {  	_ =	swait.ge [sflag:s19], $0x4000  }
0x30a: {  	[sflag:s19] =	ssyncset.done $0x0  }
0x30b: {  	[sflag:s19] =	ssyncadd.s32 $0xFFFFC000  }
0x30c: {  	_ =	swait.ge [sflag:s19], $0x4000  }
0x30d: {  	[sflag:s19] =	ssyncset.done $0x0  }
0x30e: {  	[sflag:s19] =	ssyncadd.s32 $0xFFFFC000  }
0x30f: {  	[spmem:s2] =	stream.indirect.scatter.add.f32 [tilespmem:s6], [sflag:$0x1], $0x80, s22, s12, $0xb8;
	[tilespmem:$0x1D400] =	vst v63  }
0x310: {  	_ = 	snop  }
0x311: {  	[spmem:s2] =	stream.indirect.scatter.add.f32 [tilespmem:s6], [sflag:$0x1], $0x80, s23, s12, $0xb8;
	[tilespmem:$0x1D400] =	vst v63  }
0x312: {  	_ = 	snop  }
0x313: {  	[spmem:s2] =	stream.indirect.scatter.add.f32 [tilespmem:s6], [sflag:$0x1], $0x80, s24, s12, $0xb8;
	[tilespmem:$0x1D400] =	vst v63  }
0x314: {  	_ = 	snop  }
0x315: {  	[spmem:s2] =	stream.indirect.scatter.add.f32 [tilespmem:s6], [sflag:$0x1], $0x80, s25, s12, $0xb8;
	[tilespmem:$0x1D400] =	vst v63  }
0x316: {  	_ = 	snop  }
0x317: {  	[spmem:s2] =	stream.indirect.scatter.add.f32 [tilespmem:s6], [sflag:$0x1], $0x80, s26, s12, $0xb8;
	[tilespmem:$0x1D400] =	vst v63  }
0x318: {  	_ = 	snop  }
0x319: {  	[spmem:s2] =	stream.indirect.scatter.add.f32 [tilespmem:s6], [sflag:$0x1], $0x80, s28, s12, $0xb8;
	[tilespmem:$0x1D400] =	vst v63  }
0x31a: {  	_ = 	snop  }
0x31b: {  	[spmem:s2] =	stream.indirect.scatter.add.f32 [tilespmem:s6], [sflag:$0x1], $0x80, s29, s12, $0xb8;
	[tilespmem:$0x1D400] =	vst v63  }
0x31c: {  	_ = 	snop  }
0x31d: {  	[spmem:s2] =	stream.indirect.scatter.add.f32 [tilespmem:s6], [sflag:$0x1], $0x80, s30, s12, $0xb8;
	[tilespmem:$0x1D400] =	vst v63  }
0x31e: {  	_ =	swait.ge [sflag:s19], $0x4000  }
0x31f: {  	[sflag:s19] =	ssyncset.done $0x0  }
0x320: {  	[sflag:s19] =	ssyncadd.s32 $0xFFFFC000  }
0x321: {  	_ =	swait.ge [sflag:s19], $0x4000  }
0x322: {  	[sflag:s19] =	ssyncset.done $0x0  }
0x323: {  	[sflag:s19] =	ssyncadd.s32 $0xFFFFC000  }
0x324: {  	_ =	swait.ge [sflag:s19], $0x4000  }
0x325: {  	[sflag:s19] =	ssyncset.done $0x0  }
0x326: {  	[sflag:s19] =	ssyncadd.s32 $0xFFFFC000  }
0x327: {  	_ =	swait.ge [sflag:s19], $0x4000  }
0x328: {  	[sflag:s19] =	ssyncset.done $0x0  }
0x329: {  	[sflag:s19] =	ssyncadd.s32 $0xFFFFC000  }
0x32a: {  	_ =	swait.ge [sflag:s19], $0x4000  }
0x32b: {  	[sflag:s19] =	ssyncset.done $0x0  }
0x32c: {  	[sflag:s19] =	ssyncadd.s32 $0xFFFFC000  }
0x32d: {  	_ =	swait.ge [sflag:s19], $0x4000  }
0x32e: {  	[sflag:s19] =	ssyncset.done $0x0  }
0x32f: {  	[sflag:s19] =	ssyncadd.s32 $0xFFFFC000  }
0x330: {  	_ =	swait.ge [sflag:s19], $0x4000  }
0x331: {  	[sflag:s19] =	ssyncset.done $0x0  }
0x332: {  	[sflag:s19] =	ssyncadd.s32 $0xFFFFC000  }
0x333: {  	_ =	swait.ge [sflag:s19], $0x4000  }
0x334: {  	[sflag:s19] =	ssyncset.done $0x0  }
0x335: {  	[sflag:s19] =	ssyncadd.s32 $0xFFFFC000  }
0x336: {  	[spmem:s2] =	stream.indirect.scatter.add.f32 [tilespmem:s6], [sflag:$0x1], $0x80, s31, s12, $0xb8;
	[tilespmem:$0x1D400] =	vst v63  }
0x337: {  	_ = 	snop  }
0x338: {  	[spmem:s2] =	stream.indirect.scatter.add.f32 [tilespmem:s6], [sflag:$0x1], $0x80, s0, s12, $0xb8;
	[tilespmem:$0x1D400] =	vst v63  }
0x339: {  	_ = 	snop  }
0x33a: {  	[spmem:s2] =	stream.indirect.scatter.add.f32 [tilespmem:s6], [sflag:$0x1], $0x80, s1, s12, $0xb8;
	[tilespmem:$0x1D400] =	vst v63  }
0x33b: {  	_ = 	snop  }
0x33c: {  	[spmem:s2] =	stream.indirect.scatter.add.f32 [tilespmem:s6], [sflag:$0x1], $0x80, s4, s12, $0xb8;
	[tilespmem:$0x1D400] =	vst v63  }
0x33d: {  	_ = 	snop  }
0x33e: {  	[spmem:s2] =	stream.indirect.scatter.add.f32 [tilespmem:s6], [sflag:$0x1], $0x80, s7, s12, $0xb8;
	[tilespmem:$0x1D400] =	vst v63  }
0x33f: {  	_ = 	snop  }
0x340: {  	[spmem:s2] =	stream.indirect.scatter.add.f32 [tilespmem:s6], [sflag:$0x1], $0x80, s8, s12, $0xb8;
	[tilespmem:$0x1D400] =	vst v63  }
0x341: {  	_ = 	snop  }
0x342: {  	[spmem:s2] =	stream.indirect.scatter.add.f32 [tilespmem:s6], [sflag:$0x1], $0x80, s9, s12, $0xb8;
	[tilespmem:$0x1D400] =	vst v63  }
0x343: {  	_ = 	snop  }
0x344: {  	[spmem:s2] =	stream.indirect.scatter.add.f32 [tilespmem:s6], [sflag:$0x1], $0x80, s10, s12, $0xb8;
	[tilespmem:$0x1D400] =	vst v63  }
0x345: {  	_ =	swait.ge [sflag:s19], $0x4000  }
0x346: {  	[sflag:s19] =	ssyncset.done $0x0  }
0x347: {  	[sflag:s19] =	ssyncadd.s32 $0xFFFFC000  }
0x348: {  	_ =	swait.ge [sflag:s19], $0x4000  }
0x349: {  	[sflag:s19] =	ssyncset.done $0x0  }
0x34a: {  	[sflag:s19] =	ssyncadd.s32 $0xFFFFC000  }
0x34b: {  	_ =	swait.ge [sflag:s19], $0x4000  }
0x34c: {  	[sflag:s19] =	ssyncset.done $0x0  }
0x34d: {  	[sflag:s19] =	ssyncadd.s32 $0xFFFFC000  }
0x34e: {  	_ =	swait.ge [sflag:s19], $0x4000  }
0x34f: {  	[sflag:s19] =	ssyncset.done $0x0  }
0x350: {  	[sflag:s19] =	ssyncadd.s32 $0xFFFFC000  }
0x351: {  	_ =	swait.ge [sflag:s19], $0x4000  }
0x352: {  	[sflag:s19] =	ssyncset.done $0x0  }
0x353: {  	[sflag:s19] =	ssyncadd.s32 $0xFFFFC000  }
0x354: {  	_ =	swait.ge [sflag:s19], $0x4000  }
0x355: {  	[sflag:s19] =	ssyncset.done $0x0  }
0x356: {  	[sflag:s19] =	ssyncadd.s32 $0xFFFFC000  }
0x357: {  	_ =	swait.ge [sflag:s19], $0x4000  }
0x358: {  	[sflag:s19] =	ssyncset.done $0x0  }
0x359: {  	[sflag:s19] =	ssyncadd.s32 $0xFFFFC000  }
0x35a: {  	_ =	swait.ge [sflag:s19], $0x4000  }
0x35b: {  	[sflag:s19] =	ssyncset.done $0x0  }
0x35c: {  	[sflag:s19] =	ssyncadd.s32 $0xFFFFC000  }
0x35d: {  	[spmem:s2] =	stream.indirect.scatter.add.f32 [tilespmem:s6], [sflag:$0x1], $0x80, s11, s12, $0xb8;
	[tilespmem:$0x1D400] =	vst v63  }
0x35e: {  	s14 =	simm.s32 $0xC80  }
0x35f: {  	[spmem:s2] =	stream.indirect.scatter.add.f32 [tilespmem:s6], [sflag:$0x1], $0x80, s14, s12, $0xb8;
	[tilespmem:$0x1D400] =	vst v63  }
0x360: {  	s14 =	simm.s32 $0xD00  }
0x361: {  	[spmem:s2] =	stream.indirect.scatter.add.f32 [tilespmem:s6], [sflag:$0x1], $0x80, s14, s12, $0xb8;
	[tilespmem:$0x1D400] =	vst v63  }
0x362: {  	s14 =	simm.s32 $0xD80  }
0x363: {  	[spmem:s2] =	stream.indirect.scatter.add.f32 [tilespmem:s6], [sflag:$0x1], $0x80, s14, s12, $0xb8;
	[tilespmem:$0x1D400] =	vst v63  }
0x364: {  	s14 =	simm.s32 $0xE00  }
0x365: {  	[spmem:s2] =	stream.indirect.scatter.add.f32 [tilespmem:s6], [sflag:$0x1], $0x80, s14, s12, $0xb8;
	[tilespmem:$0x1D400] =	vst v63  }
0x366: {  	s14 =	simm.s32 $0xE80  }
0x367: {  	[spmem:s2] =	stream.indirect.scatter.add.f32 [tilespmem:s6], [sflag:$0x1], $0x80, s14, s12, $0xb8;
	[tilespmem:$0x1D400] =	vst v63  }
0x368: {  	s14 =	simm.s32 $0xF00  }
0x369: {  	[spmem:s2] =	stream.indirect.scatter.add.f32 [tilespmem:s6], [sflag:$0x1], $0x80, s14, s12, $0xb8;
	[tilespmem:$0x1D400] =	vst v63  }
0x36a: {  	s14 =	simm.s32 $0xF80  }
0x36b: {  	[spmem:s2] =	stream.indirect.scatter.add.f32 [tilespmem:s6], [sflag:$0x1], $0x80, s14, s12, $0xb8;
	[tilespmem:$0x1D400] =	vst v63  }
0x36c: {  	_ =	swait.ge [sflag:s19], $0x4000  }
0x36d: {  	[sflag:s19] =	ssyncset.done $0x0  }
0x36e: {  	[sflag:s19] =	ssyncadd.s32 $0xFFFFC000  }
0x36f: {  	_ =	swait.ge [sflag:s19], $0x4000  }
0x370: {  	[sflag:s19] =	ssyncset.done $0x0  }
0x371: {  	[sflag:s19] =	ssyncadd.s32 $0xFFFFC000  }
0x372: {  	_ =	swait.ge [sflag:s19], $0x4000  }
0x373: {  	[sflag:s19] =	ssyncset.done $0x0  }
0x374: {  	[sflag:s19] =	ssyncadd.s32 $0xFFFFC000  }
0x375: {  	_ =	swait.ge [sflag:s19], $0x4000  }
0x376: {  	[sflag:s19] =	ssyncset.done $0x0  }
0x377: {  	[sflag:s19] =	ssyncadd.s32 $0xFFFFC000  }
0x378: {  	_ =	swait.ge [sflag:s19], $0x4000  }
0x379: {  	[sflag:s19] =	ssyncset.done $0x0  }
0x37a: {  	[sflag:s19] =	ssyncadd.s32 $0xFFFFC000  }
0x37b: {  	_ =	swait.ge [sflag:s19], $0x4000  }
0x37c: {  	[sflag:s19] =	ssyncset.done $0x0  }
0x37d: {  	[sflag:s19] =	ssyncadd.s32 $0xFFFFC000  }
0x37e: {  	_ =	swait.ge [sflag:s19], $0x4000  }
0x37f: {  	[sflag:s19] =	ssyncset.done $0x0  }
0x380: {  	[sflag:s19] =	ssyncadd.s32 $0xFFFFC000  }
0x381: {  	_ =	swait.ge [sflag:s19], $0x4000  }
0x382: {  	[sflag:s19] =	ssyncset.done $0x0  }
0x383: {  	s14 =	simm.s32 $0x1000;
	[sflag:s19] =	ssyncadd.s32 $0xFFFFC000  }
0x384: {  	[spmem:s2] =	stream.indirect.scatter.add.f32 [tilespmem:s6], [sflag:$0x1], $0x80, s14, s12, $0xb8;
	[tilespmem:$0x1D400] =	vst v63  }
0x385: {  	s14 =	simm.s32 $0x1080  }
0x386: {  	[spmem:s2] =	stream.indirect.scatter.add.f32 [tilespmem:s6], [sflag:$0x1], $0x80, s14, s12, $0xb8;
	[tilespmem:$0x1D400] =	vst v63  }
0x387: {  	s14 =	simm.s32 $0x1100  }
0x388: {  	[spmem:s2] =	stream.indirect.scatter.add.f32 [tilespmem:s6], [sflag:$0x1], $0x80, s14, s12, $0xb8;
	[tilespmem:$0x1D400] =	vst v63  }
0x389: {  	s14 =	simm.s32 $0x1180  }
0x38a: {  	[spmem:s2] =	stream.indirect.scatter.add.f32 [tilespmem:s6], [sflag:$0x1], $0x80, s14, s12, $0xb8;
	[tilespmem:$0x1D400] =	vst v63  }
0x38b: {  	s14 =	simm.s32 $0x1200  }
0x38c: {  	[spmem:s2] =	stream.indirect.scatter.add.f32 [tilespmem:s6], [sflag:$0x1], $0x80, s14, s12, $0xb8;
	[tilespmem:$0x1D400] =	vst v63  }
0x38d: {  	s14 =	simm.s32 $0x1280  }
0x38e: {  	[spmem:s2] =	stream.indirect.scatter.add.f32 [tilespmem:s6], [sflag:$0x1], $0x80, s14, s12, $0xb8;
	[tilespmem:$0x1D400] =	vst v63  }
0x38f: {  	s14 =	simm.s32 $0x1300  }
0x390: {  	[spmem:s2] =	stream.indirect.scatter.add.f32 [tilespmem:s6], [sflag:$0x1], $0x80, s14, s12, $0xb8;
	[tilespmem:$0x1D400] =	vst v63  }
0x391: {  	s14 =	simm.s32 $0x1380  }
0x392: {  	[spmem:s2] =	stream.indirect.scatter.add.f32 [tilespmem:s6], [sflag:$0x1], $0x80, s14, s12, $0xb8;
	[tilespmem:$0x1D400] =	vst v63  }
0x393: {  	_ =	swait.ge [sflag:s19], $0x4000  }
0x394: {  	[sflag:s19] =	ssyncset.done $0x0  }
0x395: {  	[sflag:s19] =	ssyncadd.s32 $0xFFFFC000  }
0x396: {  	_ =	swait.ge [sflag:s19], $0x4000  }
0x397: {  	[sflag:s19] =	ssyncset.done $0x0  }
0x398: {  	[sflag:s19] =	ssyncadd.s32 $0xFFFFC000  }
0x399: {  	_ =	swait.ge [sflag:s19], $0x4000  }
0x39a: {  	[sflag:s19] =	ssyncset.done $0x0  }
0x39b: {  	[sflag:s19] =	ssyncadd.s32 $0xFFFFC000  }
0x39c: {  	_ =	swait.ge [sflag:s19], $0x4000  }
0x39d: {  	[sflag:s19] =	ssyncset.done $0x0  }
0x39e: {  	[sflag:s19] =	ssyncadd.s32 $0xFFFFC000  }
0x39f: {  	_ =	swait.ge [sflag:s19], $0x4000  }
0x3a0: {  	[sflag:s19] =	ssyncset.done $0x0  }
0x3a1: {  	[sflag:s19] =	ssyncadd.s32 $0xFFFFC000  }
0x3a2: {  	_ =	swait.ge [sflag:s19], $0x4000  }
0x3a3: {  	[sflag:s19] =	ssyncset.done $0x0  }
0x3a4: {  	[sflag:s19] =	ssyncadd.s32 $0xFFFFC000  }
0x3a5: {  	_ =	swait.ge [sflag:s19], $0x4000  }
0x3a6: {  	[sflag:s19] =	ssyncset.done $0x0  }
0x3a7: {  	[sflag:s19] =	ssyncadd.s32 $0xFFFFC000  }
0x3a8: {  	_ =	swait.ge [sflag:s19], $0x4000  }
0x3a9: {  	[sflag:s19] =	ssyncset.done $0x0  }
0x3aa: {  	[sflag:s19] =	ssyncadd.s32 $0xFFFFC000  }
0x3ab: {  	[bflag:$0x0] =	sbarrier.arrive $0xFFFF  }
0x3ac: {  	s14 =	rddreg [dreg:$0xe]  }
0x3ad: {  	[tilespmem:s6], [sflag:$0x2] =	stream.linear.gather [spmem:s14], $0x4000, $0x38;
	[tilespmem:$0x1D400] =	vst v63  }
0x3ae: {  	_ =	swait.ge [sflag:s5], $0x4000  }
0x3af: {  	[sflag:s5] =	ssyncset.done $0x0  }
0x3b0: {  	s0 =	rddreg [dreg:$0x7];
	[sflag:s5] =	ssyncadd.s32 $0xFFFFC000  }
0x3b1: {  	[hbm4b:s0+s3] =	stream.linear.scatter [tilespmem:s6], [sflag:$0x2], $0x4000, $0x38;
	[tilespmem:$0x1D400] =	vst v63  }
0x3b2: {  	_ =	swait.ge [sflag:s5], $0x4000  }
0x3b3: {  	[sflag:s5] =	ssyncset.done $0x0  }
0x3b4: {  	s14 =	rddreg [dreg:$0xf];
	[sflag:s5] =	ssyncadd.s32 $0xFFFFC000  }
0x3b5: {  	[tilespmem:s6], [sflag:$0x2] =	stream.linear.gather [spmem:s14], $0x4000, $0x38;
	[tilespmem:$0x1D400] =	vst v63  }
0x3b6: {  	_ =	swait.ge [sflag:s5], $0x4000  }
0x3b7: {  	[sflag:s5] =	ssyncset.done $0x0  }
0x3b8: {  	s0 =	rddreg [dreg:$0x8];
	[sflag:s5] =	ssyncadd.s32 $0xFFFFC000  }
0x3b9: {  	[hbm4b:s0+s3] =	stream.linear.scatter [tilespmem:s6], [sflag:$0x2], $0x4000, $0x38;
	[tilespmem:$0x1D400] =	vst v63  }
0x3ba: {  	_ =	swait.ge [sflag:s5], $0x4000  }
0x3bb: {  	[sflag:s5] =	ssyncset.done $0x0  }
0x3bc: {  	s14 =	rddreg [dreg:$0x10];
	[sflag:s5] =	ssyncadd.s32 $0xFFFFC000  }
0x3bd: {  	[tilespmem:s6], [sflag:$0x2] =	stream.linear.gather [spmem:s14], $0x4000, $0x38;
	[tilespmem:$0x1D400] =	vst v63  }
0x3be: {  	_ =	swait.ge [sflag:s5], $0x4000  }
0x3bf: {  	[sflag:s5] =	ssyncset.done $0x0  }
0x3c0: {  	s0 =	rddreg [dreg:$0x9];
	[sflag:s5] =	ssyncadd.s32 $0xFFFFC000  }
0x3c1: {  	[hbm4b:s0+s3] =	stream.linear.scatter [tilespmem:s6], [sflag:$0x2], $0x4000, $0x38;
	[tilespmem:$0x1D400] =	vst v63  }
0x3c2: {  	_ =	swait.ge [sflag:s5], $0x4000  }
0x3c3: {  	[sflag:s5] =	ssyncset.done $0x0  }
0x3c4: {  	s14 =	rddreg [dreg:$0x11];
	[sflag:s5] =	ssyncadd.s32 $0xFFFFC000  }
0x3c5: {  	[tilespmem:s6], [sflag:$0x2] =	stream.linear.gather [spmem:s14], $0x4000, $0x38;
	[tilespmem:$0x1D400] =	vst v63  }
0x3c6: {  	_ =	swait.ge [sflag:s5], $0x4000  }
0x3c7: {  	[sflag:s5] =	ssyncset.done $0x0  }
0x3c8: {  	s0 =	rddreg [dreg:$0xa];
	[sflag:s5] =	ssyncadd.s32 $0xFFFFC000  }
0x3c9: {  	[hbm4b:s0+s3] =	stream.linear.scatter [tilespmem:s6], [sflag:$0x2], $0x4000, $0x38;
	[tilespmem:$0x1D400] =	vst v63  }
0x3ca: {  	_ =	swait.ge [sflag:s5], $0x4000  }
0x3cb: {  	[sflag:s5] =	ssyncset.done $0x0  }
0x3cc: {  	s14 =	rddreg [dreg:$0x12];
	[sflag:s5] =	ssyncadd.s32 $0xFFFFC000  }
0x3cd: {  	[tilespmem:s6], [sflag:$0x2] =	stream.linear.gather [spmem:s14], $0x4000, $0x38;
	[tilespmem:$0x1D400] =	vst v63  }
0x3ce: {  	p0 =	sne.s32 s13, $0x1;
	_ =	swait.ge [sflag:s5], $0x4000  }
.Ltmp1:
0x3cf: {  	[sflag:s5] =	ssyncset.done $0x0;
	(pc) =	sbr.rel @p0 .LBB2_2-.Ltmp1, $4  }
0x3d0: {  	s0 =	rddreg [dreg:$0xb];
	[sflag:s5] =	ssyncadd.s32 $0xFFFFC000  }
0x3d1: {  	[hbm4b:s0+s3] =	stream.linear.scatter [tilespmem:s6], [sflag:$0x2], $0x4000, $0x38;
	[tilespmem:$0x1D400] =	vst v63  }
0x3d2: {  	_ =	swait.ge [sflag:s5], $0x4000  }
0x3d3: {  	s13 =	sadd.s32 $0xFFFFFFFF, s13;
	[sflag:s5] =	ssyncset.done $0x0  }
.LBB2_3:
0x3d4: {  	[sflag:s5] =	ssyncadd.s32 $0xFFFFC000  }
0x3d5: {  	_ =	sfence.sel $0x180000  }
0x3d6: {  	[bflag:$0x0] =	sbarrier.arrive $0xFFFF  }
0x3d7: {  	_ =	strace $0x90000047  }
0x3d8: {  	s0 =	stileid.u32;
	[bflag:$0x2] =	sbarrier.arrive $0xFFFF  }
0x3d9: {  	p0 =	sne.s32 s0, $0x0;
	s0 =	rddreg [dreg:$0x3]  }
0x3da: {  	s0 =	sadd.s32 @!p0 $0x100000, s0  }
0x3db: {  	[sflag:s0] =	ssyncadd.tile.s32 @!p0 $0x1;
	_ =	shalt  }
.Lfunc_end2:
_tile_overlayer_lowered:
.L_overlay_start_2:
0x3dc: {  	(tag) =	ssettag $0x2  }
0x3dd: {  	s0 =	rddreg [dreg:$0x0];
	s2 =	stileid.u32  }
0x3de: {  	s1 =	rddreg [dreg:$0x1];
	p0 =	sne.s32 s2, $0x0  }
0x3df: {  	s3 =	rddreg [dreg:$0x2];
	[bflag:$0x3] =	sbarrier.arrive $0xFFFF;
	s2 =	simm.s32 @!p0 $0x1C02  }
0x3e0: {  	[timem:s3], [sflag:s2] =	dma.local @!p0 [hbm:s0], s1  }
0x3e1: {  	s0 =	simm.s32 @!p0 $0x2  }
0x3e2: {  	_ =	swait.ge @!p0 [sflag:s0], s1  }
0x3e3: {  	s1 =	ssub.s32 @!p0 $0x0, s1;
	[sflag:s0] =	ssyncset.done @!p0 $0x0  }
0x3e4: {  	[sflag:s0] =	ssyncadd.s32 @!p0 s1  }
0x3e5: {  	[bflag:$0x3] =	sbarrier.arrive $0xFFFF  }
0x3e6: {  	_ =	shalt  }

</sc_bundles>
